<compile_context>
chip_gen: v7x
topology: tpu7x:2x2x1
jax: 0.10.2.dev20260603
libtpu: 0.0.44.dev20260713+nightly
codegen_flags: <defaults>
</compile_context>

<pallas_src>
import functools

import jax
import jax.numpy as jnp
from jax import lax
from jax.experimental import pallas as pl
from jax.experimental.pallas import tpu as pltpu
from jax.experimental.pallas import tpu_sc as plsc

D = 64
LANES = 16
NC, NS = 2, 16
NW = NC * NS
SCALE = 8.0

T = 200
S0 = 128
S1 = T - S0
TU = 8
NBUF = 4


def _build(n_b):
    assert n_b % NW == 0
    b_per_w = n_b // NW
    assert b_per_w % NBUF == 0 and b_per_w >= 2 * NBUF

    mesh = plsc.VectorSubcoreMesh(core_axis_name="c", subcore_axis_name="s")

    @functools.partial(
        pl.kernel,
        out_type=jax.ShapeDtypeStruct((n_b * T, 2 * D), jnp.float32),
        mesh=mesh,
        scratch_types=[
            pltpu.VMEM((NBUF, T), jnp.int32),
            pltpu.VMEM((NBUF, T, D), jnp.float32),
            [pltpu.SemaphoreType.DMA] * NBUF,
            [pltpu.SemaphoreType.DMA] * NBUF,
            [pltpu.SemaphoreType.DMA] * NBUF,
        ],
        compiler_params=pltpu.CompilerParams(use_tc_tiling_on_sc=False),
    )
    def body(idx_hbm, table_hbm, out_hbm, idx_v, rows_v, gsem, wsem, isem):
        wid = lax.axis_index("s") * NC + lax.axis_index("c")
        b0 = wid * b_per_w

        def fire_gathers(pb, ci):
            pltpu.async_copy(
                table_hbm.at[idx_v.at[pb, pl.ds(0, S0)]],
                rows_v.at[pb, pl.ds(0, S0)],
                gsem[pb],
            )
            pltpu.async_copy(
                table_hbm.at[idx_v.at[pb, pl.ds(S0, S1)]],
                rows_v.at[pb, pl.ds(S0, S1)],
                gsem[pb],
            )

        def wait_gathers(pb):
            pltpu.make_async_copy(
                table_hbm.at[idx_v.at[pb, pl.ds(0, S0)]],
                rows_v.at[pb, pl.ds(0, S0)],
                gsem[pb],
            ).wait()
            pltpu.make_async_copy(
                table_hbm.at[idx_v.at[pb, pl.ds(S0, S1)]],
                rows_v.at[pb, pl.ds(S0, S1)],
                gsem[pb],
            ).wait()

        def start_idx_load(pb, ci):
            pltpu.async_copy(idx_hbm.at[b0 + ci], idx_v.at[pb], isem[pb])

        def wait_idx(pb):
            pltpu.make_async_copy(
                idx_hbm.at[b0], idx_v.at[pb], isem[pb]
            ).wait()

        def start_write(pb, ci):
            pltpu.async_copy(
                rows_v.at[pb],
                out_hbm.at[pl.ds((b0 + ci) * T, T), pl.ds(0, D)],
                wsem[pb],
            )

        def wait_write(pb):
            pltpu.make_async_copy(
                rows_v.at[pb],
                out_hbm.at[pl.ds(b0 * T, T), pl.ds(0, D)],
                wsem[pb],
            ).wait()

        def scale(pb):
            def scale_body(r, carry):
                base = r * TU
                for tt in range(TU):
                    for c in range(D // LANES):
                        sl = (pb, base + tt, pl.ds(c * LANES, LANES))
                        rows_v[sl] = rows_v[sl] * SCALE
                return carry

            lax.fori_loop(0, T // TU, scale_body, 0)

        def step(pb, ci):
            gb = (pb + 2) % NBUF

            @pl.when(ci + 2 < b_per_w)
            def _():
                @pl.when(ci >= 2)
                def _():
                    wait_write(gb)

                wait_idx(gb)
                fire_gathers(gb, ci + 2)

            wait_gathers(pb)

            @pl.when(ci + NBUF < b_per_w)
            def _():
                start_idx_load(pb, ci + NBUF)

            scale(pb)
            start_write(pb, ci)

        pltpu.sync_copy(idx_hbm.at[b0], idx_v.at[0])
        fire_gathers(0, 0)
        start_idx_load(1, 1)
        start_idx_load(2, 2)
        start_idx_load(3, 3)
        wait_idx(1)
        fire_gathers(1, 1)

        def loop_body(g, carry):
            for pb in range(NBUF):
                step(pb, NBUF * g + pb)
            return carry

        lax.fori_loop(0, b_per_w // NBUF, loop_body, 0)

        for pb in range(NBUF):
            wait_write((b_per_w - NBUF + pb) % NBUF)

    return body


def kernel(x, table):
    n_b, t = x.shape
    assert t == T
    out2d = _build(n_b)(x.astype(jnp.int32), table)
    return out2d[:, :D].reshape(n_b, T, D)

# --- scband reference (transcript-rebuilt; emitter-appended) ---
"""Pipeline reference for scband-input-embedding-21998822490291 (READ-ONLY COPY).

The authoritative reference and input builder live on the scoring server;
editing this copy changes nothing except your own understanding.
"""

import jax, jax.numpy as jnp
import numpy as np
import math

D_MODEL = 64
VOCAB = 1000000

def setup_inputs(seed: int = 0) -> dict:
    key = jax.random.key(seed)
    k1, k2 = jax.random.split(key)
    x = jax.random.randint(k1, (16384, 200), 0, VOCAB, dtype=jnp.int64 if jax.config.jax_enable_x64 else jnp.int32)
    table = jax.random.normal(k2, (VOCAB, D_MODEL), dtype=jnp.float32)
    return {"x": x, "table": table}

def reference(x, table):
    emb = jnp.take(table, x, axis=0)
    return emb * math.sqrt(D_MODEL)

if __name__ == "__main__":
    import jax
    _d = setup_inputs()
    print(jax.jit(kernel)(*tuple(_d.values())))

</pallas_src>

<mosaic_0001>
#map = affine_map<(d0, d1) -> (0, 0)>
module attributes {stable_mosaic.version = 14 : i64} {
  func.func @body(%arg0: i32, %arg1: i32, %arg2: memref<16384x200xi32, #tpu.memory_space<hbm>>, %arg3: memref<1000000x64xf32, #tpu.memory_space<hbm>>, %arg4: memref<3276800x128xf32, #tpu.memory_space<hbm>>, %arg5: memref<4x200xi32, #tpu.memory_space<vmem>>, %arg6: memref<4x200x64xf32, #tpu.memory_space<vmem>>, %arg7: memref<!tpu.dma_semaphore, #tpu.memory_space<semaphore_mem>>, %arg8: memref<!tpu.dma_semaphore, #tpu.memory_space<semaphore_mem>>, %arg9: memref<!tpu.dma_semaphore, #tpu.memory_space<semaphore_mem>>, %arg10: memref<!tpu.dma_semaphore, #tpu.memory_space<semaphore_mem>>, %arg11: memref<!tpu.dma_semaphore, #tpu.memory_space<semaphore_mem>>, %arg12: memref<!tpu.dma_semaphore, #tpu.memory_space<semaphore_mem>>, %arg13: memref<!tpu.dma_semaphore, #tpu.memory_space<semaphore_mem>>, %arg14: memref<!tpu.dma_semaphore, #tpu.memory_space<semaphore_mem>>, %arg15: memref<!tpu.dma_semaphore, #tpu.memory_space<semaphore_mem>>, %arg16: memref<!tpu.dma_semaphore, #tpu.memory_space<semaphore_mem>>, %arg17: memref<!tpu.dma_semaphore, #tpu.memory_space<semaphore_mem>>, %arg18: memref<!tpu.dma_semaphore, #tpu.memory_space<semaphore_mem>>) attributes {dimension_semantics = [#tpu.dimension_semantics<core_parallel>, #tpu.dimension_semantics<subcore_parallel>], iteration_bounds = array<i64: 2, 16>, scalar_prefetch = 0 : i64, scratch_operands = 14 : i64, tpu.core_type = #tpu.core_type<sc_vector_subcore>, window_params = [{transform_indices = #map}, {transform_indices = #map}, {transform_indices = #map}]} {
    %mul3A = arith.constant 2 : i32
    %mul3A_0 = arith.muli %arg1, %mul3A : i32
    %add3A = arith.addi %mul3A_0, %arg0 : i32
    %mul3A_1 = arith.constant 512 : i32
    %mul3A_2 = arith.muli %add3A, %mul3A_1 : i32
    %run_scoped3A = arith.constant 0 : i32
    "tpu.region"() ({
      %run_scoped3A_172 = tpu.sem_alloc : memref<!tpu.dma_semaphore, #tpu.memory_space<semaphore_mem>>
      %dma_start3A_173 = arith.constant 0 : i32
      %dma_start3A_174 = tpu.memref_slice %arg5[%run_scoped3A, %dma_start3A_173] : memref<4x200xi32, #tpu.memory_space<vmem>> -> memref<1x200xi32, #tpu.memory_space<vmem>>
      %dma_start3A_175 = tpu.memref_squeeze %dma_start3A_174 : memref<1x200xi32, #tpu.memory_space<vmem>> -> memref<200xi32, #tpu.memory_space<vmem>>
      %dma_start3A_176 = arith.constant 0 : i32
      %dma_start3A_177 = tpu.memref_slice %arg2[%mul3A_2, %dma_start3A_176] : memref<16384x200xi32, #tpu.memory_space<hbm>> -> memref<1x200xi32, #tpu.memory_space<hbm>>
      %dma_start3A_178 = tpu.memref_squeeze %dma_start3A_177 : memref<1x200xi32, #tpu.memory_space<hbm>> -> memref<200xi32, #tpu.memory_space<hbm>>
      %dma_start3A_179 = arith.constant 0 : i32
      %dma_start3A_180 = tpu.memref_slice %arg5[%run_scoped3A, %dma_start3A_179] : memref<4x200xi32, #tpu.memory_space<vmem>> -> memref<1x200xi32, #tpu.memory_space<vmem>>
      %dma_start3A_181 = tpu.memref_squeeze %dma_start3A_180 : memref<1x200xi32, #tpu.memory_space<vmem>> -> memref<200xi32, #tpu.memory_space<vmem>>
      %dma_start3A_182 = arith.constant 0 : i32
      %dma_start3A_183 = tpu.memref_slice %arg2[%mul3A_2, %dma_start3A_182] : memref<16384x200xi32, #tpu.memory_space<hbm>> -> memref<1x200xi32, #tpu.memory_space<hbm>>
      %dma_start3A_184 = tpu.memref_squeeze %dma_start3A_183 : memref<1x200xi32, #tpu.memory_space<hbm>> -> memref<200xi32, #tpu.memory_space<hbm>>
      tpu.enqueue_dma source(%dma_start3A_184 : memref<200xi32, #tpu.memory_space<hbm>>) target(%dma_start3A_181 : memref<200xi32, #tpu.memory_space<vmem>>) target_semaphore(%run_scoped3A_172 : memref<!tpu.dma_semaphore, #tpu.memory_space<semaphore_mem>>)
      %dma_wait3A_185 = arith.constant 0 : i32
      %dma_wait3A_186 = tpu.memref_slice %arg5[%run_scoped3A, %dma_wait3A_185] : memref<4x200xi32, #tpu.memory_space<vmem>> -> memref<1x200xi32, #tpu.memory_space<vmem>>
      %dma_wait3A_187 = tpu.memref_squeeze %dma_wait3A_186 : memref<1x200xi32, #tpu.memory_space<vmem>> -> memref<200xi32, #tpu.memory_space<vmem>>
      %dma_wait3A_188 = arith.constant 0 : i32
      %dma_wait3A_189 = tpu.memref_slice %arg2[%mul3A_2, %dma_wait3A_188] : memref<16384x200xi32, #tpu.memory_space<hbm>> -> memref<1x200xi32, #tpu.memory_space<hbm>>
      %dma_wait3A_190 = tpu.memref_squeeze %dma_wait3A_189 : memref<1x200xi32, #tpu.memory_space<hbm>> -> memref<200xi32, #tpu.memory_space<hbm>>
      %dma_wait3A_191 = arith.constant 0 : i32
      %dma_wait3A_192 = tpu.memref_slice %arg5[%run_scoped3A, %dma_wait3A_191] : memref<4x200xi32, #tpu.memory_space<vmem>> -> memref<1x200xi32, #tpu.memory_space<vmem>>
      %dma_wait3A_193 = tpu.memref_squeeze %dma_wait3A_192 : memref<1x200xi32, #tpu.memory_space<vmem>> -> memref<200xi32, #tpu.memory_space<vmem>>
      %dma_wait3A_194 = arith.constant 0 : i32
      %dma_wait3A_195 = tpu.memref_slice %arg2[%mul3A_2, %dma_wait3A_194] : memref<16384x200xi32, #tpu.memory_space<hbm>> -> memref<1x200xi32, #tpu.memory_space<hbm>>
      %dma_wait3A_196 = tpu.memref_squeeze %dma_wait3A_195 : memref<1x200xi32, #tpu.memory_space<hbm>> -> memref<200xi32, #tpu.memory_space<hbm>>
      tpu.wait_dma2 semaphore(%run_scoped3A_172 : memref<!tpu.dma_semaphore, #tpu.memory_space<semaphore_mem>>) src(%dma_wait3A_196 : memref<200xi32, #tpu.memory_space<hbm>>) dst(%dma_wait3A_193 : memref<200xi32, #tpu.memory_space<vmem>>)
      tpu.yield
    }) : () -> ()
    %dma_start3A = arith.constant 0 : i32
    %dma_start3A_3 = arith.constant 0 : i32
    %dma_start3A_4 = arith.constant 0 : i32
    %dma_start3A_5 = arith.constant 0 : i32
    %dma_start3A_6 = tpu.memref_slice %arg6[%dma_start3A_3, %dma_start3A_4, %dma_start3A_5] : memref<4x200x64xf32, #tpu.memory_space<vmem>> -> memref<1x128x64xf32, #tpu.memory_space<vmem>>
    %dma_start3A_7 = tpu.memref_squeeze %dma_start3A_6 : memref<1x128x64xf32, #tpu.memory_space<vmem>> -> memref<128x64xf32, #tpu.memory_space<vmem>>
    %dma_start3A_8 = arith.constant 0 : i32
    %dma_start3A_9 = tpu.memref_slice %arg5[%dma_start3A, %dma_start3A_8] : memref<4x200xi32, #tpu.memory_space<vmem>> -> memref<1x128xi32, #tpu.memory_space<vmem>>
    %dma_start3A_10 = tpu.memref_squeeze %dma_start3A_9 : memref<1x128xi32, #tpu.memory_space<vmem>> -> memref<128xi32, #tpu.memory_space<vmem>>
    %dma_start3A_11 = arith.constant 0 : i32
    %dma_start3A_12 = arith.constant 0 : i32
    %dma_start3A_13 = tpu.memref_slice %arg3[%dma_start3A_11, %dma_start3A_12] : memref<1000000x64xf32, #tpu.memory_space<hbm>> -> memref<1000000x64xf32, #tpu.memory_space<hbm>>
    tpu.enqueue_indirect_dma source(%dma_start3A_13 : memref<1000000x64xf32, #tpu.memory_space<hbm>>) target(%dma_start3A_7 : memref<128x64xf32, #tpu.memory_space<vmem>>) offsets(%dma_start3A_10 : memref<128xi32, #tpu.memory_space<vmem>>) semaphore(%arg7 : memref<!tpu.dma_semaphore, #tpu.memory_space<semaphore_mem>>)
    %dma_start3A_14 = arith.constant 0 : i32
    %dma_start3A_15 = arith.constant 0 : i32
    %dma_start3A_16 = arith.constant 128 : i32
    %dma_start3A_17 = arith.constant 0 : i32
    %dma_start3A_18 = tpu.memref_slice %arg6[%dma_start3A_15, %dma_start3A_16, %dma_start3A_17] : memref<4x200x64xf32, #tpu.memory_space<vmem>> -> memref<1x72x64xf32, #tpu.memory_space<vmem>>
    %dma_start3A_19 = tpu.memref_squeeze %dma_start3A_18 : memref<1x72x64xf32, #tpu.memory_space<vmem>> -> memref<72x64xf32, #tpu.memory_space<vmem>>
    %dma_start3A_20 = arith.constant 128 : i32
    %dma_start3A_21 = tpu.memref_slice %arg5[%dma_start3A_14, %dma_start3A_20] : memref<4x200xi32, #tpu.memory_space<vmem>> -> memref<1x72xi32, #tpu.memory_space<vmem>>
    %dma_start3A_22 = tpu.memref_squeeze %dma_start3A_21 : memref<1x72xi32, #tpu.memory_space<vmem>> -> memref<72xi32, #tpu.memory_space<vmem>>
    %dma_start3A_23 = arith.constant 0 : i32
    %dma_start3A_24 = arith.constant 0 : i32
    %dma_start3A_25 = tpu.memref_slice %arg3[%dma_start3A_23, %dma_start3A_24] : memref<1000000x64xf32, #tpu.memory_space<hbm>> -> memref<1000000x64xf32, #tpu.memory_space<hbm>>
    tpu.enqueue_indirect_dma source(%dma_start3A_25 : memref<1000000x64xf32, #tpu.memory_space<hbm>>) target(%dma_start3A_19 : memref<72x64xf32, #tpu.memory_space<vmem>>) offsets(%dma_start3A_22 : memref<72xi32, #tpu.memory_space<vmem>>) semaphore(%arg7 : memref<!tpu.dma_semaphore, #tpu.memory_space<semaphore_mem>>)
    %add3A_26 = arith.constant 1 : i32
    %add3A_27 = arith.addi %mul3A_2, %add3A_26 : i32
    %dma_start3A_28 = arith.constant 1 : i32
    %dma_start3A_29 = arith.constant 0 : i32
    %dma_start3A_30 = tpu.memref_slice %arg5[%dma_start3A_28, %dma_start3A_29] : memref<4x200xi32, #tpu.memory_space<vmem>> -> memref<1x200xi32, #tpu.memory_space<vmem>>
    %dma_start3A_31 = tpu.memref_squeeze %dma_start3A_30 : memref<1x200xi32, #tpu.memory_space<vmem>> -> memref<200xi32, #tpu.memory_space<vmem>>
    %dma_start3A_32 = arith.constant 0 : i32
    %dma_start3A_33 = tpu.memref_slice %arg2[%add3A_27, %dma_start3A_32] : memref<16384x200xi32, #tpu.memory_space<hbm>> -> memref<1x200xi32, #tpu.memory_space<hbm>>
    %dma_start3A_34 = tpu.memref_squeeze %dma_start3A_33 : memref<1x200xi32, #tpu.memory_space<hbm>> -> memref<200xi32, #tpu.memory_space<hbm>>
    %dma_start3A_35 = arith.constant 0 : i32
    %dma_start3A_36 = tpu.memref_slice %arg5[%dma_start3A_28, %dma_start3A_35] : memref<4x200xi32, #tpu.memory_space<vmem>> -> memref<1x200xi32, #tpu.memory_space<vmem>>
    %dma_start3A_37 = tpu.memref_squeeze %dma_start3A_36 : memref<1x200xi32, #tpu.memory_space<vmem>> -> memref<200xi32, #tpu.memory_space<vmem>>
    %dma_start3A_38 = arith.constant 0 : i32
    %dma_start3A_39 = tpu.memref_slice %arg2[%add3A_27, %dma_start3A_38] : memref<16384x200xi32, #tpu.memory_space<hbm>> -> memref<1x200xi32, #tpu.memory_space<hbm>>
    %dma_start3A_40 = tpu.memref_squeeze %dma_start3A_39 : memref<1x200xi32, #tpu.memory_space<hbm>> -> memref<200xi32, #tpu.memory_space<hbm>>
    tpu.enqueue_dma source(%dma_start3A_40 : memref<200xi32, #tpu.memory_space<hbm>>) target(%dma_start3A_37 : memref<200xi32, #tpu.memory_space<vmem>>) target_semaphore(%arg16 : memref<!tpu.dma_semaphore, #tpu.memory_space<semaphore_mem>>)
    %add3A_41 = arith.constant 2 : i32
    %add3A_42 = arith.addi %mul3A_2, %add3A_41 : i32
    %dma_start3A_43 = arith.constant 2 : i32
    %dma_start3A_44 = arith.constant 0 : i32
    %dma_start3A_45 = tpu.memref_slice %arg5[%dma_start3A_43, %dma_start3A_44] : memref<4x200xi32, #tpu.memory_space<vmem>> -> memref<1x200xi32, #tpu.memory_space<vmem>>
    %dma_start3A_46 = tpu.memref_squeeze %dma_start3A_45 : memref<1x200xi32, #tpu.memory_space<vmem>> -> memref<200xi32, #tpu.memory_space<vmem>>
    %dma_start3A_47 = arith.constant 0 : i32
    %dma_start3A_48 = tpu.memref_slice %arg2[%add3A_42, %dma_start3A_47] : memref<16384x200xi32, #tpu.memory_space<hbm>> -> memref<1x200xi32, #tpu.memory_space<hbm>>
    %dma_start3A_49 = tpu.memref_squeeze %dma_start3A_48 : memref<1x200xi32, #tpu.memory_space<hbm>> -> memref<200xi32, #tpu.memory_space<hbm>>
    %dma_start3A_50 = arith.constant 0 : i32
    %dma_start3A_51 = tpu.memref_slice %arg5[%dma_start3A_43, %dma_start3A_50] : memref<4x200xi32, #tpu.memory_space<vmem>> -> memref<1x200xi32, #tpu.memory_space<vmem>>
    %dma_start3A_52 = tpu.memref_squeeze %dma_start3A_51 : memref<1x200xi32, #tpu.memory_space<vmem>> -> memref<200xi32, #tpu.memory_space<vmem>>
    %dma_start3A_53 = arith.constant 0 : i32
    %dma_start3A_54 = tpu.memref_slice %arg2[%add3A_42, %dma_start3A_53] : memref<16384x200xi32, #tpu.memory_space<hbm>> -> memref<1x200xi32, #tpu.memory_space<hbm>>
    %dma_start3A_55 = tpu.memref_squeeze %dma_start3A_54 : memref<1x200xi32, #tpu.memory_space<hbm>> -> memref<200xi32, #tpu.memory_space<hbm>>
    tpu.enqueue_dma source(%dma_start3A_55 : memref<200xi32, #tpu.memory_space<hbm>>) target(%dma_start3A_52 : memref<200xi32, #tpu.memory_space<vmem>>) target_semaphore(%arg17 : memref<!tpu.dma_semaphore, #tpu.memory_space<semaphore_mem>>)
    %add3A_56 = arith.constant 3 : i32
    %add3A_57 = arith.addi %mul3A_2, %add3A_56 : i32
    %dma_start3A_58 = arith.constant 3 : i32
    %dma_start3A_59 = arith.constant 0 : i32
    %dma_start3A_60 = tpu.memref_slice %arg5[%dma_start3A_58, %dma_start3A_59] : memref<4x200xi32, #tpu.memory_space<vmem>> -> memref<1x200xi32, #tpu.memory_space<vmem>>
    %dma_start3A_61 = tpu.memref_squeeze %dma_start3A_60 : memref<1x200xi32, #tpu.memory_space<vmem>> -> memref<200xi32, #tpu.memory_space<vmem>>
    %dma_start3A_62 = arith.constant 0 : i32
    %dma_start3A_63 = tpu.memref_slice %arg2[%add3A_57, %dma_start3A_62] : memref<16384x200xi32, #tpu.memory_space<hbm>> -> memref<1x200xi32, #tpu.memory_space<hbm>>
    %dma_start3A_64 = tpu.memref_squeeze %dma_start3A_63 : memref<1x200xi32, #tpu.memory_space<hbm>> -> memref<200xi32, #tpu.memory_space<hbm>>
    %dma_start3A_65 = arith.constant 0 : i32
    %dma_start3A_66 = tpu.memref_slice %arg5[%dma_start3A_58, %dma_start3A_65] : memref<4x200xi32, #tpu.memory_space<vmem>> -> memref<1x200xi32, #tpu.memory_space<vmem>>
    %dma_start3A_67 = tpu.memref_squeeze %dma_start3A_66 : memref<1x200xi32, #tpu.memory_space<vmem>> -> memref<200xi32, #tpu.memory_space<vmem>>
    %dma_start3A_68 = arith.constant 0 : i32
    %dma_start3A_69 = tpu.memref_slice %arg2[%add3A_57, %dma_start3A_68] : memref<16384x200xi32, #tpu.memory_space<hbm>> -> memref<1x200xi32, #tpu.memory_space<hbm>>
    %dma_start3A_70 = tpu.memref_squeeze %dma_start3A_69 : memref<1x200xi32, #tpu.memory_space<hbm>> -> memref<200xi32, #tpu.memory_space<hbm>>
    tpu.enqueue_dma source(%dma_start3A_70 : memref<200xi32, #tpu.memory_space<hbm>>) target(%dma_start3A_67 : memref<200xi32, #tpu.memory_space<vmem>>) target_semaphore(%arg18 : memref<!tpu.dma_semaphore, #tpu.memory_space<semaphore_mem>>)
    %dma_wait3A = arith.constant 1 : i32
    %dma_wait3A_71 = arith.constant 0 : i32
    %dma_wait3A_72 = tpu.memref_slice %arg5[%dma_wait3A, %dma_wait3A_71] : memref<4x200xi32, #tpu.memory_space<vmem>> -> memref<1x200xi32, #tpu.memory_space<vmem>>
    %dma_wait3A_73 = tpu.memref_squeeze %dma_wait3A_72 : memref<1x200xi32, #tpu.memory_space<vmem>> -> memref<200xi32, #tpu.memory_space<vmem>>
    %dma_wait3A_74 = arith.constant 0 : i32
    %dma_wait3A_75 = tpu.memref_slice %arg2[%mul3A_2, %dma_wait3A_74] : memref<16384x200xi32, #tpu.memory_space<hbm>> -> memref<1x200xi32, #tpu.memory_space<hbm>>
    %dma_wait3A_76 = tpu.memref_squeeze %dma_wait3A_75 : memref<1x200xi32, #tpu.memory_space<hbm>> -> memref<200xi32, #tpu.memory_space<hbm>>
    %dma_wait3A_77 = arith.constant 0 : i32
    %dma_wait3A_78 = tpu.memref_slice %arg5[%dma_wait3A, %dma_wait3A_77] : memref<4x200xi32, #tpu.memory_space<vmem>> -> memref<1x200xi32, #tpu.memory_space<vmem>>
    %dma_wait3A_79 = tpu.memref_squeeze %dma_wait3A_78 : memref<1x200xi32, #tpu.memory_space<vmem>> -> memref<200xi32, #tpu.memory_space<vmem>>
    %dma_wait3A_80 = arith.constant 0 : i32
    %dma_wait3A_81 = tpu.memref_slice %arg2[%mul3A_2, %dma_wait3A_80] : memref<16384x200xi32, #tpu.memory_space<hbm>> -> memref<1x200xi32, #tpu.memory_space<hbm>>
    %dma_wait3A_82 = tpu.memref_squeeze %dma_wait3A_81 : memref<1x200xi32, #tpu.memory_space<hbm>> -> memref<200xi32, #tpu.memory_space<hbm>>
    tpu.wait_dma2 semaphore(%arg16 : memref<!tpu.dma_semaphore, #tpu.memory_space<semaphore_mem>>) src(%dma_wait3A_82 : memref<200xi32, #tpu.memory_space<hbm>>) dst(%dma_wait3A_79 : memref<200xi32, #tpu.memory_space<vmem>>)
    %dma_start3A_83 = arith.constant 1 : i32
    %dma_start3A_84 = arith.constant 1 : i32
    %dma_start3A_85 = arith.constant 0 : i32
    %dma_start3A_86 = arith.constant 0 : i32
    %dma_start3A_87 = tpu.memref_slice %arg6[%dma_start3A_84, %dma_start3A_85, %dma_start3A_86] : memref<4x200x64xf32, #tpu.memory_space<vmem>> -> memref<1x128x64xf32, #tpu.memory_space<vmem>>
    %dma_start3A_88 = tpu.memref_squeeze %dma_start3A_87 : memref<1x128x64xf32, #tpu.memory_space<vmem>> -> memref<128x64xf32, #tpu.memory_space<vmem>>
    %dma_start3A_89 = arith.constant 0 : i32
    %dma_start3A_90 = tpu.memref_slice %arg5[%dma_start3A_83, %dma_start3A_89] : memref<4x200xi32, #tpu.memory_space<vmem>> -> memref<1x128xi32, #tpu.memory_space<vmem>>
    %dma_start3A_91 = tpu.memref_squeeze %dma_start3A_90 : memref<1x128xi32, #tpu.memory_space<vmem>> -> memref<128xi32, #tpu.memory_space<vmem>>
    %dma_start3A_92 = arith.constant 0 : i32
    %dma_start3A_93 = arith.constant 0 : i32
    %dma_start3A_94 = tpu.memref_slice %arg3[%dma_start3A_92, %dma_start3A_93] : memref<1000000x64xf32, #tpu.memory_space<hbm>> -> memref<1000000x64xf32, #tpu.memory_space<hbm>>
    tpu.enqueue_indirect_dma source(%dma_start3A_94 : memref<1000000x64xf32, #tpu.memory_space<hbm>>) target(%dma_start3A_88 : memref<128x64xf32, #tpu.memory_space<vmem>>) offsets(%dma_start3A_91 : memref<128xi32, #tpu.memory_space<vmem>>) semaphore(%arg8 : memref<!tpu.dma_semaphore, #tpu.memory_space<semaphore_mem>>)
    %dma_start3A_95 = arith.constant 1 : i32
    %dma_start3A_96 = arith.constant 1 : i32
    %dma_start3A_97 = arith.constant 128 : i32
    %dma_start3A_98 = arith.constant 0 : i32
    %dma_start3A_99 = tpu.memref_slice %arg6[%dma_start3A_96, %dma_start3A_97, %dma_start3A_98] : memref<4x200x64xf32, #tpu.memory_space<vmem>> -> memref<1x72x64xf32, #tpu.memory_space<vmem>>
    %dma_start3A_100 = tpu.memref_squeeze %dma_start3A_99 : memref<1x72x64xf32, #tpu.memory_space<vmem>> -> memref<72x64xf32, #tpu.memory_space<vmem>>
    %dma_start3A_101 = arith.constant 128 : i32
    %dma_start3A_102 = tpu.memref_slice %arg5[%dma_start3A_95, %dma_start3A_101] : memref<4x200xi32, #tpu.memory_space<vmem>> -> memref<1x72xi32, #tpu.memory_space<vmem>>
    %dma_start3A_103 = tpu.memref_squeeze %dma_start3A_102 : memref<1x72xi32, #tpu.memory_space<vmem>> -> memref<72xi32, #tpu.memory_space<vmem>>
    %dma_start3A_104 = arith.constant 0 : i32
    %dma_start3A_105 = arith.constant 0 : i32
    %dma_start3A_106 = tpu.memref_slice %arg3[%dma_start3A_104, %dma_start3A_105] : memref<1000000x64xf32, #tpu.memory_space<hbm>> -> memref<1000000x64xf32, #tpu.memory_space<hbm>>
    tpu.enqueue_indirect_dma source(%dma_start3A_106 : memref<1000000x64xf32, #tpu.memory_space<hbm>>) target(%dma_start3A_100 : memref<72x64xf32, #tpu.memory_space<vmem>>) offsets(%dma_start3A_103 : memref<72xi32, #tpu.memory_space<vmem>>) semaphore(%arg8 : memref<!tpu.dma_semaphore, #tpu.memory_space<semaphore_mem>>)
    %scan3A = arith.constant 0 : i32
    %scan3A_107 = arith.constant 0 : i32
    %scan3A_108 = arith.constant 128 : i32
    %scan3A_109 = arith.addi %scan3A_107, %scan3A_108 : i32
    %scan3A_110 = arith.constant 1 : i32
    scf.for %scan3A_172 = %scan3A_107 to %scan3A_109 step %scan3A_110  : i32 {
      %mul3A_173 = arith.constant 4 : i32
      %mul3A_174 = arith.muli %mul3A_173, %scan3A_172 : i32
      %add3A_175 = arith.constant 0 : i32
      %add3A_176 = arith.addi %mul3A_174, %add3A_175 : i32
      %add3A_177 = arith.constant 2 : i32
      %add3A_178 = arith.addi %add3A_176, %add3A_177 : i32
      %lt3A = arith.constant 512 : i32
      %lt3A_179 = arith.cmpi slt, %add3A_178, %lt3A : i32
      %convert_element_type3A = arith.extui %lt3A_179 : i1 to i32
      %cond3A = arith.constant 0 : i32
      %cond3A_180 = arith.cmpi ne, %convert_element_type3A, %cond3A : i32
      scf.if %cond3A_180 {
        %ge3A = arith.constant 2 : i32
        %ge3A_426 = arith.cmpi sge, %add3A_176, %ge3A : i32
        %convert_element_type3A_427 = arith.extui %ge3A_426 : i1 to i32
        %cond3A_428 = arith.constant 0 : i32
        %cond3A_429 = arith.cmpi ne, %convert_element_type3A_427, %cond3A_428 : i32
        scf.if %cond3A_429 {
          %mul3A_469 = arith.constant 200 : i32
          %mul3A_470 = arith.muli %mul3A_2, %mul3A_469 : i32
          %dma_wait3A_471 = arith.constant 2 : i32
          %dma_wait3A_472 = arith.constant 0 : i32
          %dma_wait3A_473 = arith.constant 0 : i32
          %dma_wait3A_474 = tpu.memref_slice %arg6[%dma_wait3A_471, %dma_wait3A_472, %dma_wait3A_473] : memref<4x200x64xf32, #tpu.memory_space<vmem>> -> memref<1x200x64xf32, #tpu.memory_space<vmem>>
          %dma_wait3A_475 = tpu.memref_squeeze %dma_wait3A_474 : memref<1x200x64xf32, #tpu.memory_space<vmem>> -> memref<200x64xf32, #tpu.memory_space<vmem>>
          %dma_wait3A_476 = arith.constant 0 : i32
          %dma_wait3A_477 = tpu.memref_slice %arg4[%mul3A_470, %dma_wait3A_476] : memref<3276800x128xf32, #tpu.memory_space<hbm>> -> memref<200x64xf32, #tpu.memory_space<hbm>>
          %dma_wait3A_478 = arith.constant 0 : i32
          %dma_wait3A_479 = tpu.memref_slice %arg4[%mul3A_470, %dma_wait3A_478] : memref<3276800x128xf32, #tpu.memory_space<hbm>> -> memref<200x64xf32, #tpu.memory_space<hbm>>
          %dma_wait3A_480 = arith.constant 0 : i32
          %dma_wait3A_481 = arith.constant 0 : i32
          %dma_wait3A_482 = tpu.memref_slice %arg6[%dma_wait3A_471, %dma_wait3A_480, %dma_wait3A_481] : memref<4x200x64xf32, #tpu.memory_space<vmem>> -> memref<1x200x64xf32, #tpu.memory_space<vmem>>
          %dma_wait3A_483 = tpu.memref_squeeze %dma_wait3A_482 : memref<1x200x64xf32, #tpu.memory_space<vmem>> -> memref<200x64xf32, #tpu.memory_space<vmem>>
          tpu.wait_dma2 semaphore(%arg13 : memref<!tpu.dma_semaphore, #tpu.memory_space<semaphore_mem>>) src(%dma_wait3A_483 : memref<200x64xf32, #tpu.memory_space<vmem>>) dst(%dma_wait3A_479 : memref<200x64xf32, #tpu.memory_space<hbm>>)
        } else {
        }
        %dma_wait3A_430 = arith.constant 2 : i32
        %dma_wait3A_431 = arith.constant 0 : i32
        %dma_wait3A_432 = tpu.memref_slice %arg5[%dma_wait3A_430, %dma_wait3A_431] : memref<4x200xi32, #tpu.memory_space<vmem>> -> memref<1x200xi32, #tpu.memory_space<vmem>>
        %dma_wait3A_433 = tpu.memref_squeeze %dma_wait3A_432 : memref<1x200xi32, #tpu.memory_space<vmem>> -> memref<200xi32, #tpu.memory_space<vmem>>
        %dma_wait3A_434 = arith.constant 0 : i32
        %dma_wait3A_435 = tpu.memref_slice %arg2[%mul3A_2, %dma_wait3A_434] : memref<16384x200xi32, #tpu.memory_space<hbm>> -> memref<1x200xi32, #tpu.memory_space<hbm>>
        %dma_wait3A_436 = tpu.memref_squeeze %dma_wait3A_435 : memref<1x200xi32, #tpu.memory_space<hbm>> -> memref<200xi32, #tpu.memory_space<hbm>>
        %dma_wait3A_437 = arith.constant 0 : i32
        %dma_wait3A_438 = tpu.memref_slice %arg5[%dma_wait3A_430, %dma_wait3A_437] : memref<4x200xi32, #tpu.memory_space<vmem>> -> memref<1x200xi32, #tpu.memory_space<vmem>>
        %dma_wait3A_439 = tpu.memref_squeeze %dma_wait3A_438 : memref<1x200xi32, #tpu.memory_space<vmem>> -> memref<200xi32, #tpu.memory_space<vmem>>
        %dma_wait3A_440 = arith.constant 0 : i32
        %dma_wait3A_441 = tpu.memref_slice %arg2[%mul3A_2, %dma_wait3A_440] : memref<16384x200xi32, #tpu.memory_space<hbm>> -> memref<1x200xi32, #tpu.memory_space<hbm>>
        %dma_wait3A_442 = tpu.memref_squeeze %dma_wait3A_441 : memref<1x200xi32, #tpu.memory_space<hbm>> -> memref<200xi32, #tpu.memory_space<hbm>>
        tpu.wait_dma2 semaphore(%arg17 : memref<!tpu.dma_semaphore, #tpu.memory_space<semaphore_mem>>) src(%dma_wait3A_442 : memref<200xi32, #tpu.memory_space<hbm>>) dst(%dma_wait3A_439 : memref<200xi32, #tpu.memory_space<vmem>>)
        %add3A_443 = arith.constant 2 : i32
        %add3A_444 = arith.addi %add3A_176, %add3A_443 : i32
        %dma_start3A_445 = arith.constant 2 : i32
        %dma_start3A_446 = arith.constant 2 : i32
        %dma_start3A_447 = arith.constant 0 : i32
        %dma_start3A_448 = arith.constant 0 : i32
        %dma_start3A_449 = tpu.memref_slice %arg6[%dma_start3A_446, %dma_start3A_447, %dma_start3A_448] : memref<4x200x64xf32, #tpu.memory_space<vmem>> -> memref<1x128x64xf32, #tpu.memory_space<vmem>>
        %dma_start3A_450 = tpu.memref_squeeze %dma_start3A_449 : memref<1x128x64xf32, #tpu.memory_space<vmem>> -> memref<128x64xf32, #tpu.memory_space<vmem>>
        %dma_start3A_451 = arith.constant 0 : i32
        %dma_start3A_452 = tpu.memref_slice %arg5[%dma_start3A_445, %dma_start3A_451] : memref<4x200xi32, #tpu.memory_space<vmem>> -> memref<1x128xi32, #tpu.memory_space<vmem>>
        %dma_start3A_453 = tpu.memref_squeeze %dma_start3A_452 : memref<1x128xi32, #tpu.memory_space<vmem>> -> memref<128xi32, #tpu.memory_space<vmem>>
        %dma_start3A_454 = arith.constant 0 : i32
        %dma_start3A_455 = arith.constant 0 : i32
        %dma_start3A_456 = tpu.memref_slice %arg3[%dma_start3A_454, %dma_start3A_455] : memref<1000000x64xf32, #tpu.memory_space<hbm>> -> memref<1000000x64xf32, #tpu.memory_space<hbm>>
        tpu.enqueue_indirect_dma source(%dma_start3A_456 : memref<1000000x64xf32, #tpu.memory_space<hbm>>) target(%dma_start3A_450 : memref<128x64xf32, #tpu.memory_space<vmem>>) offsets(%dma_start3A_453 : memref<128xi32, #tpu.memory_space<vmem>>) semaphore(%arg9 : memref<!tpu.dma_semaphore, #tpu.memory_space<semaphore_mem>>)
        %dma_start3A_457 = arith.constant 2 : i32
        %dma_start3A_458 = arith.constant 2 : i32
        %dma_start3A_459 = arith.constant 128 : i32
        %dma_start3A_460 = arith.constant 0 : i32
        %dma_start3A_461 = tpu.memref_slice %arg6[%dma_start3A_458, %dma_start3A_459, %dma_start3A_460] : memref<4x200x64xf32, #tpu.memory_space<vmem>> -> memref<1x72x64xf32, #tpu.memory_space<vmem>>
        %dma_start3A_462 = tpu.memref_squeeze %dma_start3A_461 : memref<1x72x64xf32, #tpu.memory_space<vmem>> -> memref<72x64xf32, #tpu.memory_space<vmem>>
        %dma_start3A_463 = arith.constant 128 : i32
        %dma_start3A_464 = tpu.memref_slice %arg5[%dma_start3A_457, %dma_start3A_463] : memref<4x200xi32, #tpu.memory_space<vmem>> -> memref<1x72xi32, #tpu.memory_space<vmem>>
        %dma_start3A_465 = tpu.memref_squeeze %dma_start3A_464 : memref<1x72xi32, #tpu.memory_space<vmem>> -> memref<72xi32, #tpu.memory_space<vmem>>
        %dma_start3A_466 = arith.constant 0 : i32
        %dma_start3A_467 = arith.constant 0 : i32
        %dma_start3A_468 = tpu.memref_slice %arg3[%dma_start3A_466, %dma_start3A_467] : memref<1000000x64xf32, #tpu.memory_space<hbm>> -> memref<1000000x64xf32, #tpu.memory_space<hbm>>
        tpu.enqueue_indirect_dma source(%dma_start3A_468 : memref<1000000x64xf32, #tpu.memory_space<hbm>>) target(%dma_start3A_462 : memref<72x64xf32, #tpu.memory_space<vmem>>) offsets(%dma_start3A_465 : memref<72xi32, #tpu.memory_space<vmem>>) semaphore(%arg9 : memref<!tpu.dma_semaphore, #tpu.memory_space<semaphore_mem>>)
      } else {
      }
      %dma_wait3A_181 = arith.constant 0 : i32
      %dma_wait3A_182 = arith.constant 0 : i32
      %dma_wait3A_183 = arith.constant 0 : i32
      %dma_wait3A_184 = arith.constant 0 : i32
      %dma_wait3A_185 = tpu.memref_slice %arg6[%dma_wait3A_182, %dma_wait3A_183, %dma_wait3A_184] : memref<4x200x64xf32, #tpu.memory_space<vmem>> -> memref<1x128x64xf32, #tpu.memory_space<vmem>>
      %dma_wait3A_186 = tpu.memref_squeeze %dma_wait3A_185 : memref<1x128x64xf32, #tpu.memory_space<vmem>> -> memref<128x64xf32, #tpu.memory_space<vmem>>
      %dma_wait3A_187 = arith.constant 0 : i32
      %dma_wait3A_188 = tpu.memref_slice %arg5[%dma_wait3A_181, %dma_wait3A_187] : memref<4x200xi32, #tpu.memory_space<vmem>> -> memref<1x128xi32, #tpu.memory_space<vmem>>
      %dma_wait3A_189 = tpu.memref_squeeze %dma_wait3A_188 : memref<1x128xi32, #tpu.memory_space<vmem>> -> memref<128xi32, #tpu.memory_space<vmem>>
      %dma_wait3A_190 = arith.constant 0 : i32
      %dma_wait3A_191 = arith.constant 0 : i32
      %dma_wait3A_192 = tpu.memref_slice %arg3[%dma_wait3A_190, %dma_wait3A_191] : memref<1000000x64xf32, #tpu.memory_space<hbm>> -> memref<1000000x64xf32, #tpu.memory_space<hbm>>
      tpu.wait_indirect_dma semaphore(%arg7 : memref<!tpu.dma_semaphore, #tpu.memory_space<semaphore_mem>>) src(%dma_wait3A_192 : memref<1000000x64xf32, #tpu.memory_space<hbm>>) dst(%dma_wait3A_186 : memref<128x64xf32, #tpu.memory_space<vmem>>)
      %dma_wait3A_193 = arith.constant 0 : i32
      %dma_wait3A_194 = arith.constant 0 : i32
      %dma_wait3A_195 = arith.constant 128 : i32
      %dma_wait3A_196 = arith.constant 0 : i32
      %dma_wait3A_197 = tpu.memref_slice %arg6[%dma_wait3A_194, %dma_wait3A_195, %dma_wait3A_196] : memref<4x200x64xf32, #tpu.memory_space<vmem>> -> memref<1x72x64xf32, #tpu.memory_space<vmem>>
      %dma_wait3A_198 = tpu.memref_squeeze %dma_wait3A_197 : memref<1x72x64xf32, #tpu.memory_space<vmem>> -> memref<72x64xf32, #tpu.memory_space<vmem>>
      %dma_wait3A_199 = arith.constant 128 : i32
      %dma_wait3A_200 = tpu.memref_slice %arg5[%dma_wait3A_193, %dma_wait3A_199] : memref<4x200xi32, #tpu.memory_space<vmem>> -> memref<1x72xi32, #tpu.memory_space<vmem>>
      %dma_wait3A_201 = tpu.memref_squeeze %dma_wait3A_200 : memref<1x72xi32, #tpu.memory_space<vmem>> -> memref<72xi32, #tpu.memory_space<vmem>>
      %dma_wait3A_202 = arith.constant 0 : i32
      %dma_wait3A_203 = arith.constant 0 : i32
      %dma_wait3A_204 = tpu.memref_slice %arg3[%dma_wait3A_202, %dma_wait3A_203] : memref<1000000x64xf32, #tpu.memory_space<hbm>> -> memref<1000000x64xf32, #tpu.memory_space<hbm>>
      tpu.wait_indirect_dma semaphore(%arg7 : memref<!tpu.dma_semaphore, #tpu.memory_space<semaphore_mem>>) src(%dma_wait3A_204 : memref<1000000x64xf32, #tpu.memory_space<hbm>>) dst(%dma_wait3A_198 : memref<72x64xf32, #tpu.memory_space<vmem>>)
      %add3A_205 = arith.constant 4 : i32
      %add3A_206 = arith.addi %add3A_176, %add3A_205 : i32
      %lt3A_207 = arith.constant 512 : i32
      %lt3A_208 = arith.cmpi slt, %add3A_206, %lt3A_207 : i32
      %convert_element_type3A_209 = arith.extui %lt3A_208 : i1 to i32
      %cond3A_210 = arith.constant 0 : i32
      %cond3A_211 = arith.cmpi ne, %convert_element_type3A_209, %cond3A_210 : i32
      scf.if %cond3A_211 {
        %add3A_426 = arith.constant 4 : i32
        %add3A_427 = arith.addi %add3A_176, %add3A_426 : i32
        %add3A_428 = arith.addi %mul3A_2, %add3A_427 : i32
        %dma_start3A_429 = arith.constant 0 : i32
        %dma_start3A_430 = arith.constant 0 : i32
        %dma_start3A_431 = tpu.memref_slice %arg5[%dma_start3A_429, %dma_start3A_430] : memref<4x200xi32, #tpu.memory_space<vmem>> -> memref<1x200xi32, #tpu.memory_space<vmem>>
        %dma_start3A_432 = tpu.memref_squeeze %dma_start3A_431 : memref<1x200xi32, #tpu.memory_space<vmem>> -> memref<200xi32, #tpu.memory_space<vmem>>
        %dma_start3A_433 = arith.constant 0 : i32
        %dma_start3A_434 = tpu.memref_slice %arg2[%add3A_428, %dma_start3A_433] : memref<16384x200xi32, #tpu.memory_space<hbm>> -> memref<1x200xi32, #tpu.memory_space<hbm>>
        %dma_start3A_435 = tpu.memref_squeeze %dma_start3A_434 : memref<1x200xi32, #tpu.memory_space<hbm>> -> memref<200xi32, #tpu.memory_space<hbm>>
        %dma_start3A_436 = arith.constant 0 : i32
        %dma_start3A_437 = tpu.memref_slice %arg5[%dma_start3A_429, %dma_start3A_436] : memref<4x200xi32, #tpu.memory_space<vmem>> -> memref<1x200xi32, #tpu.memory_space<vmem>>
        %dma_start3A_438 = tpu.memref_squeeze %dma_start3A_437 : memref<1x200xi32, #tpu.memory_space<vmem>> -> memref<200xi32, #tpu.memory_space<vmem>>
        %dma_start3A_439 = arith.constant 0 : i32
        %dma_start3A_440 = tpu.memref_slice %arg2[%add3A_428, %dma_start3A_439] : memref<16384x200xi32, #tpu.memory_space<hbm>> -> memref<1x200xi32, #tpu.memory_space<hbm>>
        %dma_start3A_441 = tpu.memref_squeeze %dma_start3A_440 : memref<1x200xi32, #tpu.memory_space<hbm>> -> memref<200xi32, #tpu.memory_space<hbm>>
        tpu.enqueue_dma source(%dma_start3A_441 : memref<200xi32, #tpu.memory_space<hbm>>) target(%dma_start3A_438 : memref<200xi32, #tpu.memory_space<vmem>>) target_semaphore(%arg15 : memref<!tpu.dma_semaphore, #tpu.memory_space<semaphore_mem>>)
      } else {
      }
      %scan3A_212 = arith.constant 0 : i32
      %scan3A_213 = arith.constant 0 : i32
      %scan3A_214 = arith.constant 25 : i32
      %scan3A_215 = arith.addi %scan3A_213, %scan3A_214 : i32
      %scan3A_216 = arith.constant 1 : i32
      scf.for %scan3A_426 = %scan3A_213 to %scan3A_215 step %scan3A_216  : i32 {
        %mul3A_427 = arith.constant 8 : i32
        %mul3A_428 = arith.muli %scan3A_426, %mul3A_427 : i32
        %add3A_429 = arith.constant 0 : i32
        %add3A_430 = arith.addi %mul3A_428, %add3A_429 : i32
        %get3A = arith.constant 0 : i32
        %get3A_431 = arith.index_cast %get3A : i32 to index
        %get3A_432 = arith.index_cast %add3A_430 : i32 to index
        %get3A_433 = arith.constant 0 : index
        %get3A_434 = tpu.vector_load %arg6[%get3A_431, %get3A_432, %get3A_433] {strides = array<i32>} : memref<4x200x64xf32, #tpu.memory_space<vmem>>, vector<1x1x16xf32>,
        %get3A_435 = vector.shape_cast %get3A_434 : vector<1x1x16xf32> to vector<16xf32>
        %mul3A_436 = arith.constant 8.000000e+00 : f32
        %mul3A_437 = vector.broadcast %mul3A_436 : f32 to vector<16xf32>
        %mul3A_438 = arith.mulf %get3A_435, %mul3A_437 : vector<16xf32>
        %swap3A = arith.constant 0 : i32
        %swap3A_439 = arith.index_cast %swap3A : i32 to index
        %swap3A_440 = arith.index_cast %add3A_430 : i32 to index
        %swap3A_441 = arith.constant 0 : index
        %swap3A_442 = tpu.vector_load %arg6[%swap3A_439, %swap3A_440, %swap3A_441] {strides = array<i32>} : memref<4x200x64xf32, #tpu.memory_space<vmem>>, vector<1x1x16xf32>,
        %swap3A_443 = vector.shape_cast %swap3A_442 : vector<1x1x16xf32> to vector<16xf32>
        %swap3A_444 = vector.shape_cast %mul3A_438 : vector<16xf32> to vector<1x1x16xf32>
        tpu.vector_store %arg6[%swap3A_439, %swap3A_440, %swap3A_441], %swap3A_444 {strides = array<i32>} : memref<4x200x64xf32, #tpu.memory_space<vmem>>, vector<1x1x16xf32>,
        %add3A_445 = arith.constant 0 : i32
        %add3A_446 = arith.addi %mul3A_428, %add3A_445 : i32
        %get3A_447 = arith.constant 0 : i32
        %get3A_448 = arith.index_cast %get3A_447 : i32 to index
        %get3A_449 = arith.index_cast %add3A_446 : i32 to index
        %get3A_450 = arith.constant 16 : index
        %get3A_451 = tpu.vector_load %arg6[%get3A_448, %get3A_449, %get3A_450] {strides = array<i32>} : memref<4x200x64xf32, #tpu.memory_space<vmem>>, vector<1x1x16xf32>,
        %get3A_452 = vector.shape_cast %get3A_451 : vector<1x1x16xf32> to vector<16xf32>
        %mul3A_453 = arith.constant 8.000000e+00 : f32
        %mul3A_454 = vector.broadcast %mul3A_453 : f32 to vector<16xf32>
        %mul3A_455 = arith.mulf %get3A_452, %mul3A_454 : vector<16xf32>
        %swap3A_456 = arith.constant 0 : i32
        %swap3A_457 = arith.index_cast %swap3A_456 : i32 to index
        %swap3A_458 = arith.index_cast %add3A_446 : i32 to index
        %swap3A_459 = arith.constant 16 : index
        %swap3A_460 = tpu.vector_load %arg6[%swap3A_457, %swap3A_458, %swap3A_459] {strides = array<i32>} : memref<4x200x64xf32, #tpu.memory_space<vmem>>, vector<1x1x16xf32>,
        %swap3A_461 = vector.shape_cast %swap3A_460 : vector<1x1x16xf32> to vector<16xf32>
        %swap3A_462 = vector.shape_cast %mul3A_455 : vector<16xf32> to vector<1x1x16xf32>
        tpu.vector_store %arg6[%swap3A_457, %swap3A_458, %swap3A_459], %swap3A_462 {strides = array<i32>} : memref<4x200x64xf32, #tpu.memory_space<vmem>>, vector<1x1x16xf32>,
        %add3A_463 = arith.constant 0 : i32
        %add3A_464 = arith.addi %mul3A_428, %add3A_463 : i32
        %get3A_465 = arith.constant 0 : i32
        %get3A_466 = arith.index_cast %get3A_465 : i32 to index
        %get3A_467 = arith.index_cast %add3A_464 : i32 to index
        %get3A_468 = arith.constant 32 : index
        %get3A_469 = tpu.vector_load %arg6[%get3A_466, %get3A_467, %get3A_468] {strides = array<i32>} : memref<4x200x64xf32, #tpu.memory_space<vmem>>, vector<1x1x16xf32>,
        %get3A_470 = vector.shape_cast %get3A_469 : vector<1x1x16xf32> to vector<16xf32>
        %mul3A_471 = arith.constant 8.000000e+00 : f32
        %mul3A_472 = vector.broadcast %mul3A_471 : f32 to vector<16xf32>
        %mul3A_473 = arith.mulf %get3A_470, %mul3A_472 : vector<16xf32>
        %swap3A_474 = arith.constant 0 : i32
        %swap3A_475 = arith.index_cast %swap3A_474 : i32 to index
        %swap3A_476 = arith.index_cast %add3A_464 : i32 to index
        %swap3A_477 = arith.constant 32 : index
        %swap3A_478 = tpu.vector_load %arg6[%swap3A_475, %swap3A_476, %swap3A_477] {strides = array<i32>} : memref<4x200x64xf32, #tpu.memory_space<vmem>>, vector<1x1x16xf32>,
        %swap3A_479 = vector.shape_cast %swap3A_478 : vector<1x1x16xf32> to vector<16xf32>
        %swap3A_480 = vector.shape_cast %mul3A_473 : vector<16xf32> to vector<1x1x16xf32>
        tpu.vector_store %arg6[%swap3A_475, %swap3A_476, %swap3A_477], %swap3A_480 {strides = array<i32>} : memref<4x200x64xf32, #tpu.memory_space<vmem>>, vector<1x1x16xf32>,
        %add3A_481 = arith.constant 0 : i32
        %add3A_482 = arith.addi %mul3A_428, %add3A_481 : i32
        %get3A_483 = arith.constant 0 : i32
        %get3A_484 = arith.index_cast %get3A_483 : i32 to index
        %get3A_485 = arith.index_cast %add3A_482 : i32 to index
        %get3A_486 = arith.constant 48 : index
        %get3A_487 = tpu.vector_load %arg6[%get3A_484, %get3A_485, %get3A_486] {strides = array<i32>} : memref<4x200x64xf32, #tpu.memory_space<vmem>>, vector<1x1x16xf32>,
        %get3A_488 = vector.shape_cast %get3A_487 : vector<1x1x16xf32> to vector<16xf32>
        %mul3A_489 = arith.constant 8.000000e+00 : f32
        %mul3A_490 = vector.broadcast %mul3A_489 : f32 to vector<16xf32>
        %mul3A_491 = arith.mulf %get3A_488, %mul3A_490 : vector<16xf32>
        %swap3A_492 = arith.constant 0 : i32
        %swap3A_493 = arith.index_cast %swap3A_492 : i32 to index
        %swap3A_494 = arith.index_cast %add3A_482 : i32 to index
        %swap3A_495 = arith.constant 48 : index
        %swap3A_496 = tpu.vector_load %arg6[%swap3A_493, %swap3A_494, %swap3A_495] {strides = array<i32>} : memref<4x200x64xf32, #tpu.memory_space<vmem>>, vector<1x1x16xf32>,
        %swap3A_497 = vector.shape_cast %swap3A_496 : vector<1x1x16xf32> to vector<16xf32>
        %swap3A_498 = vector.shape_cast %mul3A_491 : vector<16xf32> to vector<1x1x16xf32>
        tpu.vector_store %arg6[%swap3A_493, %swap3A_494, %swap3A_495], %swap3A_498 {strides = array<i32>} : memref<4x200x64xf32, #tpu.memory_space<vmem>>, vector<1x1x16xf32>,
        %add3A_499 = arith.constant 1 : i32
        %add3A_500 = arith.addi %mul3A_428, %add3A_499 : i32
        %get3A_501 = arith.constant 0 : i32
        %get3A_502 = arith.index_cast %get3A_501 : i32 to index
        %get3A_503 = arith.index_cast %add3A_500 : i32 to index
        %get3A_504 = arith.constant 0 : index
        %get3A_505 = tpu.vector_load %arg6[%get3A_502, %get3A_503, %get3A_504] {strides = array<i32>} : memref<4x200x64xf32, #tpu.memory_space<vmem>>, vector<1x1x16xf32>,
        %get3A_506 = vector.shape_cast %get3A_505 : vector<1x1x16xf32> to vector<16xf32>
        %mul3A_507 = arith.constant 8.000000e+00 : f32
        %mul3A_508 = vector.broadcast %mul3A_507 : f32 to vector<16xf32>
        %mul3A_509 = arith.mulf %get3A_506, %mul3A_508 : vector<16xf32>
        %swap3A_510 = arith.constant 0 : i32
        %swap3A_511 = arith.index_cast %swap3A_510 : i32 to index
        %swap3A_512 = arith.index_cast %add3A_500 : i32 to index
        %swap3A_513 = arith.constant 0 : index
        %swap3A_514 = tpu.vector_load %arg6[%swap3A_511, %swap3A_512, %swap3A_513] {strides = array<i32>} : memref<4x200x64xf32, #tpu.memory_space<vmem>>, vector<1x1x16xf32>,
        %swap3A_515 = vector.shape_cast %swap3A_514 : vector<1x1x16xf32> to vector<16xf32>
        %swap3A_516 = vector.shape_cast %mul3A_509 : vector<16xf32> to vector<1x1x16xf32>
        tpu.vector_store %arg6[%swap3A_511, %swap3A_512, %swap3A_513], %swap3A_516 {strides = array<i32>} : memref<4x200x64xf32, #tpu.memory_space<vmem>>, vector<1x1x16xf32>,
        %add3A_517 = arith.constant 1 : i32
        %add3A_518 = arith.addi %mul3A_428, %add3A_517 : i32
        %get3A_519 = arith.constant 0 : i32
        %get3A_520 = arith.index_cast %get3A_519 : i32 to index
        %get3A_521 = arith.index_cast %add3A_518 : i32 to index
        %get3A_522 = arith.constant 16 : index
        %get3A_523 = tpu.vector_load %arg6[%get3A_520, %get3A_521, %get3A_522] {strides = array<i32>} : memref<4x200x64xf32, #tpu.memory_space<vmem>>, vector<1x1x16xf32>,
        %get3A_524 = vector.shape_cast %get3A_523 : vector<1x1x16xf32> to vector<16xf32>
        %mul3A_525 = arith.constant 8.000000e+00 : f32
        %mul3A_526 = vector.broadcast %mul3A_525 : f32 to vector<16xf32>
        %mul3A_527 = arith.mulf %get3A_524, %mul3A_526 : vector<16xf32>
        %swap3A_528 = arith.constant 0 : i32
        %swap3A_529 = arith.index_cast %swap3A_528 : i32 to index
        %swap3A_530 = arith.index_cast %add3A_518 : i32 to index
        %swap3A_531 = arith.constant 16 : index
        %swap3A_532 = tpu.vector_load %arg6[%swap3A_529, %swap3A_530, %swap3A_531] {strides = array<i32>} : memref<4x200x64xf32, #tpu.memory_space<vmem>>, vector<1x1x16xf32>,
        %swap3A_533 = vector.shape_cast %swap3A_532 : vector<1x1x16xf32> to vector<16xf32>
        %swap3A_534 = vector.shape_cast %mul3A_527 : vector<16xf32> to vector<1x1x16xf32>
        tpu.vector_store %arg6[%swap3A_529, %swap3A_530, %swap3A_531], %swap3A_534 {strides = array<i32>} : memref<4x200x64xf32, #tpu.memory_space<vmem>>, vector<1x1x16xf32>,
        %add3A_535 = arith.constant 1 : i32
        %add3A_536 = arith.addi %mul3A_428, %add3A_535 : i32
        %get3A_537 = arith.constant 0 : i32
        %get3A_538 = arith.index_cast %get3A_537 : i32 to index
        %get3A_539 = arith.index_cast %add3A_536 : i32 to index
        %get3A_540 = arith.constant 32 : index
        %get3A_541 = tpu.vector_load %arg6[%get3A_538, %get3A_539, %get3A_540] {strides = array<i32>} : memref<4x200x64xf32, #tpu.memory_space<vmem>>, vector<1x1x16xf32>,
        %get3A_542 = vector.shape_cast %get3A_541 : vector<1x1x16xf32> to vector<16xf32>
        %mul3A_543 = arith.constant 8.000000e+00 : f32
        %mul3A_544 = vector.broadcast %mul3A_543 : f32 to vector<16xf32>
        %mul3A_545 = arith.mulf %get3A_542, %mul3A_544 : vector<16xf32>
        %swap3A_546 = arith.constant 0 : i32
        %swap3A_547 = arith.index_cast %swap3A_546 : i32 to index
        %swap3A_548 = arith.index_cast %add3A_536 : i32 to index
        %swap3A_549 = arith.constant 32 : index
        %swap3A_550 = tpu.vector_load %arg6[%swap3A_547, %swap3A_548, %swap3A_549] {strides = array<i32>} : memref<4x200x64xf32, #tpu.memory_space<vmem>>, vector<1x1x16xf32>,
        %swap3A_551 = vector.shape_cast %swap3A_550 : vector<1x1x16xf32> to vector<16xf32>
        %swap3A_552 = vector.shape_cast %mul3A_545 : vector<16xf32> to vector<1x1x16xf32>
        tpu.vector_store %arg6[%swap3A_547, %swap3A_548, %swap3A_549], %swap3A_552 {strides = array<i32>} : memref<4x200x64xf32, #tpu.memory_space<vmem>>, vector<1x1x16xf32>,
        %add3A_553 = arith.constant 1 : i32
        %add3A_554 = arith.addi %mul3A_428, %add3A_553 : i32
        %get3A_555 = arith.constant 0 : i32
        %get3A_556 = arith.index_cast %get3A_555 : i32 to index
        %get3A_557 = arith.index_cast %add3A_554 : i32 to index
        %get3A_558 = arith.constant 48 : index
        %get3A_559 = tpu.vector_load %arg6[%get3A_556, %get3A_557, %get3A_558] {strides = array<i32>} : memref<4x200x64xf32, #tpu.memory_space<vmem>>, vector<1x1x16xf32>,
        %get3A_560 = vector.shape_cast %get3A_559 : vector<1x1x16xf32> to vector<16xf32>
        %mul3A_561 = arith.constant 8.000000e+00 : f32
        %mul3A_562 = vector.broadcast %mul3A_561 : f32 to vector<16xf32>
        %mul3A_563 = arith.mulf %get3A_560, %mul3A_562 : vector<16xf32>
        %swap3A_564 = arith.constant 0 : i32
        %swap3A_565 = arith.index_cast %swap3A_564 : i32 to index
        %swap3A_566 = arith.index_cast %add3A_554 : i32 to index
        %swap3A_567 = arith.constant 48 : index
        %swap3A_568 = tpu.vector_load %arg6[%swap3A_565, %swap3A_566, %swap3A_567] {strides = array<i32>} : memref<4x200x64xf32, #tpu.memory_space<vmem>>, vector<1x1x16xf32>,
        %swap3A_569 = vector.shape_cast %swap3A_568 : vector<1x1x16xf32> to vector<16xf32>
        %swap3A_570 = vector.shape_cast %mul3A_563 : vector<16xf32> to vector<1x1x16xf32>
        tpu.vector_store %arg6[%swap3A_565, %swap3A_566, %swap3A_567], %swap3A_570 {strides = array<i32>} : memref<4x200x64xf32, #tpu.memory_space<vmem>>, vector<1x1x16xf32>,
        %add3A_571 = arith.constant 2 : i32
        %add3A_572 = arith.addi %mul3A_428, %add3A_571 : i32
        %get3A_573 = arith.constant 0 : i32
        %get3A_574 = arith.index_cast %get3A_573 : i32 to index
        %get3A_575 = arith.index_cast %add3A_572 : i32 to index
        %get3A_576 = arith.constant 0 : index
        %get3A_577 = tpu.vector_load %arg6[%get3A_574, %get3A_575, %get3A_576] {strides = array<i32>} : memref<4x200x64xf32, #tpu.memory_space<vmem>>, vector<1x1x16xf32>,
        %get3A_578 = vector.shape_cast %get3A_577 : vector<1x1x16xf32> to vector<16xf32>
        %mul3A_579 = arith.constant 8.000000e+00 : f32
        %mul3A_580 = vector.broadcast %mul3A_579 : f32 to vector<16xf32>
        %mul3A_581 = arith.mulf %get3A_578, %mul3A_580 : vector<16xf32>
        %swap3A_582 = arith.constant 0 : i32
        %swap3A_583 = arith.index_cast %swap3A_582 : i32 to index
        %swap3A_584 = arith.index_cast %add3A_572 : i32 to index
        %swap3A_585 = arith.constant 0 : index
        %swap3A_586 = tpu.vector_load %arg6[%swap3A_583, %swap3A_584, %swap3A_585] {strides = array<i32>} : memref<4x200x64xf32, #tpu.memory_space<vmem>>, vector<1x1x16xf32>,
        %swap3A_587 = vector.shape_cast %swap3A_586 : vector<1x1x16xf32> to vector<16xf32>
        %swap3A_588 = vector.shape_cast %mul3A_581 : vector<16xf32> to vector<1x1x16xf32>
        tpu.vector_store %arg6[%swap3A_583, %swap3A_584, %swap3A_585], %swap3A_588 {strides = array<i32>} : memref<4x200x64xf32, #tpu.memory_space<vmem>>, vector<1x1x16xf32>,
        %add3A_589 = arith.constant 2 : i32
        %add3A_590 = arith.addi %mul3A_428, %add3A_589 : i32
        %get3A_591 = arith.constant 0 : i32
        %get3A_592 = arith.index_cast %get3A_591 : i32 to index
        %get3A_593 = arith.index_cast %add3A_590 : i32 to index
        %get3A_594 = arith.constant 16 : index
        %get3A_595 = tpu.vector_load %arg6[%get3A_592, %get3A_593, %get3A_594] {strides = array<i32>} : memref<4x200x64xf32, #tpu.memory_space<vmem>>, vector<1x1x16xf32>,
        %get3A_596 = vector.shape_cast %get3A_595 : vector<1x1x16xf32> to vector<16xf32>
        %mul3A_597 = arith.constant 8.000000e+00 : f32
        %mul3A_598 = vector.broadcast %mul3A_597 : f32 to vector<16xf32>
        %mul3A_599 = arith.mulf %get3A_596, %mul3A_598 : vector<16xf32>
        %swap3A_600 = arith.constant 0 : i32
        %swap3A_601 = arith.index_cast %swap3A_600 : i32 to index
        %swap3A_602 = arith.index_cast %add3A_590 : i32 to index
        %swap3A_603 = arith.constant 16 : index
        %swap3A_604 = tpu.vector_load %arg6[%swap3A_601, %swap3A_602, %swap3A_603] {strides = array<i32>} : memref<4x200x64xf32, #tpu.memory_space<vmem>>, vector<1x1x16xf32>,
        %swap3A_605 = vector.shape_cast %swap3A_604 : vector<1x1x16xf32> to vector<16xf32>
        %swap3A_606 = vector.shape_cast %mul3A_599 : vector<16xf32> to vector<1x1x16xf32>
        tpu.vector_store %arg6[%swap3A_601, %swap3A_602, %swap3A_603], %swap3A_606 {strides = array<i32>} : memref<4x200x64xf32, #tpu.memory_space<vmem>>, vector<1x1x16xf32>,
        %add3A_607 = arith.constant 2 : i32
        %add3A_608 = arith.addi %mul3A_428, %add3A_607 : i32
        %get3A_609 = arith.constant 0 : i32
        %get3A_610 = arith.index_cast %get3A_609 : i32 to index
        %get3A_611 = arith.index_cast %add3A_608 : i32 to index
        %get3A_612 = arith.constant 32 : index
        %get3A_613 = tpu.vector_load %arg6[%get3A_610, %get3A_611, %get3A_612] {strides = array<i32>} : memref<4x200x64xf32, #tpu.memory_space<vmem>>, vector<1x1x16xf32>,
        %get3A_614 = vector.shape_cast %get3A_613 : vector<1x1x16xf32> to vector<16xf32>
        %mul3A_615 = arith.constant 8.000000e+00 : f32
        %mul3A_616 = vector.broadcast %mul3A_615 : f32 to vector<16xf32>
        %mul3A_617 = arith.mulf %get3A_614, %mul3A_616 : vector<16xf32>
        %swap3A_618 = arith.constant 0 : i32
        %swap3A_619 = arith.index_cast %swap3A_618 : i32 to index
        %swap3A_620 = arith.index_cast %add3A_608 : i32 to index
        %swap3A_621 = arith.constant 32 : index
        %swap3A_622 = tpu.vector_load %arg6[%swap3A_619, %swap3A_620, %swap3A_621] {strides = array<i32>} : memref<4x200x64xf32, #tpu.memory_space<vmem>>, vector<1x1x16xf32>,
        %swap3A_623 = vector.shape_cast %swap3A_622 : vector<1x1x16xf32> to vector<16xf32>
        %swap3A_624 = vector.shape_cast %mul3A_617 : vector<16xf32> to vector<1x1x16xf32>
        tpu.vector_store %arg6[%swap3A_619, %swap3A_620, %swap3A_621], %swap3A_624 {strides = array<i32>} : memref<4x200x64xf32, #tpu.memory_space<vmem>>, vector<1x1x16xf32>,
        %add3A_625 = arith.constant 2 : i32
        %add3A_626 = arith.addi %mul3A_428, %add3A_625 : i32
        %get3A_627 = arith.constant 0 : i32
        %get3A_628 = arith.index_cast %get3A_627 : i32 to index
        %get3A_629 = arith.index_cast %add3A_626 : i32 to index
        %get3A_630 = arith.constant 48 : index
        %get3A_631 = tpu.vector_load %arg6[%get3A_628, %get3A_629, %get3A_630] {strides = array<i32>} : memref<4x200x64xf32, #tpu.memory_space<vmem>>, vector<1x1x16xf32>,
        %get3A_632 = vector.shape_cast %get3A_631 : vector<1x1x16xf32> to vector<16xf32>
        %mul3A_633 = arith.constant 8.000000e+00 : f32
        %mul3A_634 = vector.broadcast %mul3A_633 : f32 to vector<16xf32>
        %mul3A_635 = arith.mulf %get3A_632, %mul3A_634 : vector<16xf32>
        %swap3A_636 = arith.constant 0 : i32
        %swap3A_637 = arith.index_cast %swap3A_636 : i32 to index
        %swap3A_638 = arith.index_cast %add3A_626 : i32 to index
        %swap3A_639 = arith.constant 48 : index
        %swap3A_640 = tpu.vector_load %arg6[%swap3A_637, %swap3A_638, %swap3A_639] {strides = array<i32>} : memref<4x200x64xf32, #tpu.memory_space<vmem>>, vector<1x1x16xf32>,
        %swap3A_641 = vector.shape_cast %swap3A_640 : vector<1x1x16xf32> to vector<16xf32>
        %swap3A_642 = vector.shape_cast %mul3A_635 : vector<16xf32> to vector<1x1x16xf32>
        tpu.vector_store %arg6[%swap3A_637, %swap3A_638, %swap3A_639], %swap3A_642 {strides = array<i32>} : memref<4x200x64xf32, #tpu.memory_space<vmem>>, vector<1x1x16xf32>,
        %add3A_643 = arith.constant 3 : i32
        %add3A_644 = arith.addi %mul3A_428, %add3A_643 : i32
        %get3A_645 = arith.constant 0 : i32
        %get3A_646 = arith.index_cast %get3A_645 : i32 to index
        %get3A_647 = arith.index_cast %add3A_644 : i32 to index
        %get3A_648 = arith.constant 0 : index
        %get3A_649 = tpu.vector_load %arg6[%get3A_646, %get3A_647, %get3A_648] {strides = array<i32>} : memref<4x200x64xf32, #tpu.memory_space<vmem>>, vector<1x1x16xf32>,
        %get3A_650 = vector.shape_cast %get3A_649 : vector<1x1x16xf32> to vector<16xf32>
        %mul3A_651 = arith.constant 8.000000e+00 : f32
        %mul3A_652 = vector.broadcast %mul3A_651 : f32 to vector<16xf32>
        %mul3A_653 = arith.mulf %get3A_650, %mul3A_652 : vector<16xf32>
        %swap3A_654 = arith.constant 0 : i32
        %swap3A_655 = arith.index_cast %swap3A_654 : i32 to index
        %swap3A_656 = arith.index_cast %add3A_644 : i32 to index
        %swap3A_657 = arith.constant 0 : index
        %swap3A_658 = tpu.vector_load %arg6[%swap3A_655, %swap3A_656, %swap3A_657] {strides = array<i32>} : memref<4x200x64xf32, #tpu.memory_space<vmem>>, vector<1x1x16xf32>,
        %swap3A_659 = vector.shape_cast %swap3A_658 : vector<1x1x16xf32> to vector<16xf32>
        %swap3A_660 = vector.shape_cast %mul3A_653 : vector<16xf32> to vector<1x1x16xf32>
        tpu.vector_store %arg6[%swap3A_655, %swap3A_656, %swap3A_657], %swap3A_660 {strides = array<i32>} : memref<4x200x64xf32, #tpu.memory_space<vmem>>, vector<1x1x16xf32>,
        %add3A_661 = arith.constant 3 : i32
        %add3A_662 = arith.addi %mul3A_428, %add3A_661 : i32
        %get3A_663 = arith.constant 0 : i32
        %get3A_664 = arith.index_cast %get3A_663 : i32 to index
        %get3A_665 = arith.index_cast %add3A_662 : i32 to index
        %get3A_666 = arith.constant 16 : index
        %get3A_667 = tpu.vector_load %arg6[%get3A_664, %get3A_665, %get3A_666] {strides = array<i32>} : memref<4x200x64xf32, #tpu.memory_space<vmem>>, vector<1x1x16xf32>,
        %get3A_668 = vector.shape_cast %get3A_667 : vector<1x1x16xf32> to vector<16xf32>
        %mul3A_669 = arith.constant 8.000000e+00 : f32
        %mul3A_670 = vector.broadcast %mul3A_669 : f32 to vector<16xf32>
        %mul3A_671 = arith.mulf %get3A_668, %mul3A_670 : vector<16xf32>
        %swap3A_672 = arith.constant 0 : i32
        %swap3A_673 = arith.index_cast %swap3A_672 : i32 to index
        %swap3A_674 = arith.index_cast %add3A_662 : i32 to index
        %swap3A_675 = arith.constant 16 : index
        %swap3A_676 = tpu.vector_load %arg6[%swap3A_673, %swap3A_674, %swap3A_675] {strides = array<i32>} : memref<4x200x64xf32, #tpu.memory_space<vmem>>, vector<1x1x16xf32>,
        %swap3A_677 = vector.shape_cast %swap3A_676 : vector<1x1x16xf32> to vector<16xf32>
        %swap3A_678 = vector.shape_cast %mul3A_671 : vector<16xf32> to vector<1x1x16xf32>
        tpu.vector_store %arg6[%swap3A_673, %swap3A_674, %swap3A_675], %swap3A_678 {strides = array<i32>} : memref<4x200x64xf32, #tpu.memory_space<vmem>>, vector<1x1x16xf32>,
        %add3A_679 = arith.constant 3 : i32
        %add3A_680 = arith.addi %mul3A_428, %add3A_679 : i32
        %get3A_681 = arith.constant 0 : i32
        %get3A_682 = arith.index_cast %get3A_681 : i32 to index
        %get3A_683 = arith.index_cast %add3A_680 : i32 to index
        %get3A_684 = arith.constant 32 : index
        %get3A_685 = tpu.vector_load %arg6[%get3A_682, %get3A_683, %get3A_684] {strides = array<i32>} : memref<4x200x64xf32, #tpu.memory_space<vmem>>, vector<1x1x16xf32>,
        %get3A_686 = vector.shape_cast %get3A_685 : vector<1x1x16xf32> to vector<16xf32>
        %mul3A_687 = arith.constant 8.000000e+00 : f32
        %mul3A_688 = vector.broadcast %mul3A_687 : f32 to vector<16xf32>
        %mul3A_689 = arith.mulf %get3A_686, %mul3A_688 : vector<16xf32>
        %swap3A_690 = arith.constant 0 : i32
        %swap3A_691 = arith.index_cast %swap3A_690 : i32 to index
        %swap3A_692 = arith.index_cast %add3A_680 : i32 to index
        %swap3A_693 = arith.constant 32 : index
        %swap3A_694 = tpu.vector_load %arg6[%swap3A_691, %swap3A_692, %swap3A_693] {strides = array<i32>} : memref<4x200x64xf32, #tpu.memory_space<vmem>>, vector<1x1x16xf32>,
        %swap3A_695 = vector.shape_cast %swap3A_694 : vector<1x1x16xf32> to vector<16xf32>
        %swap3A_696 = vector.shape_cast %mul3A_689 : vector<16xf32> to vector<1x1x16xf32>
        tpu.vector_store %arg6[%swap3A_691, %swap3A_692, %swap3A_693], %swap3A_696 {strides = array<i32>} : memref<4x200x64xf32, #tpu.memory_space<vmem>>, vector<1x1x16xf32>,
        %add3A_697 = arith.constant 3 : i32
        %add3A_698 = arith.addi %mul3A_428, %add3A_697 : i32
        %get3A_699 = arith.constant 0 : i32
        %get3A_700 = arith.index_cast %get3A_699 : i32 to index
        %get3A_701 = arith.index_cast %add3A_698 : i32 to index
        %get3A_702 = arith.constant 48 : index
        %get3A_703 = tpu.vector_load %arg6[%get3A_700, %get3A_701, %get3A_702] {strides = array<i32>} : memref<4x200x64xf32, #tpu.memory_space<vmem>>, vector<1x1x16xf32>,
        %get3A_704 = vector.shape_cast %get3A_703 : vector<1x1x16xf32> to vector<16xf32>
        %mul3A_705 = arith.constant 8.000000e+00 : f32
        %mul3A_706 = vector.broadcast %mul3A_705 : f32 to vector<16xf32>
        %mul3A_707 = arith.mulf %get3A_704, %mul3A_706 : vector<16xf32>
        %swap3A_708 = arith.constant 0 : i32
        %swap3A_709 = arith.index_cast %swap3A_708 : i32 to index
        %swap3A_710 = arith.index_cast %add3A_698 : i32 to index
        %swap3A_711 = arith.constant 48 : index
        %swap3A_712 = tpu.vector_load %arg6[%swap3A_709, %swap3A_710, %swap3A_711] {strides = array<i32>} : memref<4x200x64xf32, #tpu.memory_space<vmem>>, vector<1x1x16xf32>,
        %swap3A_713 = vector.shape_cast %swap3A_712 : vector<1x1x16xf32> to vector<16xf32>
        %swap3A_714 = vector.shape_cast %mul3A_707 : vector<16xf32> to vector<1x1x16xf32>
        tpu.vector_store %arg6[%swap3A_709, %swap3A_710, %swap3A_711], %swap3A_714 {strides = array<i32>} : memref<4x200x64xf32, #tpu.memory_space<vmem>>, vector<1x1x16xf32>,
        %add3A_715 = arith.constant 4 : i32
        %add3A_716 = arith.addi %mul3A_428, %add3A_715 : i32
        %get3A_717 = arith.constant 0 : i32
        %get3A_718 = arith.index_cast %get3A_717 : i32 to index
        %get3A_719 = arith.index_cast %add3A_716 : i32 to index
        %get3A_720 = arith.constant 0 : index
        %get3A_721 = tpu.vector_load %arg6[%get3A_718, %get3A_719, %get3A_720] {strides = array<i32>} : memref<4x200x64xf32, #tpu.memory_space<vmem>>, vector<1x1x16xf32>,
        %get3A_722 = vector.shape_cast %get3A_721 : vector<1x1x16xf32> to vector<16xf32>
        %mul3A_723 = arith.constant 8.000000e+00 : f32
        %mul3A_724 = vector.broadcast %mul3A_723 : f32 to vector<16xf32>
        %mul3A_725 = arith.mulf %get3A_722, %mul3A_724 : vector<16xf32>
        %swap3A_726 = arith.constant 0 : i32
        %swap3A_727 = arith.index_cast %swap3A_726 : i32 to index
        %swap3A_728 = arith.index_cast %add3A_716 : i32 to index
        %swap3A_729 = arith.constant 0 : index
        %swap3A_730 = tpu.vector_load %arg6[%swap3A_727, %swap3A_728, %swap3A_729] {strides = array<i32>} : memref<4x200x64xf32, #tpu.memory_space<vmem>>, vector<1x1x16xf32>,
        %swap3A_731 = vector.shape_cast %swap3A_730 : vector<1x1x16xf32> to vector<16xf32>
        %swap3A_732 = vector.shape_cast %mul3A_725 : vector<16xf32> to vector<1x1x16xf32>
        tpu.vector_store %arg6[%swap3A_727, %swap3A_728, %swap3A_729], %swap3A_732 {strides = array<i32>} : memref<4x200x64xf32, #tpu.memory_space<vmem>>, vector<1x1x16xf32>,
        %add3A_733 = arith.constant 4 : i32
        %add3A_734 = arith.addi %mul3A_428, %add3A_733 : i32
        %get3A_735 = arith.constant 0 : i32
        %get3A_736 = arith.index_cast %get3A_735 : i32 to index
        %get3A_737 = arith.index_cast %add3A_734 : i32 to index
        %get3A_738 = arith.constant 16 : index
        %get3A_739 = tpu.vector_load %arg6[%get3A_736, %get3A_737, %get3A_738] {strides = array<i32>} : memref<4x200x64xf32, #tpu.memory_space<vmem>>, vector<1x1x16xf32>,
        %get3A_740 = vector.shape_cast %get3A_739 : vector<1x1x16xf32> to vector<16xf32>
        %mul3A_741 = arith.constant 8.000000e+00 : f32
        %mul3A_742 = vector.broadcast %mul3A_741 : f32 to vector<16xf32>
        %mul3A_743 = arith.mulf %get3A_740, %mul3A_742 : vector<16xf32>
        %swap3A_744 = arith.constant 0 : i32
        %swap3A_745 = arith.index_cast %swap3A_744 : i32 to index
        %swap3A_746 = arith.index_cast %add3A_734 : i32 to index
        %swap3A_747 = arith.constant 16 : index
        %swap3A_748 = tpu.vector_load %arg6[%swap3A_745, %swap3A_746, %swap3A_747] {strides = array<i32>} : memref<4x200x64xf32, #tpu.memory_space<vmem>>, vector<1x1x16xf32>,
        %swap3A_749 = vector.shape_cast %swap3A_748 : vector<1x1x16xf32> to vector<16xf32>
        %swap3A_750 = vector.shape_cast %mul3A_743 : vector<16xf32> to vector<1x1x16xf32>
        tpu.vector_store %arg6[%swap3A_745, %swap3A_746, %swap3A_747], %swap3A_750 {strides = array<i32>} : memref<4x200x64xf32, #tpu.memory_space<vmem>>, vector<1x1x16xf32>,
        %add3A_751 = arith.constant 4 : i32
        %add3A_752 = arith.addi %mul3A_428, %add3A_751 : i32
        %get3A_753 = arith.constant 0 : i32
        %get3A_754 = arith.index_cast %get3A_753 : i32 to index
        %get3A_755 = arith.index_cast %add3A_752 : i32 to index
        %get3A_756 = arith.constant 32 : index
        %get3A_757 = tpu.vector_load %arg6[%get3A_754, %get3A_755, %get3A_756] {strides = array<i32>} : memref<4x200x64xf32, #tpu.memory_space<vmem>>, vector<1x1x16xf32>,
        %get3A_758 = vector.shape_cast %get3A_757 : vector<1x1x16xf32> to vector<16xf32>
        %mul3A_759 = arith.constant 8.000000e+00 : f32
        %mul3A_760 = vector.broadcast %mul3A_759 : f32 to vector<16xf32>
        %mul3A_761 = arith.mulf %get3A_758, %mul3A_760 : vector<16xf32>
        %swap3A_762 = arith.constant 0 : i32
        %swap3A_763 = arith.index_cast %swap3A_762 : i32 to index
        %swap3A_764 = arith.index_cast %add3A_752 : i32 to index
        %swap3A_765 = arith.constant 32 : index
        %swap3A_766 = tpu.vector_load %arg6[%swap3A_763, %swap3A_764, %swap3A_765] {strides = array<i32>} : memref<4x200x64xf32, #tpu.memory_space<vmem>>, vector<1x1x16xf32>,
        %swap3A_767 = vector.shape_cast %swap3A_766 : vector<1x1x16xf32> to vector<16xf32>
        %swap3A_768 = vector.shape_cast %mul3A_761 : vector<16xf32> to vector<1x1x16xf32>
        tpu.vector_store %arg6[%swap3A_763, %swap3A_764, %swap3A_765], %swap3A_768 {strides = array<i32>} : memref<4x200x64xf32, #tpu.memory_space<vmem>>, vector<1x1x16xf32>,
        %add3A_769 = arith.constant 4 : i32
        %add3A_770 = arith.addi %mul3A_428, %add3A_769 : i32
        %get3A_771 = arith.constant 0 : i32
        %get3A_772 = arith.index_cast %get3A_771 : i32 to index
        %get3A_773 = arith.index_cast %add3A_770 : i32 to index
        %get3A_774 = arith.constant 48 : index
        %get3A_775 = tpu.vector_load %arg6[%get3A_772, %get3A_773, %get3A_774] {strides = array<i32>} : memref<4x200x64xf32, #tpu.memory_space<vmem>>, vector<1x1x16xf32>,
        %get3A_776 = vector.shape_cast %get3A_775 : vector<1x1x16xf32> to vector<16xf32>
        %mul3A_777 = arith.constant 8.000000e+00 : f32
        %mul3A_778 = vector.broadcast %mul3A_777 : f32 to vector<16xf32>
        %mul3A_779 = arith.mulf %get3A_776, %mul3A_778 : vector<16xf32>
        %swap3A_780 = arith.constant 0 : i32
        %swap3A_781 = arith.index_cast %swap3A_780 : i32 to index
        %swap3A_782 = arith.index_cast %add3A_770 : i32 to index
        %swap3A_783 = arith.constant 48 : index
        %swap3A_784 = tpu.vector_load %arg6[%swap3A_781, %swap3A_782, %swap3A_783] {strides = array<i32>} : memref<4x200x64xf32, #tpu.memory_space<vmem>>, vector<1x1x16xf32>,
        %swap3A_785 = vector.shape_cast %swap3A_784 : vector<1x1x16xf32> to vector<16xf32>
        %swap3A_786 = vector.shape_cast %mul3A_779 : vector<16xf32> to vector<1x1x16xf32>
        tpu.vector_store %arg6[%swap3A_781, %swap3A_782, %swap3A_783], %swap3A_786 {strides = array<i32>} : memref<4x200x64xf32, #tpu.memory_space<vmem>>, vector<1x1x16xf32>,
        %add3A_787 = arith.constant 5 : i32
        %add3A_788 = arith.addi %mul3A_428, %add3A_787 : i32
        %get3A_789 = arith.constant 0 : i32
        %get3A_790 = arith.index_cast %get3A_789 : i32 to index
        %get3A_791 = arith.index_cast %add3A_788 : i32 to index
        %get3A_792 = arith.constant 0 : index
        %get3A_793 = tpu.vector_load %arg6[%get3A_790, %get3A_791, %get3A_792] {strides = array<i32>} : memref<4x200x64xf32, #tpu.memory_space<vmem>>, vector<1x1x16xf32>,
        %get3A_794 = vector.shape_cast %get3A_793 : vector<1x1x16xf32> to vector<16xf32>
        %mul3A_795 = arith.constant 8.000000e+00 : f32
        %mul3A_796 = vector.broadcast %mul3A_795 : f32 to vector<16xf32>
        %mul3A_797 = arith.mulf %get3A_794, %mul3A_796 : vector<16xf32>
        %swap3A_798 = arith.constant 0 : i32
        %swap3A_799 = arith.index_cast %swap3A_798 : i32 to index
        %swap3A_800 = arith.index_cast %add3A_788 : i32 to index
        %swap3A_801 = arith.constant 0 : index
        %swap3A_802 = tpu.vector_load %arg6[%swap3A_799, %swap3A_800, %swap3A_801] {strides = array<i32>} : memref<4x200x64xf32, #tpu.memory_space<vmem>>, vector<1x1x16xf32>,
        %swap3A_803 = vector.shape_cast %swap3A_802 : vector<1x1x16xf32> to vector<16xf32>
        %swap3A_804 = vector.shape_cast %mul3A_797 : vector<16xf32> to vector<1x1x16xf32>
        tpu.vector_store %arg6[%swap3A_799, %swap3A_800, %swap3A_801], %swap3A_804 {strides = array<i32>} : memref<4x200x64xf32, #tpu.memory_space<vmem>>, vector<1x1x16xf32>,
        %add3A_805 = arith.constant 5 : i32
        %add3A_806 = arith.addi %mul3A_428, %add3A_805 : i32
        %get3A_807 = arith.constant 0 : i32
        %get3A_808 = arith.index_cast %get3A_807 : i32 to index
        %get3A_809 = arith.index_cast %add3A_806 : i32 to index
        %get3A_810 = arith.constant 16 : index
        %get3A_811 = tpu.vector_load %arg6[%get3A_808, %get3A_809, %get3A_810] {strides = array<i32>} : memref<4x200x64xf32, #tpu.memory_space<vmem>>, vector<1x1x16xf32>,
        %get3A_812 = vector.shape_cast %get3A_811 : vector<1x1x16xf32> to vector<16xf32>
        %mul3A_813 = arith.constant 8.000000e+00 : f32
        %mul3A_814 = vector.broadcast %mul3A_813 : f32 to vector<16xf32>
        %mul3A_815 = arith.mulf %get3A_812, %mul3A_814 : vector<16xf32>
        %swap3A_816 = arith.constant 0 : i32
        %swap3A_817 = arith.index_cast %swap3A_816 : i32 to index
        %swap3A_818 = arith.index_cast %add3A_806 : i32 to index
        %swap3A_819 = arith.constant 16 : index
        %swap3A_820 = tpu.vector_load %arg6[%swap3A_817, %swap3A_818, %swap3A_819] {strides = array<i32>} : memref<4x200x64xf32, #tpu.memory_space<vmem>>, vector<1x1x16xf32>,
        %swap3A_821 = vector.shape_cast %swap3A_820 : vector<1x1x16xf32> to vector<16xf32>
        %swap3A_822 = vector.shape_cast %mul3A_815 : vector<16xf32> to vector<1x1x16xf32>
        tpu.vector_store %arg6[%swap3A_817, %swap3A_818, %swap3A_819], %swap3A_822 {strides = array<i32>} : memref<4x200x64xf32, #tpu.memory_space<vmem>>, vector<1x1x16xf32>,
        %add3A_823 = arith.constant 5 : i32
        %add3A_824 = arith.addi %mul3A_428, %add3A_823 : i32
        %get3A_825 = arith.constant 0 : i32
        %get3A_826 = arith.index_cast %get3A_825 : i32 to index
        %get3A_827 = arith.index_cast %add3A_824 : i32 to index
        %get3A_828 = arith.constant 32 : index
        %get3A_829 = tpu.vector_load %arg6[%get3A_826, %get3A_827, %get3A_828] {strides = array<i32>} : memref<4x200x64xf32, #tpu.memory_space<vmem>>, vector<1x1x16xf32>,
        %get3A_830 = vector.shape_cast %get3A_829 : vector<1x1x16xf32> to vector<16xf32>
        %mul3A_831 = arith.constant 8.000000e+00 : f32
        %mul3A_832 = vector.broadcast %mul3A_831 : f32 to vector<16xf32>
        %mul3A_833 = arith.mulf %get3A_830, %mul3A_832 : vector<16xf32>
        %swap3A_834 = arith.constant 0 : i32
        %swap3A_835 = arith.index_cast %swap3A_834 : i32 to index
        %swap3A_836 = arith.index_cast %add3A_824 : i32 to index
        %swap3A_837 = arith.constant 32 : index
        %swap3A_838 = tpu.vector_load %arg6[%swap3A_835, %swap3A_836, %swap3A_837] {strides = array<i32>} : memref<4x200x64xf32, #tpu.memory_space<vmem>>, vector<1x1x16xf32>,
        %swap3A_839 = vector.shape_cast %swap3A_838 : vector<1x1x16xf32> to vector<16xf32>
        %swap3A_840 = vector.shape_cast %mul3A_833 : vector<16xf32> to vector<1x1x16xf32>
        tpu.vector_store %arg6[%swap3A_835, %swap3A_836, %swap3A_837], %swap3A_840 {strides = array<i32>} : memref<4x200x64xf32, #tpu.memory_space<vmem>>, vector<1x1x16xf32>,
        %add3A_841 = arith.constant 5 : i32
        %add3A_842 = arith.addi %mul3A_428, %add3A_841 : i32
        %get3A_843 = arith.constant 0 : i32
        %get3A_844 = arith.index_cast %get3A_843 : i32 to index
        %get3A_845 = arith.index_cast %add3A_842 : i32 to index
        %get3A_846 = arith.constant 48 : index
        %get3A_847 = tpu.vector_load %arg6[%get3A_844, %get3A_845, %get3A_846] {strides = array<i32>} : memref<4x200x64xf32, #tpu.memory_space<vmem>>, vector<1x1x16xf32>,
        %get3A_848 = vector.shape_cast %get3A_847 : vector<1x1x16xf32> to vector<16xf32>
        %mul3A_849 = arith.constant 8.000000e+00 : f32
        %mul3A_850 = vector.broadcast %mul3A_849 : f32 to vector<16xf32>
        %mul3A_851 = arith.mulf %get3A_848, %mul3A_850 : vector<16xf32>
        %swap3A_852 = arith.constant 0 : i32
        %swap3A_853 = arith.index_cast %swap3A_852 : i32 to index
        %swap3A_854 = arith.index_cast %add3A_842 : i32 to index
        %swap3A_855 = arith.constant 48 : index
        %swap3A_856 = tpu.vector_load %arg6[%swap3A_853, %swap3A_854, %swap3A_855] {strides = array<i32>} : memref<4x200x64xf32, #tpu.memory_space<vmem>>, vector<1x1x16xf32>,
        %swap3A_857 = vector.shape_cast %swap3A_856 : vector<1x1x16xf32> to vector<16xf32>
        %swap3A_858 = vector.shape_cast %mul3A_851 : vector<16xf32> to vector<1x1x16xf32>
        tpu.vector_store %arg6[%swap3A_853, %swap3A_854, %swap3A_855], %swap3A_858 {strides = array<i32>} : memref<4x200x64xf32, #tpu.memory_space<vmem>>, vector<1x1x16xf32>,
        %add3A_859 = arith.constant 6 : i32
        %add3A_860 = arith.addi %mul3A_428, %add3A_859 : i32
        %get3A_861 = arith.constant 0 : i32
        %get3A_862 = arith.index_cast %get3A_861 : i32 to index
        %get3A_863 = arith.index_cast %add3A_860 : i32 to index
        %get3A_864 = arith.constant 0 : index
        %get3A_865 = tpu.vector_load %arg6[%get3A_862, %get3A_863, %get3A_864] {strides = array<i32>} : memref<4x200x64xf32, #tpu.memory_space<vmem>>, vector<1x1x16xf32>,
        %get3A_866 = vector.shape_cast %get3A_865 : vector<1x1x16xf32> to vector<16xf32>
        %mul3A_867 = arith.constant 8.000000e+00 : f32
        %mul3A_868 = vector.broadcast %mul3A_867 : f32 to vector<16xf32>
        %mul3A_869 = arith.mulf %get3A_866, %mul3A_868 : vector<16xf32>
        %swap3A_870 = arith.constant 0 : i32
        %swap3A_871 = arith.index_cast %swap3A_870 : i32 to index
        %swap3A_872 = arith.index_cast %add3A_860 : i32 to index
        %swap3A_873 = arith.constant 0 : index
        %swap3A_874 = tpu.vector_load %arg6[%swap3A_871, %swap3A_872, %swap3A_873] {strides = array<i32>} : memref<4x200x64xf32, #tpu.memory_space<vmem>>, vector<1x1x16xf32>,
        %swap3A_875 = vector.shape_cast %swap3A_874 : vector<1x1x16xf32> to vector<16xf32>
        %swap3A_876 = vector.shape_cast %mul3A_869 : vector<16xf32> to vector<1x1x16xf32>
        tpu.vector_store %arg6[%swap3A_871, %swap3A_872, %swap3A_873], %swap3A_876 {strides = array<i32>} : memref<4x200x64xf32, #tpu.memory_space<vmem>>, vector<1x1x16xf32>,
        %add3A_877 = arith.constant 6 : i32
        %add3A_878 = arith.addi %mul3A_428, %add3A_877 : i32
        %get3A_879 = arith.constant 0 : i32
        %get3A_880 = arith.index_cast %get3A_879 : i32 to index
        %get3A_881 = arith.index_cast %add3A_878 : i32 to index
        %get3A_882 = arith.constant 16 : index
        %get3A_883 = tpu.vector_load %arg6[%get3A_880, %get3A_881, %get3A_882] {strides = array<i32>} : memref<4x200x64xf32, #tpu.memory_space<vmem>>, vector<1x1x16xf32>,
        %get3A_884 = vector.shape_cast %get3A_883 : vector<1x1x16xf32> to vector<16xf32>
        %mul3A_885 = arith.constant 8.000000e+00 : f32
        %mul3A_886 = vector.broadcast %mul3A_885 : f32 to vector<16xf32>
        %mul3A_887 = arith.mulf %get3A_884, %mul3A_886 : vector<16xf32>
        %swap3A_888 = arith.constant 0 : i32
        %swap3A_889 = arith.index_cast %swap3A_888 : i32 to index
        %swap3A_890 = arith.index_cast %add3A_878 : i32 to index
        %swap3A_891 = arith.constant 16 : index
        %swap3A_892 = tpu.vector_load %arg6[%swap3A_889, %swap3A_890, %swap3A_891] {strides = array<i32>} : memref<4x200x64xf32, #tpu.memory_space<vmem>>, vector<1x1x16xf32>,
        %swap3A_893 = vector.shape_cast %swap3A_892 : vector<1x1x16xf32> to vector<16xf32>
        %swap3A_894 = vector.shape_cast %mul3A_887 : vector<16xf32> to vector<1x1x16xf32>
        tpu.vector_store %arg6[%swap3A_889, %swap3A_890, %swap3A_891], %swap3A_894 {strides = array<i32>} : memref<4x200x64xf32, #tpu.memory_space<vmem>>, vector<1x1x16xf32>,
        %add3A_895 = arith.constant 6 : i32
        %add3A_896 = arith.addi %mul3A_428, %add3A_895 : i32
        %get3A_897 = arith.constant 0 : i32
        %get3A_898 = arith.index_cast %get3A_897 : i32 to index
        %get3A_899 = arith.index_cast %add3A_896 : i32 to index
        %get3A_900 = arith.constant 32 : index
        %get3A_901 = tpu.vector_load %arg6[%get3A_898, %get3A_899, %get3A_900] {strides = array<i32>} : memref<4x200x64xf32, #tpu.memory_space<vmem>>, vector<1x1x16xf32>,
        %get3A_902 = vector.shape_cast %get3A_901 : vector<1x1x16xf32> to vector<16xf32>
        %mul3A_903 = arith.constant 8.000000e+00 : f32
        %mul3A_904 = vector.broadcast %mul3A_903 : f32 to vector<16xf32>
        %mul3A_905 = arith.mulf %get3A_902, %mul3A_904 : vector<16xf32>
        %swap3A_906 = arith.constant 0 : i32
        %swap3A_907 = arith.index_cast %swap3A_906 : i32 to index
        %swap3A_908 = arith.index_cast %add3A_896 : i32 to index
        %swap3A_909 = arith.constant 32 : index
        %swap3A_910 = tpu.vector_load %arg6[%swap3A_907, %swap3A_908, %swap3A_909] {strides = array<i32>} : memref<4x200x64xf32, #tpu.memory_space<vmem>>, vector<1x1x16xf32>,
        %swap3A_911 = vector.shape_cast %swap3A_910 : vector<1x1x16xf32> to vector<16xf32>
        %swap3A_912 = vector.shape_cast %mul3A_905 : vector<16xf32> to vector<1x1x16xf32>
        tpu.vector_store %arg6[%swap3A_907, %swap3A_908, %swap3A_909], %swap3A_912 {strides = array<i32>} : memref<4x200x64xf32, #tpu.memory_space<vmem>>, vector<1x1x16xf32>,
        %add3A_913 = arith.constant 6 : i32
        %add3A_914 = arith.addi %mul3A_428, %add3A_913 : i32
        %get3A_915 = arith.constant 0 : i32
        %get3A_916 = arith.index_cast %get3A_915 : i32 to index
        %get3A_917 = arith.index_cast %add3A_914 : i32 to index
        %get3A_918 = arith.constant 48 : index
        %get3A_919 = tpu.vector_load %arg6[%get3A_916, %get3A_917, %get3A_918] {strides = array<i32>} : memref<4x200x64xf32, #tpu.memory_space<vmem>>, vector<1x1x16xf32>,
        %get3A_920 = vector.shape_cast %get3A_919 : vector<1x1x16xf32> to vector<16xf32>
        %mul3A_921 = arith.constant 8.000000e+00 : f32
        %mul3A_922 = vector.broadcast %mul3A_921 : f32 to vector<16xf32>
        %mul3A_923 = arith.mulf %get3A_920, %mul3A_922 : vector<16xf32>
        %swap3A_924 = arith.constant 0 : i32
        %swap3A_925 = arith.index_cast %swap3A_924 : i32 to index
        %swap3A_926 = arith.index_cast %add3A_914 : i32 to index
        %swap3A_927 = arith.constant 48 : index
        %swap3A_928 = tpu.vector_load %arg6[%swap3A_925, %swap3A_926, %swap3A_927] {strides = array<i32>} : memref<4x200x64xf32, #tpu.memory_space<vmem>>, vector<1x1x16xf32>,
        %swap3A_929 = vector.shape_cast %swap3A_928 : vector<1x1x16xf32> to vector<16xf32>
        %swap3A_930 = vector.shape_cast %mul3A_923 : vector<16xf32> to vector<1x1x16xf32>
        tpu.vector_store %arg6[%swap3A_925, %swap3A_926, %swap3A_927], %swap3A_930 {strides = array<i32>} : memref<4x200x64xf32, #tpu.memory_space<vmem>>, vector<1x1x16xf32>,
        %add3A_931 = arith.constant 7 : i32
        %add3A_932 = arith.addi %mul3A_428, %add3A_931 : i32
        %get3A_933 = arith.constant 0 : i32
        %get3A_934 = arith.index_cast %get3A_933 : i32 to index
        %get3A_935 = arith.index_cast %add3A_932 : i32 to index
        %get3A_936 = arith.constant 0 : index
        %get3A_937 = tpu.vector_load %arg6[%get3A_934, %get3A_935, %get3A_936] {strides = array<i32>} : memref<4x200x64xf32, #tpu.memory_space<vmem>>, vector<1x1x16xf32>,
        %get3A_938 = vector.shape_cast %get3A_937 : vector<1x1x16xf32> to vector<16xf32>
        %mul3A_939 = arith.constant 8.000000e+00 : f32
        %mul3A_940 = vector.broadcast %mul3A_939 : f32 to vector<16xf32>
        %mul3A_941 = arith.mulf %get3A_938, %mul3A_940 : vector<16xf32>
        %swap3A_942 = arith.constant 0 : i32
        %swap3A_943 = arith.index_cast %swap3A_942 : i32 to index
        %swap3A_944 = arith.index_cast %add3A_932 : i32 to index
        %swap3A_945 = arith.constant 0 : index
        %swap3A_946 = tpu.vector_load %arg6[%swap3A_943, %swap3A_944, %swap3A_945] {strides = array<i32>} : memref<4x200x64xf32, #tpu.memory_space<vmem>>, vector<1x1x16xf32>,
        %swap3A_947 = vector.shape_cast %swap3A_946 : vector<1x1x16xf32> to vector<16xf32>
        %swap3A_948 = vector.shape_cast %mul3A_941 : vector<16xf32> to vector<1x1x16xf32>
        tpu.vector_store %arg6[%swap3A_943, %swap3A_944, %swap3A_945], %swap3A_948 {strides = array<i32>} : memref<4x200x64xf32, #tpu.memory_space<vmem>>, vector<1x1x16xf32>,
        %add3A_949 = arith.constant 7 : i32
        %add3A_950 = arith.addi %mul3A_428, %add3A_949 : i32
        %get3A_951 = arith.constant 0 : i32
        %get3A_952 = arith.index_cast %get3A_951 : i32 to index
        %get3A_953 = arith.index_cast %add3A_950 : i32 to index
        %get3A_954 = arith.constant 16 : index
        %get3A_955 = tpu.vector_load %arg6[%get3A_952, %get3A_953, %get3A_954] {strides = array<i32>} : memref<4x200x64xf32, #tpu.memory_space<vmem>>, vector<1x1x16xf32>,
        %get3A_956 = vector.shape_cast %get3A_955 : vector<1x1x16xf32> to vector<16xf32>
        %mul3A_957 = arith.constant 8.000000e+00 : f32
        %mul3A_958 = vector.broadcast %mul3A_957 : f32 to vector<16xf32>
        %mul3A_959 = arith.mulf %get3A_956, %mul3A_958 : vector<16xf32>
        %swap3A_960 = arith.constant 0 : i32
        %swap3A_961 = arith.index_cast %swap3A_960 : i32 to index
        %swap3A_962 = arith.index_cast %add3A_950 : i32 to index
        %swap3A_963 = arith.constant 16 : index
        %swap3A_964 = tpu.vector_load %arg6[%swap3A_961, %swap3A_962, %swap3A_963] {strides = array<i32>} : memref<4x200x64xf32, #tpu.memory_space<vmem>>, vector<1x1x16xf32>,
        %swap3A_965 = vector.shape_cast %swap3A_964 : vector<1x1x16xf32> to vector<16xf32>
        %swap3A_966 = vector.shape_cast %mul3A_959 : vector<16xf32> to vector<1x1x16xf32>
        tpu.vector_store %arg6[%swap3A_961, %swap3A_962, %swap3A_963], %swap3A_966 {strides = array<i32>} : memref<4x200x64xf32, #tpu.memory_space<vmem>>, vector<1x1x16xf32>,
        %add3A_967 = arith.constant 7 : i32
        %add3A_968 = arith.addi %mul3A_428, %add3A_967 : i32
        %get3A_969 = arith.constant 0 : i32
        %get3A_970 = arith.index_cast %get3A_969 : i32 to index
        %get3A_971 = arith.index_cast %add3A_968 : i32 to index
        %get3A_972 = arith.constant 32 : index
        %get3A_973 = tpu.vector_load %arg6[%get3A_970, %get3A_971, %get3A_972] {strides = array<i32>} : memref<4x200x64xf32, #tpu.memory_space<vmem>>, vector<1x1x16xf32>,
        %get3A_974 = vector.shape_cast %get3A_973 : vector<1x1x16xf32> to vector<16xf32>
        %mul3A_975 = arith.constant 8.000000e+00 : f32
        %mul3A_976 = vector.broadcast %mul3A_975 : f32 to vector<16xf32>
        %mul3A_977 = arith.mulf %get3A_974, %mul3A_976 : vector<16xf32>
        %swap3A_978 = arith.constant 0 : i32
        %swap3A_979 = arith.index_cast %swap3A_978 : i32 to index
        %swap3A_980 = arith.index_cast %add3A_968 : i32 to index
        %swap3A_981 = arith.constant 32 : index
        %swap3A_982 = tpu.vector_load %arg6[%swap3A_979, %swap3A_980, %swap3A_981] {strides = array<i32>} : memref<4x200x64xf32, #tpu.memory_space<vmem>>, vector<1x1x16xf32>,
        %swap3A_983 = vector.shape_cast %swap3A_982 : vector<1x1x16xf32> to vector<16xf32>
        %swap3A_984 = vector.shape_cast %mul3A_977 : vector<16xf32> to vector<1x1x16xf32>
        tpu.vector_store %arg6[%swap3A_979, %swap3A_980, %swap3A_981], %swap3A_984 {strides = array<i32>} : memref<4x200x64xf32, #tpu.memory_space<vmem>>, vector<1x1x16xf32>,
        %add3A_985 = arith.constant 7 : i32
        %add3A_986 = arith.addi %mul3A_428, %add3A_985 : i32
        %get3A_987 = arith.constant 0 : i32
        %get3A_988 = arith.index_cast %get3A_987 : i32 to index
        %get3A_989 = arith.index_cast %add3A_986 : i32 to index
        %get3A_990 = arith.constant 48 : index
        %get3A_991 = tpu.vector_load %arg6[%get3A_988, %get3A_989, %get3A_990] {strides = array<i32>} : memref<4x200x64xf32, #tpu.memory_space<vmem>>, vector<1x1x16xf32>,
        %get3A_992 = vector.shape_cast %get3A_991 : vector<1x1x16xf32> to vector<16xf32>
        %mul3A_993 = arith.constant 8.000000e+00 : f32
        %mul3A_994 = vector.broadcast %mul3A_993 : f32 to vector<16xf32>
        %mul3A_995 = arith.mulf %get3A_992, %mul3A_994 : vector<16xf32>
        %swap3A_996 = arith.constant 0 : i32
        %swap3A_997 = arith.index_cast %swap3A_996 : i32 to index
        %swap3A_998 = arith.index_cast %add3A_986 : i32 to index
        %swap3A_999 = arith.constant 48 : index
        %swap3A_1000 = tpu.vector_load %arg6[%swap3A_997, %swap3A_998, %swap3A_999] {strides = array<i32>} : memref<4x200x64xf32, #tpu.memory_space<vmem>>, vector<1x1x16xf32>,
        %swap3A_1001 = vector.shape_cast %swap3A_1000 : vector<1x1x16xf32> to vector<16xf32>
        %swap3A_1002 = vector.shape_cast %mul3A_995 : vector<16xf32> to vector<1x1x16xf32>
        tpu.vector_store %arg6[%swap3A_997, %swap3A_998, %swap3A_999], %swap3A_1002 {strides = array<i32>} : memref<4x200x64xf32, #tpu.memory_space<vmem>>, vector<1x1x16xf32>,
      }
      %scan3A_217 = arith.constant 25 : i32
      %add3A_218 = arith.addi %mul3A_2, %add3A_176 : i32
      %mul3A_219 = arith.constant 200 : i32
      %mul3A_220 = arith.muli %add3A_218, %mul3A_219 : i32
      %dma_start3A_221 = arith.constant 0 : i32
      %dma_start3A_222 = arith.constant 0 : i32
      %dma_start3A_223 = arith.constant 0 : i32
      %dma_start3A_224 = tpu.memref_slice %arg6[%dma_start3A_221, %dma_start3A_222, %dma_start3A_223] : memref<4x200x64xf32, #tpu.memory_space<vmem>> -> memref<1x200x64xf32, #tpu.memory_space<vmem>>
      %dma_start3A_225 = tpu.memref_squeeze %dma_start3A_224 : memref<1x200x64xf32, #tpu.memory_space<vmem>> -> memref<200x64xf32, #tpu.memory_space<vmem>>
      %dma_start3A_226 = arith.constant 0 : i32
      %dma_start3A_227 = tpu.memref_slice %arg4[%mul3A_220, %dma_start3A_226] : memref<3276800x128xf32, #tpu.memory_space<hbm>> -> memref<200x64xf32, #tpu.memory_space<hbm>>
      %dma_start3A_228 = arith.constant 0 : i32
      %dma_start3A_229 = tpu.memref_slice %arg4[%mul3A_220, %dma_start3A_228] : memref<3276800x128xf32, #tpu.memory_space<hbm>> -> memref<200x64xf32, #tpu.memory_space<hbm>>
      %dma_start3A_230 = arith.constant 0 : i32
      %dma_start3A_231 = arith.constant 0 : i32
      %dma_start3A_232 = tpu.memref_slice %arg6[%dma_start3A_221, %dma_start3A_230, %dma_start3A_231] : memref<4x200x64xf32, #tpu.memory_space<vmem>> -> memref<1x200x64xf32, #tpu.memory_space<vmem>>
      %dma_start3A_233 = tpu.memref_squeeze %dma_start3A_232 : memref<1x200x64xf32, #tpu.memory_space<vmem>> -> memref<200x64xf32, #tpu.memory_space<vmem>>
      tpu.enqueue_dma source(%dma_start3A_233 : memref<200x64xf32, #tpu.memory_space<vmem>>) target(%dma_start3A_229 : memref<200x64xf32, #tpu.memory_space<hbm>>) target_semaphore(%arg11 : memref<!tpu.dma_semaphore, #tpu.memory_space<semaphore_mem>>)
      %mul3A_234 = arith.constant 4 : i32
      %mul3A_235 = arith.muli %mul3A_234, %scan3A_172 : i32
      %add3A_236 = arith.constant 1 : i32
      %add3A_237 = arith.addi %mul3A_235, %add3A_236 : i32
      %add3A_238 = arith.constant 2 : i32
      %add3A_239 = arith.addi %add3A_237, %add3A_238 : i32
      %lt3A_240 = arith.constant 512 : i32
      %lt3A_241 = arith.cmpi slt, %add3A_239, %lt3A_240 : i32
      %convert_element_type3A_242 = arith.extui %lt3A_241 : i1 to i32
      %cond3A_243 = arith.constant 0 : i32
      %cond3A_244 = arith.cmpi ne, %convert_element_type3A_242, %cond3A_243 : i32
      scf.if %cond3A_244 {
        %ge3A = arith.constant 2 : i32
        %ge3A_426 = arith.cmpi sge, %add3A_237, %ge3A : i32
        %convert_element_type3A_427 = arith.extui %ge3A_426 : i1 to i32
        %cond3A_428 = arith.constant 0 : i32
        %cond3A_429 = arith.cmpi ne, %convert_element_type3A_427, %cond3A_428 : i32
        scf.if %cond3A_429 {
          %mul3A_469 = arith.constant 200 : i32
          %mul3A_470 = arith.muli %mul3A_2, %mul3A_469 : i32
          %dma_wait3A_471 = arith.constant 3 : i32
          %dma_wait3A_472 = arith.constant 0 : i32
          %dma_wait3A_473 = arith.constant 0 : i32
          %dma_wait3A_474 = tpu.memref_slice %arg6[%dma_wait3A_471, %dma_wait3A_472, %dma_wait3A_473] : memref<4x200x64xf32, #tpu.memory_space<vmem>> -> memref<1x200x64xf32, #tpu.memory_space<vmem>>
          %dma_wait3A_475 = tpu.memref_squeeze %dma_wait3A_474 : memref<1x200x64xf32, #tpu.memory_space<vmem>> -> memref<200x64xf32, #tpu.memory_space<vmem>>
          %dma_wait3A_476 = arith.constant 0 : i32
          %dma_wait3A_477 = tpu.memref_slice %arg4[%mul3A_470, %dma_wait3A_476] : memref<3276800x128xf32, #tpu.memory_space<hbm>> -> memref<200x64xf32, #tpu.memory_space<hbm>>
          %dma_wait3A_478 = arith.constant 0 : i32
          %dma_wait3A_479 = tpu.memref_slice %arg4[%mul3A_470, %dma_wait3A_478] : memref<3276800x128xf32, #tpu.memory_space<hbm>> -> memref<200x64xf32, #tpu.memory_space<hbm>>
          %dma_wait3A_480 = arith.constant 0 : i32
          %dma_wait3A_481 = arith.constant 0 : i32
          %dma_wait3A_482 = tpu.memref_slice %arg6[%dma_wait3A_471, %dma_wait3A_480, %dma_wait3A_481] : memref<4x200x64xf32, #tpu.memory_space<vmem>> -> memref<1x200x64xf32, #tpu.memory_space<vmem>>
          %dma_wait3A_483 = tpu.memref_squeeze %dma_wait3A_482 : memref<1x200x64xf32, #tpu.memory_space<vmem>> -> memref<200x64xf32, #tpu.memory_space<vmem>>
          tpu.wait_dma2 semaphore(%arg14 : memref<!tpu.dma_semaphore, #tpu.memory_space<semaphore_mem>>) src(%dma_wait3A_483 : memref<200x64xf32, #tpu.memory_space<vmem>>) dst(%dma_wait3A_479 : memref<200x64xf32, #tpu.memory_space<hbm>>)
        } else {
        }
        %dma_wait3A_430 = arith.constant 3 : i32
        %dma_wait3A_431 = arith.constant 0 : i32
        %dma_wait3A_432 = tpu.memref_slice %arg5[%dma_wait3A_430, %dma_wait3A_431] : memref<4x200xi32, #tpu.memory_space<vmem>> -> memref<1x200xi32, #tpu.memory_space<vmem>>
        %dma_wait3A_433 = tpu.memref_squeeze %dma_wait3A_432 : memref<1x200xi32, #tpu.memory_space<vmem>> -> memref<200xi32, #tpu.memory_space<vmem>>
        %dma_wait3A_434 = arith.constant 0 : i32
        %dma_wait3A_435 = tpu.memref_slice %arg2[%mul3A_2, %dma_wait3A_434] : memref<16384x200xi32, #tpu.memory_space<hbm>> -> memref<1x200xi32, #tpu.memory_space<hbm>>
        %dma_wait3A_436 = tpu.memref_squeeze %dma_wait3A_435 : memref<1x200xi32, #tpu.memory_space<hbm>> -> memref<200xi32, #tpu.memory_space<hbm>>
        %dma_wait3A_437 = arith.constant 0 : i32
        %dma_wait3A_438 = tpu.memref_slice %arg5[%dma_wait3A_430, %dma_wait3A_437] : memref<4x200xi32, #tpu.memory_space<vmem>> -> memref<1x200xi32, #tpu.memory_space<vmem>>
        %dma_wait3A_439 = tpu.memref_squeeze %dma_wait3A_438 : memref<1x200xi32, #tpu.memory_space<vmem>> -> memref<200xi32, #tpu.memory_space<vmem>>
        %dma_wait3A_440 = arith.constant 0 : i32
        %dma_wait3A_441 = tpu.memref_slice %arg2[%mul3A_2, %dma_wait3A_440] : memref<16384x200xi32, #tpu.memory_space<hbm>> -> memref<1x200xi32, #tpu.memory_space<hbm>>
        %dma_wait3A_442 = tpu.memref_squeeze %dma_wait3A_441 : memref<1x200xi32, #tpu.memory_space<hbm>> -> memref<200xi32, #tpu.memory_space<hbm>>
        tpu.wait_dma2 semaphore(%arg18 : memref<!tpu.dma_semaphore, #tpu.memory_space<semaphore_mem>>) src(%dma_wait3A_442 : memref<200xi32, #tpu.memory_space<hbm>>) dst(%dma_wait3A_439 : memref<200xi32, #tpu.memory_space<vmem>>)
        %add3A_443 = arith.constant 2 : i32
        %add3A_444 = arith.addi %add3A_237, %add3A_443 : i32
        %dma_start3A_445 = arith.constant 3 : i32
        %dma_start3A_446 = arith.constant 3 : i32
        %dma_start3A_447 = arith.constant 0 : i32
        %dma_start3A_448 = arith.constant 0 : i32
        %dma_start3A_449 = tpu.memref_slice %arg6[%dma_start3A_446, %dma_start3A_447, %dma_start3A_448] : memref<4x200x64xf32, #tpu.memory_space<vmem>> -> memref<1x128x64xf32, #tpu.memory_space<vmem>>
        %dma_start3A_450 = tpu.memref_squeeze %dma_start3A_449 : memref<1x128x64xf32, #tpu.memory_space<vmem>> -> memref<128x64xf32, #tpu.memory_space<vmem>>
        %dma_start3A_451 = arith.constant 0 : i32
        %dma_start3A_452 = tpu.memref_slice %arg5[%dma_start3A_445, %dma_start3A_451] : memref<4x200xi32, #tpu.memory_space<vmem>> -> memref<1x128xi32, #tpu.memory_space<vmem>>
        %dma_start3A_453 = tpu.memref_squeeze %dma_start3A_452 : memref<1x128xi32, #tpu.memory_space<vmem>> -> memref<128xi32, #tpu.memory_space<vmem>>
        %dma_start3A_454 = arith.constant 0 : i32
        %dma_start3A_455 = arith.constant 0 : i32
        %dma_start3A_456 = tpu.memref_slice %arg3[%dma_start3A_454, %dma_start3A_455] : memref<1000000x64xf32, #tpu.memory_space<hbm>> -> memref<1000000x64xf32, #tpu.memory_space<hbm>>
        tpu.enqueue_indirect_dma source(%dma_start3A_456 : memref<1000000x64xf32, #tpu.memory_space<hbm>>) target(%dma_start3A_450 : memref<128x64xf32, #tpu.memory_space<vmem>>) offsets(%dma_start3A_453 : memref<128xi32, #tpu.memory_space<vmem>>) semaphore(%arg10 : memref<!tpu.dma_semaphore, #tpu.memory_space<semaphore_mem>>)
        %dma_start3A_457 = arith.constant 3 : i32
        %dma_start3A_458 = arith.constant 3 : i32
        %dma_start3A_459 = arith.constant 128 : i32
        %dma_start3A_460 = arith.constant 0 : i32
        %dma_start3A_461 = tpu.memref_slice %arg6[%dma_start3A_458, %dma_start3A_459, %dma_start3A_460] : memref<4x200x64xf32, #tpu.memory_space<vmem>> -> memref<1x72x64xf32, #tpu.memory_space<vmem>>
        %dma_start3A_462 = tpu.memref_squeeze %dma_start3A_461 : memref<1x72x64xf32, #tpu.memory_space<vmem>> -> memref<72x64xf32, #tpu.memory_space<vmem>>
        %dma_start3A_463 = arith.constant 128 : i32
        %dma_start3A_464 = tpu.memref_slice %arg5[%dma_start3A_457, %dma_start3A_463] : memref<4x200xi32, #tpu.memory_space<vmem>> -> memref<1x72xi32, #tpu.memory_space<vmem>>
        %dma_start3A_465 = tpu.memref_squeeze %dma_start3A_464 : memref<1x72xi32, #tpu.memory_space<vmem>> -> memref<72xi32, #tpu.memory_space<vmem>>
        %dma_start3A_466 = arith.constant 0 : i32
        %dma_start3A_467 = arith.constant 0 : i32
        %dma_start3A_468 = tpu.memref_slice %arg3[%dma_start3A_466, %dma_start3A_467] : memref<1000000x64xf32, #tpu.memory_space<hbm>> -> memref<1000000x64xf32, #tpu.memory_space<hbm>>
        tpu.enqueue_indirect_dma source(%dma_start3A_468 : memref<1000000x64xf32, #tpu.memory_space<hbm>>) target(%dma_start3A_462 : memref<72x64xf32, #tpu.memory_space<vmem>>) offsets(%dma_start3A_465 : memref<72xi32, #tpu.memory_space<vmem>>) semaphore(%arg10 : memref<!tpu.dma_semaphore, #tpu.memory_space<semaphore_mem>>)
      } else {
      }
      %dma_wait3A_245 = arith.constant 1 : i32
      %dma_wait3A_246 = arith.constant 1 : i32
      %dma_wait3A_247 = arith.constant 0 : i32
      %dma_wait3A_248 = arith.constant 0 : i32
      %dma_wait3A_249 = tpu.memref_slice %arg6[%dma_wait3A_246, %dma_wait3A_247, %dma_wait3A_248] : memref<4x200x64xf32, #tpu.memory_space<vmem>> -> memref<1x128x64xf32, #tpu.memory_space<vmem>>
      %dma_wait3A_250 = tpu.memref_squeeze %dma_wait3A_249 : memref<1x128x64xf32, #tpu.memory_space<vmem>> -> memref<128x64xf32, #tpu.memory_space<vmem>>
      %dma_wait3A_251 = arith.constant 0 : i32
      %dma_wait3A_252 = tpu.memref_slice %arg5[%dma_wait3A_245, %dma_wait3A_251] : memref<4x200xi32, #tpu.memory_space<vmem>> -> memref<1x128xi32, #tpu.memory_space<vmem>>
      %dma_wait3A_253 = tpu.memref_squeeze %dma_wait3A_252 : memref<1x128xi32, #tpu.memory_space<vmem>> -> memref<128xi32, #tpu.memory_space<vmem>>
      %dma_wait3A_254 = arith.constant 0 : i32
      %dma_wait3A_255 = arith.constant 0 : i32
      %dma_wait3A_256 = tpu.memref_slice %arg3[%dma_wait3A_254, %dma_wait3A_255] : memref<1000000x64xf32, #tpu.memory_space<hbm>> -> memref<1000000x64xf32, #tpu.memory_space<hbm>>
      tpu.wait_indirect_dma semaphore(%arg8 : memref<!tpu.dma_semaphore, #tpu.memory_space<semaphore_mem>>) src(%dma_wait3A_256 : memref<1000000x64xf32, #tpu.memory_space<hbm>>) dst(%dma_wait3A_250 : memref<128x64xf32, #tpu.memory_space<vmem>>)
      %dma_wait3A_257 = arith.constant 1 : i32
      %dma_wait3A_258 = arith.constant 1 : i32
      %dma_wait3A_259 = arith.constant 128 : i32
      %dma_wait3A_260 = arith.constant 0 : i32
      %dma_wait3A_261 = tpu.memref_slice %arg6[%dma_wait3A_258, %dma_wait3A_259, %dma_wait3A_260] : memref<4x200x64xf32, #tpu.memory_space<vmem>> -> memref<1x72x64xf32, #tpu.memory_space<vmem>>
      %dma_wait3A_262 = tpu.memref_squeeze %dma_wait3A_261 : memref<1x72x64xf32, #tpu.memory_space<vmem>> -> memref<72x64xf32, #tpu.memory_space<vmem>>
      %dma_wait3A_263 = arith.constant 128 : i32
      %dma_wait3A_264 = tpu.memref_slice %arg5[%dma_wait3A_257, %dma_wait3A_263] : memref<4x200xi32, #tpu.memory_space<vmem>> -> memref<1x72xi32, #tpu.memory_space<vmem>>
      %dma_wait3A_265 = tpu.memref_squeeze %dma_wait3A_264 : memref<1x72xi32, #tpu.memory_space<vmem>> -> memref<72xi32, #tpu.memory_space<vmem>>
      %dma_wait3A_266 = arith.constant 0 : i32
      %dma_wait3A_267 = arith.constant 0 : i32
      %dma_wait3A_268 = tpu.memref_slice %arg3[%dma_wait3A_266, %dma_wait3A_267] : memref<1000000x64xf32, #tpu.memory_space<hbm>> -> memref<1000000x64xf32, #tpu.memory_space<hbm>>
      tpu.wait_indirect_dma semaphore(%arg8 : memref<!tpu.dma_semaphore, #tpu.memory_space<semaphore_mem>>) src(%dma_wait3A_268 : memref<1000000x64xf32, #tpu.memory_space<hbm>>) dst(%dma_wait3A_262 : memref<72x64xf32, #tpu.memory_space<vmem>>)
      %add3A_269 = arith.constant 4 : i32
      %add3A_270 = arith.addi %add3A_237, %add3A_269 : i32
      %lt3A_271 = arith.constant 512 : i32
      %lt3A_272 = arith.cmpi slt, %add3A_270, %lt3A_271 : i32
      %convert_element_type3A_273 = arith.extui %lt3A_272 : i1 to i32
      %cond3A_274 = arith.constant 0 : i32
      %cond3A_275 = arith.cmpi ne, %convert_element_type3A_273, %cond3A_274 : i32
      scf.if %cond3A_275 {
        %add3A_426 = arith.constant 4 : i32
        %add3A_427 = arith.addi %add3A_237, %add3A_426 : i32
        %add3A_428 = arith.addi %mul3A_2, %add3A_427 : i32
        %dma_start3A_429 = arith.constant 1 : i32
        %dma_start3A_430 = arith.constant 0 : i32
        %dma_start3A_431 = tpu.memref_slice %arg5[%dma_start3A_429, %dma_start3A_430] : memref<4x200xi32, #tpu.memory_space<vmem>> -> memref<1x200xi32, #tpu.memory_space<vmem>>
        %dma_start3A_432 = tpu.memref_squeeze %dma_start3A_431 : memref<1x200xi32, #tpu.memory_space<vmem>> -> memref<200xi32, #tpu.memory_space<vmem>>
        %dma_start3A_433 = arith.constant 0 : i32
        %dma_start3A_434 = tpu.memref_slice %arg2[%add3A_428, %dma_start3A_433] : memref<16384x200xi32, #tpu.memory_space<hbm>> -> memref<1x200xi32, #tpu.memory_space<hbm>>
        %dma_start3A_435 = tpu.memref_squeeze %dma_start3A_434 : memref<1x200xi32, #tpu.memory_space<hbm>> -> memref<200xi32, #tpu.memory_space<hbm>>
        %dma_start3A_436 = arith.constant 0 : i32
        %dma_start3A_437 = tpu.memref_slice %arg5[%dma_start3A_429, %dma_start3A_436] : memref<4x200xi32, #tpu.memory_space<vmem>> -> memref<1x200xi32, #tpu.memory_space<vmem>>
        %dma_start3A_438 = tpu.memref_squeeze %dma_start3A_437 : memref<1x200xi32, #tpu.memory_space<vmem>> -> memref<200xi32, #tpu.memory_space<vmem>>
        %dma_start3A_439 = arith.constant 0 : i32
        %dma_start3A_440 = tpu.memref_slice %arg2[%add3A_428, %dma_start3A_439] : memref<16384x200xi32, #tpu.memory_space<hbm>> -> memref<1x200xi32, #tpu.memory_space<hbm>>
        %dma_start3A_441 = tpu.memref_squeeze %dma_start3A_440 : memref<1x200xi32, #tpu.memory_space<hbm>> -> memref<200xi32, #tpu.memory_space<hbm>>
        tpu.enqueue_dma source(%dma_start3A_441 : memref<200xi32, #tpu.memory_space<hbm>>) target(%dma_start3A_438 : memref<200xi32, #tpu.memory_space<vmem>>) target_semaphore(%arg16 : memref<!tpu.dma_semaphore, #tpu.memory_space<semaphore_mem>>)
      } else {
      }
      %scan3A_276 = arith.constant 0 : i32
      %scan3A_277 = arith.constant 0 : i32
      %scan3A_278 = arith.constant 25 : i32
      %scan3A_279 = arith.addi %scan3A_277, %scan3A_278 : i32
      %scan3A_280 = arith.constant 1 : i32
      scf.for %scan3A_426 = %scan3A_277 to %scan3A_279 step %scan3A_280  : i32 {
        %mul3A_427 = arith.constant 8 : i32
        %mul3A_428 = arith.muli %scan3A_426, %mul3A_427 : i32
        %add3A_429 = arith.constant 0 : i32
        %add3A_430 = arith.addi %mul3A_428, %add3A_429 : i32
        %get3A = arith.constant 1 : i32
        %get3A_431 = arith.index_cast %get3A : i32 to index
        %get3A_432 = arith.index_cast %add3A_430 : i32 to index
        %get3A_433 = arith.constant 0 : index
        %get3A_434 = tpu.vector_load %arg6[%get3A_431, %get3A_432, %get3A_433] {strides = array<i32>} : memref<4x200x64xf32, #tpu.memory_space<vmem>>, vector<1x1x16xf32>,
        %get3A_435 = vector.shape_cast %get3A_434 : vector<1x1x16xf32> to vector<16xf32>
        %mul3A_436 = arith.constant 8.000000e+00 : f32
        %mul3A_437 = vector.broadcast %mul3A_436 : f32 to vector<16xf32>
        %mul3A_438 = arith.mulf %get3A_435, %mul3A_437 : vector<16xf32>
        %swap3A = arith.constant 1 : i32
        %swap3A_439 = arith.index_cast %swap3A : i32 to index
        %swap3A_440 = arith.index_cast %add3A_430 : i32 to index
        %swap3A_441 = arith.constant 0 : index
        %swap3A_442 = tpu.vector_load %arg6[%swap3A_439, %swap3A_440, %swap3A_441] {strides = array<i32>} : memref<4x200x64xf32, #tpu.memory_space<vmem>>, vector<1x1x16xf32>,
        %swap3A_443 = vector.shape_cast %swap3A_442 : vector<1x1x16xf32> to vector<16xf32>
        %swap3A_444 = vector.shape_cast %mul3A_438 : vector<16xf32> to vector<1x1x16xf32>
        tpu.vector_store %arg6[%swap3A_439, %swap3A_440, %swap3A_441], %swap3A_444 {strides = array<i32>} : memref<4x200x64xf32, #tpu.memory_space<vmem>>, vector<1x1x16xf32>,
        %add3A_445 = arith.constant 0 : i32
        %add3A_446 = arith.addi %mul3A_428, %add3A_445 : i32
        %get3A_447 = arith.constant 1 : i32
        %get3A_448 = arith.index_cast %get3A_447 : i32 to index
        %get3A_449 = arith.index_cast %add3A_446 : i32 to index
        %get3A_450 = arith.constant 16 : index
        %get3A_451 = tpu.vector_load %arg6[%get3A_448, %get3A_449, %get3A_450] {strides = array<i32>} : memref<4x200x64xf32, #tpu.memory_space<vmem>>, vector<1x1x16xf32>,
        %get3A_452 = vector.shape_cast %get3A_451 : vector<1x1x16xf32> to vector<16xf32>
        %mul3A_453 = arith.constant 8.000000e+00 : f32
        %mul3A_454 = vector.broadcast %mul3A_453 : f32 to vector<16xf32>
        %mul3A_455 = arith.mulf %get3A_452, %mul3A_454 : vector<16xf32>
        %swap3A_456 = arith.constant 1 : i32
        %swap3A_457 = arith.index_cast %swap3A_456 : i32 to index
        %swap3A_458 = arith.index_cast %add3A_446 : i32 to index
        %swap3A_459 = arith.constant 16 : index
        %swap3A_460 = tpu.vector_load %arg6[%swap3A_457, %swap3A_458, %swap3A_459] {strides = array<i32>} : memref<4x200x64xf32, #tpu.memory_space<vmem>>, vector<1x1x16xf32>,
        %swap3A_461 = vector.shape_cast %swap3A_460 : vector<1x1x16xf32> to vector<16xf32>
        %swap3A_462 = vector.shape_cast %mul3A_455 : vector<16xf32> to vector<1x1x16xf32>
        tpu.vector_store %arg6[%swap3A_457, %swap3A_458, %swap3A_459], %swap3A_462 {strides = array<i32>} : memref<4x200x64xf32, #tpu.memory_space<vmem>>, vector<1x1x16xf32>,
        %add3A_463 = arith.constant 0 : i32
        %add3A_464 = arith.addi %mul3A_428, %add3A_463 : i32
        %get3A_465 = arith.constant 1 : i32
        %get3A_466 = arith.index_cast %get3A_465 : i32 to index
        %get3A_467 = arith.index_cast %add3A_464 : i32 to index
        %get3A_468 = arith.constant 32 : index
        %get3A_469 = tpu.vector_load %arg6[%get3A_466, %get3A_467, %get3A_468] {strides = array<i32>} : memref<4x200x64xf32, #tpu.memory_space<vmem>>, vector<1x1x16xf32>,
        %get3A_470 = vector.shape_cast %get3A_469 : vector<1x1x16xf32> to vector<16xf32>
        %mul3A_471 = arith.constant 8.000000e+00 : f32
        %mul3A_472 = vector.broadcast %mul3A_471 : f32 to vector<16xf32>
        %mul3A_473 = arith.mulf %get3A_470, %mul3A_472 : vector<16xf32>
        %swap3A_474 = arith.constant 1 : i32
        %swap3A_475 = arith.index_cast %swap3A_474 : i32 to index
        %swap3A_476 = arith.index_cast %add3A_464 : i32 to index
        %swap3A_477 = arith.constant 32 : index
        %swap3A_478 = tpu.vector_load %arg6[%swap3A_475, %swap3A_476, %swap3A_477] {strides = array<i32>} : memref<4x200x64xf32, #tpu.memory_space<vmem>>, vector<1x1x16xf32>,
        %swap3A_479 = vector.shape_cast %swap3A_478 : vector<1x1x16xf32> to vector<16xf32>
        %swap3A_480 = vector.shape_cast %mul3A_473 : vector<16xf32> to vector<1x1x16xf32>
        tpu.vector_store %arg6[%swap3A_475, %swap3A_476, %swap3A_477], %swap3A_480 {strides = array<i32>} : memref<4x200x64xf32, #tpu.memory_space<vmem>>, vector<1x1x16xf32>,
        %add3A_481 = arith.constant 0 : i32
        %add3A_482 = arith.addi %mul3A_428, %add3A_481 : i32
        %get3A_483 = arith.constant 1 : i32
        %get3A_484 = arith.index_cast %get3A_483 : i32 to index
        %get3A_485 = arith.index_cast %add3A_482 : i32 to index
        %get3A_486 = arith.constant 48 : index
        %get3A_487 = tpu.vector_load %arg6[%get3A_484, %get3A_485, %get3A_486] {strides = array<i32>} : memref<4x200x64xf32, #tpu.memory_space<vmem>>, vector<1x1x16xf32>,
        %get3A_488 = vector.shape_cast %get3A_487 : vector<1x1x16xf32> to vector<16xf32>
        %mul3A_489 = arith.constant 8.000000e+00 : f32
        %mul3A_490 = vector.broadcast %mul3A_489 : f32 to vector<16xf32>
        %mul3A_491 = arith.mulf %get3A_488, %mul3A_490 : vector<16xf32>
        %swap3A_492 = arith.constant 1 : i32
        %swap3A_493 = arith.index_cast %swap3A_492 : i32 to index
        %swap3A_494 = arith.index_cast %add3A_482 : i32 to index
        %swap3A_495 = arith.constant 48 : index
        %swap3A_496 = tpu.vector_load %arg6[%swap3A_493, %swap3A_494, %swap3A_495] {strides = array<i32>} : memref<4x200x64xf32, #tpu.memory_space<vmem>>, vector<1x1x16xf32>,
        %swap3A_497 = vector.shape_cast %swap3A_496 : vector<1x1x16xf32> to vector<16xf32>
        %swap3A_498 = vector.shape_cast %mul3A_491 : vector<16xf32> to vector<1x1x16xf32>
        tpu.vector_store %arg6[%swap3A_493, %swap3A_494, %swap3A_495], %swap3A_498 {strides = array<i32>} : memref<4x200x64xf32, #tpu.memory_space<vmem>>, vector<1x1x16xf32>,
        %add3A_499 = arith.constant 1 : i32
        %add3A_500 = arith.addi %mul3A_428, %add3A_499 : i32
        %get3A_501 = arith.constant 1 : i32
        %get3A_502 = arith.index_cast %get3A_501 : i32 to index
        %get3A_503 = arith.index_cast %add3A_500 : i32 to index
        %get3A_504 = arith.constant 0 : index
        %get3A_505 = tpu.vector_load %arg6[%get3A_502, %get3A_503, %get3A_504] {strides = array<i32>} : memref<4x200x64xf32, #tpu.memory_space<vmem>>, vector<1x1x16xf32>,
        %get3A_506 = vector.shape_cast %get3A_505 : vector<1x1x16xf32> to vector<16xf32>
        %mul3A_507 = arith.constant 8.000000e+00 : f32
        %mul3A_508 = vector.broadcast %mul3A_507 : f32 to vector<16xf32>
        %mul3A_509 = arith.mulf %get3A_506, %mul3A_508 : vector<16xf32>
        %swap3A_510 = arith.constant 1 : i32
        %swap3A_511 = arith.index_cast %swap3A_510 : i32 to index
        %swap3A_512 = arith.index_cast %add3A_500 : i32 to index
        %swap3A_513 = arith.constant 0 : index
        %swap3A_514 = tpu.vector_load %arg6[%swap3A_511, %swap3A_512, %swap3A_513] {strides = array<i32>} : memref<4x200x64xf32, #tpu.memory_space<vmem>>, vector<1x1x16xf32>,
        %swap3A_515 = vector.shape_cast %swap3A_514 : vector<1x1x16xf32> to vector<16xf32>
        %swap3A_516 = vector.shape_cast %mul3A_509 : vector<16xf32> to vector<1x1x16xf32>
        tpu.vector_store %arg6[%swap3A_511, %swap3A_512, %swap3A_513], %swap3A_516 {strides = array<i32>} : memref<4x200x64xf32, #tpu.memory_space<vmem>>, vector<1x1x16xf32>,
        %add3A_517 = arith.constant 1 : i32
        %add3A_518 = arith.addi %mul3A_428, %add3A_517 : i32
        %get3A_519 = arith.constant 1 : i32
        %get3A_520 = arith.index_cast %get3A_519 : i32 to index
        %get3A_521 = arith.index_cast %add3A_518 : i32 to index
        %get3A_522 = arith.constant 16 : index
        %get3A_523 = tpu.vector_load %arg6[%get3A_520, %get3A_521, %get3A_522] {strides = array<i32>} : memref<4x200x64xf32, #tpu.memory_space<vmem>>, vector<1x1x16xf32>,
        %get3A_524 = vector.shape_cast %get3A_523 : vector<1x1x16xf32> to vector<16xf32>
        %mul3A_525 = arith.constant 8.000000e+00 : f32
        %mul3A_526 = vector.broadcast %mul3A_525 : f32 to vector<16xf32>
        %mul3A_527 = arith.mulf %get3A_524, %mul3A_526 : vector<16xf32>
        %swap3A_528 = arith.constant 1 : i32
        %swap3A_529 = arith.index_cast %swap3A_528 : i32 to index
        %swap3A_530 = arith.index_cast %add3A_518 : i32 to index
        %swap3A_531 = arith.constant 16 : index
        %swap3A_532 = tpu.vector_load %arg6[%swap3A_529, %swap3A_530, %swap3A_531] {strides = array<i32>} : memref<4x200x64xf32, #tpu.memory_space<vmem>>, vector<1x1x16xf32>,
        %swap3A_533 = vector.shape_cast %swap3A_532 : vector<1x1x16xf32> to vector<16xf32>
        %swap3A_534 = vector.shape_cast %mul3A_527 : vector<16xf32> to vector<1x1x16xf32>
        tpu.vector_store %arg6[%swap3A_529, %swap3A_530, %swap3A_531], %swap3A_534 {strides = array<i32>} : memref<4x200x64xf32, #tpu.memory_space<vmem>>, vector<1x1x16xf32>,
        %add3A_535 = arith.constant 1 : i32
        %add3A_536 = arith.addi %mul3A_428, %add3A_535 : i32
        %get3A_537 = arith.constant 1 : i32
        %get3A_538 = arith.index_cast %get3A_537 : i32 to index
        %get3A_539 = arith.index_cast %add3A_536 : i32 to index
        %get3A_540 = arith.constant 32 : index
        %get3A_541 = tpu.vector_load %arg6[%get3A_538, %get3A_539, %get3A_540] {strides = array<i32>} : memref<4x200x64xf32, #tpu.memory_space<vmem>>, vector<1x1x16xf32>,
        %get3A_542 = vector.shape_cast %get3A_541 : vector<1x1x16xf32> to vector<16xf32>
        %mul3A_543 = arith.constant 8.000000e+00 : f32
        %mul3A_544 = vector.broadcast %mul3A_543 : f32 to vector<16xf32>
        %mul3A_545 = arith.mulf %get3A_542, %mul3A_544 : vector<16xf32>
        %swap3A_546 = arith.constant 1 : i32
        %swap3A_547 = arith.index_cast %swap3A_546 : i32 to index
        %swap3A_548 = arith.index_cast %add3A_536 : i32 to index
        %swap3A_549 = arith.constant 32 : index
        %swap3A_550 = tpu.vector_load %arg6[%swap3A_547, %swap3A_548, %swap3A_549] {strides = array<i32>} : memref<4x200x64xf32, #tpu.memory_space<vmem>>, vector<1x1x16xf32>,
        %swap3A_551 = vector.shape_cast %swap3A_550 : vector<1x1x16xf32> to vector<16xf32>
        %swap3A_552 = vector.shape_cast %mul3A_545 : vector<16xf32> to vector<1x1x16xf32>
        tpu.vector_store %arg6[%swap3A_547, %swap3A_548, %swap3A_549], %swap3A_552 {strides = array<i32>} : memref<4x200x64xf32, #tpu.memory_space<vmem>>, vector<1x1x16xf32>,
        %add3A_553 = arith.constant 1 : i32
        %add3A_554 = arith.addi %mul3A_428, %add3A_553 : i32
        %get3A_555 = arith.constant 1 : i32
        %get3A_556 = arith.index_cast %get3A_555 : i32 to index
        %get3A_557 = arith.index_cast %add3A_554 : i32 to index
        %get3A_558 = arith.constant 48 : index
        %get3A_559 = tpu.vector_load %arg6[%get3A_556, %get3A_557, %get3A_558] {strides = array<i32>} : memref<4x200x64xf32, #tpu.memory_space<vmem>>, vector<1x1x16xf32>,
        %get3A_560 = vector.shape_cast %get3A_559 : vector<1x1x16xf32> to vector<16xf32>
        %mul3A_561 = arith.constant 8.000000e+00 : f32
        %mul3A_562 = vector.broadcast %mul3A_561 : f32 to vector<16xf32>
        %mul3A_563 = arith.mulf %get3A_560, %mul3A_562 : vector<16xf32>
        %swap3A_564 = arith.constant 1 : i32
        %swap3A_565 = arith.index_cast %swap3A_564 : i32 to index
        %swap3A_566 = arith.index_cast %add3A_554 : i32 to index
        %swap3A_567 = arith.constant 48 : index
        %swap3A_568 = tpu.vector_load %arg6[%swap3A_565, %swap3A_566, %swap3A_567] {strides = array<i32>} : memref<4x200x64xf32, #tpu.memory_space<vmem>>, vector<1x1x16xf32>,
        %swap3A_569 = vector.shape_cast %swap3A_568 : vector<1x1x16xf32> to vector<16xf32>
        %swap3A_570 = vector.shape_cast %mul3A_563 : vector<16xf32> to vector<1x1x16xf32>
        tpu.vector_store %arg6[%swap3A_565, %swap3A_566, %swap3A_567], %swap3A_570 {strides = array<i32>} : memref<4x200x64xf32, #tpu.memory_space<vmem>>, vector<1x1x16xf32>,
        %add3A_571 = arith.constant 2 : i32
        %add3A_572 = arith.addi %mul3A_428, %add3A_571 : i32
        %get3A_573 = arith.constant 1 : i32
        %get3A_574 = arith.index_cast %get3A_573 : i32 to index
        %get3A_575 = arith.index_cast %add3A_572 : i32 to index
        %get3A_576 = arith.constant 0 : index
        %get3A_577 = tpu.vector_load %arg6[%get3A_574, %get3A_575, %get3A_576] {strides = array<i32>} : memref<4x200x64xf32, #tpu.memory_space<vmem>>, vector<1x1x16xf32>,
        %get3A_578 = vector.shape_cast %get3A_577 : vector<1x1x16xf32> to vector<16xf32>
        %mul3A_579 = arith.constant 8.000000e+00 : f32
        %mul3A_580 = vector.broadcast %mul3A_579 : f32 to vector<16xf32>
        %mul3A_581 = arith.mulf %get3A_578, %mul3A_580 : vector<16xf32>
        %swap3A_582 = arith.constant 1 : i32
        %swap3A_583 = arith.index_cast %swap3A_582 : i32 to index
        %swap3A_584 = arith.index_cast %add3A_572 : i32 to index
        %swap3A_585 = arith.constant 0 : index
        %swap3A_586 = tpu.vector_load %arg6[%swap3A_583, %swap3A_584, %swap3A_585] {strides = array<i32>} : memref<4x200x64xf32, #tpu.memory_space<vmem>>, vector<1x1x16xf32>,
        %swap3A_587 = vector.shape_cast %swap3A_586 : vector<1x1x16xf32> to vector<16xf32>
        %swap3A_588 = vector.shape_cast %mul3A_581 : vector<16xf32> to vector<1x1x16xf32>
        tpu.vector_store %arg6[%swap3A_583, %swap3A_584, %swap3A_585], %swap3A_588 {strides = array<i32>} : memref<4x200x64xf32, #tpu.memory_space<vmem>>, vector<1x1x16xf32>,
        %add3A_589 = arith.constant 2 : i32
        %add3A_590 = arith.addi %mul3A_428, %add3A_589 : i32
        %get3A_591 = arith.constant 1 : i32
        %get3A_592 = arith.index_cast %get3A_591 : i32 to index
        %get3A_593 = arith.index_cast %add3A_590 : i32 to index
        %get3A_594 = arith.constant 16 : index
        %get3A_595 = tpu.vector_load %arg6[%get3A_592, %get3A_593, %get3A_594] {strides = array<i32>} : memref<4x200x64xf32, #tpu.memory_space<vmem>>, vector<1x1x16xf32>,
        %get3A_596 = vector.shape_cast %get3A_595 : vector<1x1x16xf32> to vector<16xf32>
        %mul3A_597 = arith.constant 8.000000e+00 : f32
        %mul3A_598 = vector.broadcast %mul3A_597 : f32 to vector<16xf32>
        %mul3A_599 = arith.mulf %get3A_596, %mul3A_598 : vector<16xf32>
        %swap3A_600 = arith.constant 1 : i32
        %swap3A_601 = arith.index_cast %swap3A_600 : i32 to index
        %swap3A_602 = arith.index_cast %add3A_590 : i32 to index
        %swap3A_603 = arith.constant 16 : index
        %swap3A_604 = tpu.vector_load %arg6[%swap3A_601, %swap3A_602, %swap3A_603] {strides = array<i32>} : memref<4x200x64xf32, #tpu.memory_space<vmem>>, vector<1x1x16xf32>,
        %swap3A_605 = vector.shape_cast %swap3A_604 : vector<1x1x16xf32> to vector<16xf32>
        %swap3A_606 = vector.shape_cast %mul3A_599 : vector<16xf32> to vector<1x1x16xf32>
        tpu.vector_store %arg6[%swap3A_601, %swap3A_602, %swap3A_603], %swap3A_606 {strides = array<i32>} : memref<4x200x64xf32, #tpu.memory_space<vmem>>, vector<1x1x16xf32>,
        %add3A_607 = arith.constant 2 : i32
        %add3A_608 = arith.addi %mul3A_428, %add3A_607 : i32
        %get3A_609 = arith.constant 1 : i32
        %get3A_610 = arith.index_cast %get3A_609 : i32 to index
        %get3A_611 = arith.index_cast %add3A_608 : i32 to index
        %get3A_612 = arith.constant 32 : index
        %get3A_613 = tpu.vector_load %arg6[%get3A_610, %get3A_611, %get3A_612] {strides = array<i32>} : memref<4x200x64xf32, #tpu.memory_space<vmem>>, vector<1x1x16xf32>,
        %get3A_614 = vector.shape_cast %get3A_613 : vector<1x1x16xf32> to vector<16xf32>
        %mul3A_615 = arith.constant 8.000000e+00 : f32
        %mul3A_616 = vector.broadcast %mul3A_615 : f32 to vector<16xf32>
        %mul3A_617 = arith.mulf %get3A_614, %mul3A_616 : vector<16xf32>
        %swap3A_618 = arith.constant 1 : i32
        %swap3A_619 = arith.index_cast %swap3A_618 : i32 to index
        %swap3A_620 = arith.index_cast %add3A_608 : i32 to index
        %swap3A_621 = arith.constant 32 : index
        %swap3A_622 = tpu.vector_load %arg6[%swap3A_619, %swap3A_620, %swap3A_621] {strides = array<i32>} : memref<4x200x64xf32, #tpu.memory_space<vmem>>, vector<1x1x16xf32>,
        %swap3A_623 = vector.shape_cast %swap3A_622 : vector<1x1x16xf32> to vector<16xf32>
        %swap3A_624 = vector.shape_cast %mul3A_617 : vector<16xf32> to vector<1x1x16xf32>
        tpu.vector_store %arg6[%swap3A_619, %swap3A_620, %swap3A_621], %swap3A_624 {strides = array<i32>} : memref<4x200x64xf32, #tpu.memory_space<vmem>>, vector<1x1x16xf32>,
        %add3A_625 = arith.constant 2 : i32
        %add3A_626 = arith.addi %mul3A_428, %add3A_625 : i32
        %get3A_627 = arith.constant 1 : i32
        %get3A_628 = arith.index_cast %get3A_627 : i32 to index
        %get3A_629 = arith.index_cast %add3A_626 : i32 to index
        %get3A_630 = arith.constant 48 : index
        %get3A_631 = tpu.vector_load %arg6[%get3A_628, %get3A_629, %get3A_630] {strides = array<i32>} : memref<4x200x64xf32, #tpu.memory_space<vmem>>, vector<1x1x16xf32>,
        %get3A_632 = vector.shape_cast %get3A_631 : vector<1x1x16xf32> to vector<16xf32>
        %mul3A_633 = arith.constant 8.000000e+00 : f32
        %mul3A_634 = vector.broadcast %mul3A_633 : f32 to vector<16xf32>
        %mul3A_635 = arith.mulf %get3A_632, %mul3A_634 : vector<16xf32>
        %swap3A_636 = arith.constant 1 : i32
        %swap3A_637 = arith.index_cast %swap3A_636 : i32 to index
        %swap3A_638 = arith.index_cast %add3A_626 : i32 to index
        %swap3A_639 = arith.constant 48 : index
        %swap3A_640 = tpu.vector_load %arg6[%swap3A_637, %swap3A_638, %swap3A_639] {strides = array<i32>} : memref<4x200x64xf32, #tpu.memory_space<vmem>>, vector<1x1x16xf32>,
        %swap3A_641 = vector.shape_cast %swap3A_640 : vector<1x1x16xf32> to vector<16xf32>
        %swap3A_642 = vector.shape_cast %mul3A_635 : vector<16xf32> to vector<1x1x16xf32>
        tpu.vector_store %arg6[%swap3A_637, %swap3A_638, %swap3A_639], %swap3A_642 {strides = array<i32>} : memref<4x200x64xf32, #tpu.memory_space<vmem>>, vector<1x1x16xf32>,
        %add3A_643 = arith.constant 3 : i32
        %add3A_644 = arith.addi %mul3A_428, %add3A_643 : i32
        %get3A_645 = arith.constant 1 : i32
        %get3A_646 = arith.index_cast %get3A_645 : i32 to index
        %get3A_647 = arith.index_cast %add3A_644 : i32 to index
        %get3A_648 = arith.constant 0 : index
        %get3A_649 = tpu.vector_load %arg6[%get3A_646, %get3A_647, %get3A_648] {strides = array<i32>} : memref<4x200x64xf32, #tpu.memory_space<vmem>>, vector<1x1x16xf32>,
        %get3A_650 = vector.shape_cast %get3A_649 : vector<1x1x16xf32> to vector<16xf32>
        %mul3A_651 = arith.constant 8.000000e+00 : f32
        %mul3A_652 = vector.broadcast %mul3A_651 : f32 to vector<16xf32>
        %mul3A_653 = arith.mulf %get3A_650, %mul3A_652 : vector<16xf32>
        %swap3A_654 = arith.constant 1 : i32
        %swap3A_655 = arith.index_cast %swap3A_654 : i32 to index
        %swap3A_656 = arith.index_cast %add3A_644 : i32 to index
        %swap3A_657 = arith.constant 0 : index
        %swap3A_658 = tpu.vector_load %arg6[%swap3A_655, %swap3A_656, %swap3A_657] {strides = array<i32>} : memref<4x200x64xf32, #tpu.memory_space<vmem>>, vector<1x1x16xf32>,
        %swap3A_659 = vector.shape_cast %swap3A_658 : vector<1x1x16xf32> to vector<16xf32>
        %swap3A_660 = vector.shape_cast %mul3A_653 : vector<16xf32> to vector<1x1x16xf32>
        tpu.vector_store %arg6[%swap3A_655, %swap3A_656, %swap3A_657], %swap3A_660 {strides = array<i32>} : memref<4x200x64xf32, #tpu.memory_space<vmem>>, vector<1x1x16xf32>,
        %add3A_661 = arith.constant 3 : i32
        %add3A_662 = arith.addi %mul3A_428, %add3A_661 : i32
        %get3A_663 = arith.constant 1 : i32
        %get3A_664 = arith.index_cast %get3A_663 : i32 to index
        %get3A_665 = arith.index_cast %add3A_662 : i32 to index
        %get3A_666 = arith.constant 16 : index
        %get3A_667 = tpu.vector_load %arg6[%get3A_664, %get3A_665, %get3A_666] {strides = array<i32>} : memref<4x200x64xf32, #tpu.memory_space<vmem>>, vector<1x1x16xf32>,
        %get3A_668 = vector.shape_cast %get3A_667 : vector<1x1x16xf32> to vector<16xf32>
        %mul3A_669 = arith.constant 8.000000e+00 : f32
        %mul3A_670 = vector.broadcast %mul3A_669 : f32 to vector<16xf32>
        %mul3A_671 = arith.mulf %get3A_668, %mul3A_670 : vector<16xf32>
        %swap3A_672 = arith.constant 1 : i32
        %swap3A_673 = arith.index_cast %swap3A_672 : i32 to index
        %swap3A_674 = arith.index_cast %add3A_662 : i32 to index
        %swap3A_675 = arith.constant 16 : index
        %swap3A_676 = tpu.vector_load %arg6[%swap3A_673, %swap3A_674, %swap3A_675] {strides = array<i32>} : memref<4x200x64xf32, #tpu.memory_space<vmem>>, vector<1x1x16xf32>,
        %swap3A_677 = vector.shape_cast %swap3A_676 : vector<1x1x16xf32> to vector<16xf32>
        %swap3A_678 = vector.shape_cast %mul3A_671 : vector<16xf32> to vector<1x1x16xf32>
        tpu.vector_store %arg6[%swap3A_673, %swap3A_674, %swap3A_675], %swap3A_678 {strides = array<i32>} : memref<4x200x64xf32, #tpu.memory_space<vmem>>, vector<1x1x16xf32>,
        %add3A_679 = arith.constant 3 : i32
        %add3A_680 = arith.addi %mul3A_428, %add3A_679 : i32
        %get3A_681 = arith.constant 1 : i32
        %get3A_682 = arith.index_cast %get3A_681 : i32 to index
        %get3A_683 = arith.index_cast %add3A_680 : i32 to index
        %get3A_684 = arith.constant 32 : index
        %get3A_685 = tpu.vector_load %arg6[%get3A_682, %get3A_683, %get3A_684] {strides = array<i32>} : memref<4x200x64xf32, #tpu.memory_space<vmem>>, vector<1x1x16xf32>,
        %get3A_686 = vector.shape_cast %get3A_685 : vector<1x1x16xf32> to vector<16xf32>
        %mul3A_687 = arith.constant 8.000000e+00 : f32
        %mul3A_688 = vector.broadcast %mul3A_687 : f32 to vector<16xf32>
        %mul3A_689 = arith.mulf %get3A_686, %mul3A_688 : vector<16xf32>
        %swap3A_690 = arith.constant 1 : i32
        %swap3A_691 = arith.index_cast %swap3A_690 : i32 to index
        %swap3A_692 = arith.index_cast %add3A_680 : i32 to index
        %swap3A_693 = arith.constant 32 : index
        %swap3A_694 = tpu.vector_load %arg6[%swap3A_691, %swap3A_692, %swap3A_693] {strides = array<i32>} : memref<4x200x64xf32, #tpu.memory_space<vmem>>, vector<1x1x16xf32>,
        %swap3A_695 = vector.shape_cast %swap3A_694 : vector<1x1x16xf32> to vector<16xf32>
        %swap3A_696 = vector.shape_cast %mul3A_689 : vector<16xf32> to vector<1x1x16xf32>
        tpu.vector_store %arg6[%swap3A_691, %swap3A_692, %swap3A_693], %swap3A_696 {strides = array<i32>} : memref<4x200x64xf32, #tpu.memory_space<vmem>>, vector<1x1x16xf32>,
        %add3A_697 = arith.constant 3 : i32
        %add3A_698 = arith.addi %mul3A_428, %add3A_697 : i32
        %get3A_699 = arith.constant 1 : i32
        %get3A_700 = arith.index_cast %get3A_699 : i32 to index
        %get3A_701 = arith.index_cast %add3A_698 : i32 to index
        %get3A_702 = arith.constant 48 : index
        %get3A_703 = tpu.vector_load %arg6[%get3A_700, %get3A_701, %get3A_702] {strides = array<i32>} : memref<4x200x64xf32, #tpu.memory_space<vmem>>, vector<1x1x16xf32>,
        %get3A_704 = vector.shape_cast %get3A_703 : vector<1x1x16xf32> to vector<16xf32>
        %mul3A_705 = arith.constant 8.000000e+00 : f32
        %mul3A_706 = vector.broadcast %mul3A_705 : f32 to vector<16xf32>
        %mul3A_707 = arith.mulf %get3A_704, %mul3A_706 : vector<16xf32>
        %swap3A_708 = arith.constant 1 : i32
        %swap3A_709 = arith.index_cast %swap3A_708 : i32 to index
        %swap3A_710 = arith.index_cast %add3A_698 : i32 to index
        %swap3A_711 = arith.constant 48 : index
        %swap3A_712 = tpu.vector_load %arg6[%swap3A_709, %swap3A_710, %swap3A_711] {strides = array<i32>} : memref<4x200x64xf32, #tpu.memory_space<vmem>>, vector<1x1x16xf32>,
        %swap3A_713 = vector.shape_cast %swap3A_712 : vector<1x1x16xf32> to vector<16xf32>
        %swap3A_714 = vector.shape_cast %mul3A_707 : vector<16xf32> to vector<1x1x16xf32>
        tpu.vector_store %arg6[%swap3A_709, %swap3A_710, %swap3A_711], %swap3A_714 {strides = array<i32>} : memref<4x200x64xf32, #tpu.memory_space<vmem>>, vector<1x1x16xf32>,
        %add3A_715 = arith.constant 4 : i32
        %add3A_716 = arith.addi %mul3A_428, %add3A_715 : i32
        %get3A_717 = arith.constant 1 : i32
        %get3A_718 = arith.index_cast %get3A_717 : i32 to index
        %get3A_719 = arith.index_cast %add3A_716 : i32 to index
        %get3A_720 = arith.constant 0 : index
        %get3A_721 = tpu.vector_load %arg6[%get3A_718, %get3A_719, %get3A_720] {strides = array<i32>} : memref<4x200x64xf32, #tpu.memory_space<vmem>>, vector<1x1x16xf32>,
        %get3A_722 = vector.shape_cast %get3A_721 : vector<1x1x16xf32> to vector<16xf32>
        %mul3A_723 = arith.constant 8.000000e+00 : f32
        %mul3A_724 = vector.broadcast %mul3A_723 : f32 to vector<16xf32>
        %mul3A_725 = arith.mulf %get3A_722, %mul3A_724 : vector<16xf32>
        %swap3A_726 = arith.constant 1 : i32
        %swap3A_727 = arith.index_cast %swap3A_726 : i32 to index
        %swap3A_728 = arith.index_cast %add3A_716 : i32 to index
        %swap3A_729 = arith.constant 0 : index
        %swap3A_730 = tpu.vector_load %arg6[%swap3A_727, %swap3A_728, %swap3A_729] {strides = array<i32>} : memref<4x200x64xf32, #tpu.memory_space<vmem>>, vector<1x1x16xf32>,
        %swap3A_731 = vector.shape_cast %swap3A_730 : vector<1x1x16xf32> to vector<16xf32>
        %swap3A_732 = vector.shape_cast %mul3A_725 : vector<16xf32> to vector<1x1x16xf32>
        tpu.vector_store %arg6[%swap3A_727, %swap3A_728, %swap3A_729], %swap3A_732 {strides = array<i32>} : memref<4x200x64xf32, #tpu.memory_space<vmem>>, vector<1x1x16xf32>,
        %add3A_733 = arith.constant 4 : i32
        %add3A_734 = arith.addi %mul3A_428, %add3A_733 : i32
        %get3A_735 = arith.constant 1 : i32
        %get3A_736 = arith.index_cast %get3A_735 : i32 to index
        %get3A_737 = arith.index_cast %add3A_734 : i32 to index
        %get3A_738 = arith.constant 16 : index
        %get3A_739 = tpu.vector_load %arg6[%get3A_736, %get3A_737, %get3A_738] {strides = array<i32>} : memref<4x200x64xf32, #tpu.memory_space<vmem>>, vector<1x1x16xf32>,
        %get3A_740 = vector.shape_cast %get3A_739 : vector<1x1x16xf32> to vector<16xf32>
        %mul3A_741 = arith.constant 8.000000e+00 : f32
        %mul3A_742 = vector.broadcast %mul3A_741 : f32 to vector<16xf32>
        %mul3A_743 = arith.mulf %get3A_740, %mul3A_742 : vector<16xf32>
        %swap3A_744 = arith.constant 1 : i32
        %swap3A_745 = arith.index_cast %swap3A_744 : i32 to index
        %swap3A_746 = arith.index_cast %add3A_734 : i32 to index
        %swap3A_747 = arith.constant 16 : index
        %swap3A_748 = tpu.vector_load %arg6[%swap3A_745, %swap3A_746, %swap3A_747] {strides = array<i32>} : memref<4x200x64xf32, #tpu.memory_space<vmem>>, vector<1x1x16xf32>,
        %swap3A_749 = vector.shape_cast %swap3A_748 : vector<1x1x16xf32> to vector<16xf32>
        %swap3A_750 = vector.shape_cast %mul3A_743 : vector<16xf32> to vector<1x1x16xf32>
        tpu.vector_store %arg6[%swap3A_745, %swap3A_746, %swap3A_747], %swap3A_750 {strides = array<i32>} : memref<4x200x64xf32, #tpu.memory_space<vmem>>, vector<1x1x16xf32>,
        %add3A_751 = arith.constant 4 : i32
        %add3A_752 = arith.addi %mul3A_428, %add3A_751 : i32
        %get3A_753 = arith.constant 1 : i32
        %get3A_754 = arith.index_cast %get3A_753 : i32 to index
        %get3A_755 = arith.index_cast %add3A_752 : i32 to index
        %get3A_756 = arith.constant 32 : index
        %get3A_757 = tpu.vector_load %arg6[%get3A_754, %get3A_755, %get3A_756] {strides = array<i32>} : memref<4x200x64xf32, #tpu.memory_space<vmem>>, vector<1x1x16xf32>,
        %get3A_758 = vector.shape_cast %get3A_757 : vector<1x1x16xf32> to vector<16xf32>
        %mul3A_759 = arith.constant 8.000000e+00 : f32
        %mul3A_760 = vector.broadcast %mul3A_759 : f32 to vector<16xf32>
        %mul3A_761 = arith.mulf %get3A_758, %mul3A_760 : vector<16xf32>
        %swap3A_762 = arith.constant 1 : i32
        %swap3A_763 = arith.index_cast %swap3A_762 : i32 to index
        %swap3A_764 = arith.index_cast %add3A_752 : i32 to index
        %swap3A_765 = arith.constant 32 : index
        %swap3A_766 = tpu.vector_load %arg6[%swap3A_763, %swap3A_764, %swap3A_765] {strides = array<i32>} : memref<4x200x64xf32, #tpu.memory_space<vmem>>, vector<1x1x16xf32>,
        %swap3A_767 = vector.shape_cast %swap3A_766 : vector<1x1x16xf32> to vector<16xf32>
        %swap3A_768 = vector.shape_cast %mul3A_761 : vector<16xf32> to vector<1x1x16xf32>
        tpu.vector_store %arg6[%swap3A_763, %swap3A_764, %swap3A_765], %swap3A_768 {strides = array<i32>} : memref<4x200x64xf32, #tpu.memory_space<vmem>>, vector<1x1x16xf32>,
        %add3A_769 = arith.constant 4 : i32
        %add3A_770 = arith.addi %mul3A_428, %add3A_769 : i32
        %get3A_771 = arith.constant 1 : i32
        %get3A_772 = arith.index_cast %get3A_771 : i32 to index
        %get3A_773 = arith.index_cast %add3A_770 : i32 to index
        %get3A_774 = arith.constant 48 : index
        %get3A_775 = tpu.vector_load %arg6[%get3A_772, %get3A_773, %get3A_774] {strides = array<i32>} : memref<4x200x64xf32, #tpu.memory_space<vmem>>, vector<1x1x16xf32>,
        %get3A_776 = vector.shape_cast %get3A_775 : vector<1x1x16xf32> to vector<16xf32>
        %mul3A_777 = arith.constant 8.000000e+00 : f32
        %mul3A_778 = vector.broadcast %mul3A_777 : f32 to vector<16xf32>
        %mul3A_779 = arith.mulf %get3A_776, %mul3A_778 : vector<16xf32>
        %swap3A_780 = arith.constant 1 : i32
        %swap3A_781 = arith.index_cast %swap3A_780 : i32 to index
        %swap3A_782 = arith.index_cast %add3A_770 : i32 to index
        %swap3A_783 = arith.constant 48 : index
        %swap3A_784 = tpu.vector_load %arg6[%swap3A_781, %swap3A_782, %swap3A_783] {strides = array<i32>} : memref<4x200x64xf32, #tpu.memory_space<vmem>>, vector<1x1x16xf32>,
        %swap3A_785 = vector.shape_cast %swap3A_784 : vector<1x1x16xf32> to vector<16xf32>
        %swap3A_786 = vector.shape_cast %mul3A_779 : vector<16xf32> to vector<1x1x16xf32>
        tpu.vector_store %arg6[%swap3A_781, %swap3A_782, %swap3A_783], %swap3A_786 {strides = array<i32>} : memref<4x200x64xf32, #tpu.memory_space<vmem>>, vector<1x1x16xf32>,
        %add3A_787 = arith.constant 5 : i32
        %add3A_788 = arith.addi %mul3A_428, %add3A_787 : i32
        %get3A_789 = arith.constant 1 : i32
        %get3A_790 = arith.index_cast %get3A_789 : i32 to index
        %get3A_791 = arith.index_cast %add3A_788 : i32 to index
        %get3A_792 = arith.constant 0 : index
        %get3A_793 = tpu.vector_load %arg6[%get3A_790, %get3A_791, %get3A_792] {strides = array<i32>} : memref<4x200x64xf32, #tpu.memory_space<vmem>>, vector<1x1x16xf32>,
        %get3A_794 = vector.shape_cast %get3A_793 : vector<1x1x16xf32> to vector<16xf32>
        %mul3A_795 = arith.constant 8.000000e+00 : f32
        %mul3A_796 = vector.broadcast %mul3A_795 : f32 to vector<16xf32>
        %mul3A_797 = arith.mulf %get3A_794, %mul3A_796 : vector<16xf32>
        %swap3A_798 = arith.constant 1 : i32
        %swap3A_799 = arith.index_cast %swap3A_798 : i32 to index
        %swap3A_800 = arith.index_cast %add3A_788 : i32 to index
        %swap3A_801 = arith.constant 0 : index
        %swap3A_802 = tpu.vector_load %arg6[%swap3A_799, %swap3A_800, %swap3A_801] {strides = array<i32>} : memref<4x200x64xf32, #tpu.memory_space<vmem>>, vector<1x1x16xf32>,
        %swap3A_803 = vector.shape_cast %swap3A_802 : vector<1x1x16xf32> to vector<16xf32>
        %swap3A_804 = vector.shape_cast %mul3A_797 : vector<16xf32> to vector<1x1x16xf32>
        tpu.vector_store %arg6[%swap3A_799, %swap3A_800, %swap3A_801], %swap3A_804 {strides = array<i32>} : memref<4x200x64xf32, #tpu.memory_space<vmem>>, vector<1x1x16xf32>,
        %add3A_805 = arith.constant 5 : i32
        %add3A_806 = arith.addi %mul3A_428, %add3A_805 : i32
        %get3A_807 = arith.constant 1 : i32
        %get3A_808 = arith.index_cast %get3A_807 : i32 to index
        %get3A_809 = arith.index_cast %add3A_806 : i32 to index
        %get3A_810 = arith.constant 16 : index
        %get3A_811 = tpu.vector_load %arg6[%get3A_808, %get3A_809, %get3A_810] {strides = array<i32>} : memref<4x200x64xf32, #tpu.memory_space<vmem>>, vector<1x1x16xf32>,
        %get3A_812 = vector.shape_cast %get3A_811 : vector<1x1x16xf32> to vector<16xf32>
        %mul3A_813 = arith.constant 8.000000e+00 : f32
        %mul3A_814 = vector.broadcast %mul3A_813 : f32 to vector<16xf32>
        %mul3A_815 = arith.mulf %get3A_812, %mul3A_814 : vector<16xf32>
        %swap3A_816 = arith.constant 1 : i32
        %swap3A_817 = arith.index_cast %swap3A_816 : i32 to index
        %swap3A_818 = arith.index_cast %add3A_806 : i32 to index
        %swap3A_819 = arith.constant 16 : index
        %swap3A_820 = tpu.vector_load %arg6[%swap3A_817, %swap3A_818, %swap3A_819] {strides = array<i32>} : memref<4x200x64xf32, #tpu.memory_space<vmem>>, vector<1x1x16xf32>,
        %swap3A_821 = vector.shape_cast %swap3A_820 : vector<1x1x16xf32> to vector<16xf32>
        %swap3A_822 = vector.shape_cast %mul3A_815 : vector<16xf32> to vector<1x1x16xf32>
        tpu.vector_store %arg6[%swap3A_817, %swap3A_818, %swap3A_819], %swap3A_822 {strides = array<i32>} : memref<4x200x64xf32, #tpu.memory_space<vmem>>, vector<1x1x16xf32>,
        %add3A_823 = arith.constant 5 : i32
        %add3A_824 = arith.addi %mul3A_428, %add3A_823 : i32
        %get3A_825 = arith.constant 1 : i32
        %get3A_826 = arith.index_cast %get3A_825 : i32 to index
        %get3A_827 = arith.index_cast %add3A_824 : i32 to index
        %get3A_828 = arith.constant 32 : index
        %get3A_829 = tpu.vector_load %arg6[%get3A_826, %get3A_827, %get3A_828] {strides = array<i32>} : memref<4x200x64xf32, #tpu.memory_space<vmem>>, vector<1x1x16xf32>,
        %get3A_830 = vector.shape_cast %get3A_829 : vector<1x1x16xf32> to vector<16xf32>
        %mul3A_831 = arith.constant 8.000000e+00 : f32
        %mul3A_832 = vector.broadcast %mul3A_831 : f32 to vector<16xf32>
        %mul3A_833 = arith.mulf %get3A_830, %mul3A_832 : vector<16xf32>
        %swap3A_834 = arith.constant 1 : i32
        %swap3A_835 = arith.index_cast %swap3A_834 : i32 to index
        %swap3A_836 = arith.index_cast %add3A_824 : i32 to index
        %swap3A_837 = arith.constant 32 : index
        %swap3A_838 = tpu.vector_load %arg6[%swap3A_835, %swap3A_836, %swap3A_837] {strides = array<i32>} : memref<4x200x64xf32, #tpu.memory_space<vmem>>, vector<1x1x16xf32>,
        %swap3A_839 = vector.shape_cast %swap3A_838 : vector<1x1x16xf32> to vector<16xf32>
        %swap3A_840 = vector.shape_cast %mul3A_833 : vector<16xf32> to vector<1x1x16xf32>
        tpu.vector_store %arg6[%swap3A_835, %swap3A_836, %swap3A_837], %swap3A_840 {strides = array<i32>} : memref<4x200x64xf32, #tpu.memory_space<vmem>>, vector<1x1x16xf32>,
        %add3A_841 = arith.constant 5 : i32
        %add3A_842 = arith.addi %mul3A_428, %add3A_841 : i32
        %get3A_843 = arith.constant 1 : i32
        %get3A_844 = arith.index_cast %get3A_843 : i32 to index
        %get3A_845 = arith.index_cast %add3A_842 : i32 to index
        %get3A_846 = arith.constant 48 : index
        %get3A_847 = tpu.vector_load %arg6[%get3A_844, %get3A_845, %get3A_846] {strides = array<i32>} : memref<4x200x64xf32, #tpu.memory_space<vmem>>, vector<1x1x16xf32>,
        %get3A_848 = vector.shape_cast %get3A_847 : vector<1x1x16xf32> to vector<16xf32>
        %mul3A_849 = arith.constant 8.000000e+00 : f32
        %mul3A_850 = vector.broadcast %mul3A_849 : f32 to vector<16xf32>
        %mul3A_851 = arith.mulf %get3A_848, %mul3A_850 : vector<16xf32>
        %swap3A_852 = arith.constant 1 : i32
        %swap3A_853 = arith.index_cast %swap3A_852 : i32 to index
        %swap3A_854 = arith.index_cast %add3A_842 : i32 to index
        %swap3A_855 = arith.constant 48 : index
        %swap3A_856 = tpu.vector_load %arg6[%swap3A_853, %swap3A_854, %swap3A_855] {strides = array<i32>} : memref<4x200x64xf32, #tpu.memory_space<vmem>>, vector<1x1x16xf32>,
        %swap3A_857 = vector.shape_cast %swap3A_856 : vector<1x1x16xf32> to vector<16xf32>
        %swap3A_858 = vector.shape_cast %mul3A_851 : vector<16xf32> to vector<1x1x16xf32>
        tpu.vector_store %arg6[%swap3A_853, %swap3A_854, %swap3A_855], %swap3A_858 {strides = array<i32>} : memref<4x200x64xf32, #tpu.memory_space<vmem>>, vector<1x1x16xf32>,
        %add3A_859 = arith.constant 6 : i32
        %add3A_860 = arith.addi %mul3A_428, %add3A_859 : i32
        %get3A_861 = arith.constant 1 : i32
        %get3A_862 = arith.index_cast %get3A_861 : i32 to index
        %get3A_863 = arith.index_cast %add3A_860 : i32 to index
        %get3A_864 = arith.constant 0 : index
        %get3A_865 = tpu.vector_load %arg6[%get3A_862, %get3A_863, %get3A_864] {strides = array<i32>} : memref<4x200x64xf32, #tpu.memory_space<vmem>>, vector<1x1x16xf32>,
        %get3A_866 = vector.shape_cast %get3A_865 : vector<1x1x16xf32> to vector<16xf32>
        %mul3A_867 = arith.constant 8.000000e+00 : f32
        %mul3A_868 = vector.broadcast %mul3A_867 : f32 to vector<16xf32>
        %mul3A_869 = arith.mulf %get3A_866, %mul3A_868 : vector<16xf32>
        %swap3A_870 = arith.constant 1 : i32
        %swap3A_871 = arith.index_cast %swap3A_870 : i32 to index
        %swap3A_872 = arith.index_cast %add3A_860 : i32 to index
        %swap3A_873 = arith.constant 0 : index
        %swap3A_874 = tpu.vector_load %arg6[%swap3A_871, %swap3A_872, %swap3A_873] {strides = array<i32>} : memref<4x200x64xf32, #tpu.memory_space<vmem>>, vector<1x1x16xf32>,
        %swap3A_875 = vector.shape_cast %swap3A_874 : vector<1x1x16xf32> to vector<16xf32>
        %swap3A_876 = vector.shape_cast %mul3A_869 : vector<16xf32> to vector<1x1x16xf32>
        tpu.vector_store %arg6[%swap3A_871, %swap3A_872, %swap3A_873], %swap3A_876 {strides = array<i32>} : memref<4x200x64xf32, #tpu.memory_space<vmem>>, vector<1x1x16xf32>,
        %add3A_877 = arith.constant 6 : i32
        %add3A_878 = arith.addi %mul3A_428, %add3A_877 : i32
        %get3A_879 = arith.constant 1 : i32
        %get3A_880 = arith.index_cast %get3A_879 : i32 to index
        %get3A_881 = arith.index_cast %add3A_878 : i32 to index
        %get3A_882 = arith.constant 16 : index
        %get3A_883 = tpu.vector_load %arg6[%get3A_880, %get3A_881, %get3A_882] {strides = array<i32>} : memref<4x200x64xf32, #tpu.memory_space<vmem>>, vector<1x1x16xf32>,
        %get3A_884 = vector.shape_cast %get3A_883 : vector<1x1x16xf32> to vector<16xf32>
        %mul3A_885 = arith.constant 8.000000e+00 : f32
        %mul3A_886 = vector.broadcast %mul3A_885 : f32 to vector<16xf32>
        %mul3A_887 = arith.mulf %get3A_884, %mul3A_886 : vector<16xf32>
        %swap3A_888 = arith.constant 1 : i32
        %swap3A_889 = arith.index_cast %swap3A_888 : i32 to index
        %swap3A_890 = arith.index_cast %add3A_878 : i32 to index
        %swap3A_891 = arith.constant 16 : index
        %swap3A_892 = tpu.vector_load %arg6[%swap3A_889, %swap3A_890, %swap3A_891] {strides = array<i32>} : memref<4x200x64xf32, #tpu.memory_space<vmem>>, vector<1x1x16xf32>,
        %swap3A_893 = vector.shape_cast %swap3A_892 : vector<1x1x16xf32> to vector<16xf32>
        %swap3A_894 = vector.shape_cast %mul3A_887 : vector<16xf32> to vector<1x1x16xf32>
        tpu.vector_store %arg6[%swap3A_889, %swap3A_890, %swap3A_891], %swap3A_894 {strides = array<i32>} : memref<4x200x64xf32, #tpu.memory_space<vmem>>, vector<1x1x16xf32>,
        %add3A_895 = arith.constant 6 : i32
        %add3A_896 = arith.addi %mul3A_428, %add3A_895 : i32
        %get3A_897 = arith.constant 1 : i32
        %get3A_898 = arith.index_cast %get3A_897 : i32 to index
        %get3A_899 = arith.index_cast %add3A_896 : i32 to index
        %get3A_900 = arith.constant 32 : index
        %get3A_901 = tpu.vector_load %arg6[%get3A_898, %get3A_899, %get3A_900] {strides = array<i32>} : memref<4x200x64xf32, #tpu.memory_space<vmem>>, vector<1x1x16xf32>,
        %get3A_902 = vector.shape_cast %get3A_901 : vector<1x1x16xf32> to vector<16xf32>
        %mul3A_903 = arith.constant 8.000000e+00 : f32
        %mul3A_904 = vector.broadcast %mul3A_903 : f32 to vector<16xf32>
        %mul3A_905 = arith.mulf %get3A_902, %mul3A_904 : vector<16xf32>
        %swap3A_906 = arith.constant 1 : i32
        %swap3A_907 = arith.index_cast %swap3A_906 : i32 to index
        %swap3A_908 = arith.index_cast %add3A_896 : i32 to index
        %swap3A_909 = arith.constant 32 : index
        %swap3A_910 = tpu.vector_load %arg6[%swap3A_907, %swap3A_908, %swap3A_909] {strides = array<i32>} : memref<4x200x64xf32, #tpu.memory_space<vmem>>, vector<1x1x16xf32>,
        %swap3A_911 = vector.shape_cast %swap3A_910 : vector<1x1x16xf32> to vector<16xf32>
        %swap3A_912 = vector.shape_cast %mul3A_905 : vector<16xf32> to vector<1x1x16xf32>
        tpu.vector_store %arg6[%swap3A_907, %swap3A_908, %swap3A_909], %swap3A_912 {strides = array<i32>} : memref<4x200x64xf32, #tpu.memory_space<vmem>>, vector<1x1x16xf32>,
        %add3A_913 = arith.constant 6 : i32
        %add3A_914 = arith.addi %mul3A_428, %add3A_913 : i32
        %get3A_915 = arith.constant 1 : i32
        %get3A_916 = arith.index_cast %get3A_915 : i32 to index
        %get3A_917 = arith.index_cast %add3A_914 : i32 to index
        %get3A_918 = arith.constant 48 : index
        %get3A_919 = tpu.vector_load %arg6[%get3A_916, %get3A_917, %get3A_918] {strides = array<i32>} : memref<4x200x64xf32, #tpu.memory_space<vmem>>, vector<1x1x16xf32>,
        %get3A_920 = vector.shape_cast %get3A_919 : vector<1x1x16xf32> to vector<16xf32>
        %mul3A_921 = arith.constant 8.000000e+00 : f32
        %mul3A_922 = vector.broadcast %mul3A_921 : f32 to vector<16xf32>
        %mul3A_923 = arith.mulf %get3A_920, %mul3A_922 : vector<16xf32>
        %swap3A_924 = arith.constant 1 : i32
        %swap3A_925 = arith.index_cast %swap3A_924 : i32 to index
        %swap3A_926 = arith.index_cast %add3A_914 : i32 to index
        %swap3A_927 = arith.constant 48 : index
        %swap3A_928 = tpu.vector_load %arg6[%swap3A_925, %swap3A_926, %swap3A_927] {strides = array<i32>} : memref<4x200x64xf32, #tpu.memory_space<vmem>>, vector<1x1x16xf32>,
        %swap3A_929 = vector.shape_cast %swap3A_928 : vector<1x1x16xf32> to vector<16xf32>
        %swap3A_930 = vector.shape_cast %mul3A_923 : vector<16xf32> to vector<1x1x16xf32>
        tpu.vector_store %arg6[%swap3A_925, %swap3A_926, %swap3A_927], %swap3A_930 {strides = array<i32>} : memref<4x200x64xf32, #tpu.memory_space<vmem>>, vector<1x1x16xf32>,
        %add3A_931 = arith.constant 7 : i32
        %add3A_932 = arith.addi %mul3A_428, %add3A_931 : i32
        %get3A_933 = arith.constant 1 : i32
        %get3A_934 = arith.index_cast %get3A_933 : i32 to index
        %get3A_935 = arith.index_cast %add3A_932 : i32 to index
        %get3A_936 = arith.constant 0 : index
        %get3A_937 = tpu.vector_load %arg6[%get3A_934, %get3A_935, %get3A_936] {strides = array<i32>} : memref<4x200x64xf32, #tpu.memory_space<vmem>>, vector<1x1x16xf32>,
        %get3A_938 = vector.shape_cast %get3A_937 : vector<1x1x16xf32> to vector<16xf32>
        %mul3A_939 = arith.constant 8.000000e+00 : f32
        %mul3A_940 = vector.broadcast %mul3A_939 : f32 to vector<16xf32>
        %mul3A_941 = arith.mulf %get3A_938, %mul3A_940 : vector<16xf32>
        %swap3A_942 = arith.constant 1 : i32
        %swap3A_943 = arith.index_cast %swap3A_942 : i32 to index
        %swap3A_944 = arith.index_cast %add3A_932 : i32 to index
        %swap3A_945 = arith.constant 0 : index
        %swap3A_946 = tpu.vector_load %arg6[%swap3A_943, %swap3A_944, %swap3A_945] {strides = array<i32>} : memref<4x200x64xf32, #tpu.memory_space<vmem>>, vector<1x1x16xf32>,
        %swap3A_947 = vector.shape_cast %swap3A_946 : vector<1x1x16xf32> to vector<16xf32>
        %swap3A_948 = vector.shape_cast %mul3A_941 : vector<16xf32> to vector<1x1x16xf32>
        tpu.vector_store %arg6[%swap3A_943, %swap3A_944, %swap3A_945], %swap3A_948 {strides = array<i32>} : memref<4x200x64xf32, #tpu.memory_space<vmem>>, vector<1x1x16xf32>,
        %add3A_949 = arith.constant 7 : i32
        %add3A_950 = arith.addi %mul3A_428, %add3A_949 : i32
        %get3A_951 = arith.constant 1 : i32
        %get3A_952 = arith.index_cast %get3A_951 : i32 to index
        %get3A_953 = arith.index_cast %add3A_950 : i32 to index
        %get3A_954 = arith.constant 16 : index
        %get3A_955 = tpu.vector_load %arg6[%get3A_952, %get3A_953, %get3A_954] {strides = array<i32>} : memref<4x200x64xf32, #tpu.memory_space<vmem>>, vector<1x1x16xf32>,
        %get3A_956 = vector.shape_cast %get3A_955 : vector<1x1x16xf32> to vector<16xf32>
        %mul3A_957 = arith.constant 8.000000e+00 : f32
        %mul3A_958 = vector.broadcast %mul3A_957 : f32 to vector<16xf32>
        %mul3A_959 = arith.mulf %get3A_956, %mul3A_958 : vector<16xf32>
        %swap3A_960 = arith.constant 1 : i32
        %swap3A_961 = arith.index_cast %swap3A_960 : i32 to index
        %swap3A_962 = arith.index_cast %add3A_950 : i32 to index
        %swap3A_963 = arith.constant 16 : index
        %swap3A_964 = tpu.vector_load %arg6[%swap3A_961, %swap3A_962, %swap3A_963] {strides = array<i32>} : memref<4x200x64xf32, #tpu.memory_space<vmem>>, vector<1x1x16xf32>,
        %swap3A_965 = vector.shape_cast %swap3A_964 : vector<1x1x16xf32> to vector<16xf32>
        %swap3A_966 = vector.shape_cast %mul3A_959 : vector<16xf32> to vector<1x1x16xf32>
        tpu.vector_store %arg6[%swap3A_961, %swap3A_962, %swap3A_963], %swap3A_966 {strides = array<i32>} : memref<4x200x64xf32, #tpu.memory_space<vmem>>, vector<1x1x16xf32>,
        %add3A_967 = arith.constant 7 : i32
        %add3A_968 = arith.addi %mul3A_428, %add3A_967 : i32
        %get3A_969 = arith.constant 1 : i32
        %get3A_970 = arith.index_cast %get3A_969 : i32 to index
        %get3A_971 = arith.index_cast %add3A_968 : i32 to index
        %get3A_972 = arith.constant 32 : index
        %get3A_973 = tpu.vector_load %arg6[%get3A_970, %get3A_971, %get3A_972] {strides = array<i32>} : memref<4x200x64xf32, #tpu.memory_space<vmem>>, vector<1x1x16xf32>,
        %get3A_974 = vector.shape_cast %get3A_973 : vector<1x1x16xf32> to vector<16xf32>
        %mul3A_975 = arith.constant 8.000000e+00 : f32
        %mul3A_976 = vector.broadcast %mul3A_975 : f32 to vector<16xf32>
        %mul3A_977 = arith.mulf %get3A_974, %mul3A_976 : vector<16xf32>
        %swap3A_978 = arith.constant 1 : i32
        %swap3A_979 = arith.index_cast %swap3A_978 : i32 to index
        %swap3A_980 = arith.index_cast %add3A_968 : i32 to index
        %swap3A_981 = arith.constant 32 : index
        %swap3A_982 = tpu.vector_load %arg6[%swap3A_979, %swap3A_980, %swap3A_981] {strides = array<i32>} : memref<4x200x64xf32, #tpu.memory_space<vmem>>, vector<1x1x16xf32>,
        %swap3A_983 = vector.shape_cast %swap3A_982 : vector<1x1x16xf32> to vector<16xf32>
        %swap3A_984 = vector.shape_cast %mul3A_977 : vector<16xf32> to vector<1x1x16xf32>
        tpu.vector_store %arg6[%swap3A_979, %swap3A_980, %swap3A_981], %swap3A_984 {strides = array<i32>} : memref<4x200x64xf32, #tpu.memory_space<vmem>>, vector<1x1x16xf32>,
        %add3A_985 = arith.constant 7 : i32
        %add3A_986 = arith.addi %mul3A_428, %add3A_985 : i32
        %get3A_987 = arith.constant 1 : i32
        %get3A_988 = arith.index_cast %get3A_987 : i32 to index
        %get3A_989 = arith.index_cast %add3A_986 : i32 to index
        %get3A_990 = arith.constant 48 : index
        %get3A_991 = tpu.vector_load %arg6[%get3A_988, %get3A_989, %get3A_990] {strides = array<i32>} : memref<4x200x64xf32, #tpu.memory_space<vmem>>, vector<1x1x16xf32>,
        %get3A_992 = vector.shape_cast %get3A_991 : vector<1x1x16xf32> to vector<16xf32>
        %mul3A_993 = arith.constant 8.000000e+00 : f32
        %mul3A_994 = vector.broadcast %mul3A_993 : f32 to vector<16xf32>
        %mul3A_995 = arith.mulf %get3A_992, %mul3A_994 : vector<16xf32>
        %swap3A_996 = arith.constant 1 : i32
        %swap3A_997 = arith.index_cast %swap3A_996 : i32 to index
        %swap3A_998 = arith.index_cast %add3A_986 : i32 to index
        %swap3A_999 = arith.constant 48 : index
        %swap3A_1000 = tpu.vector_load %arg6[%swap3A_997, %swap3A_998, %swap3A_999] {strides = array<i32>} : memref<4x200x64xf32, #tpu.memory_space<vmem>>, vector<1x1x16xf32>,
        %swap3A_1001 = vector.shape_cast %swap3A_1000 : vector<1x1x16xf32> to vector<16xf32>
        %swap3A_1002 = vector.shape_cast %mul3A_995 : vector<16xf32> to vector<1x1x16xf32>
        tpu.vector_store %arg6[%swap3A_997, %swap3A_998, %swap3A_999], %swap3A_1002 {strides = array<i32>} : memref<4x200x64xf32, #tpu.memory_space<vmem>>, vector<1x1x16xf32>,
      }
      %scan3A_281 = arith.constant 25 : i32
      %add3A_282 = arith.addi %mul3A_2, %add3A_237 : i32
      %mul3A_283 = arith.constant 200 : i32
      %mul3A_284 = arith.muli %add3A_282, %mul3A_283 : i32
      %dma_start3A_285 = arith.constant 1 : i32
      %dma_start3A_286 = arith.constant 0 : i32
      %dma_start3A_287 = arith.constant 0 : i32
      %dma_start3A_288 = tpu.memref_slice %arg6[%dma_start3A_285, %dma_start3A_286, %dma_start3A_287] : memref<4x200x64xf32, #tpu.memory_space<vmem>> -> memref<1x200x64xf32, #tpu.memory_space<vmem>>
      %dma_start3A_289 = tpu.memref_squeeze %dma_start3A_288 : memref<1x200x64xf32, #tpu.memory_space<vmem>> -> memref<200x64xf32, #tpu.memory_space<vmem>>
      %dma_start3A_290 = arith.constant 0 : i32
      %dma_start3A_291 = tpu.memref_slice %arg4[%mul3A_284, %dma_start3A_290] : memref<3276800x128xf32, #tpu.memory_space<hbm>> -> memref<200x64xf32, #tpu.memory_space<hbm>>
      %dma_start3A_292 = arith.constant 0 : i32
      %dma_start3A_293 = tpu.memref_slice %arg4[%mul3A_284, %dma_start3A_292] : memref<3276800x128xf32, #tpu.memory_space<hbm>> -> memref<200x64xf32, #tpu.memory_space<hbm>>
      %dma_start3A_294 = arith.constant 0 : i32
      %dma_start3A_295 = arith.constant 0 : i32
      %dma_start3A_296 = tpu.memref_slice %arg6[%dma_start3A_285, %dma_start3A_294, %dma_start3A_295] : memref<4x200x64xf32, #tpu.memory_space<vmem>> -> memref<1x200x64xf32, #tpu.memory_space<vmem>>
      %dma_start3A_297 = tpu.memref_squeeze %dma_start3A_296 : memref<1x200x64xf32, #tpu.memory_space<vmem>> -> memref<200x64xf32, #tpu.memory_space<vmem>>
      tpu.enqueue_dma source(%dma_start3A_297 : memref<200x64xf32, #tpu.memory_space<vmem>>) target(%dma_start3A_293 : memref<200x64xf32, #tpu.memory_space<hbm>>) target_semaphore(%arg12 : memref<!tpu.dma_semaphore, #tpu.memory_space<semaphore_mem>>)
      %mul3A_298 = arith.constant 4 : i32
      %mul3A_299 = arith.muli %mul3A_298, %scan3A_172 : i32
      %add3A_300 = arith.constant 2 : i32
      %add3A_301 = arith.addi %mul3A_299, %add3A_300 : i32
      %add3A_302 = arith.constant 2 : i32
      %add3A_303 = arith.addi %add3A_301, %add3A_302 : i32
      %lt3A_304 = arith.constant 512 : i32
      %lt3A_305 = arith.cmpi slt, %add3A_303, %lt3A_304 : i32
      %convert_element_type3A_306 = arith.extui %lt3A_305 : i1 to i32
      %cond3A_307 = arith.constant 0 : i32
      %cond3A_308 = arith.cmpi ne, %convert_element_type3A_306, %cond3A_307 : i32
      scf.if %cond3A_308 {
        %ge3A = arith.constant 2 : i32
        %ge3A_426 = arith.cmpi sge, %add3A_301, %ge3A : i32
        %convert_element_type3A_427 = arith.extui %ge3A_426 : i1 to i32
        %cond3A_428 = arith.constant 0 : i32
        %cond3A_429 = arith.cmpi ne, %convert_element_type3A_427, %cond3A_428 : i32
        scf.if %cond3A_429 {
          %mul3A_469 = arith.constant 200 : i32
          %mul3A_470 = arith.muli %mul3A_2, %mul3A_469 : i32
          %dma_wait3A_471 = arith.constant 0 : i32
          %dma_wait3A_472 = arith.constant 0 : i32
          %dma_wait3A_473 = arith.constant 0 : i32
          %dma_wait3A_474 = tpu.memref_slice %arg6[%dma_wait3A_471, %dma_wait3A_472, %dma_wait3A_473] : memref<4x200x64xf32, #tpu.memory_space<vmem>> -> memref<1x200x64xf32, #tpu.memory_space<vmem>>
          %dma_wait3A_475 = tpu.memref_squeeze %dma_wait3A_474 : memref<1x200x64xf32, #tpu.memory_space<vmem>> -> memref<200x64xf32, #tpu.memory_space<vmem>>
          %dma_wait3A_476 = arith.constant 0 : i32
          %dma_wait3A_477 = tpu.memref_slice %arg4[%mul3A_470, %dma_wait3A_476] : memref<3276800x128xf32, #tpu.memory_space<hbm>> -> memref<200x64xf32, #tpu.memory_space<hbm>>
          %dma_wait3A_478 = arith.constant 0 : i32
          %dma_wait3A_479 = tpu.memref_slice %arg4[%mul3A_470, %dma_wait3A_478] : memref<3276800x128xf32, #tpu.memory_space<hbm>> -> memref<200x64xf32, #tpu.memory_space<hbm>>
          %dma_wait3A_480 = arith.constant 0 : i32
          %dma_wait3A_481 = arith.constant 0 : i32
          %dma_wait3A_482 = tpu.memref_slice %arg6[%dma_wait3A_471, %dma_wait3A_480, %dma_wait3A_481] : memref<4x200x64xf32, #tpu.memory_space<vmem>> -> memref<1x200x64xf32, #tpu.memory_space<vmem>>
          %dma_wait3A_483 = tpu.memref_squeeze %dma_wait3A_482 : memref<1x200x64xf32, #tpu.memory_space<vmem>> -> memref<200x64xf32, #tpu.memory_space<vmem>>
          tpu.wait_dma2 semaphore(%arg11 : memref<!tpu.dma_semaphore, #tpu.memory_space<semaphore_mem>>) src(%dma_wait3A_483 : memref<200x64xf32, #tpu.memory_space<vmem>>) dst(%dma_wait3A_479 : memref<200x64xf32, #tpu.memory_space<hbm>>)
        } else {
        }
        %dma_wait3A_430 = arith.constant 0 : i32
        %dma_wait3A_431 = arith.constant 0 : i32
        %dma_wait3A_432 = tpu.memref_slice %arg5[%dma_wait3A_430, %dma_wait3A_431] : memref<4x200xi32, #tpu.memory_space<vmem>> -> memref<1x200xi32, #tpu.memory_space<vmem>>
        %dma_wait3A_433 = tpu.memref_squeeze %dma_wait3A_432 : memref<1x200xi32, #tpu.memory_space<vmem>> -> memref<200xi32, #tpu.memory_space<vmem>>
        %dma_wait3A_434 = arith.constant 0 : i32
        %dma_wait3A_435 = tpu.memref_slice %arg2[%mul3A_2, %dma_wait3A_434] : memref<16384x200xi32, #tpu.memory_space<hbm>> -> memref<1x200xi32, #tpu.memory_space<hbm>>
        %dma_wait3A_436 = tpu.memref_squeeze %dma_wait3A_435 : memref<1x200xi32, #tpu.memory_space<hbm>> -> memref<200xi32, #tpu.memory_space<hbm>>
        %dma_wait3A_437 = arith.constant 0 : i32
        %dma_wait3A_438 = tpu.memref_slice %arg5[%dma_wait3A_430, %dma_wait3A_437] : memref<4x200xi32, #tpu.memory_space<vmem>> -> memref<1x200xi32, #tpu.memory_space<vmem>>
        %dma_wait3A_439 = tpu.memref_squeeze %dma_wait3A_438 : memref<1x200xi32, #tpu.memory_space<vmem>> -> memref<200xi32, #tpu.memory_space<vmem>>
        %dma_wait3A_440 = arith.constant 0 : i32
        %dma_wait3A_441 = tpu.memref_slice %arg2[%mul3A_2, %dma_wait3A_440] : memref<16384x200xi32, #tpu.memory_space<hbm>> -> memref<1x200xi32, #tpu.memory_space<hbm>>
        %dma_wait3A_442 = tpu.memref_squeeze %dma_wait3A_441 : memref<1x200xi32, #tpu.memory_space<hbm>> -> memref<200xi32, #tpu.memory_space<hbm>>
        tpu.wait_dma2 semaphore(%arg15 : memref<!tpu.dma_semaphore, #tpu.memory_space<semaphore_mem>>) src(%dma_wait3A_442 : memref<200xi32, #tpu.memory_space<hbm>>) dst(%dma_wait3A_439 : memref<200xi32, #tpu.memory_space<vmem>>)
        %add3A_443 = arith.constant 2 : i32
        %add3A_444 = arith.addi %add3A_301, %add3A_443 : i32
        %dma_start3A_445 = arith.constant 0 : i32
        %dma_start3A_446 = arith.constant 0 : i32
        %dma_start3A_447 = arith.constant 0 : i32
        %dma_start3A_448 = arith.constant 0 : i32
        %dma_start3A_449 = tpu.memref_slice %arg6[%dma_start3A_446, %dma_start3A_447, %dma_start3A_448] : memref<4x200x64xf32, #tpu.memory_space<vmem>> -> memref<1x128x64xf32, #tpu.memory_space<vmem>>
        %dma_start3A_450 = tpu.memref_squeeze %dma_start3A_449 : memref<1x128x64xf32, #tpu.memory_space<vmem>> -> memref<128x64xf32, #tpu.memory_space<vmem>>
        %dma_start3A_451 = arith.constant 0 : i32
        %dma_start3A_452 = tpu.memref_slice %arg5[%dma_start3A_445, %dma_start3A_451] : memref<4x200xi32, #tpu.memory_space<vmem>> -> memref<1x128xi32, #tpu.memory_space<vmem>>
        %dma_start3A_453 = tpu.memref_squeeze %dma_start3A_452 : memref<1x128xi32, #tpu.memory_space<vmem>> -> memref<128xi32, #tpu.memory_space<vmem>>
        %dma_start3A_454 = arith.constant 0 : i32
        %dma_start3A_455 = arith.constant 0 : i32
        %dma_start3A_456 = tpu.memref_slice %arg3[%dma_start3A_454, %dma_start3A_455] : memref<1000000x64xf32, #tpu.memory_space<hbm>> -> memref<1000000x64xf32, #tpu.memory_space<hbm>>
        tpu.enqueue_indirect_dma source(%dma_start3A_456 : memref<1000000x64xf32, #tpu.memory_space<hbm>>) target(%dma_start3A_450 : memref<128x64xf32, #tpu.memory_space<vmem>>) offsets(%dma_start3A_453 : memref<128xi32, #tpu.memory_space<vmem>>) semaphore(%arg7 : memref<!tpu.dma_semaphore, #tpu.memory_space<semaphore_mem>>)
        %dma_start3A_457 = arith.constant 0 : i32
        %dma_start3A_458 = arith.constant 0 : i32
        %dma_start3A_459 = arith.constant 128 : i32
        %dma_start3A_460 = arith.constant 0 : i32
        %dma_start3A_461 = tpu.memref_slice %arg6[%dma_start3A_458, %dma_start3A_459, %dma_start3A_460] : memref<4x200x64xf32, #tpu.memory_space<vmem>> -> memref<1x72x64xf32, #tpu.memory_space<vmem>>
        %dma_start3A_462 = tpu.memref_squeeze %dma_start3A_461 : memref<1x72x64xf32, #tpu.memory_space<vmem>> -> memref<72x64xf32, #tpu.memory_space<vmem>>
        %dma_start3A_463 = arith.constant 128 : i32
        %dma_start3A_464 = tpu.memref_slice %arg5[%dma_start3A_457, %dma_start3A_463] : memref<4x200xi32, #tpu.memory_space<vmem>> -> memref<1x72xi32, #tpu.memory_space<vmem>>
        %dma_start3A_465 = tpu.memref_squeeze %dma_start3A_464 : memref<1x72xi32, #tpu.memory_space<vmem>> -> memref<72xi32, #tpu.memory_space<vmem>>
        %dma_start3A_466 = arith.constant 0 : i32
        %dma_start3A_467 = arith.constant 0 : i32
        %dma_start3A_468 = tpu.memref_slice %arg3[%dma_start3A_466, %dma_start3A_467] : memref<1000000x64xf32, #tpu.memory_space<hbm>> -> memref<1000000x64xf32, #tpu.memory_space<hbm>>
        tpu.enqueue_indirect_dma source(%dma_start3A_468 : memref<1000000x64xf32, #tpu.memory_space<hbm>>) target(%dma_start3A_462 : memref<72x64xf32, #tpu.memory_space<vmem>>) offsets(%dma_start3A_465 : memref<72xi32, #tpu.memory_space<vmem>>) semaphore(%arg7 : memref<!tpu.dma_semaphore, #tpu.memory_space<semaphore_mem>>)
      } else {
      }
      %dma_wait3A_309 = arith.constant 2 : i32
      %dma_wait3A_310 = arith.constant 2 : i32
      %dma_wait3A_311 = arith.constant 0 : i32
      %dma_wait3A_312 = arith.constant 0 : i32
      %dma_wait3A_313 = tpu.memref_slice %arg6[%dma_wait3A_310, %dma_wait3A_311, %dma_wait3A_312] : memref<4x200x64xf32, #tpu.memory_space<vmem>> -> memref<1x128x64xf32, #tpu.memory_space<vmem>>
      %dma_wait3A_314 = tpu.memref_squeeze %dma_wait3A_313 : memref<1x128x64xf32, #tpu.memory_space<vmem>> -> memref<128x64xf32, #tpu.memory_space<vmem>>
      %dma_wait3A_315 = arith.constant 0 : i32
      %dma_wait3A_316 = tpu.memref_slice %arg5[%dma_wait3A_309, %dma_wait3A_315] : memref<4x200xi32, #tpu.memory_space<vmem>> -> memref<1x128xi32, #tpu.memory_space<vmem>>
      %dma_wait3A_317 = tpu.memref_squeeze %dma_wait3A_316 : memref<1x128xi32, #tpu.memory_space<vmem>> -> memref<128xi32, #tpu.memory_space<vmem>>
      %dma_wait3A_318 = arith.constant 0 : i32
      %dma_wait3A_319 = arith.constant 0 : i32
      %dma_wait3A_320 = tpu.memref_slice %arg3[%dma_wait3A_318, %dma_wait3A_319] : memref<1000000x64xf32, #tpu.memory_space<hbm>> -> memref<1000000x64xf32, #tpu.memory_space<hbm>>
      tpu.wait_indirect_dma semaphore(%arg9 : memref<!tpu.dma_semaphore, #tpu.memory_space<semaphore_mem>>) src(%dma_wait3A_320 : memref<1000000x64xf32, #tpu.memory_space<hbm>>) dst(%dma_wait3A_314 : memref<128x64xf32, #tpu.memory_space<vmem>>)
      %dma_wait3A_321 = arith.constant 2 : i32
      %dma_wait3A_322 = arith.constant 2 : i32
      %dma_wait3A_323 = arith.constant 128 : i32
      %dma_wait3A_324 = arith.constant 0 : i32
      %dma_wait3A_325 = tpu.memref_slice %arg6[%dma_wait3A_322, %dma_wait3A_323, %dma_wait3A_324] : memref<4x200x64xf32, #tpu.memory_space<vmem>> -> memref<1x72x64xf32, #tpu.memory_space<vmem>>
      %dma_wait3A_326 = tpu.memref_squeeze %dma_wait3A_325 : memref<1x72x64xf32, #tpu.memory_space<vmem>> -> memref<72x64xf32, #tpu.memory_space<vmem>>
      %dma_wait3A_327 = arith.constant 128 : i32
      %dma_wait3A_328 = tpu.memref_slice %arg5[%dma_wait3A_321, %dma_wait3A_327] : memref<4x200xi32, #tpu.memory_space<vmem>> -> memref<1x72xi32, #tpu.memory_space<vmem>>
      %dma_wait3A_329 = tpu.memref_squeeze %dma_wait3A_328 : memref<1x72xi32, #tpu.memory_space<vmem>> -> memref<72xi32, #tpu.memory_space<vmem>>
      %dma_wait3A_330 = arith.constant 0 : i32
      %dma_wait3A_331 = arith.constant 0 : i32
      %dma_wait3A_332 = tpu.memref_slice %arg3[%dma_wait3A_330, %dma_wait3A_331] : memref<1000000x64xf32, #tpu.memory_space<hbm>> -> memref<1000000x64xf32, #tpu.memory_space<hbm>>
      tpu.wait_indirect_dma semaphore(%arg9 : memref<!tpu.dma_semaphore, #tpu.memory_space<semaphore_mem>>) src(%dma_wait3A_332 : memref<1000000x64xf32, #tpu.memory_space<hbm>>) dst(%dma_wait3A_326 : memref<72x64xf32, #tpu.memory_space<vmem>>)
      %add3A_333 = arith.constant 4 : i32
      %add3A_334 = arith.addi %add3A_301, %add3A_333 : i32
      %lt3A_335 = arith.constant 512 : i32
      %lt3A_336 = arith.cmpi slt, %add3A_334, %lt3A_335 : i32
      %convert_element_type3A_337 = arith.extui %lt3A_336 : i1 to i32
      %cond3A_338 = arith.constant 0 : i32
      %cond3A_339 = arith.cmpi ne, %convert_element_type3A_337, %cond3A_338 : i32
      scf.if %cond3A_339 {
        %add3A_426 = arith.constant 4 : i32
        %add3A_427 = arith.addi %add3A_301, %add3A_426 : i32
        %add3A_428 = arith.addi %mul3A_2, %add3A_427 : i32
        %dma_start3A_429 = arith.constant 2 : i32
        %dma_start3A_430 = arith.constant 0 : i32
        %dma_start3A_431 = tpu.memref_slice %arg5[%dma_start3A_429, %dma_start3A_430] : memref<4x200xi32, #tpu.memory_space<vmem>> -> memref<1x200xi32, #tpu.memory_space<vmem>>
        %dma_start3A_432 = tpu.memref_squeeze %dma_start3A_431 : memref<1x200xi32, #tpu.memory_space<vmem>> -> memref<200xi32, #tpu.memory_space<vmem>>
        %dma_start3A_433 = arith.constant 0 : i32
        %dma_start3A_434 = tpu.memref_slice %arg2[%add3A_428, %dma_start3A_433] : memref<16384x200xi32, #tpu.memory_space<hbm>> -> memref<1x200xi32, #tpu.memory_space<hbm>>
        %dma_start3A_435 = tpu.memref_squeeze %dma_start3A_434 : memref<1x200xi32, #tpu.memory_space<hbm>> -> memref<200xi32, #tpu.memory_space<hbm>>
        %dma_start3A_436 = arith.constant 0 : i32
        %dma_start3A_437 = tpu.memref_slice %arg5[%dma_start3A_429, %dma_start3A_436] : memref<4x200xi32, #tpu.memory_space<vmem>> -> memref<1x200xi32, #tpu.memory_space<vmem>>
        %dma_start3A_438 = tpu.memref_squeeze %dma_start3A_437 : memref<1x200xi32, #tpu.memory_space<vmem>> -> memref<200xi32, #tpu.memory_space<vmem>>
        %dma_start3A_439 = arith.constant 0 : i32
        %dma_start3A_440 = tpu.memref_slice %arg2[%add3A_428, %dma_start3A_439] : memref<16384x200xi32, #tpu.memory_space<hbm>> -> memref<1x200xi32, #tpu.memory_space<hbm>>
        %dma_start3A_441 = tpu.memref_squeeze %dma_start3A_440 : memref<1x200xi32, #tpu.memory_space<hbm>> -> memref<200xi32, #tpu.memory_space<hbm>>
        tpu.enqueue_dma source(%dma_start3A_441 : memref<200xi32, #tpu.memory_space<hbm>>) target(%dma_start3A_438 : memref<200xi32, #tpu.memory_space<vmem>>) target_semaphore(%arg17 : memref<!tpu.dma_semaphore, #tpu.memory_space<semaphore_mem>>)
      } else {
      }
      %scan3A_340 = arith.constant 0 : i32
      %scan3A_341 = arith.constant 0 : i32
      %scan3A_342 = arith.constant 25 : i32
      %scan3A_343 = arith.addi %scan3A_341, %scan3A_342 : i32
      %scan3A_344 = arith.constant 1 : i32
      scf.for %scan3A_426 = %scan3A_341 to %scan3A_343 step %scan3A_344  : i32 {
        %mul3A_427 = arith.constant 8 : i32
        %mul3A_428 = arith.muli %scan3A_426, %mul3A_427 : i32
        %add3A_429 = arith.constant 0 : i32
        %add3A_430 = arith.addi %mul3A_428, %add3A_429 : i32
        %get3A = arith.constant 2 : i32
        %get3A_431 = arith.index_cast %get3A : i32 to index
        %get3A_432 = arith.index_cast %add3A_430 : i32 to index
        %get3A_433 = arith.constant 0 : index
        %get3A_434 = tpu.vector_load %arg6[%get3A_431, %get3A_432, %get3A_433] {strides = array<i32>} : memref<4x200x64xf32, #tpu.memory_space<vmem>>, vector<1x1x16xf32>,
        %get3A_435 = vector.shape_cast %get3A_434 : vector<1x1x16xf32> to vector<16xf32>
        %mul3A_436 = arith.constant 8.000000e+00 : f32
        %mul3A_437 = vector.broadcast %mul3A_436 : f32 to vector<16xf32>
        %mul3A_438 = arith.mulf %get3A_435, %mul3A_437 : vector<16xf32>
        %swap3A = arith.constant 2 : i32
        %swap3A_439 = arith.index_cast %swap3A : i32 to index
        %swap3A_440 = arith.index_cast %add3A_430 : i32 to index
        %swap3A_441 = arith.constant 0 : index
        %swap3A_442 = tpu.vector_load %arg6[%swap3A_439, %swap3A_440, %swap3A_441] {strides = array<i32>} : memref<4x200x64xf32, #tpu.memory_space<vmem>>, vector<1x1x16xf32>,
        %swap3A_443 = vector.shape_cast %swap3A_442 : vector<1x1x16xf32> to vector<16xf32>
        %swap3A_444 = vector.shape_cast %mul3A_438 : vector<16xf32> to vector<1x1x16xf32>
        tpu.vector_store %arg6[%swap3A_439, %swap3A_440, %swap3A_441], %swap3A_444 {strides = array<i32>} : memref<4x200x64xf32, #tpu.memory_space<vmem>>, vector<1x1x16xf32>,
        %add3A_445 = arith.constant 0 : i32
        %add3A_446 = arith.addi %mul3A_428, %add3A_445 : i32
        %get3A_447 = arith.constant 2 : i32
        %get3A_448 = arith.index_cast %get3A_447 : i32 to index
        %get3A_449 = arith.index_cast %add3A_446 : i32 to index
        %get3A_450 = arith.constant 16 : index
        %get3A_451 = tpu.vector_load %arg6[%get3A_448, %get3A_449, %get3A_450] {strides = array<i32>} : memref<4x200x64xf32, #tpu.memory_space<vmem>>, vector<1x1x16xf32>,
        %get3A_452 = vector.shape_cast %get3A_451 : vector<1x1x16xf32> to vector<16xf32>
        %mul3A_453 = arith.constant 8.000000e+00 : f32
        %mul3A_454 = vector.broadcast %mul3A_453 : f32 to vector<16xf32>
        %mul3A_455 = arith.mulf %get3A_452, %mul3A_454 : vector<16xf32>
        %swap3A_456 = arith.constant 2 : i32
        %swap3A_457 = arith.index_cast %swap3A_456 : i32 to index
        %swap3A_458 = arith.index_cast %add3A_446 : i32 to index
        %swap3A_459 = arith.constant 16 : index
        %swap3A_460 = tpu.vector_load %arg6[%swap3A_457, %swap3A_458, %swap3A_459] {strides = array<i32>} : memref<4x200x64xf32, #tpu.memory_space<vmem>>, vector<1x1x16xf32>,
        %swap3A_461 = vector.shape_cast %swap3A_460 : vector<1x1x16xf32> to vector<16xf32>
        %swap3A_462 = vector.shape_cast %mul3A_455 : vector<16xf32> to vector<1x1x16xf32>
        tpu.vector_store %arg6[%swap3A_457, %swap3A_458, %swap3A_459], %swap3A_462 {strides = array<i32>} : memref<4x200x64xf32, #tpu.memory_space<vmem>>, vector<1x1x16xf32>,
        %add3A_463 = arith.constant 0 : i32
        %add3A_464 = arith.addi %mul3A_428, %add3A_463 : i32
        %get3A_465 = arith.constant 2 : i32
        %get3A_466 = arith.index_cast %get3A_465 : i32 to index
        %get3A_467 = arith.index_cast %add3A_464 : i32 to index
        %get3A_468 = arith.constant 32 : index
        %get3A_469 = tpu.vector_load %arg6[%get3A_466, %get3A_467, %get3A_468] {strides = array<i32>} : memref<4x200x64xf32, #tpu.memory_space<vmem>>, vector<1x1x16xf32>,
        %get3A_470 = vector.shape_cast %get3A_469 : vector<1x1x16xf32> to vector<16xf32>
        %mul3A_471 = arith.constant 8.000000e+00 : f32
        %mul3A_472 = vector.broadcast %mul3A_471 : f32 to vector<16xf32>
        %mul3A_473 = arith.mulf %get3A_470, %mul3A_472 : vector<16xf32>
        %swap3A_474 = arith.constant 2 : i32
        %swap3A_475 = arith.index_cast %swap3A_474 : i32 to index
        %swap3A_476 = arith.index_cast %add3A_464 : i32 to index
        %swap3A_477 = arith.constant 32 : index
        %swap3A_478 = tpu.vector_load %arg6[%swap3A_475, %swap3A_476, %swap3A_477] {strides = array<i32>} : memref<4x200x64xf32, #tpu.memory_space<vmem>>, vector<1x1x16xf32>,
        %swap3A_479 = vector.shape_cast %swap3A_478 : vector<1x1x16xf32> to vector<16xf32>
        %swap3A_480 = vector.shape_cast %mul3A_473 : vector<16xf32> to vector<1x1x16xf32>
        tpu.vector_store %arg6[%swap3A_475, %swap3A_476, %swap3A_477], %swap3A_480 {strides = array<i32>} : memref<4x200x64xf32, #tpu.memory_space<vmem>>, vector<1x1x16xf32>,
        %add3A_481 = arith.constant 0 : i32
        %add3A_482 = arith.addi %mul3A_428, %add3A_481 : i32
        %get3A_483 = arith.constant 2 : i32
        %get3A_484 = arith.index_cast %get3A_483 : i32 to index
        %get3A_485 = arith.index_cast %add3A_482 : i32 to index
        %get3A_486 = arith.constant 48 : index
        %get3A_487 = tpu.vector_load %arg6[%get3A_484, %get3A_485, %get3A_486] {strides = array<i32>} : memref<4x200x64xf32, #tpu.memory_space<vmem>>, vector<1x1x16xf32>,
        %get3A_488 = vector.shape_cast %get3A_487 : vector<1x1x16xf32> to vector<16xf32>
        %mul3A_489 = arith.constant 8.000000e+00 : f32
        %mul3A_490 = vector.broadcast %mul3A_489 : f32 to vector<16xf32>
        %mul3A_491 = arith.mulf %get3A_488, %mul3A_490 : vector<16xf32>
        %swap3A_492 = arith.constant 2 : i32
        %swap3A_493 = arith.index_cast %swap3A_492 : i32 to index
        %swap3A_494 = arith.index_cast %add3A_482 : i32 to index
        %swap3A_495 = arith.constant 48 : index
        %swap3A_496 = tpu.vector_load %arg6[%swap3A_493, %swap3A_494, %swap3A_495] {strides = array<i32>} : memref<4x200x64xf32, #tpu.memory_space<vmem>>, vector<1x1x16xf32>,
        %swap3A_497 = vector.shape_cast %swap3A_496 : vector<1x1x16xf32> to vector<16xf32>
        %swap3A_498 = vector.shape_cast %mul3A_491 : vector<16xf32> to vector<1x1x16xf32>
        tpu.vector_store %arg6[%swap3A_493, %swap3A_494, %swap3A_495], %swap3A_498 {strides = array<i32>} : memref<4x200x64xf32, #tpu.memory_space<vmem>>, vector<1x1x16xf32>,
        %add3A_499 = arith.constant 1 : i32
        %add3A_500 = arith.addi %mul3A_428, %add3A_499 : i32
        %get3A_501 = arith.constant 2 : i32
        %get3A_502 = arith.index_cast %get3A_501 : i32 to index
        %get3A_503 = arith.index_cast %add3A_500 : i32 to index
        %get3A_504 = arith.constant 0 : index
        %get3A_505 = tpu.vector_load %arg6[%get3A_502, %get3A_503, %get3A_504] {strides = array<i32>} : memref<4x200x64xf32, #tpu.memory_space<vmem>>, vector<1x1x16xf32>,
        %get3A_506 = vector.shape_cast %get3A_505 : vector<1x1x16xf32> to vector<16xf32>
        %mul3A_507 = arith.constant 8.000000e+00 : f32
        %mul3A_508 = vector.broadcast %mul3A_507 : f32 to vector<16xf32>
        %mul3A_509 = arith.mulf %get3A_506, %mul3A_508 : vector<16xf32>
        %swap3A_510 = arith.constant 2 : i32
        %swap3A_511 = arith.index_cast %swap3A_510 : i32 to index
        %swap3A_512 = arith.index_cast %add3A_500 : i32 to index
        %swap3A_513 = arith.constant 0 : index
        %swap3A_514 = tpu.vector_load %arg6[%swap3A_511, %swap3A_512, %swap3A_513] {strides = array<i32>} : memref<4x200x64xf32, #tpu.memory_space<vmem>>, vector<1x1x16xf32>,
        %swap3A_515 = vector.shape_cast %swap3A_514 : vector<1x1x16xf32> to vector<16xf32>
        %swap3A_516 = vector.shape_cast %mul3A_509 : vector<16xf32> to vector<1x1x16xf32>
        tpu.vector_store %arg6[%swap3A_511, %swap3A_512, %swap3A_513], %swap3A_516 {strides = array<i32>} : memref<4x200x64xf32, #tpu.memory_space<vmem>>, vector<1x1x16xf32>,
        %add3A_517 = arith.constant 1 : i32
        %add3A_518 = arith.addi %mul3A_428, %add3A_517 : i32
        %get3A_519 = arith.constant 2 : i32
        %get3A_520 = arith.index_cast %get3A_519 : i32 to index
        %get3A_521 = arith.index_cast %add3A_518 : i32 to index
        %get3A_522 = arith.constant 16 : index
        %get3A_523 = tpu.vector_load %arg6[%get3A_520, %get3A_521, %get3A_522] {strides = array<i32>} : memref<4x200x64xf32, #tpu.memory_space<vmem>>, vector<1x1x16xf32>,
        %get3A_524 = vector.shape_cast %get3A_523 : vector<1x1x16xf32> to vector<16xf32>
        %mul3A_525 = arith.constant 8.000000e+00 : f32
        %mul3A_526 = vector.broadcast %mul3A_525 : f32 to vector<16xf32>
        %mul3A_527 = arith.mulf %get3A_524, %mul3A_526 : vector<16xf32>
        %swap3A_528 = arith.constant 2 : i32
        %swap3A_529 = arith.index_cast %swap3A_528 : i32 to index
        %swap3A_530 = arith.index_cast %add3A_518 : i32 to index
        %swap3A_531 = arith.constant 16 : index
        %swap3A_532 = tpu.vector_load %arg6[%swap3A_529, %swap3A_530, %swap3A_531] {strides = array<i32>} : memref<4x200x64xf32, #tpu.memory_space<vmem>>, vector<1x1x16xf32>,
        %swap3A_533 = vector.shape_cast %swap3A_532 : vector<1x1x16xf32> to vector<16xf32>
        %swap3A_534 = vector.shape_cast %mul3A_527 : vector<16xf32> to vector<1x1x16xf32>
        tpu.vector_store %arg6[%swap3A_529, %swap3A_530, %swap3A_531], %swap3A_534 {strides = array<i32>} : memref<4x200x64xf32, #tpu.memory_space<vmem>>, vector<1x1x16xf32>,
        %add3A_535 = arith.constant 1 : i32
        %add3A_536 = arith.addi %mul3A_428, %add3A_535 : i32
        %get3A_537 = arith.constant 2 : i32
        %get3A_538 = arith.index_cast %get3A_537 : i32 to index
        %get3A_539 = arith.index_cast %add3A_536 : i32 to index
        %get3A_540 = arith.constant 32 : index
        %get3A_541 = tpu.vector_load %arg6[%get3A_538, %get3A_539, %get3A_540] {strides = array<i32>} : memref<4x200x64xf32, #tpu.memory_space<vmem>>, vector<1x1x16xf32>,
        %get3A_542 = vector.shape_cast %get3A_541 : vector<1x1x16xf32> to vector<16xf32>
        %mul3A_543 = arith.constant 8.000000e+00 : f32
        %mul3A_544 = vector.broadcast %mul3A_543 : f32 to vector<16xf32>
        %mul3A_545 = arith.mulf %get3A_542, %mul3A_544 : vector<16xf32>
        %swap3A_546 = arith.constant 2 : i32
        %swap3A_547 = arith.index_cast %swap3A_546 : i32 to index
        %swap3A_548 = arith.index_cast %add3A_536 : i32 to index
        %swap3A_549 = arith.constant 32 : index
        %swap3A_550 = tpu.vector_load %arg6[%swap3A_547, %swap3A_548, %swap3A_549] {strides = array<i32>} : memref<4x200x64xf32, #tpu.memory_space<vmem>>, vector<1x1x16xf32>,
        %swap3A_551 = vector.shape_cast %swap3A_550 : vector<1x1x16xf32> to vector<16xf32>
        %swap3A_552 = vector.shape_cast %mul3A_545 : vector<16xf32> to vector<1x1x16xf32>
        tpu.vector_store %arg6[%swap3A_547, %swap3A_548, %swap3A_549], %swap3A_552 {strides = array<i32>} : memref<4x200x64xf32, #tpu.memory_space<vmem>>, vector<1x1x16xf32>,
        %add3A_553 = arith.constant 1 : i32
        %add3A_554 = arith.addi %mul3A_428, %add3A_553 : i32
        %get3A_555 = arith.constant 2 : i32
        %get3A_556 = arith.index_cast %get3A_555 : i32 to index
        %get3A_557 = arith.index_cast %add3A_554 : i32 to index
        %get3A_558 = arith.constant 48 : index
        %get3A_559 = tpu.vector_load %arg6[%get3A_556, %get3A_557, %get3A_558] {strides = array<i32>} : memref<4x200x64xf32, #tpu.memory_space<vmem>>, vector<1x1x16xf32>,
        %get3A_560 = vector.shape_cast %get3A_559 : vector<1x1x16xf32> to vector<16xf32>
        %mul3A_561 = arith.constant 8.000000e+00 : f32
        %mul3A_562 = vector.broadcast %mul3A_561 : f32 to vector<16xf32>
        %mul3A_563 = arith.mulf %get3A_560, %mul3A_562 : vector<16xf32>
        %swap3A_564 = arith.constant 2 : i32
        %swap3A_565 = arith.index_cast %swap3A_564 : i32 to index
        %swap3A_566 = arith.index_cast %add3A_554 : i32 to index
        %swap3A_567 = arith.constant 48 : index
        %swap3A_568 = tpu.vector_load %arg6[%swap3A_565, %swap3A_566, %swap3A_567] {strides = array<i32>} : memref<4x200x64xf32, #tpu.memory_space<vmem>>, vector<1x1x16xf32>,
        %swap3A_569 = vector.shape_cast %swap3A_568 : vector<1x1x16xf32> to vector<16xf32>
        %swap3A_570 = vector.shape_cast %mul3A_563 : vector<16xf32> to vector<1x1x16xf32>
        tpu.vector_store %arg6[%swap3A_565, %swap3A_566, %swap3A_567], %swap3A_570 {strides = array<i32>} : memref<4x200x64xf32, #tpu.memory_space<vmem>>, vector<1x1x16xf32>,
        %add3A_571 = arith.constant 2 : i32
        %add3A_572 = arith.addi %mul3A_428, %add3A_571 : i32
        %get3A_573 = arith.constant 2 : i32
        %get3A_574 = arith.index_cast %get3A_573 : i32 to index
        %get3A_575 = arith.index_cast %add3A_572 : i32 to index
        %get3A_576 = arith.constant 0 : index
        %get3A_577 = tpu.vector_load %arg6[%get3A_574, %get3A_575, %get3A_576] {strides = array<i32>} : memref<4x200x64xf32, #tpu.memory_space<vmem>>, vector<1x1x16xf32>,
        %get3A_578 = vector.shape_cast %get3A_577 : vector<1x1x16xf32> to vector<16xf32>
        %mul3A_579 = arith.constant 8.000000e+00 : f32
        %mul3A_580 = vector.broadcast %mul3A_579 : f32 to vector<16xf32>
        %mul3A_581 = arith.mulf %get3A_578, %mul3A_580 : vector<16xf32>
        %swap3A_582 = arith.constant 2 : i32
        %swap3A_583 = arith.index_cast %swap3A_582 : i32 to index
        %swap3A_584 = arith.index_cast %add3A_572 : i32 to index
        %swap3A_585 = arith.constant 0 : index
        %swap3A_586 = tpu.vector_load %arg6[%swap3A_583, %swap3A_584, %swap3A_585] {strides = array<i32>} : memref<4x200x64xf32, #tpu.memory_space<vmem>>, vector<1x1x16xf32>,
        %swap3A_587 = vector.shape_cast %swap3A_586 : vector<1x1x16xf32> to vector<16xf32>
        %swap3A_588 = vector.shape_cast %mul3A_581 : vector<16xf32> to vector<1x1x16xf32>
        tpu.vector_store %arg6[%swap3A_583, %swap3A_584, %swap3A_585], %swap3A_588 {strides = array<i32>} : memref<4x200x64xf32, #tpu.memory_space<vmem>>, vector<1x1x16xf32>,
        %add3A_589 = arith.constant 2 : i32
        %add3A_590 = arith.addi %mul3A_428, %add3A_589 : i32
        %get3A_591 = arith.constant 2 : i32
        %get3A_592 = arith.index_cast %get3A_591 : i32 to index
        %get3A_593 = arith.index_cast %add3A_590 : i32 to index
        %get3A_594 = arith.constant 16 : index
        %get3A_595 = tpu.vector_load %arg6[%get3A_592, %get3A_593, %get3A_594] {strides = array<i32>} : memref<4x200x64xf32, #tpu.memory_space<vmem>>, vector<1x1x16xf32>,
        %get3A_596 = vector.shape_cast %get3A_595 : vector<1x1x16xf32> to vector<16xf32>
        %mul3A_597 = arith.constant 8.000000e+00 : f32
        %mul3A_598 = vector.broadcast %mul3A_597 : f32 to vector<16xf32>
        %mul3A_599 = arith.mulf %get3A_596, %mul3A_598 : vector<16xf32>
        %swap3A_600 = arith.constant 2 : i32
        %swap3A_601 = arith.index_cast %swap3A_600 : i32 to index
        %swap3A_602 = arith.index_cast %add3A_590 : i32 to index
        %swap3A_603 = arith.constant 16 : index
        %swap3A_604 = tpu.vector_load %arg6[%swap3A_601, %swap3A_602, %swap3A_603] {strides = array<i32>} : memref<4x200x64xf32, #tpu.memory_space<vmem>>, vector<1x1x16xf32>,
        %swap3A_605 = vector.shape_cast %swap3A_604 : vector<1x1x16xf32> to vector<16xf32>
        %swap3A_606 = vector.shape_cast %mul3A_599 : vector<16xf32> to vector<1x1x16xf32>
        tpu.vector_store %arg6[%swap3A_601, %swap3A_602, %swap3A_603], %swap3A_606 {strides = array<i32>} : memref<4x200x64xf32, #tpu.memory_space<vmem>>, vector<1x1x16xf32>,
        %add3A_607 = arith.constant 2 : i32
        %add3A_608 = arith.addi %mul3A_428, %add3A_607 : i32
        %get3A_609 = arith.constant 2 : i32
        %get3A_610 = arith.index_cast %get3A_609 : i32 to index
        %get3A_611 = arith.index_cast %add3A_608 : i32 to index
        %get3A_612 = arith.constant 32 : index
        %get3A_613 = tpu.vector_load %arg6[%get3A_610, %get3A_611, %get3A_612] {strides = array<i32>} : memref<4x200x64xf32, #tpu.memory_space<vmem>>, vector<1x1x16xf32>,
        %get3A_614 = vector.shape_cast %get3A_613 : vector<1x1x16xf32> to vector<16xf32>
        %mul3A_615 = arith.constant 8.000000e+00 : f32
        %mul3A_616 = vector.broadcast %mul3A_615 : f32 to vector<16xf32>
        %mul3A_617 = arith.mulf %get3A_614, %mul3A_616 : vector<16xf32>
        %swap3A_618 = arith.constant 2 : i32
        %swap3A_619 = arith.index_cast %swap3A_618 : i32 to index
        %swap3A_620 = arith.index_cast %add3A_608 : i32 to index
        %swap3A_621 = arith.constant 32 : index
        %swap3A_622 = tpu.vector_load %arg6[%swap3A_619, %swap3A_620, %swap3A_621] {strides = array<i32>} : memref<4x200x64xf32, #tpu.memory_space<vmem>>, vector<1x1x16xf32>,
        %swap3A_623 = vector.shape_cast %swap3A_622 : vector<1x1x16xf32> to vector<16xf32>
        %swap3A_624 = vector.shape_cast %mul3A_617 : vector<16xf32> to vector<1x1x16xf32>
        tpu.vector_store %arg6[%swap3A_619, %swap3A_620, %swap3A_621], %swap3A_624 {strides = array<i32>} : memref<4x200x64xf32, #tpu.memory_space<vmem>>, vector<1x1x16xf32>,
        %add3A_625 = arith.constant 2 : i32
        %add3A_626 = arith.addi %mul3A_428, %add3A_625 : i32
        %get3A_627 = arith.constant 2 : i32
        %get3A_628 = arith.index_cast %get3A_627 : i32 to index
        %get3A_629 = arith.index_cast %add3A_626 : i32 to index
        %get3A_630 = arith.constant 48 : index
        %get3A_631 = tpu.vector_load %arg6[%get3A_628, %get3A_629, %get3A_630] {strides = array<i32>} : memref<4x200x64xf32, #tpu.memory_space<vmem>>, vector<1x1x16xf32>,
        %get3A_632 = vector.shape_cast %get3A_631 : vector<1x1x16xf32> to vector<16xf32>
        %mul3A_633 = arith.constant 8.000000e+00 : f32
        %mul3A_634 = vector.broadcast %mul3A_633 : f32 to vector<16xf32>
        %mul3A_635 = arith.mulf %get3A_632, %mul3A_634 : vector<16xf32>
        %swap3A_636 = arith.constant 2 : i32
        %swap3A_637 = arith.index_cast %swap3A_636 : i32 to index
        %swap3A_638 = arith.index_cast %add3A_626 : i32 to index
        %swap3A_639 = arith.constant 48 : index
        %swap3A_640 = tpu.vector_load %arg6[%swap3A_637, %swap3A_638, %swap3A_639] {strides = array<i32>} : memref<4x200x64xf32, #tpu.memory_space<vmem>>, vector<1x1x16xf32>,
        %swap3A_641 = vector.shape_cast %swap3A_640 : vector<1x1x16xf32> to vector<16xf32>
        %swap3A_642 = vector.shape_cast %mul3A_635 : vector<16xf32> to vector<1x1x16xf32>
        tpu.vector_store %arg6[%swap3A_637, %swap3A_638, %swap3A_639], %swap3A_642 {strides = array<i32>} : memref<4x200x64xf32, #tpu.memory_space<vmem>>, vector<1x1x16xf32>,
        %add3A_643 = arith.constant 3 : i32
        %add3A_644 = arith.addi %mul3A_428, %add3A_643 : i32
        %get3A_645 = arith.constant 2 : i32
        %get3A_646 = arith.index_cast %get3A_645 : i32 to index
        %get3A_647 = arith.index_cast %add3A_644 : i32 to index
        %get3A_648 = arith.constant 0 : index
        %get3A_649 = tpu.vector_load %arg6[%get3A_646, %get3A_647, %get3A_648] {strides = array<i32>} : memref<4x200x64xf32, #tpu.memory_space<vmem>>, vector<1x1x16xf32>,
        %get3A_650 = vector.shape_cast %get3A_649 : vector<1x1x16xf32> to vector<16xf32>
        %mul3A_651 = arith.constant 8.000000e+00 : f32
        %mul3A_652 = vector.broadcast %mul3A_651 : f32 to vector<16xf32>
        %mul3A_653 = arith.mulf %get3A_650, %mul3A_652 : vector<16xf32>
        %swap3A_654 = arith.constant 2 : i32
        %swap3A_655 = arith.index_cast %swap3A_654 : i32 to index
        %swap3A_656 = arith.index_cast %add3A_644 : i32 to index
        %swap3A_657 = arith.constant 0 : index
        %swap3A_658 = tpu.vector_load %arg6[%swap3A_655, %swap3A_656, %swap3A_657] {strides = array<i32>} : memref<4x200x64xf32, #tpu.memory_space<vmem>>, vector<1x1x16xf32>,
        %swap3A_659 = vector.shape_cast %swap3A_658 : vector<1x1x16xf32> to vector<16xf32>
        %swap3A_660 = vector.shape_cast %mul3A_653 : vector<16xf32> to vector<1x1x16xf32>
        tpu.vector_store %arg6[%swap3A_655, %swap3A_656, %swap3A_657], %swap3A_660 {strides = array<i32>} : memref<4x200x64xf32, #tpu.memory_space<vmem>>, vector<1x1x16xf32>,
        %add3A_661 = arith.constant 3 : i32
        %add3A_662 = arith.addi %mul3A_428, %add3A_661 : i32
        %get3A_663 = arith.constant 2 : i32
        %get3A_664 = arith.index_cast %get3A_663 : i32 to index
        %get3A_665 = arith.index_cast %add3A_662 : i32 to index
        %get3A_666 = arith.constant 16 : index
        %get3A_667 = tpu.vector_load %arg6[%get3A_664, %get3A_665, %get3A_666] {strides = array<i32>} : memref<4x200x64xf32, #tpu.memory_space<vmem>>, vector<1x1x16xf32>,
        %get3A_668 = vector.shape_cast %get3A_667 : vector<1x1x16xf32> to vector<16xf32>
        %mul3A_669 = arith.constant 8.000000e+00 : f32
        %mul3A_670 = vector.broadcast %mul3A_669 : f32 to vector<16xf32>
        %mul3A_671 = arith.mulf %get3A_668, %mul3A_670 : vector<16xf32>
        %swap3A_672 = arith.constant 2 : i32
        %swap3A_673 = arith.index_cast %swap3A_672 : i32 to index
        %swap3A_674 = arith.index_cast %add3A_662 : i32 to index
        %swap3A_675 = arith.constant 16 : index
        %swap3A_676 = tpu.vector_load %arg6[%swap3A_673, %swap3A_674, %swap3A_675] {strides = array<i32>} : memref<4x200x64xf32, #tpu.memory_space<vmem>>, vector<1x1x16xf32>,
        %swap3A_677 = vector.shape_cast %swap3A_676 : vector<1x1x16xf32> to vector<16xf32>
        %swap3A_678 = vector.shape_cast %mul3A_671 : vector<16xf32> to vector<1x1x16xf32>
        tpu.vector_store %arg6[%swap3A_673, %swap3A_674, %swap3A_675], %swap3A_678 {strides = array<i32>} : memref<4x200x64xf32, #tpu.memory_space<vmem>>, vector<1x1x16xf32>,
        %add3A_679 = arith.constant 3 : i32
        %add3A_680 = arith.addi %mul3A_428, %add3A_679 : i32
        %get3A_681 = arith.constant 2 : i32
        %get3A_682 = arith.index_cast %get3A_681 : i32 to index
        %get3A_683 = arith.index_cast %add3A_680 : i32 to index
        %get3A_684 = arith.constant 32 : index
        %get3A_685 = tpu.vector_load %arg6[%get3A_682, %get3A_683, %get3A_684] {strides = array<i32>} : memref<4x200x64xf32, #tpu.memory_space<vmem>>, vector<1x1x16xf32>,
        %get3A_686 = vector.shape_cast %get3A_685 : vector<1x1x16xf32> to vector<16xf32>
        %mul3A_687 = arith.constant 8.000000e+00 : f32
        %mul3A_688 = vector.broadcast %mul3A_687 : f32 to vector<16xf32>
        %mul3A_689 = arith.mulf %get3A_686, %mul3A_688 : vector<16xf32>
        %swap3A_690 = arith.constant 2 : i32
        %swap3A_691 = arith.index_cast %swap3A_690 : i32 to index
        %swap3A_692 = arith.index_cast %add3A_680 : i32 to index
        %swap3A_693 = arith.constant 32 : index
        %swap3A_694 = tpu.vector_load %arg6[%swap3A_691, %swap3A_692, %swap3A_693] {strides = array<i32>} : memref<4x200x64xf32, #tpu.memory_space<vmem>>, vector<1x1x16xf32>,
        %swap3A_695 = vector.shape_cast %swap3A_694 : vector<1x1x16xf32> to vector<16xf32>
        %swap3A_696 = vector.shape_cast %mul3A_689 : vector<16xf32> to vector<1x1x16xf32>
        tpu.vector_store %arg6[%swap3A_691, %swap3A_692, %swap3A_693], %swap3A_696 {strides = array<i32>} : memref<4x200x64xf32, #tpu.memory_space<vmem>>, vector<1x1x16xf32>,
        %add3A_697 = arith.constant 3 : i32
        %add3A_698 = arith.addi %mul3A_428, %add3A_697 : i32
        %get3A_699 = arith.constant 2 : i32
        %get3A_700 = arith.index_cast %get3A_699 : i32 to index
        %get3A_701 = arith.index_cast %add3A_698 : i32 to index
        %get3A_702 = arith.constant 48 : index
        %get3A_703 = tpu.vector_load %arg6[%get3A_700, %get3A_701, %get3A_702] {strides = array<i32>} : memref<4x200x64xf32, #tpu.memory_space<vmem>>, vector<1x1x16xf32>,
        %get3A_704 = vector.shape_cast %get3A_703 : vector<1x1x16xf32> to vector<16xf32>
        %mul3A_705 = arith.constant 8.000000e+00 : f32
        %mul3A_706 = vector.broadcast %mul3A_705 : f32 to vector<16xf32>
        %mul3A_707 = arith.mulf %get3A_704, %mul3A_706 : vector<16xf32>
        %swap3A_708 = arith.constant 2 : i32
        %swap3A_709 = arith.index_cast %swap3A_708 : i32 to index
        %swap3A_710 = arith.index_cast %add3A_698 : i32 to index
        %swap3A_711 = arith.constant 48 : index
        %swap3A_712 = tpu.vector_load %arg6[%swap3A_709, %swap3A_710, %swap3A_711] {strides = array<i32>} : memref<4x200x64xf32, #tpu.memory_space<vmem>>, vector<1x1x16xf32>,
        %swap3A_713 = vector.shape_cast %swap3A_712 : vector<1x1x16xf32> to vector<16xf32>
        %swap3A_714 = vector.shape_cast %mul3A_707 : vector<16xf32> to vector<1x1x16xf32>
        tpu.vector_store %arg6[%swap3A_709, %swap3A_710, %swap3A_711], %swap3A_714 {strides = array<i32>} : memref<4x200x64xf32, #tpu.memory_space<vmem>>, vector<1x1x16xf32>,
        %add3A_715 = arith.constant 4 : i32
        %add3A_716 = arith.addi %mul3A_428, %add3A_715 : i32
        %get3A_717 = arith.constant 2 : i32
        %get3A_718 = arith.index_cast %get3A_717 : i32 to index
        %get3A_719 = arith.index_cast %add3A_716 : i32 to index
        %get3A_720 = arith.constant 0 : index
        %get3A_721 = tpu.vector_load %arg6[%get3A_718, %get3A_719, %get3A_720] {strides = array<i32>} : memref<4x200x64xf32, #tpu.memory_space<vmem>>, vector<1x1x16xf32>,
        %get3A_722 = vector.shape_cast %get3A_721 : vector<1x1x16xf32> to vector<16xf32>
        %mul3A_723 = arith.constant 8.000000e+00 : f32
        %mul3A_724 = vector.broadcast %mul3A_723 : f32 to vector<16xf32>
        %mul3A_725 = arith.mulf %get3A_722, %mul3A_724 : vector<16xf32>
        %swap3A_726 = arith.constant 2 : i32
        %swap3A_727 = arith.index_cast %swap3A_726 : i32 to index
        %swap3A_728 = arith.index_cast %add3A_716 : i32 to index
        %swap3A_729 = arith.constant 0 : index
        %swap3A_730 = tpu.vector_load %arg6[%swap3A_727, %swap3A_728, %swap3A_729] {strides = array<i32>} : memref<4x200x64xf32, #tpu.memory_space<vmem>>, vector<1x1x16xf32>,
        %swap3A_731 = vector.shape_cast %swap3A_730 : vector<1x1x16xf32> to vector<16xf32>
        %swap3A_732 = vector.shape_cast %mul3A_725 : vector<16xf32> to vector<1x1x16xf32>
        tpu.vector_store %arg6[%swap3A_727, %swap3A_728, %swap3A_729], %swap3A_732 {strides = array<i32>} : memref<4x200x64xf32, #tpu.memory_space<vmem>>, vector<1x1x16xf32>,
        %add3A_733 = arith.constant 4 : i32
        %add3A_734 = arith.addi %mul3A_428, %add3A_733 : i32
        %get3A_735 = arith.constant 2 : i32
        %get3A_736 = arith.index_cast %get3A_735 : i32 to index
        %get3A_737 = arith.index_cast %add3A_734 : i32 to index
        %get3A_738 = arith.constant 16 : index
        %get3A_739 = tpu.vector_load %arg6[%get3A_736, %get3A_737, %get3A_738] {strides = array<i32>} : memref<4x200x64xf32, #tpu.memory_space<vmem>>, vector<1x1x16xf32>,
        %get3A_740 = vector.shape_cast %get3A_739 : vector<1x1x16xf32> to vector<16xf32>
        %mul3A_741 = arith.constant 8.000000e+00 : f32
        %mul3A_742 = vector.broadcast %mul3A_741 : f32 to vector<16xf32>
        %mul3A_743 = arith.mulf %get3A_740, %mul3A_742 : vector<16xf32>
        %swap3A_744 = arith.constant 2 : i32
        %swap3A_745 = arith.index_cast %swap3A_744 : i32 to index
        %swap3A_746 = arith.index_cast %add3A_734 : i32 to index
        %swap3A_747 = arith.constant 16 : index
        %swap3A_748 = tpu.vector_load %arg6[%swap3A_745, %swap3A_746, %swap3A_747] {strides = array<i32>} : memref<4x200x64xf32, #tpu.memory_space<vmem>>, vector<1x1x16xf32>,
        %swap3A_749 = vector.shape_cast %swap3A_748 : vector<1x1x16xf32> to vector<16xf32>
        %swap3A_750 = vector.shape_cast %mul3A_743 : vector<16xf32> to vector<1x1x16xf32>
        tpu.vector_store %arg6[%swap3A_745, %swap3A_746, %swap3A_747], %swap3A_750 {strides = array<i32>} : memref<4x200x64xf32, #tpu.memory_space<vmem>>, vector<1x1x16xf32>,
        %add3A_751 = arith.constant 4 : i32
        %add3A_752 = arith.addi %mul3A_428, %add3A_751 : i32
        %get3A_753 = arith.constant 2 : i32
        %get3A_754 = arith.index_cast %get3A_753 : i32 to index
        %get3A_755 = arith.index_cast %add3A_752 : i32 to index
        %get3A_756 = arith.constant 32 : index
        %get3A_757 = tpu.vector_load %arg6[%get3A_754, %get3A_755, %get3A_756] {strides = array<i32>} : memref<4x200x64xf32, #tpu.memory_space<vmem>>, vector<1x1x16xf32>,
        %get3A_758 = vector.shape_cast %get3A_757 : vector<1x1x16xf32> to vector<16xf32>
        %mul3A_759 = arith.constant 8.000000e+00 : f32
        %mul3A_760 = vector.broadcast %mul3A_759 : f32 to vector<16xf32>
        %mul3A_761 = arith.mulf %get3A_758, %mul3A_760 : vector<16xf32>
        %swap3A_762 = arith.constant 2 : i32
        %swap3A_763 = arith.index_cast %swap3A_762 : i32 to index
        %swap3A_764 = arith.index_cast %add3A_752 : i32 to index
        %swap3A_765 = arith.constant 32 : index
        %swap3A_766 = tpu.vector_load %arg6[%swap3A_763, %swap3A_764, %swap3A_765] {strides = array<i32>} : memref<4x200x64xf32, #tpu.memory_space<vmem>>, vector<1x1x16xf32>,
        %swap3A_767 = vector.shape_cast %swap3A_766 : vector<1x1x16xf32> to vector<16xf32>
        %swap3A_768 = vector.shape_cast %mul3A_761 : vector<16xf32> to vector<1x1x16xf32>
        tpu.vector_store %arg6[%swap3A_763, %swap3A_764, %swap3A_765], %swap3A_768 {strides = array<i32>} : memref<4x200x64xf32, #tpu.memory_space<vmem>>, vector<1x1x16xf32>,
        %add3A_769 = arith.constant 4 : i32
        %add3A_770 = arith.addi %mul3A_428, %add3A_769 : i32
        %get3A_771 = arith.constant 2 : i32
        %get3A_772 = arith.index_cast %get3A_771 : i32 to index
        %get3A_773 = arith.index_cast %add3A_770 : i32 to index
        %get3A_774 = arith.constant 48 : index
        %get3A_775 = tpu.vector_load %arg6[%get3A_772, %get3A_773, %get3A_774] {strides = array<i32>} : memref<4x200x64xf32, #tpu.memory_space<vmem>>, vector<1x1x16xf32>,
        %get3A_776 = vector.shape_cast %get3A_775 : vector<1x1x16xf32> to vector<16xf32>
        %mul3A_777 = arith.constant 8.000000e+00 : f32
        %mul3A_778 = vector.broadcast %mul3A_777 : f32 to vector<16xf32>
        %mul3A_779 = arith.mulf %get3A_776, %mul3A_778 : vector<16xf32>
        %swap3A_780 = arith.constant 2 : i32
        %swap3A_781 = arith.index_cast %swap3A_780 : i32 to index
        %swap3A_782 = arith.index_cast %add3A_770 : i32 to index
        %swap3A_783 = arith.constant 48 : index
        %swap3A_784 = tpu.vector_load %arg6[%swap3A_781, %swap3A_782, %swap3A_783] {strides = array<i32>} : memref<4x200x64xf32, #tpu.memory_space<vmem>>, vector<1x1x16xf32>,
        %swap3A_785 = vector.shape_cast %swap3A_784 : vector<1x1x16xf32> to vector<16xf32>
        %swap3A_786 = vector.shape_cast %mul3A_779 : vector<16xf32> to vector<1x1x16xf32>
        tpu.vector_store %arg6[%swap3A_781, %swap3A_782, %swap3A_783], %swap3A_786 {strides = array<i32>} : memref<4x200x64xf32, #tpu.memory_space<vmem>>, vector<1x1x16xf32>,
        %add3A_787 = arith.constant 5 : i32
        %add3A_788 = arith.addi %mul3A_428, %add3A_787 : i32
        %get3A_789 = arith.constant 2 : i32
        %get3A_790 = arith.index_cast %get3A_789 : i32 to index
        %get3A_791 = arith.index_cast %add3A_788 : i32 to index
        %get3A_792 = arith.constant 0 : index
        %get3A_793 = tpu.vector_load %arg6[%get3A_790, %get3A_791, %get3A_792] {strides = array<i32>} : memref<4x200x64xf32, #tpu.memory_space<vmem>>, vector<1x1x16xf32>,
        %get3A_794 = vector.shape_cast %get3A_793 : vector<1x1x16xf32> to vector<16xf32>
        %mul3A_795 = arith.constant 8.000000e+00 : f32
        %mul3A_796 = vector.broadcast %mul3A_795 : f32 to vector<16xf32>
        %mul3A_797 = arith.mulf %get3A_794, %mul3A_796 : vector<16xf32>
        %swap3A_798 = arith.constant 2 : i32
        %swap3A_799 = arith.index_cast %swap3A_798 : i32 to index
        %swap3A_800 = arith.index_cast %add3A_788 : i32 to index
        %swap3A_801 = arith.constant 0 : index
        %swap3A_802 = tpu.vector_load %arg6[%swap3A_799, %swap3A_800, %swap3A_801] {strides = array<i32>} : memref<4x200x64xf32, #tpu.memory_space<vmem>>, vector<1x1x16xf32>,
        %swap3A_803 = vector.shape_cast %swap3A_802 : vector<1x1x16xf32> to vector<16xf32>
        %swap3A_804 = vector.shape_cast %mul3A_797 : vector<16xf32> to vector<1x1x16xf32>
        tpu.vector_store %arg6[%swap3A_799, %swap3A_800, %swap3A_801], %swap3A_804 {strides = array<i32>} : memref<4x200x64xf32, #tpu.memory_space<vmem>>, vector<1x1x16xf32>,
        %add3A_805 = arith.constant 5 : i32
        %add3A_806 = arith.addi %mul3A_428, %add3A_805 : i32
        %get3A_807 = arith.constant 2 : i32
        %get3A_808 = arith.index_cast %get3A_807 : i32 to index
        %get3A_809 = arith.index_cast %add3A_806 : i32 to index
        %get3A_810 = arith.constant 16 : index
        %get3A_811 = tpu.vector_load %arg6[%get3A_808, %get3A_809, %get3A_810] {strides = array<i32>} : memref<4x200x64xf32, #tpu.memory_space<vmem>>, vector<1x1x16xf32>,
        %get3A_812 = vector.shape_cast %get3A_811 : vector<1x1x16xf32> to vector<16xf32>
        %mul3A_813 = arith.constant 8.000000e+00 : f32
        %mul3A_814 = vector.broadcast %mul3A_813 : f32 to vector<16xf32>
        %mul3A_815 = arith.mulf %get3A_812, %mul3A_814 : vector<16xf32>
        %swap3A_816 = arith.constant 2 : i32
        %swap3A_817 = arith.index_cast %swap3A_816 : i32 to index
        %swap3A_818 = arith.index_cast %add3A_806 : i32 to index
        %swap3A_819 = arith.constant 16 : index
        %swap3A_820 = tpu.vector_load %arg6[%swap3A_817, %swap3A_818, %swap3A_819] {strides = array<i32>} : memref<4x200x64xf32, #tpu.memory_space<vmem>>, vector<1x1x16xf32>,
        %swap3A_821 = vector.shape_cast %swap3A_820 : vector<1x1x16xf32> to vector<16xf32>
        %swap3A_822 = vector.shape_cast %mul3A_815 : vector<16xf32> to vector<1x1x16xf32>
        tpu.vector_store %arg6[%swap3A_817, %swap3A_818, %swap3A_819], %swap3A_822 {strides = array<i32>} : memref<4x200x64xf32, #tpu.memory_space<vmem>>, vector<1x1x16xf32>,
        %add3A_823 = arith.constant 5 : i32
        %add3A_824 = arith.addi %mul3A_428, %add3A_823 : i32
        %get3A_825 = arith.constant 2 : i32
        %get3A_826 = arith.index_cast %get3A_825 : i32 to index
        %get3A_827 = arith.index_cast %add3A_824 : i32 to index
        %get3A_828 = arith.constant 32 : index
        %get3A_829 = tpu.vector_load %arg6[%get3A_826, %get3A_827, %get3A_828] {strides = array<i32>} : memref<4x200x64xf32, #tpu.memory_space<vmem>>, vector<1x1x16xf32>,
        %get3A_830 = vector.shape_cast %get3A_829 : vector<1x1x16xf32> to vector<16xf32>
        %mul3A_831 = arith.constant 8.000000e+00 : f32
        %mul3A_832 = vector.broadcast %mul3A_831 : f32 to vector<16xf32>
        %mul3A_833 = arith.mulf %get3A_830, %mul3A_832 : vector<16xf32>
        %swap3A_834 = arith.constant 2 : i32
        %swap3A_835 = arith.index_cast %swap3A_834 : i32 to index
        %swap3A_836 = arith.index_cast %add3A_824 : i32 to index
        %swap3A_837 = arith.constant 32 : index
        %swap3A_838 = tpu.vector_load %arg6[%swap3A_835, %swap3A_836, %swap3A_837] {strides = array<i32>} : memref<4x200x64xf32, #tpu.memory_space<vmem>>, vector<1x1x16xf32>,
        %swap3A_839 = vector.shape_cast %swap3A_838 : vector<1x1x16xf32> to vector<16xf32>
        %swap3A_840 = vector.shape_cast %mul3A_833 : vector<16xf32> to vector<1x1x16xf32>
        tpu.vector_store %arg6[%swap3A_835, %swap3A_836, %swap3A_837], %swap3A_840 {strides = array<i32>} : memref<4x200x64xf32, #tpu.memory_space<vmem>>, vector<1x1x16xf32>,
        %add3A_841 = arith.constant 5 : i32
        %add3A_842 = arith.addi %mul3A_428, %add3A_841 : i32
        %get3A_843 = arith.constant 2 : i32
        %get3A_844 = arith.index_cast %get3A_843 : i32 to index
        %get3A_845 = arith.index_cast %add3A_842 : i32 to index
        %get3A_846 = arith.constant 48 : index
        %get3A_847 = tpu.vector_load %arg6[%get3A_844, %get3A_845, %get3A_846] {strides = array<i32>} : memref<4x200x64xf32, #tpu.memory_space<vmem>>, vector<1x1x16xf32>,
        %get3A_848 = vector.shape_cast %get3A_847 : vector<1x1x16xf32> to vector<16xf32>
        %mul3A_849 = arith.constant 8.000000e+00 : f32
        %mul3A_850 = vector.broadcast %mul3A_849 : f32 to vector<16xf32>
        %mul3A_851 = arith.mulf %get3A_848, %mul3A_850 : vector<16xf32>
        %swap3A_852 = arith.constant 2 : i32
        %swap3A_853 = arith.index_cast %swap3A_852 : i32 to index
        %swap3A_854 = arith.index_cast %add3A_842 : i32 to index
        %swap3A_855 = arith.constant 48 : index
        %swap3A_856 = tpu.vector_load %arg6[%swap3A_853, %swap3A_854, %swap3A_855] {strides = array<i32>} : memref<4x200x64xf32, #tpu.memory_space<vmem>>, vector<1x1x16xf32>,
        %swap3A_857 = vector.shape_cast %swap3A_856 : vector<1x1x16xf32> to vector<16xf32>
        %swap3A_858 = vector.shape_cast %mul3A_851 : vector<16xf32> to vector<1x1x16xf32>
        tpu.vector_store %arg6[%swap3A_853, %swap3A_854, %swap3A_855], %swap3A_858 {strides = array<i32>} : memref<4x200x64xf32, #tpu.memory_space<vmem>>, vector<1x1x16xf32>,
        %add3A_859 = arith.constant 6 : i32
        %add3A_860 = arith.addi %mul3A_428, %add3A_859 : i32
        %get3A_861 = arith.constant 2 : i32
        %get3A_862 = arith.index_cast %get3A_861 : i32 to index
        %get3A_863 = arith.index_cast %add3A_860 : i32 to index
        %get3A_864 = arith.constant 0 : index
        %get3A_865 = tpu.vector_load %arg6[%get3A_862, %get3A_863, %get3A_864] {strides = array<i32>} : memref<4x200x64xf32, #tpu.memory_space<vmem>>, vector<1x1x16xf32>,
        %get3A_866 = vector.shape_cast %get3A_865 : vector<1x1x16xf32> to vector<16xf32>
        %mul3A_867 = arith.constant 8.000000e+00 : f32
        %mul3A_868 = vector.broadcast %mul3A_867 : f32 to vector<16xf32>
        %mul3A_869 = arith.mulf %get3A_866, %mul3A_868 : vector<16xf32>
        %swap3A_870 = arith.constant 2 : i32
        %swap3A_871 = arith.index_cast %swap3A_870 : i32 to index
        %swap3A_872 = arith.index_cast %add3A_860 : i32 to index
        %swap3A_873 = arith.constant 0 : index
        %swap3A_874 = tpu.vector_load %arg6[%swap3A_871, %swap3A_872, %swap3A_873] {strides = array<i32>} : memref<4x200x64xf32, #tpu.memory_space<vmem>>, vector<1x1x16xf32>,
        %swap3A_875 = vector.shape_cast %swap3A_874 : vector<1x1x16xf32> to vector<16xf32>
        %swap3A_876 = vector.shape_cast %mul3A_869 : vector<16xf32> to vector<1x1x16xf32>
        tpu.vector_store %arg6[%swap3A_871, %swap3A_872, %swap3A_873], %swap3A_876 {strides = array<i32>} : memref<4x200x64xf32, #tpu.memory_space<vmem>>, vector<1x1x16xf32>,
        %add3A_877 = arith.constant 6 : i32
        %add3A_878 = arith.addi %mul3A_428, %add3A_877 : i32
        %get3A_879 = arith.constant 2 : i32
        %get3A_880 = arith.index_cast %get3A_879 : i32 to index
        %get3A_881 = arith.index_cast %add3A_878 : i32 to index
        %get3A_882 = arith.constant 16 : index
        %get3A_883 = tpu.vector_load %arg6[%get3A_880, %get3A_881, %get3A_882] {strides = array<i32>} : memref<4x200x64xf32, #tpu.memory_space<vmem>>, vector<1x1x16xf32>,
        %get3A_884 = vector.shape_cast %get3A_883 : vector<1x1x16xf32> to vector<16xf32>
        %mul3A_885 = arith.constant 8.000000e+00 : f32
        %mul3A_886 = vector.broadcast %mul3A_885 : f32 to vector<16xf32>
        %mul3A_887 = arith.mulf %get3A_884, %mul3A_886 : vector<16xf32>
        %swap3A_888 = arith.constant 2 : i32
        %swap3A_889 = arith.index_cast %swap3A_888 : i32 to index
        %swap3A_890 = arith.index_cast %add3A_878 : i32 to index
        %swap3A_891 = arith.constant 16 : index
        %swap3A_892 = tpu.vector_load %arg6[%swap3A_889, %swap3A_890, %swap3A_891] {strides = array<i32>} : memref<4x200x64xf32, #tpu.memory_space<vmem>>, vector<1x1x16xf32>,
        %swap3A_893 = vector.shape_cast %swap3A_892 : vector<1x1x16xf32> to vector<16xf32>
        %swap3A_894 = vector.shape_cast %mul3A_887 : vector<16xf32> to vector<1x1x16xf32>
        tpu.vector_store %arg6[%swap3A_889, %swap3A_890, %swap3A_891], %swap3A_894 {strides = array<i32>} : memref<4x200x64xf32, #tpu.memory_space<vmem>>, vector<1x1x16xf32>,
        %add3A_895 = arith.constant 6 : i32
        %add3A_896 = arith.addi %mul3A_428, %add3A_895 : i32
        %get3A_897 = arith.constant 2 : i32
        %get3A_898 = arith.index_cast %get3A_897 : i32 to index
        %get3A_899 = arith.index_cast %add3A_896 : i32 to index
        %get3A_900 = arith.constant 32 : index
        %get3A_901 = tpu.vector_load %arg6[%get3A_898, %get3A_899, %get3A_900] {strides = array<i32>} : memref<4x200x64xf32, #tpu.memory_space<vmem>>, vector<1x1x16xf32>,
        %get3A_902 = vector.shape_cast %get3A_901 : vector<1x1x16xf32> to vector<16xf32>
        %mul3A_903 = arith.constant 8.000000e+00 : f32
        %mul3A_904 = vector.broadcast %mul3A_903 : f32 to vector<16xf32>
        %mul3A_905 = arith.mulf %get3A_902, %mul3A_904 : vector<16xf32>
        %swap3A_906 = arith.constant 2 : i32
        %swap3A_907 = arith.index_cast %swap3A_906 : i32 to index
        %swap3A_908 = arith.index_cast %add3A_896 : i32 to index
        %swap3A_909 = arith.constant 32 : index
        %swap3A_910 = tpu.vector_load %arg6[%swap3A_907, %swap3A_908, %swap3A_909] {strides = array<i32>} : memref<4x200x64xf32, #tpu.memory_space<vmem>>, vector<1x1x16xf32>,
        %swap3A_911 = vector.shape_cast %swap3A_910 : vector<1x1x16xf32> to vector<16xf32>
        %swap3A_912 = vector.shape_cast %mul3A_905 : vector<16xf32> to vector<1x1x16xf32>
        tpu.vector_store %arg6[%swap3A_907, %swap3A_908, %swap3A_909], %swap3A_912 {strides = array<i32>} : memref<4x200x64xf32, #tpu.memory_space<vmem>>, vector<1x1x16xf32>,
        %add3A_913 = arith.constant 6 : i32
        %add3A_914 = arith.addi %mul3A_428, %add3A_913 : i32
        %get3A_915 = arith.constant 2 : i32
        %get3A_916 = arith.index_cast %get3A_915 : i32 to index
        %get3A_917 = arith.index_cast %add3A_914 : i32 to index
        %get3A_918 = arith.constant 48 : index
        %get3A_919 = tpu.vector_load %arg6[%get3A_916, %get3A_917, %get3A_918] {strides = array<i32>} : memref<4x200x64xf32, #tpu.memory_space<vmem>>, vector<1x1x16xf32>,
        %get3A_920 = vector.shape_cast %get3A_919 : vector<1x1x16xf32> to vector<16xf32>
        %mul3A_921 = arith.constant 8.000000e+00 : f32
        %mul3A_922 = vector.broadcast %mul3A_921 : f32 to vector<16xf32>
        %mul3A_923 = arith.mulf %get3A_920, %mul3A_922 : vector<16xf32>
        %swap3A_924 = arith.constant 2 : i32
        %swap3A_925 = arith.index_cast %swap3A_924 : i32 to index
        %swap3A_926 = arith.index_cast %add3A_914 : i32 to index
        %swap3A_927 = arith.constant 48 : index
        %swap3A_928 = tpu.vector_load %arg6[%swap3A_925, %swap3A_926, %swap3A_927] {strides = array<i32>} : memref<4x200x64xf32, #tpu.memory_space<vmem>>, vector<1x1x16xf32>,
        %swap3A_929 = vector.shape_cast %swap3A_928 : vector<1x1x16xf32> to vector<16xf32>
        %swap3A_930 = vector.shape_cast %mul3A_923 : vector<16xf32> to vector<1x1x16xf32>
        tpu.vector_store %arg6[%swap3A_925, %swap3A_926, %swap3A_927], %swap3A_930 {strides = array<i32>} : memref<4x200x64xf32, #tpu.memory_space<vmem>>, vector<1x1x16xf32>,
        %add3A_931 = arith.constant 7 : i32
        %add3A_932 = arith.addi %mul3A_428, %add3A_931 : i32
        %get3A_933 = arith.constant 2 : i32
        %get3A_934 = arith.index_cast %get3A_933 : i32 to index
        %get3A_935 = arith.index_cast %add3A_932 : i32 to index
        %get3A_936 = arith.constant 0 : index
        %get3A_937 = tpu.vector_load %arg6[%get3A_934, %get3A_935, %get3A_936] {strides = array<i32>} : memref<4x200x64xf32, #tpu.memory_space<vmem>>, vector<1x1x16xf32>,
        %get3A_938 = vector.shape_cast %get3A_937 : vector<1x1x16xf32> to vector<16xf32>
        %mul3A_939 = arith.constant 8.000000e+00 : f32
        %mul3A_940 = vector.broadcast %mul3A_939 : f32 to vector<16xf32>
        %mul3A_941 = arith.mulf %get3A_938, %mul3A_940 : vector<16xf32>
        %swap3A_942 = arith.constant 2 : i32
        %swap3A_943 = arith.index_cast %swap3A_942 : i32 to index
        %swap3A_944 = arith.index_cast %add3A_932 : i32 to index
        %swap3A_945 = arith.constant 0 : index
        %swap3A_946 = tpu.vector_load %arg6[%swap3A_943, %swap3A_944, %swap3A_945] {strides = array<i32>} : memref<4x200x64xf32, #tpu.memory_space<vmem>>, vector<1x1x16xf32>,
        %swap3A_947 = vector.shape_cast %swap3A_946 : vector<1x1x16xf32> to vector<16xf32>
        %swap3A_948 = vector.shape_cast %mul3A_941 : vector<16xf32> to vector<1x1x16xf32>
        tpu.vector_store %arg6[%swap3A_943, %swap3A_944, %swap3A_945], %swap3A_948 {strides = array<i32>} : memref<4x200x64xf32, #tpu.memory_space<vmem>>, vector<1x1x16xf32>,
        %add3A_949 = arith.constant 7 : i32
        %add3A_950 = arith.addi %mul3A_428, %add3A_949 : i32
        %get3A_951 = arith.constant 2 : i32
        %get3A_952 = arith.index_cast %get3A_951 : i32 to index
        %get3A_953 = arith.index_cast %add3A_950 : i32 to index
        %get3A_954 = arith.constant 16 : index
        %get3A_955 = tpu.vector_load %arg6[%get3A_952, %get3A_953, %get3A_954] {strides = array<i32>} : memref<4x200x64xf32, #tpu.memory_space<vmem>>, vector<1x1x16xf32>,
        %get3A_956 = vector.shape_cast %get3A_955 : vector<1x1x16xf32> to vector<16xf32>
        %mul3A_957 = arith.constant 8.000000e+00 : f32
        %mul3A_958 = vector.broadcast %mul3A_957 : f32 to vector<16xf32>
        %mul3A_959 = arith.mulf %get3A_956, %mul3A_958 : vector<16xf32>
        %swap3A_960 = arith.constant 2 : i32
        %swap3A_961 = arith.index_cast %swap3A_960 : i32 to index
        %swap3A_962 = arith.index_cast %add3A_950 : i32 to index
        %swap3A_963 = arith.constant 16 : index
        %swap3A_964 = tpu.vector_load %arg6[%swap3A_961, %swap3A_962, %swap3A_963] {strides = array<i32>} : memref<4x200x64xf32, #tpu.memory_space<vmem>>, vector<1x1x16xf32>,
        %swap3A_965 = vector.shape_cast %swap3A_964 : vector<1x1x16xf32> to vector<16xf32>
        %swap3A_966 = vector.shape_cast %mul3A_959 : vector<16xf32> to vector<1x1x16xf32>
        tpu.vector_store %arg6[%swap3A_961, %swap3A_962, %swap3A_963], %swap3A_966 {strides = array<i32>} : memref<4x200x64xf32, #tpu.memory_space<vmem>>, vector<1x1x16xf32>,
        %add3A_967 = arith.constant 7 : i32
        %add3A_968 = arith.addi %mul3A_428, %add3A_967 : i32
        %get3A_969 = arith.constant 2 : i32
        %get3A_970 = arith.index_cast %get3A_969 : i32 to index
        %get3A_971 = arith.index_cast %add3A_968 : i32 to index
        %get3A_972 = arith.constant 32 : index
        %get3A_973 = tpu.vector_load %arg6[%get3A_970, %get3A_971, %get3A_972] {strides = array<i32>} : memref<4x200x64xf32, #tpu.memory_space<vmem>>, vector<1x1x16xf32>,
        %get3A_974 = vector.shape_cast %get3A_973 : vector<1x1x16xf32> to vector<16xf32>
        %mul3A_975 = arith.constant 8.000000e+00 : f32
        %mul3A_976 = vector.broadcast %mul3A_975 : f32 to vector<16xf32>
        %mul3A_977 = arith.mulf %get3A_974, %mul3A_976 : vector<16xf32>
        %swap3A_978 = arith.constant 2 : i32
        %swap3A_979 = arith.index_cast %swap3A_978 : i32 to index
        %swap3A_980 = arith.index_cast %add3A_968 : i32 to index
        %swap3A_981 = arith.constant 32 : index
        %swap3A_982 = tpu.vector_load %arg6[%swap3A_979, %swap3A_980, %swap3A_981] {strides = array<i32>} : memref<4x200x64xf32, #tpu.memory_space<vmem>>, vector<1x1x16xf32>,
        %swap3A_983 = vector.shape_cast %swap3A_982 : vector<1x1x16xf32> to vector<16xf32>
        %swap3A_984 = vector.shape_cast %mul3A_977 : vector<16xf32> to vector<1x1x16xf32>
        tpu.vector_store %arg6[%swap3A_979, %swap3A_980, %swap3A_981], %swap3A_984 {strides = array<i32>} : memref<4x200x64xf32, #tpu.memory_space<vmem>>, vector<1x1x16xf32>,
        %add3A_985 = arith.constant 7 : i32
        %add3A_986 = arith.addi %mul3A_428, %add3A_985 : i32
        %get3A_987 = arith.constant 2 : i32
        %get3A_988 = arith.index_cast %get3A_987 : i32 to index
        %get3A_989 = arith.index_cast %add3A_986 : i32 to index
        %get3A_990 = arith.constant 48 : index
        %get3A_991 = tpu.vector_load %arg6[%get3A_988, %get3A_989, %get3A_990] {strides = array<i32>} : memref<4x200x64xf32, #tpu.memory_space<vmem>>, vector<1x1x16xf32>,
        %get3A_992 = vector.shape_cast %get3A_991 : vector<1x1x16xf32> to vector<16xf32>
        %mul3A_993 = arith.constant 8.000000e+00 : f32
        %mul3A_994 = vector.broadcast %mul3A_993 : f32 to vector<16xf32>
        %mul3A_995 = arith.mulf %get3A_992, %mul3A_994 : vector<16xf32>
        %swap3A_996 = arith.constant 2 : i32
        %swap3A_997 = arith.index_cast %swap3A_996 : i32 to index
        %swap3A_998 = arith.index_cast %add3A_986 : i32 to index
        %swap3A_999 = arith.constant 48 : index
        %swap3A_1000 = tpu.vector_load %arg6[%swap3A_997, %swap3A_998, %swap3A_999] {strides = array<i32>} : memref<4x200x64xf32, #tpu.memory_space<vmem>>, vector<1x1x16xf32>,
        %swap3A_1001 = vector.shape_cast %swap3A_1000 : vector<1x1x16xf32> to vector<16xf32>
        %swap3A_1002 = vector.shape_cast %mul3A_995 : vector<16xf32> to vector<1x1x16xf32>
        tpu.vector_store %arg6[%swap3A_997, %swap3A_998, %swap3A_999], %swap3A_1002 {strides = array<i32>} : memref<4x200x64xf32, #tpu.memory_space<vmem>>, vector<1x1x16xf32>,
      }
      %scan3A_345 = arith.constant 25 : i32
      %add3A_346 = arith.addi %mul3A_2, %add3A_301 : i32
      %mul3A_347 = arith.constant 200 : i32
      %mul3A_348 = arith.muli %add3A_346, %mul3A_347 : i32
      %dma_start3A_349 = arith.constant 2 : i32
      %dma_start3A_350 = arith.constant 0 : i32
      %dma_start3A_351 = arith.constant 0 : i32
      %dma_start3A_352 = tpu.memref_slice %arg6[%dma_start3A_349, %dma_start3A_350, %dma_start3A_351] : memref<4x200x64xf32, #tpu.memory_space<vmem>> -> memref<1x200x64xf32, #tpu.memory_space<vmem>>
      %dma_start3A_353 = tpu.memref_squeeze %dma_start3A_352 : memref<1x200x64xf32, #tpu.memory_space<vmem>> -> memref<200x64xf32, #tpu.memory_space<vmem>>
      %dma_start3A_354 = arith.constant 0 : i32
      %dma_start3A_355 = tpu.memref_slice %arg4[%mul3A_348, %dma_start3A_354] : memref<3276800x128xf32, #tpu.memory_space<hbm>> -> memref<200x64xf32, #tpu.memory_space<hbm>>
      %dma_start3A_356 = arith.constant 0 : i32
      %dma_start3A_357 = tpu.memref_slice %arg4[%mul3A_348, %dma_start3A_356] : memref<3276800x128xf32, #tpu.memory_space<hbm>> -> memref<200x64xf32, #tpu.memory_space<hbm>>
      %dma_start3A_358 = arith.constant 0 : i32
      %dma_start3A_359 = arith.constant 0 : i32
      %dma_start3A_360 = tpu.memref_slice %arg6[%dma_start3A_349, %dma_start3A_358, %dma_start3A_359] : memref<4x200x64xf32, #tpu.memory_space<vmem>> -> memref<1x200x64xf32, #tpu.memory_space<vmem>>
      %dma_start3A_361 = tpu.memref_squeeze %dma_start3A_360 : memref<1x200x64xf32, #tpu.memory_space<vmem>> -> memref<200x64xf32, #tpu.memory_space<vmem>>
      tpu.enqueue_dma source(%dma_start3A_361 : memref<200x64xf32, #tpu.memory_space<vmem>>) target(%dma_start3A_357 : memref<200x64xf32, #tpu.memory_space<hbm>>) target_semaphore(%arg13 : memref<!tpu.dma_semaphore, #tpu.memory_space<semaphore_mem>>)
      %mul3A_362 = arith.constant 4 : i32
      %mul3A_363 = arith.muli %mul3A_362, %scan3A_172 : i32
      %add3A_364 = arith.constant 3 : i32
      %add3A_365 = arith.addi %mul3A_363, %add3A_364 : i32
      %add3A_366 = arith.constant 2 : i32
      %add3A_367 = arith.addi %add3A_365, %add3A_366 : i32
      %lt3A_368 = arith.constant 512 : i32
      %lt3A_369 = arith.cmpi slt, %add3A_367, %lt3A_368 : i32
      %convert_element_type3A_370 = arith.extui %lt3A_369 : i1 to i32
      %cond3A_371 = arith.constant 0 : i32
      %cond3A_372 = arith.cmpi ne, %convert_element_type3A_370, %cond3A_371 : i32
      scf.if %cond3A_372 {
        %ge3A = arith.constant 2 : i32
        %ge3A_426 = arith.cmpi sge, %add3A_365, %ge3A : i32
        %convert_element_type3A_427 = arith.extui %ge3A_426 : i1 to i32
        %cond3A_428 = arith.constant 0 : i32
        %cond3A_429 = arith.cmpi ne, %convert_element_type3A_427, %cond3A_428 : i32
        scf.if %cond3A_429 {
          %mul3A_469 = arith.constant 200 : i32
          %mul3A_470 = arith.muli %mul3A_2, %mul3A_469 : i32
          %dma_wait3A_471 = arith.constant 1 : i32
          %dma_wait3A_472 = arith.constant 0 : i32
          %dma_wait3A_473 = arith.constant 0 : i32
          %dma_wait3A_474 = tpu.memref_slice %arg6[%dma_wait3A_471, %dma_wait3A_472, %dma_wait3A_473] : memref<4x200x64xf32, #tpu.memory_space<vmem>> -> memref<1x200x64xf32, #tpu.memory_space<vmem>>
          %dma_wait3A_475 = tpu.memref_squeeze %dma_wait3A_474 : memref<1x200x64xf32, #tpu.memory_space<vmem>> -> memref<200x64xf32, #tpu.memory_space<vmem>>
          %dma_wait3A_476 = arith.constant 0 : i32
          %dma_wait3A_477 = tpu.memref_slice %arg4[%mul3A_470, %dma_wait3A_476] : memref<3276800x128xf32, #tpu.memory_space<hbm>> -> memref<200x64xf32, #tpu.memory_space<hbm>>
          %dma_wait3A_478 = arith.constant 0 : i32
          %dma_wait3A_479 = tpu.memref_slice %arg4[%mul3A_470, %dma_wait3A_478] : memref<3276800x128xf32, #tpu.memory_space<hbm>> -> memref<200x64xf32, #tpu.memory_space<hbm>>
          %dma_wait3A_480 = arith.constant 0 : i32
          %dma_wait3A_481 = arith.constant 0 : i32
          %dma_wait3A_482 = tpu.memref_slice %arg6[%dma_wait3A_471, %dma_wait3A_480, %dma_wait3A_481] : memref<4x200x64xf32, #tpu.memory_space<vmem>> -> memref<1x200x64xf32, #tpu.memory_space<vmem>>
          %dma_wait3A_483 = tpu.memref_squeeze %dma_wait3A_482 : memref<1x200x64xf32, #tpu.memory_space<vmem>> -> memref<200x64xf32, #tpu.memory_space<vmem>>
          tpu.wait_dma2 semaphore(%arg12 : memref<!tpu.dma_semaphore, #tpu.memory_space<semaphore_mem>>) src(%dma_wait3A_483 : memref<200x64xf32, #tpu.memory_space<vmem>>) dst(%dma_wait3A_479 : memref<200x64xf32, #tpu.memory_space<hbm>>)
        } else {
        }
        %dma_wait3A_430 = arith.constant 1 : i32
        %dma_wait3A_431 = arith.constant 0 : i32
        %dma_wait3A_432 = tpu.memref_slice %arg5[%dma_wait3A_430, %dma_wait3A_431] : memref<4x200xi32, #tpu.memory_space<vmem>> -> memref<1x200xi32, #tpu.memory_space<vmem>>
        %dma_wait3A_433 = tpu.memref_squeeze %dma_wait3A_432 : memref<1x200xi32, #tpu.memory_space<vmem>> -> memref<200xi32, #tpu.memory_space<vmem>>
        %dma_wait3A_434 = arith.constant 0 : i32
        %dma_wait3A_435 = tpu.memref_slice %arg2[%mul3A_2, %dma_wait3A_434] : memref<16384x200xi32, #tpu.memory_space<hbm>> -> memref<1x200xi32, #tpu.memory_space<hbm>>
        %dma_wait3A_436 = tpu.memref_squeeze %dma_wait3A_435 : memref<1x200xi32, #tpu.memory_space<hbm>> -> memref<200xi32, #tpu.memory_space<hbm>>
        %dma_wait3A_437 = arith.constant 0 : i32
        %dma_wait3A_438 = tpu.memref_slice %arg5[%dma_wait3A_430, %dma_wait3A_437] : memref<4x200xi32, #tpu.memory_space<vmem>> -> memref<1x200xi32, #tpu.memory_space<vmem>>
        %dma_wait3A_439 = tpu.memref_squeeze %dma_wait3A_438 : memref<1x200xi32, #tpu.memory_space<vmem>> -> memref<200xi32, #tpu.memory_space<vmem>>
        %dma_wait3A_440 = arith.constant 0 : i32
        %dma_wait3A_441 = tpu.memref_slice %arg2[%mul3A_2, %dma_wait3A_440] : memref<16384x200xi32, #tpu.memory_space<hbm>> -> memref<1x200xi32, #tpu.memory_space<hbm>>
        %dma_wait3A_442 = tpu.memref_squeeze %dma_wait3A_441 : memref<1x200xi32, #tpu.memory_space<hbm>> -> memref<200xi32, #tpu.memory_space<hbm>>
        tpu.wait_dma2 semaphore(%arg16 : memref<!tpu.dma_semaphore, #tpu.memory_space<semaphore_mem>>) src(%dma_wait3A_442 : memref<200xi32, #tpu.memory_space<hbm>>) dst(%dma_wait3A_439 : memref<200xi32, #tpu.memory_space<vmem>>)
        %add3A_443 = arith.constant 2 : i32
        %add3A_444 = arith.addi %add3A_365, %add3A_443 : i32
        %dma_start3A_445 = arith.constant 1 : i32
        %dma_start3A_446 = arith.constant 1 : i32
        %dma_start3A_447 = arith.constant 0 : i32
        %dma_start3A_448 = arith.constant 0 : i32
        %dma_start3A_449 = tpu.memref_slice %arg6[%dma_start3A_446, %dma_start3A_447, %dma_start3A_448] : memref<4x200x64xf32, #tpu.memory_space<vmem>> -> memref<1x128x64xf32, #tpu.memory_space<vmem>>
        %dma_start3A_450 = tpu.memref_squeeze %dma_start3A_449 : memref<1x128x64xf32, #tpu.memory_space<vmem>> -> memref<128x64xf32, #tpu.memory_space<vmem>>
        %dma_start3A_451 = arith.constant 0 : i32
        %dma_start3A_452 = tpu.memref_slice %arg5[%dma_start3A_445, %dma_start3A_451] : memref<4x200xi32, #tpu.memory_space<vmem>> -> memref<1x128xi32, #tpu.memory_space<vmem>>
        %dma_start3A_453 = tpu.memref_squeeze %dma_start3A_452 : memref<1x128xi32, #tpu.memory_space<vmem>> -> memref<128xi32, #tpu.memory_space<vmem>>
        %dma_start3A_454 = arith.constant 0 : i32
        %dma_start3A_455 = arith.constant 0 : i32
        %dma_start3A_456 = tpu.memref_slice %arg3[%dma_start3A_454, %dma_start3A_455] : memref<1000000x64xf32, #tpu.memory_space<hbm>> -> memref<1000000x64xf32, #tpu.memory_space<hbm>>
        tpu.enqueue_indirect_dma source(%dma_start3A_456 : memref<1000000x64xf32, #tpu.memory_space<hbm>>) target(%dma_start3A_450 : memref<128x64xf32, #tpu.memory_space<vmem>>) offsets(%dma_start3A_453 : memref<128xi32, #tpu.memory_space<vmem>>) semaphore(%arg8 : memref<!tpu.dma_semaphore, #tpu.memory_space<semaphore_mem>>)
        %dma_start3A_457 = arith.constant 1 : i32
        %dma_start3A_458 = arith.constant 1 : i32
        %dma_start3A_459 = arith.constant 128 : i32
        %dma_start3A_460 = arith.constant 0 : i32
        %dma_start3A_461 = tpu.memref_slice %arg6[%dma_start3A_458, %dma_start3A_459, %dma_start3A_460] : memref<4x200x64xf32, #tpu.memory_space<vmem>> -> memref<1x72x64xf32, #tpu.memory_space<vmem>>
        %dma_start3A_462 = tpu.memref_squeeze %dma_start3A_461 : memref<1x72x64xf32, #tpu.memory_space<vmem>> -> memref<72x64xf32, #tpu.memory_space<vmem>>
        %dma_start3A_463 = arith.constant 128 : i32
        %dma_start3A_464 = tpu.memref_slice %arg5[%dma_start3A_457, %dma_start3A_463] : memref<4x200xi32, #tpu.memory_space<vmem>> -> memref<1x72xi32, #tpu.memory_space<vmem>>
        %dma_start3A_465 = tpu.memref_squeeze %dma_start3A_464 : memref<1x72xi32, #tpu.memory_space<vmem>> -> memref<72xi32, #tpu.memory_space<vmem>>
        %dma_start3A_466 = arith.constant 0 : i32
        %dma_start3A_467 = arith.constant 0 : i32
        %dma_start3A_468 = tpu.memref_slice %arg3[%dma_start3A_466, %dma_start3A_467] : memref<1000000x64xf32, #tpu.memory_space<hbm>> -> memref<1000000x64xf32, #tpu.memory_space<hbm>>
        tpu.enqueue_indirect_dma source(%dma_start3A_468 : memref<1000000x64xf32, #tpu.memory_space<hbm>>) target(%dma_start3A_462 : memref<72x64xf32, #tpu.memory_space<vmem>>) offsets(%dma_start3A_465 : memref<72xi32, #tpu.memory_space<vmem>>) semaphore(%arg8 : memref<!tpu.dma_semaphore, #tpu.memory_space<semaphore_mem>>)
      } else {
      }
      %dma_wait3A_373 = arith.constant 3 : i32
      %dma_wait3A_374 = arith.constant 3 : i32
      %dma_wait3A_375 = arith.constant 0 : i32
      %dma_wait3A_376 = arith.constant 0 : i32
      %dma_wait3A_377 = tpu.memref_slice %arg6[%dma_wait3A_374, %dma_wait3A_375, %dma_wait3A_376] : memref<4x200x64xf32, #tpu.memory_space<vmem>> -> memref<1x128x64xf32, #tpu.memory_space<vmem>>
      %dma_wait3A_378 = tpu.memref_squeeze %dma_wait3A_377 : memref<1x128x64xf32, #tpu.memory_space<vmem>> -> memref<128x64xf32, #tpu.memory_space<vmem>>
      %dma_wait3A_379 = arith.constant 0 : i32
      %dma_wait3A_380 = tpu.memref_slice %arg5[%dma_wait3A_373, %dma_wait3A_379] : memref<4x200xi32, #tpu.memory_space<vmem>> -> memref<1x128xi32, #tpu.memory_space<vmem>>
      %dma_wait3A_381 = tpu.memref_squeeze %dma_wait3A_380 : memref<1x128xi32, #tpu.memory_space<vmem>> -> memref<128xi32, #tpu.memory_space<vmem>>
      %dma_wait3A_382 = arith.constant 0 : i32
      %dma_wait3A_383 = arith.constant 0 : i32
      %dma_wait3A_384 = tpu.memref_slice %arg3[%dma_wait3A_382, %dma_wait3A_383] : memref<1000000x64xf32, #tpu.memory_space<hbm>> -> memref<1000000x64xf32, #tpu.memory_space<hbm>>
      tpu.wait_indirect_dma semaphore(%arg10 : memref<!tpu.dma_semaphore, #tpu.memory_space<semaphore_mem>>) src(%dma_wait3A_384 : memref<1000000x64xf32, #tpu.memory_space<hbm>>) dst(%dma_wait3A_378 : memref<128x64xf32, #tpu.memory_space<vmem>>)
      %dma_wait3A_385 = arith.constant 3 : i32
      %dma_wait3A_386 = arith.constant 3 : i32
      %dma_wait3A_387 = arith.constant 128 : i32
      %dma_wait3A_388 = arith.constant 0 : i32
      %dma_wait3A_389 = tpu.memref_slice %arg6[%dma_wait3A_386, %dma_wait3A_387, %dma_wait3A_388] : memref<4x200x64xf32, #tpu.memory_space<vmem>> -> memref<1x72x64xf32, #tpu.memory_space<vmem>>
      %dma_wait3A_390 = tpu.memref_squeeze %dma_wait3A_389 : memref<1x72x64xf32, #tpu.memory_space<vmem>> -> memref<72x64xf32, #tpu.memory_space<vmem>>
      %dma_wait3A_391 = arith.constant 128 : i32
      %dma_wait3A_392 = tpu.memref_slice %arg5[%dma_wait3A_385, %dma_wait3A_391] : memref<4x200xi32, #tpu.memory_space<vmem>> -> memref<1x72xi32, #tpu.memory_space<vmem>>
      %dma_wait3A_393 = tpu.memref_squeeze %dma_wait3A_392 : memref<1x72xi32, #tpu.memory_space<vmem>> -> memref<72xi32, #tpu.memory_space<vmem>>
      %dma_wait3A_394 = arith.constant 0 : i32
      %dma_wait3A_395 = arith.constant 0 : i32
      %dma_wait3A_396 = tpu.memref_slice %arg3[%dma_wait3A_394, %dma_wait3A_395] : memref<1000000x64xf32, #tpu.memory_space<hbm>> -> memref<1000000x64xf32, #tpu.memory_space<hbm>>
      tpu.wait_indirect_dma semaphore(%arg10 : memref<!tpu.dma_semaphore, #tpu.memory_space<semaphore_mem>>) src(%dma_wait3A_396 : memref<1000000x64xf32, #tpu.memory_space<hbm>>) dst(%dma_wait3A_390 : memref<72x64xf32, #tpu.memory_space<vmem>>)
      %add3A_397 = arith.constant 4 : i32
      %add3A_398 = arith.addi %add3A_365, %add3A_397 : i32
      %lt3A_399 = arith.constant 512 : i32
      %lt3A_400 = arith.cmpi slt, %add3A_398, %lt3A_399 : i32
      %convert_element_type3A_401 = arith.extui %lt3A_400 : i1 to i32
      %cond3A_402 = arith.constant 0 : i32
      %cond3A_403 = arith.cmpi ne, %convert_element_type3A_401, %cond3A_402 : i32
      scf.if %cond3A_403 {
        %add3A_426 = arith.constant 4 : i32
        %add3A_427 = arith.addi %add3A_365, %add3A_426 : i32
        %add3A_428 = arith.addi %mul3A_2, %add3A_427 : i32
        %dma_start3A_429 = arith.constant 3 : i32
        %dma_start3A_430 = arith.constant 0 : i32
        %dma_start3A_431 = tpu.memref_slice %arg5[%dma_start3A_429, %dma_start3A_430] : memref<4x200xi32, #tpu.memory_space<vmem>> -> memref<1x200xi32, #tpu.memory_space<vmem>>
        %dma_start3A_432 = tpu.memref_squeeze %dma_start3A_431 : memref<1x200xi32, #tpu.memory_space<vmem>> -> memref<200xi32, #tpu.memory_space<vmem>>
        %dma_start3A_433 = arith.constant 0 : i32
        %dma_start3A_434 = tpu.memref_slice %arg2[%add3A_428, %dma_start3A_433] : memref<16384x200xi32, #tpu.memory_space<hbm>> -> memref<1x200xi32, #tpu.memory_space<hbm>>
        %dma_start3A_435 = tpu.memref_squeeze %dma_start3A_434 : memref<1x200xi32, #tpu.memory_space<hbm>> -> memref<200xi32, #tpu.memory_space<hbm>>
        %dma_start3A_436 = arith.constant 0 : i32
        %dma_start3A_437 = tpu.memref_slice %arg5[%dma_start3A_429, %dma_start3A_436] : memref<4x200xi32, #tpu.memory_space<vmem>> -> memref<1x200xi32, #tpu.memory_space<vmem>>
        %dma_start3A_438 = tpu.memref_squeeze %dma_start3A_437 : memref<1x200xi32, #tpu.memory_space<vmem>> -> memref<200xi32, #tpu.memory_space<vmem>>
        %dma_start3A_439 = arith.constant 0 : i32
        %dma_start3A_440 = tpu.memref_slice %arg2[%add3A_428, %dma_start3A_439] : memref<16384x200xi32, #tpu.memory_space<hbm>> -> memref<1x200xi32, #tpu.memory_space<hbm>>
        %dma_start3A_441 = tpu.memref_squeeze %dma_start3A_440 : memref<1x200xi32, #tpu.memory_space<hbm>> -> memref<200xi32, #tpu.memory_space<hbm>>
        tpu.enqueue_dma source(%dma_start3A_441 : memref<200xi32, #tpu.memory_space<hbm>>) target(%dma_start3A_438 : memref<200xi32, #tpu.memory_space<vmem>>) target_semaphore(%arg18 : memref<!tpu.dma_semaphore, #tpu.memory_space<semaphore_mem>>)
      } else {
      }
      %scan3A_404 = arith.constant 0 : i32
      %scan3A_405 = arith.constant 0 : i32
      %scan3A_406 = arith.constant 25 : i32
      %scan3A_407 = arith.addi %scan3A_405, %scan3A_406 : i32
      %scan3A_408 = arith.constant 1 : i32
      scf.for %scan3A_426 = %scan3A_405 to %scan3A_407 step %scan3A_408  : i32 {
        %mul3A_427 = arith.constant 8 : i32
        %mul3A_428 = arith.muli %scan3A_426, %mul3A_427 : i32
        %add3A_429 = arith.constant 0 : i32
        %add3A_430 = arith.addi %mul3A_428, %add3A_429 : i32
        %get3A = arith.constant 3 : i32
        %get3A_431 = arith.index_cast %get3A : i32 to index
        %get3A_432 = arith.index_cast %add3A_430 : i32 to index
        %get3A_433 = arith.constant 0 : index
        %get3A_434 = tpu.vector_load %arg6[%get3A_431, %get3A_432, %get3A_433] {strides = array<i32>} : memref<4x200x64xf32, #tpu.memory_space<vmem>>, vector<1x1x16xf32>,
        %get3A_435 = vector.shape_cast %get3A_434 : vector<1x1x16xf32> to vector<16xf32>
        %mul3A_436 = arith.constant 8.000000e+00 : f32
        %mul3A_437 = vector.broadcast %mul3A_436 : f32 to vector<16xf32>
        %mul3A_438 = arith.mulf %get3A_435, %mul3A_437 : vector<16xf32>
        %swap3A = arith.constant 3 : i32
        %swap3A_439 = arith.index_cast %swap3A : i32 to index
        %swap3A_440 = arith.index_cast %add3A_430 : i32 to index
        %swap3A_441 = arith.constant 0 : index
        %swap3A_442 = tpu.vector_load %arg6[%swap3A_439, %swap3A_440, %swap3A_441] {strides = array<i32>} : memref<4x200x64xf32, #tpu.memory_space<vmem>>, vector<1x1x16xf32>,
        %swap3A_443 = vector.shape_cast %swap3A_442 : vector<1x1x16xf32> to vector<16xf32>
        %swap3A_444 = vector.shape_cast %mul3A_438 : vector<16xf32> to vector<1x1x16xf32>
        tpu.vector_store %arg6[%swap3A_439, %swap3A_440, %swap3A_441], %swap3A_444 {strides = array<i32>} : memref<4x200x64xf32, #tpu.memory_space<vmem>>, vector<1x1x16xf32>,
        %add3A_445 = arith.constant 0 : i32
        %add3A_446 = arith.addi %mul3A_428, %add3A_445 : i32
        %get3A_447 = arith.constant 3 : i32
        %get3A_448 = arith.index_cast %get3A_447 : i32 to index
        %get3A_449 = arith.index_cast %add3A_446 : i32 to index
        %get3A_450 = arith.constant 16 : index
        %get3A_451 = tpu.vector_load %arg6[%get3A_448, %get3A_449, %get3A_450] {strides = array<i32>} : memref<4x200x64xf32, #tpu.memory_space<vmem>>, vector<1x1x16xf32>,
        %get3A_452 = vector.shape_cast %get3A_451 : vector<1x1x16xf32> to vector<16xf32>
        %mul3A_453 = arith.constant 8.000000e+00 : f32
        %mul3A_454 = vector.broadcast %mul3A_453 : f32 to vector<16xf32>
        %mul3A_455 = arith.mulf %get3A_452, %mul3A_454 : vector<16xf32>
        %swap3A_456 = arith.constant 3 : i32
        %swap3A_457 = arith.index_cast %swap3A_456 : i32 to index
        %swap3A_458 = arith.index_cast %add3A_446 : i32 to index
        %swap3A_459 = arith.constant 16 : index
        %swap3A_460 = tpu.vector_load %arg6[%swap3A_457, %swap3A_458, %swap3A_459] {strides = array<i32>} : memref<4x200x64xf32, #tpu.memory_space<vmem>>, vector<1x1x16xf32>,
        %swap3A_461 = vector.shape_cast %swap3A_460 : vector<1x1x16xf32> to vector<16xf32>
        %swap3A_462 = vector.shape_cast %mul3A_455 : vector<16xf32> to vector<1x1x16xf32>
        tpu.vector_store %arg6[%swap3A_457, %swap3A_458, %swap3A_459], %swap3A_462 {strides = array<i32>} : memref<4x200x64xf32, #tpu.memory_space<vmem>>, vector<1x1x16xf32>,
        %add3A_463 = arith.constant 0 : i32
        %add3A_464 = arith.addi %mul3A_428, %add3A_463 : i32
        %get3A_465 = arith.constant 3 : i32
        %get3A_466 = arith.index_cast %get3A_465 : i32 to index
        %get3A_467 = arith.index_cast %add3A_464 : i32 to index
        %get3A_468 = arith.constant 32 : index
        %get3A_469 = tpu.vector_load %arg6[%get3A_466, %get3A_467, %get3A_468] {strides = array<i32>} : memref<4x200x64xf32, #tpu.memory_space<vmem>>, vector<1x1x16xf32>,
        %get3A_470 = vector.shape_cast %get3A_469 : vector<1x1x16xf32> to vector<16xf32>
        %mul3A_471 = arith.constant 8.000000e+00 : f32
        %mul3A_472 = vector.broadcast %mul3A_471 : f32 to vector<16xf32>
        %mul3A_473 = arith.mulf %get3A_470, %mul3A_472 : vector<16xf32>
        %swap3A_474 = arith.constant 3 : i32
        %swap3A_475 = arith.index_cast %swap3A_474 : i32 to index
        %swap3A_476 = arith.index_cast %add3A_464 : i32 to index
        %swap3A_477 = arith.constant 32 : index
        %swap3A_478 = tpu.vector_load %arg6[%swap3A_475, %swap3A_476, %swap3A_477] {strides = array<i32>} : memref<4x200x64xf32, #tpu.memory_space<vmem>>, vector<1x1x16xf32>,
        %swap3A_479 = vector.shape_cast %swap3A_478 : vector<1x1x16xf32> to vector<16xf32>
        %swap3A_480 = vector.shape_cast %mul3A_473 : vector<16xf32> to vector<1x1x16xf32>
        tpu.vector_store %arg6[%swap3A_475, %swap3A_476, %swap3A_477], %swap3A_480 {strides = array<i32>} : memref<4x200x64xf32, #tpu.memory_space<vmem>>, vector<1x1x16xf32>,
        %add3A_481 = arith.constant 0 : i32
        %add3A_482 = arith.addi %mul3A_428, %add3A_481 : i32
        %get3A_483 = arith.constant 3 : i32
        %get3A_484 = arith.index_cast %get3A_483 : i32 to index
        %get3A_485 = arith.index_cast %add3A_482 : i32 to index
        %get3A_486 = arith.constant 48 : index
        %get3A_487 = tpu.vector_load %arg6[%get3A_484, %get3A_485, %get3A_486] {strides = array<i32>} : memref<4x200x64xf32, #tpu.memory_space<vmem>>, vector<1x1x16xf32>,
        %get3A_488 = vector.shape_cast %get3A_487 : vector<1x1x16xf32> to vector<16xf32>
        %mul3A_489 = arith.constant 8.000000e+00 : f32
        %mul3A_490 = vector.broadcast %mul3A_489 : f32 to vector<16xf32>
        %mul3A_491 = arith.mulf %get3A_488, %mul3A_490 : vector<16xf32>
        %swap3A_492 = arith.constant 3 : i32
        %swap3A_493 = arith.index_cast %swap3A_492 : i32 to index
        %swap3A_494 = arith.index_cast %add3A_482 : i32 to index
        %swap3A_495 = arith.constant 48 : index
        %swap3A_496 = tpu.vector_load %arg6[%swap3A_493, %swap3A_494, %swap3A_495] {strides = array<i32>} : memref<4x200x64xf32, #tpu.memory_space<vmem>>, vector<1x1x16xf32>,
        %swap3A_497 = vector.shape_cast %swap3A_496 : vector<1x1x16xf32> to vector<16xf32>
        %swap3A_498 = vector.shape_cast %mul3A_491 : vector<16xf32> to vector<1x1x16xf32>
        tpu.vector_store %arg6[%swap3A_493, %swap3A_494, %swap3A_495], %swap3A_498 {strides = array<i32>} : memref<4x200x64xf32, #tpu.memory_space<vmem>>, vector<1x1x16xf32>,
        %add3A_499 = arith.constant 1 : i32
        %add3A_500 = arith.addi %mul3A_428, %add3A_499 : i32
        %get3A_501 = arith.constant 3 : i32
        %get3A_502 = arith.index_cast %get3A_501 : i32 to index
        %get3A_503 = arith.index_cast %add3A_500 : i32 to index
        %get3A_504 = arith.constant 0 : index
        %get3A_505 = tpu.vector_load %arg6[%get3A_502, %get3A_503, %get3A_504] {strides = array<i32>} : memref<4x200x64xf32, #tpu.memory_space<vmem>>, vector<1x1x16xf32>,
        %get3A_506 = vector.shape_cast %get3A_505 : vector<1x1x16xf32> to vector<16xf32>
        %mul3A_507 = arith.constant 8.000000e+00 : f32
        %mul3A_508 = vector.broadcast %mul3A_507 : f32 to vector<16xf32>
        %mul3A_509 = arith.mulf %get3A_506, %mul3A_508 : vector<16xf32>
        %swap3A_510 = arith.constant 3 : i32
        %swap3A_511 = arith.index_cast %swap3A_510 : i32 to index
        %swap3A_512 = arith.index_cast %add3A_500 : i32 to index
        %swap3A_513 = arith.constant 0 : index
        %swap3A_514 = tpu.vector_load %arg6[%swap3A_511, %swap3A_512, %swap3A_513] {strides = array<i32>} : memref<4x200x64xf32, #tpu.memory_space<vmem>>, vector<1x1x16xf32>,
        %swap3A_515 = vector.shape_cast %swap3A_514 : vector<1x1x16xf32> to vector<16xf32>
        %swap3A_516 = vector.shape_cast %mul3A_509 : vector<16xf32> to vector<1x1x16xf32>
        tpu.vector_store %arg6[%swap3A_511, %swap3A_512, %swap3A_513], %swap3A_516 {strides = array<i32>} : memref<4x200x64xf32, #tpu.memory_space<vmem>>, vector<1x1x16xf32>,
        %add3A_517 = arith.constant 1 : i32
        %add3A_518 = arith.addi %mul3A_428, %add3A_517 : i32
        %get3A_519 = arith.constant 3 : i32
        %get3A_520 = arith.index_cast %get3A_519 : i32 to index
        %get3A_521 = arith.index_cast %add3A_518 : i32 to index
        %get3A_522 = arith.constant 16 : index
        %get3A_523 = tpu.vector_load %arg6[%get3A_520, %get3A_521, %get3A_522] {strides = array<i32>} : memref<4x200x64xf32, #tpu.memory_space<vmem>>, vector<1x1x16xf32>,
        %get3A_524 = vector.shape_cast %get3A_523 : vector<1x1x16xf32> to vector<16xf32>
        %mul3A_525 = arith.constant 8.000000e+00 : f32
        %mul3A_526 = vector.broadcast %mul3A_525 : f32 to vector<16xf32>
        %mul3A_527 = arith.mulf %get3A_524, %mul3A_526 : vector<16xf32>
        %swap3A_528 = arith.constant 3 : i32
        %swap3A_529 = arith.index_cast %swap3A_528 : i32 to index
        %swap3A_530 = arith.index_cast %add3A_518 : i32 to index
        %swap3A_531 = arith.constant 16 : index
        %swap3A_532 = tpu.vector_load %arg6[%swap3A_529, %swap3A_530, %swap3A_531] {strides = array<i32>} : memref<4x200x64xf32, #tpu.memory_space<vmem>>, vector<1x1x16xf32>,
        %swap3A_533 = vector.shape_cast %swap3A_532 : vector<1x1x16xf32> to vector<16xf32>
        %swap3A_534 = vector.shape_cast %mul3A_527 : vector<16xf32> to vector<1x1x16xf32>
        tpu.vector_store %arg6[%swap3A_529, %swap3A_530, %swap3A_531], %swap3A_534 {strides = array<i32>} : memref<4x200x64xf32, #tpu.memory_space<vmem>>, vector<1x1x16xf32>,
        %add3A_535 = arith.constant 1 : i32
        %add3A_536 = arith.addi %mul3A_428, %add3A_535 : i32
        %get3A_537 = arith.constant 3 : i32
        %get3A_538 = arith.index_cast %get3A_537 : i32 to index
        %get3A_539 = arith.index_cast %add3A_536 : i32 to index
        %get3A_540 = arith.constant 32 : index
        %get3A_541 = tpu.vector_load %arg6[%get3A_538, %get3A_539, %get3A_540] {strides = array<i32>} : memref<4x200x64xf32, #tpu.memory_space<vmem>>, vector<1x1x16xf32>,
        %get3A_542 = vector.shape_cast %get3A_541 : vector<1x1x16xf32> to vector<16xf32>
        %mul3A_543 = arith.constant 8.000000e+00 : f32
        %mul3A_544 = vector.broadcast %mul3A_543 : f32 to vector<16xf32>
        %mul3A_545 = arith.mulf %get3A_542, %mul3A_544 : vector<16xf32>
        %swap3A_546 = arith.constant 3 : i32
        %swap3A_547 = arith.index_cast %swap3A_546 : i32 to index
        %swap3A_548 = arith.index_cast %add3A_536 : i32 to index
        %swap3A_549 = arith.constant 32 : index
        %swap3A_550 = tpu.vector_load %arg6[%swap3A_547, %swap3A_548, %swap3A_549] {strides = array<i32>} : memref<4x200x64xf32, #tpu.memory_space<vmem>>, vector<1x1x16xf32>,
        %swap3A_551 = vector.shape_cast %swap3A_550 : vector<1x1x16xf32> to vector<16xf32>
        %swap3A_552 = vector.shape_cast %mul3A_545 : vector<16xf32> to vector<1x1x16xf32>
        tpu.vector_store %arg6[%swap3A_547, %swap3A_548, %swap3A_549], %swap3A_552 {strides = array<i32>} : memref<4x200x64xf32, #tpu.memory_space<vmem>>, vector<1x1x16xf32>,
        %add3A_553 = arith.constant 1 : i32
        %add3A_554 = arith.addi %mul3A_428, %add3A_553 : i32
        %get3A_555 = arith.constant 3 : i32
        %get3A_556 = arith.index_cast %get3A_555 : i32 to index
        %get3A_557 = arith.index_cast %add3A_554 : i32 to index
        %get3A_558 = arith.constant 48 : index
        %get3A_559 = tpu.vector_load %arg6[%get3A_556, %get3A_557, %get3A_558] {strides = array<i32>} : memref<4x200x64xf32, #tpu.memory_space<vmem>>, vector<1x1x16xf32>,
        %get3A_560 = vector.shape_cast %get3A_559 : vector<1x1x16xf32> to vector<16xf32>
        %mul3A_561 = arith.constant 8.000000e+00 : f32
        %mul3A_562 = vector.broadcast %mul3A_561 : f32 to vector<16xf32>
        %mul3A_563 = arith.mulf %get3A_560, %mul3A_562 : vector<16xf32>
        %swap3A_564 = arith.constant 3 : i32
        %swap3A_565 = arith.index_cast %swap3A_564 : i32 to index
        %swap3A_566 = arith.index_cast %add3A_554 : i32 to index
        %swap3A_567 = arith.constant 48 : index
        %swap3A_568 = tpu.vector_load %arg6[%swap3A_565, %swap3A_566, %swap3A_567] {strides = array<i32>} : memref<4x200x64xf32, #tpu.memory_space<vmem>>, vector<1x1x16xf32>,
        %swap3A_569 = vector.shape_cast %swap3A_568 : vector<1x1x16xf32> to vector<16xf32>
        %swap3A_570 = vector.shape_cast %mul3A_563 : vector<16xf32> to vector<1x1x16xf32>
        tpu.vector_store %arg6[%swap3A_565, %swap3A_566, %swap3A_567], %swap3A_570 {strides = array<i32>} : memref<4x200x64xf32, #tpu.memory_space<vmem>>, vector<1x1x16xf32>,
        %add3A_571 = arith.constant 2 : i32
        %add3A_572 = arith.addi %mul3A_428, %add3A_571 : i32
        %get3A_573 = arith.constant 3 : i32
        %get3A_574 = arith.index_cast %get3A_573 : i32 to index
        %get3A_575 = arith.index_cast %add3A_572 : i32 to index
        %get3A_576 = arith.constant 0 : index
        %get3A_577 = tpu.vector_load %arg6[%get3A_574, %get3A_575, %get3A_576] {strides = array<i32>} : memref<4x200x64xf32, #tpu.memory_space<vmem>>, vector<1x1x16xf32>,
        %get3A_578 = vector.shape_cast %get3A_577 : vector<1x1x16xf32> to vector<16xf32>
        %mul3A_579 = arith.constant 8.000000e+00 : f32
        %mul3A_580 = vector.broadcast %mul3A_579 : f32 to vector<16xf32>
        %mul3A_581 = arith.mulf %get3A_578, %mul3A_580 : vector<16xf32>
        %swap3A_582 = arith.constant 3 : i32
        %swap3A_583 = arith.index_cast %swap3A_582 : i32 to index
        %swap3A_584 = arith.index_cast %add3A_572 : i32 to index
        %swap3A_585 = arith.constant 0 : index
        %swap3A_586 = tpu.vector_load %arg6[%swap3A_583, %swap3A_584, %swap3A_585] {strides = array<i32>} : memref<4x200x64xf32, #tpu.memory_space<vmem>>, vector<1x1x16xf32>,
        %swap3A_587 = vector.shape_cast %swap3A_586 : vector<1x1x16xf32> to vector<16xf32>
        %swap3A_588 = vector.shape_cast %mul3A_581 : vector<16xf32> to vector<1x1x16xf32>
        tpu.vector_store %arg6[%swap3A_583, %swap3A_584, %swap3A_585], %swap3A_588 {strides = array<i32>} : memref<4x200x64xf32, #tpu.memory_space<vmem>>, vector<1x1x16xf32>,
        %add3A_589 = arith.constant 2 : i32
        %add3A_590 = arith.addi %mul3A_428, %add3A_589 : i32
        %get3A_591 = arith.constant 3 : i32
        %get3A_592 = arith.index_cast %get3A_591 : i32 to index
        %get3A_593 = arith.index_cast %add3A_590 : i32 to index
        %get3A_594 = arith.constant 16 : index
        %get3A_595 = tpu.vector_load %arg6[%get3A_592, %get3A_593, %get3A_594] {strides = array<i32>} : memref<4x200x64xf32, #tpu.memory_space<vmem>>, vector<1x1x16xf32>,
        %get3A_596 = vector.shape_cast %get3A_595 : vector<1x1x16xf32> to vector<16xf32>
        %mul3A_597 = arith.constant 8.000000e+00 : f32
        %mul3A_598 = vector.broadcast %mul3A_597 : f32 to vector<16xf32>
        %mul3A_599 = arith.mulf %get3A_596, %mul3A_598 : vector<16xf32>
        %swap3A_600 = arith.constant 3 : i32
        %swap3A_601 = arith.index_cast %swap3A_600 : i32 to index
        %swap3A_602 = arith.index_cast %add3A_590 : i32 to index
        %swap3A_603 = arith.constant 16 : index
        %swap3A_604 = tpu.vector_load %arg6[%swap3A_601, %swap3A_602, %swap3A_603] {strides = array<i32>} : memref<4x200x64xf32, #tpu.memory_space<vmem>>, vector<1x1x16xf32>,
        %swap3A_605 = vector.shape_cast %swap3A_604 : vector<1x1x16xf32> to vector<16xf32>
        %swap3A_606 = vector.shape_cast %mul3A_599 : vector<16xf32> to vector<1x1x16xf32>
        tpu.vector_store %arg6[%swap3A_601, %swap3A_602, %swap3A_603], %swap3A_606 {strides = array<i32>} : memref<4x200x64xf32, #tpu.memory_space<vmem>>, vector<1x1x16xf32>,
        %add3A_607 = arith.constant 2 : i32
        %add3A_608 = arith.addi %mul3A_428, %add3A_607 : i32
        %get3A_609 = arith.constant 3 : i32
        %get3A_610 = arith.index_cast %get3A_609 : i32 to index
        %get3A_611 = arith.index_cast %add3A_608 : i32 to index
        %get3A_612 = arith.constant 32 : index
        %get3A_613 = tpu.vector_load %arg6[%get3A_610, %get3A_611, %get3A_612] {strides = array<i32>} : memref<4x200x64xf32, #tpu.memory_space<vmem>>, vector<1x1x16xf32>,
        %get3A_614 = vector.shape_cast %get3A_613 : vector<1x1x16xf32> to vector<16xf32>
        %mul3A_615 = arith.constant 8.000000e+00 : f32
        %mul3A_616 = vector.broadcast %mul3A_615 : f32 to vector<16xf32>
        %mul3A_617 = arith.mulf %get3A_614, %mul3A_616 : vector<16xf32>
        %swap3A_618 = arith.constant 3 : i32
        %swap3A_619 = arith.index_cast %swap3A_618 : i32 to index
        %swap3A_620 = arith.index_cast %add3A_608 : i32 to index
        %swap3A_621 = arith.constant 32 : index
        %swap3A_622 = tpu.vector_load %arg6[%swap3A_619, %swap3A_620, %swap3A_621] {strides = array<i32>} : memref<4x200x64xf32, #tpu.memory_space<vmem>>, vector<1x1x16xf32>,
        %swap3A_623 = vector.shape_cast %swap3A_622 : vector<1x1x16xf32> to vector<16xf32>
        %swap3A_624 = vector.shape_cast %mul3A_617 : vector<16xf32> to vector<1x1x16xf32>
        tpu.vector_store %arg6[%swap3A_619, %swap3A_620, %swap3A_621], %swap3A_624 {strides = array<i32>} : memref<4x200x64xf32, #tpu.memory_space<vmem>>, vector<1x1x16xf32>,
        %add3A_625 = arith.constant 2 : i32
        %add3A_626 = arith.addi %mul3A_428, %add3A_625 : i32
        %get3A_627 = arith.constant 3 : i32
        %get3A_628 = arith.index_cast %get3A_627 : i32 to index
        %get3A_629 = arith.index_cast %add3A_626 : i32 to index
        %get3A_630 = arith.constant 48 : index
        %get3A_631 = tpu.vector_load %arg6[%get3A_628, %get3A_629, %get3A_630] {strides = array<i32>} : memref<4x200x64xf32, #tpu.memory_space<vmem>>, vector<1x1x16xf32>,
        %get3A_632 = vector.shape_cast %get3A_631 : vector<1x1x16xf32> to vector<16xf32>
        %mul3A_633 = arith.constant 8.000000e+00 : f32
        %mul3A_634 = vector.broadcast %mul3A_633 : f32 to vector<16xf32>
        %mul3A_635 = arith.mulf %get3A_632, %mul3A_634 : vector<16xf32>
        %swap3A_636 = arith.constant 3 : i32
        %swap3A_637 = arith.index_cast %swap3A_636 : i32 to index
        %swap3A_638 = arith.index_cast %add3A_626 : i32 to index
        %swap3A_639 = arith.constant 48 : index
        %swap3A_640 = tpu.vector_load %arg6[%swap3A_637, %swap3A_638, %swap3A_639] {strides = array<i32>} : memref<4x200x64xf32, #tpu.memory_space<vmem>>, vector<1x1x16xf32>,
        %swap3A_641 = vector.shape_cast %swap3A_640 : vector<1x1x16xf32> to vector<16xf32>
        %swap3A_642 = vector.shape_cast %mul3A_635 : vector<16xf32> to vector<1x1x16xf32>
        tpu.vector_store %arg6[%swap3A_637, %swap3A_638, %swap3A_639], %swap3A_642 {strides = array<i32>} : memref<4x200x64xf32, #tpu.memory_space<vmem>>, vector<1x1x16xf32>,
        %add3A_643 = arith.constant 3 : i32
        %add3A_644 = arith.addi %mul3A_428, %add3A_643 : i32
        %get3A_645 = arith.constant 3 : i32
        %get3A_646 = arith.index_cast %get3A_645 : i32 to index
        %get3A_647 = arith.index_cast %add3A_644 : i32 to index
        %get3A_648 = arith.constant 0 : index
        %get3A_649 = tpu.vector_load %arg6[%get3A_646, %get3A_647, %get3A_648] {strides = array<i32>} : memref<4x200x64xf32, #tpu.memory_space<vmem>>, vector<1x1x16xf32>,
        %get3A_650 = vector.shape_cast %get3A_649 : vector<1x1x16xf32> to vector<16xf32>
        %mul3A_651 = arith.constant 8.000000e+00 : f32
        %mul3A_652 = vector.broadcast %mul3A_651 : f32 to vector<16xf32>
        %mul3A_653 = arith.mulf %get3A_650, %mul3A_652 : vector<16xf32>
        %swap3A_654 = arith.constant 3 : i32
        %swap3A_655 = arith.index_cast %swap3A_654 : i32 to index
        %swap3A_656 = arith.index_cast %add3A_644 : i32 to index
        %swap3A_657 = arith.constant 0 : index
        %swap3A_658 = tpu.vector_load %arg6[%swap3A_655, %swap3A_656, %swap3A_657] {strides = array<i32>} : memref<4x200x64xf32, #tpu.memory_space<vmem>>, vector<1x1x16xf32>,
        %swap3A_659 = vector.shape_cast %swap3A_658 : vector<1x1x16xf32> to vector<16xf32>
        %swap3A_660 = vector.shape_cast %mul3A_653 : vector<16xf32> to vector<1x1x16xf32>
        tpu.vector_store %arg6[%swap3A_655, %swap3A_656, %swap3A_657], %swap3A_660 {strides = array<i32>} : memref<4x200x64xf32, #tpu.memory_space<vmem>>, vector<1x1x16xf32>,
        %add3A_661 = arith.constant 3 : i32
        %add3A_662 = arith.addi %mul3A_428, %add3A_661 : i32
        %get3A_663 = arith.constant 3 : i32
        %get3A_664 = arith.index_cast %get3A_663 : i32 to index
        %get3A_665 = arith.index_cast %add3A_662 : i32 to index
        %get3A_666 = arith.constant 16 : index
        %get3A_667 = tpu.vector_load %arg6[%get3A_664, %get3A_665, %get3A_666] {strides = array<i32>} : memref<4x200x64xf32, #tpu.memory_space<vmem>>, vector<1x1x16xf32>,
        %get3A_668 = vector.shape_cast %get3A_667 : vector<1x1x16xf32> to vector<16xf32>
        %mul3A_669 = arith.constant 8.000000e+00 : f32
        %mul3A_670 = vector.broadcast %mul3A_669 : f32 to vector<16xf32>
        %mul3A_671 = arith.mulf %get3A_668, %mul3A_670 : vector<16xf32>
        %swap3A_672 = arith.constant 3 : i32
        %swap3A_673 = arith.index_cast %swap3A_672 : i32 to index
        %swap3A_674 = arith.index_cast %add3A_662 : i32 to index
        %swap3A_675 = arith.constant 16 : index
        %swap3A_676 = tpu.vector_load %arg6[%swap3A_673, %swap3A_674, %swap3A_675] {strides = array<i32>} : memref<4x200x64xf32, #tpu.memory_space<vmem>>, vector<1x1x16xf32>,
        %swap3A_677 = vector.shape_cast %swap3A_676 : vector<1x1x16xf32> to vector<16xf32>
        %swap3A_678 = vector.shape_cast %mul3A_671 : vector<16xf32> to vector<1x1x16xf32>
        tpu.vector_store %arg6[%swap3A_673, %swap3A_674, %swap3A_675], %swap3A_678 {strides = array<i32>} : memref<4x200x64xf32, #tpu.memory_space<vmem>>, vector<1x1x16xf32>,
        %add3A_679 = arith.constant 3 : i32
        %add3A_680 = arith.addi %mul3A_428, %add3A_679 : i32
        %get3A_681 = arith.constant 3 : i32
        %get3A_682 = arith.index_cast %get3A_681 : i32 to index
        %get3A_683 = arith.index_cast %add3A_680 : i32 to index
        %get3A_684 = arith.constant 32 : index
        %get3A_685 = tpu.vector_load %arg6[%get3A_682, %get3A_683, %get3A_684] {strides = array<i32>} : memref<4x200x64xf32, #tpu.memory_space<vmem>>, vector<1x1x16xf32>,
        %get3A_686 = vector.shape_cast %get3A_685 : vector<1x1x16xf32> to vector<16xf32>
        %mul3A_687 = arith.constant 8.000000e+00 : f32
        %mul3A_688 = vector.broadcast %mul3A_687 : f32 to vector<16xf32>
        %mul3A_689 = arith.mulf %get3A_686, %mul3A_688 : vector<16xf32>
        %swap3A_690 = arith.constant 3 : i32
        %swap3A_691 = arith.index_cast %swap3A_690 : i32 to index
        %swap3A_692 = arith.index_cast %add3A_680 : i32 to index
        %swap3A_693 = arith.constant 32 : index
        %swap3A_694 = tpu.vector_load %arg6[%swap3A_691, %swap3A_692, %swap3A_693] {strides = array<i32>} : memref<4x200x64xf32, #tpu.memory_space<vmem>>, vector<1x1x16xf32>,
        %swap3A_695 = vector.shape_cast %swap3A_694 : vector<1x1x16xf32> to vector<16xf32>
        %swap3A_696 = vector.shape_cast %mul3A_689 : vector<16xf32> to vector<1x1x16xf32>
        tpu.vector_store %arg6[%swap3A_691, %swap3A_692, %swap3A_693], %swap3A_696 {strides = array<i32>} : memref<4x200x64xf32, #tpu.memory_space<vmem>>, vector<1x1x16xf32>,
        %add3A_697 = arith.constant 3 : i32
        %add3A_698 = arith.addi %mul3A_428, %add3A_697 : i32
        %get3A_699 = arith.constant 3 : i32
        %get3A_700 = arith.index_cast %get3A_699 : i32 to index
        %get3A_701 = arith.index_cast %add3A_698 : i32 to index
        %get3A_702 = arith.constant 48 : index
        %get3A_703 = tpu.vector_load %arg6[%get3A_700, %get3A_701, %get3A_702] {strides = array<i32>} : memref<4x200x64xf32, #tpu.memory_space<vmem>>, vector<1x1x16xf32>,
        %get3A_704 = vector.shape_cast %get3A_703 : vector<1x1x16xf32> to vector<16xf32>
        %mul3A_705 = arith.constant 8.000000e+00 : f32
        %mul3A_706 = vector.broadcast %mul3A_705 : f32 to vector<16xf32>
        %mul3A_707 = arith.mulf %get3A_704, %mul3A_706 : vector<16xf32>
        %swap3A_708 = arith.constant 3 : i32
        %swap3A_709 = arith.index_cast %swap3A_708 : i32 to index
        %swap3A_710 = arith.index_cast %add3A_698 : i32 to index
        %swap3A_711 = arith.constant 48 : index
        %swap3A_712 = tpu.vector_load %arg6[%swap3A_709, %swap3A_710, %swap3A_711] {strides = array<i32>} : memref<4x200x64xf32, #tpu.memory_space<vmem>>, vector<1x1x16xf32>,
        %swap3A_713 = vector.shape_cast %swap3A_712 : vector<1x1x16xf32> to vector<16xf32>
        %swap3A_714 = vector.shape_cast %mul3A_707 : vector<16xf32> to vector<1x1x16xf32>
        tpu.vector_store %arg6[%swap3A_709, %swap3A_710, %swap3A_711], %swap3A_714 {strides = array<i32>} : memref<4x200x64xf32, #tpu.memory_space<vmem>>, vector<1x1x16xf32>,
        %add3A_715 = arith.constant 4 : i32
        %add3A_716 = arith.addi %mul3A_428, %add3A_715 : i32
        %get3A_717 = arith.constant 3 : i32
        %get3A_718 = arith.index_cast %get3A_717 : i32 to index
        %get3A_719 = arith.index_cast %add3A_716 : i32 to index
        %get3A_720 = arith.constant 0 : index
        %get3A_721 = tpu.vector_load %arg6[%get3A_718, %get3A_719, %get3A_720] {strides = array<i32>} : memref<4x200x64xf32, #tpu.memory_space<vmem>>, vector<1x1x16xf32>,
        %get3A_722 = vector.shape_cast %get3A_721 : vector<1x1x16xf32> to vector<16xf32>
        %mul3A_723 = arith.constant 8.000000e+00 : f32
        %mul3A_724 = vector.broadcast %mul3A_723 : f32 to vector<16xf32>
        %mul3A_725 = arith.mulf %get3A_722, %mul3A_724 : vector<16xf32>
        %swap3A_726 = arith.constant 3 : i32
        %swap3A_727 = arith.index_cast %swap3A_726 : i32 to index
        %swap3A_728 = arith.index_cast %add3A_716 : i32 to index
        %swap3A_729 = arith.constant 0 : index
        %swap3A_730 = tpu.vector_load %arg6[%swap3A_727, %swap3A_728, %swap3A_729] {strides = array<i32>} : memref<4x200x64xf32, #tpu.memory_space<vmem>>, vector<1x1x16xf32>,
        %swap3A_731 = vector.shape_cast %swap3A_730 : vector<1x1x16xf32> to vector<16xf32>
        %swap3A_732 = vector.shape_cast %mul3A_725 : vector<16xf32> to vector<1x1x16xf32>
        tpu.vector_store %arg6[%swap3A_727, %swap3A_728, %swap3A_729], %swap3A_732 {strides = array<i32>} : memref<4x200x64xf32, #tpu.memory_space<vmem>>, vector<1x1x16xf32>,
        %add3A_733 = arith.constant 4 : i32
        %add3A_734 = arith.addi %mul3A_428, %add3A_733 : i32
        %get3A_735 = arith.constant 3 : i32
        %get3A_736 = arith.index_cast %get3A_735 : i32 to index
        %get3A_737 = arith.index_cast %add3A_734 : i32 to index
        %get3A_738 = arith.constant 16 : index
        %get3A_739 = tpu.vector_load %arg6[%get3A_736, %get3A_737, %get3A_738] {strides = array<i32>} : memref<4x200x64xf32, #tpu.memory_space<vmem>>, vector<1x1x16xf32>,
        %get3A_740 = vector.shape_cast %get3A_739 : vector<1x1x16xf32> to vector<16xf32>
        %mul3A_741 = arith.constant 8.000000e+00 : f32
        %mul3A_742 = vector.broadcast %mul3A_741 : f32 to vector<16xf32>
        %mul3A_743 = arith.mulf %get3A_740, %mul3A_742 : vector<16xf32>
        %swap3A_744 = arith.constant 3 : i32
        %swap3A_745 = arith.index_cast %swap3A_744 : i32 to index
        %swap3A_746 = arith.index_cast %add3A_734 : i32 to index
        %swap3A_747 = arith.constant 16 : index
        %swap3A_748 = tpu.vector_load %arg6[%swap3A_745, %swap3A_746, %swap3A_747] {strides = array<i32>} : memref<4x200x64xf32, #tpu.memory_space<vmem>>, vector<1x1x16xf32>,
        %swap3A_749 = vector.shape_cast %swap3A_748 : vector<1x1x16xf32> to vector<16xf32>
        %swap3A_750 = vector.shape_cast %mul3A_743 : vector<16xf32> to vector<1x1x16xf32>
        tpu.vector_store %arg6[%swap3A_745, %swap3A_746, %swap3A_747], %swap3A_750 {strides = array<i32>} : memref<4x200x64xf32, #tpu.memory_space<vmem>>, vector<1x1x16xf32>,
        %add3A_751 = arith.constant 4 : i32
        %add3A_752 = arith.addi %mul3A_428, %add3A_751 : i32
        %get3A_753 = arith.constant 3 : i32
        %get3A_754 = arith.index_cast %get3A_753 : i32 to index
        %get3A_755 = arith.index_cast %add3A_752 : i32 to index
        %get3A_756 = arith.constant 32 : index
        %get3A_757 = tpu.vector_load %arg6[%get3A_754, %get3A_755, %get3A_756] {strides = array<i32>} : memref<4x200x64xf32, #tpu.memory_space<vmem>>, vector<1x1x16xf32>,
        %get3A_758 = vector.shape_cast %get3A_757 : vector<1x1x16xf32> to vector<16xf32>
        %mul3A_759 = arith.constant 8.000000e+00 : f32
        %mul3A_760 = vector.broadcast %mul3A_759 : f32 to vector<16xf32>
        %mul3A_761 = arith.mulf %get3A_758, %mul3A_760 : vector<16xf32>
        %swap3A_762 = arith.constant 3 : i32
        %swap3A_763 = arith.index_cast %swap3A_762 : i32 to index
        %swap3A_764 = arith.index_cast %add3A_752 : i32 to index
        %swap3A_765 = arith.constant 32 : index
        %swap3A_766 = tpu.vector_load %arg6[%swap3A_763, %swap3A_764, %swap3A_765] {strides = array<i32>} : memref<4x200x64xf32, #tpu.memory_space<vmem>>, vector<1x1x16xf32>,
        %swap3A_767 = vector.shape_cast %swap3A_766 : vector<1x1x16xf32> to vector<16xf32>
        %swap3A_768 = vector.shape_cast %mul3A_761 : vector<16xf32> to vector<1x1x16xf32>
        tpu.vector_store %arg6[%swap3A_763, %swap3A_764, %swap3A_765], %swap3A_768 {strides = array<i32>} : memref<4x200x64xf32, #tpu.memory_space<vmem>>, vector<1x1x16xf32>,
        %add3A_769 = arith.constant 4 : i32
        %add3A_770 = arith.addi %mul3A_428, %add3A_769 : i32
        %get3A_771 = arith.constant 3 : i32
        %get3A_772 = arith.index_cast %get3A_771 : i32 to index
        %get3A_773 = arith.index_cast %add3A_770 : i32 to index
        %get3A_774 = arith.constant 48 : index
        %get3A_775 = tpu.vector_load %arg6[%get3A_772, %get3A_773, %get3A_774] {strides = array<i32>} : memref<4x200x64xf32, #tpu.memory_space<vmem>>, vector<1x1x16xf32>,
        %get3A_776 = vector.shape_cast %get3A_775 : vector<1x1x16xf32> to vector<16xf32>
        %mul3A_777 = arith.constant 8.000000e+00 : f32
        %mul3A_778 = vector.broadcast %mul3A_777 : f32 to vector<16xf32>
        %mul3A_779 = arith.mulf %get3A_776, %mul3A_778 : vector<16xf32>
        %swap3A_780 = arith.constant 3 : i32
        %swap3A_781 = arith.index_cast %swap3A_780 : i32 to index
        %swap3A_782 = arith.index_cast %add3A_770 : i32 to index
        %swap3A_783 = arith.constant 48 : index
        %swap3A_784 = tpu.vector_load %arg6[%swap3A_781, %swap3A_782, %swap3A_783] {strides = array<i32>} : memref<4x200x64xf32, #tpu.memory_space<vmem>>, vector<1x1x16xf32>,
        %swap3A_785 = vector.shape_cast %swap3A_784 : vector<1x1x16xf32> to vector<16xf32>
        %swap3A_786 = vector.shape_cast %mul3A_779 : vector<16xf32> to vector<1x1x16xf32>
        tpu.vector_store %arg6[%swap3A_781, %swap3A_782, %swap3A_783], %swap3A_786 {strides = array<i32>} : memref<4x200x64xf32, #tpu.memory_space<vmem>>, vector<1x1x16xf32>,
        %add3A_787 = arith.constant 5 : i32
        %add3A_788 = arith.addi %mul3A_428, %add3A_787 : i32
        %get3A_789 = arith.constant 3 : i32
        %get3A_790 = arith.index_cast %get3A_789 : i32 to index
        %get3A_791 = arith.index_cast %add3A_788 : i32 to index
        %get3A_792 = arith.constant 0 : index
        %get3A_793 = tpu.vector_load %arg6[%get3A_790, %get3A_791, %get3A_792] {strides = array<i32>} : memref<4x200x64xf32, #tpu.memory_space<vmem>>, vector<1x1x16xf32>,
        %get3A_794 = vector.shape_cast %get3A_793 : vector<1x1x16xf32> to vector<16xf32>
        %mul3A_795 = arith.constant 8.000000e+00 : f32
        %mul3A_796 = vector.broadcast %mul3A_795 : f32 to vector<16xf32>
        %mul3A_797 = arith.mulf %get3A_794, %mul3A_796 : vector<16xf32>
        %swap3A_798 = arith.constant 3 : i32
        %swap3A_799 = arith.index_cast %swap3A_798 : i32 to index
        %swap3A_800 = arith.index_cast %add3A_788 : i32 to index
        %swap3A_801 = arith.constant 0 : index
        %swap3A_802 = tpu.vector_load %arg6[%swap3A_799, %swap3A_800, %swap3A_801] {strides = array<i32>} : memref<4x200x64xf32, #tpu.memory_space<vmem>>, vector<1x1x16xf32>,
        %swap3A_803 = vector.shape_cast %swap3A_802 : vector<1x1x16xf32> to vector<16xf32>
        %swap3A_804 = vector.shape_cast %mul3A_797 : vector<16xf32> to vector<1x1x16xf32>
        tpu.vector_store %arg6[%swap3A_799, %swap3A_800, %swap3A_801], %swap3A_804 {strides = array<i32>} : memref<4x200x64xf32, #tpu.memory_space<vmem>>, vector<1x1x16xf32>,
        %add3A_805 = arith.constant 5 : i32
        %add3A_806 = arith.addi %mul3A_428, %add3A_805 : i32
        %get3A_807 = arith.constant 3 : i32
        %get3A_808 = arith.index_cast %get3A_807 : i32 to index
        %get3A_809 = arith.index_cast %add3A_806 : i32 to index
        %get3A_810 = arith.constant 16 : index
        %get3A_811 = tpu.vector_load %arg6[%get3A_808, %get3A_809, %get3A_810] {strides = array<i32>} : memref<4x200x64xf32, #tpu.memory_space<vmem>>, vector<1x1x16xf32>,
        %get3A_812 = vector.shape_cast %get3A_811 : vector<1x1x16xf32> to vector<16xf32>
        %mul3A_813 = arith.constant 8.000000e+00 : f32
        %mul3A_814 = vector.broadcast %mul3A_813 : f32 to vector<16xf32>
        %mul3A_815 = arith.mulf %get3A_812, %mul3A_814 : vector<16xf32>
        %swap3A_816 = arith.constant 3 : i32
        %swap3A_817 = arith.index_cast %swap3A_816 : i32 to index
        %swap3A_818 = arith.index_cast %add3A_806 : i32 to index
        %swap3A_819 = arith.constant 16 : index
        %swap3A_820 = tpu.vector_load %arg6[%swap3A_817, %swap3A_818, %swap3A_819] {strides = array<i32>} : memref<4x200x64xf32, #tpu.memory_space<vmem>>, vector<1x1x16xf32>,
        %swap3A_821 = vector.shape_cast %swap3A_820 : vector<1x1x16xf32> to vector<16xf32>
        %swap3A_822 = vector.shape_cast %mul3A_815 : vector<16xf32> to vector<1x1x16xf32>
        tpu.vector_store %arg6[%swap3A_817, %swap3A_818, %swap3A_819], %swap3A_822 {strides = array<i32>} : memref<4x200x64xf32, #tpu.memory_space<vmem>>, vector<1x1x16xf32>,
        %add3A_823 = arith.constant 5 : i32
        %add3A_824 = arith.addi %mul3A_428, %add3A_823 : i32
        %get3A_825 = arith.constant 3 : i32
        %get3A_826 = arith.index_cast %get3A_825 : i32 to index
        %get3A_827 = arith.index_cast %add3A_824 : i32 to index
        %get3A_828 = arith.constant 32 : index
        %get3A_829 = tpu.vector_load %arg6[%get3A_826, %get3A_827, %get3A_828] {strides = array<i32>} : memref<4x200x64xf32, #tpu.memory_space<vmem>>, vector<1x1x16xf32>,
        %get3A_830 = vector.shape_cast %get3A_829 : vector<1x1x16xf32> to vector<16xf32>
        %mul3A_831 = arith.constant 8.000000e+00 : f32
        %mul3A_832 = vector.broadcast %mul3A_831 : f32 to vector<16xf32>
        %mul3A_833 = arith.mulf %get3A_830, %mul3A_832 : vector<16xf32>
        %swap3A_834 = arith.constant 3 : i32
        %swap3A_835 = arith.index_cast %swap3A_834 : i32 to index
        %swap3A_836 = arith.index_cast %add3A_824 : i32 to index
        %swap3A_837 = arith.constant 32 : index
        %swap3A_838 = tpu.vector_load %arg6[%swap3A_835, %swap3A_836, %swap3A_837] {strides = array<i32>} : memref<4x200x64xf32, #tpu.memory_space<vmem>>, vector<1x1x16xf32>,
        %swap3A_839 = vector.shape_cast %swap3A_838 : vector<1x1x16xf32> to vector<16xf32>
        %swap3A_840 = vector.shape_cast %mul3A_833 : vector<16xf32> to vector<1x1x16xf32>
        tpu.vector_store %arg6[%swap3A_835, %swap3A_836, %swap3A_837], %swap3A_840 {strides = array<i32>} : memref<4x200x64xf32, #tpu.memory_space<vmem>>, vector<1x1x16xf32>,
        %add3A_841 = arith.constant 5 : i32
        %add3A_842 = arith.addi %mul3A_428, %add3A_841 : i32
        %get3A_843 = arith.constant 3 : i32
        %get3A_844 = arith.index_cast %get3A_843 : i32 to index
        %get3A_845 = arith.index_cast %add3A_842 : i32 to index
        %get3A_846 = arith.constant 48 : index
        %get3A_847 = tpu.vector_load %arg6[%get3A_844, %get3A_845, %get3A_846] {strides = array<i32>} : memref<4x200x64xf32, #tpu.memory_space<vmem>>, vector<1x1x16xf32>,
        %get3A_848 = vector.shape_cast %get3A_847 : vector<1x1x16xf32> to vector<16xf32>
        %mul3A_849 = arith.constant 8.000000e+00 : f32
        %mul3A_850 = vector.broadcast %mul3A_849 : f32 to vector<16xf32>
        %mul3A_851 = arith.mulf %get3A_848, %mul3A_850 : vector<16xf32>
        %swap3A_852 = arith.constant 3 : i32
        %swap3A_853 = arith.index_cast %swap3A_852 : i32 to index
        %swap3A_854 = arith.index_cast %add3A_842 : i32 to index
        %swap3A_855 = arith.constant 48 : index
        %swap3A_856 = tpu.vector_load %arg6[%swap3A_853, %swap3A_854, %swap3A_855] {strides = array<i32>} : memref<4x200x64xf32, #tpu.memory_space<vmem>>, vector<1x1x16xf32>,
        %swap3A_857 = vector.shape_cast %swap3A_856 : vector<1x1x16xf32> to vector<16xf32>
        %swap3A_858 = vector.shape_cast %mul3A_851 : vector<16xf32> to vector<1x1x16xf32>
        tpu.vector_store %arg6[%swap3A_853, %swap3A_854, %swap3A_855], %swap3A_858 {strides = array<i32>} : memref<4x200x64xf32, #tpu.memory_space<vmem>>, vector<1x1x16xf32>,
        %add3A_859 = arith.constant 6 : i32
        %add3A_860 = arith.addi %mul3A_428, %add3A_859 : i32
        %get3A_861 = arith.constant 3 : i32
        %get3A_862 = arith.index_cast %get3A_861 : i32 to index
        %get3A_863 = arith.index_cast %add3A_860 : i32 to index
        %get3A_864 = arith.constant 0 : index
        %get3A_865 = tpu.vector_load %arg6[%get3A_862, %get3A_863, %get3A_864] {strides = array<i32>} : memref<4x200x64xf32, #tpu.memory_space<vmem>>, vector<1x1x16xf32>,
        %get3A_866 = vector.shape_cast %get3A_865 : vector<1x1x16xf32> to vector<16xf32>
        %mul3A_867 = arith.constant 8.000000e+00 : f32
        %mul3A_868 = vector.broadcast %mul3A_867 : f32 to vector<16xf32>
        %mul3A_869 = arith.mulf %get3A_866, %mul3A_868 : vector<16xf32>
        %swap3A_870 = arith.constant 3 : i32
        %swap3A_871 = arith.index_cast %swap3A_870 : i32 to index
        %swap3A_872 = arith.index_cast %add3A_860 : i32 to index
        %swap3A_873 = arith.constant 0 : index
        %swap3A_874 = tpu.vector_load %arg6[%swap3A_871, %swap3A_872, %swap3A_873] {strides = array<i32>} : memref<4x200x64xf32, #tpu.memory_space<vmem>>, vector<1x1x16xf32>,
        %swap3A_875 = vector.shape_cast %swap3A_874 : vector<1x1x16xf32> to vector<16xf32>
        %swap3A_876 = vector.shape_cast %mul3A_869 : vector<16xf32> to vector<1x1x16xf32>
        tpu.vector_store %arg6[%swap3A_871, %swap3A_872, %swap3A_873], %swap3A_876 {strides = array<i32>} : memref<4x200x64xf32, #tpu.memory_space<vmem>>, vector<1x1x16xf32>,
        %add3A_877 = arith.constant 6 : i32
        %add3A_878 = arith.addi %mul3A_428, %add3A_877 : i32
        %get3A_879 = arith.constant 3 : i32
        %get3A_880 = arith.index_cast %get3A_879 : i32 to index
        %get3A_881 = arith.index_cast %add3A_878 : i32 to index
        %get3A_882 = arith.constant 16 : index
        %get3A_883 = tpu.vector_load %arg6[%get3A_880, %get3A_881, %get3A_882] {strides = array<i32>} : memref<4x200x64xf32, #tpu.memory_space<vmem>>, vector<1x1x16xf32>,
        %get3A_884 = vector.shape_cast %get3A_883 : vector<1x1x16xf32> to vector<16xf32>
        %mul3A_885 = arith.constant 8.000000e+00 : f32
        %mul3A_886 = vector.broadcast %mul3A_885 : f32 to vector<16xf32>
        %mul3A_887 = arith.mulf %get3A_884, %mul3A_886 : vector<16xf32>
        %swap3A_888 = arith.constant 3 : i32
        %swap3A_889 = arith.index_cast %swap3A_888 : i32 to index
        %swap3A_890 = arith.index_cast %add3A_878 : i32 to index
        %swap3A_891 = arith.constant 16 : index
        %swap3A_892 = tpu.vector_load %arg6[%swap3A_889, %swap3A_890, %swap3A_891] {strides = array<i32>} : memref<4x200x64xf32, #tpu.memory_space<vmem>>, vector<1x1x16xf32>,
        %swap3A_893 = vector.shape_cast %swap3A_892 : vector<1x1x16xf32> to vector<16xf32>
        %swap3A_894 = vector.shape_cast %mul3A_887 : vector<16xf32> to vector<1x1x16xf32>
        tpu.vector_store %arg6[%swap3A_889, %swap3A_890, %swap3A_891], %swap3A_894 {strides = array<i32>} : memref<4x200x64xf32, #tpu.memory_space<vmem>>, vector<1x1x16xf32>,
        %add3A_895 = arith.constant 6 : i32
        %add3A_896 = arith.addi %mul3A_428, %add3A_895 : i32
        %get3A_897 = arith.constant 3 : i32
        %get3A_898 = arith.index_cast %get3A_897 : i32 to index
        %get3A_899 = arith.index_cast %add3A_896 : i32 to index
        %get3A_900 = arith.constant 32 : index
        %get3A_901 = tpu.vector_load %arg6[%get3A_898, %get3A_899, %get3A_900] {strides = array<i32>} : memref<4x200x64xf32, #tpu.memory_space<vmem>>, vector<1x1x16xf32>,
        %get3A_902 = vector.shape_cast %get3A_901 : vector<1x1x16xf32> to vector<16xf32>
        %mul3A_903 = arith.constant 8.000000e+00 : f32
        %mul3A_904 = vector.broadcast %mul3A_903 : f32 to vector<16xf32>
        %mul3A_905 = arith.mulf %get3A_902, %mul3A_904 : vector<16xf32>
        %swap3A_906 = arith.constant 3 : i32
        %swap3A_907 = arith.index_cast %swap3A_906 : i32 to index
        %swap3A_908 = arith.index_cast %add3A_896 : i32 to index
        %swap3A_909 = arith.constant 32 : index
        %swap3A_910 = tpu.vector_load %arg6[%swap3A_907, %swap3A_908, %swap3A_909] {strides = array<i32>} : memref<4x200x64xf32, #tpu.memory_space<vmem>>, vector<1x1x16xf32>,
        %swap3A_911 = vector.shape_cast %swap3A_910 : vector<1x1x16xf32> to vector<16xf32>
        %swap3A_912 = vector.shape_cast %mul3A_905 : vector<16xf32> to vector<1x1x16xf32>
        tpu.vector_store %arg6[%swap3A_907, %swap3A_908, %swap3A_909], %swap3A_912 {strides = array<i32>} : memref<4x200x64xf32, #tpu.memory_space<vmem>>, vector<1x1x16xf32>,
        %add3A_913 = arith.constant 6 : i32
        %add3A_914 = arith.addi %mul3A_428, %add3A_913 : i32
        %get3A_915 = arith.constant 3 : i32
        %get3A_916 = arith.index_cast %get3A_915 : i32 to index
        %get3A_917 = arith.index_cast %add3A_914 : i32 to index
        %get3A_918 = arith.constant 48 : index
        %get3A_919 = tpu.vector_load %arg6[%get3A_916, %get3A_917, %get3A_918] {strides = array<i32>} : memref<4x200x64xf32, #tpu.memory_space<vmem>>, vector<1x1x16xf32>,
        %get3A_920 = vector.shape_cast %get3A_919 : vector<1x1x16xf32> to vector<16xf32>
        %mul3A_921 = arith.constant 8.000000e+00 : f32
        %mul3A_922 = vector.broadcast %mul3A_921 : f32 to vector<16xf32>
        %mul3A_923 = arith.mulf %get3A_920, %mul3A_922 : vector<16xf32>
        %swap3A_924 = arith.constant 3 : i32
        %swap3A_925 = arith.index_cast %swap3A_924 : i32 to index
        %swap3A_926 = arith.index_cast %add3A_914 : i32 to index
        %swap3A_927 = arith.constant 48 : index
        %swap3A_928 = tpu.vector_load %arg6[%swap3A_925, %swap3A_926, %swap3A_927] {strides = array<i32>} : memref<4x200x64xf32, #tpu.memory_space<vmem>>, vector<1x1x16xf32>,
        %swap3A_929 = vector.shape_cast %swap3A_928 : vector<1x1x16xf32> to vector<16xf32>
        %swap3A_930 = vector.shape_cast %mul3A_923 : vector<16xf32> to vector<1x1x16xf32>
        tpu.vector_store %arg6[%swap3A_925, %swap3A_926, %swap3A_927], %swap3A_930 {strides = array<i32>} : memref<4x200x64xf32, #tpu.memory_space<vmem>>, vector<1x1x16xf32>,
        %add3A_931 = arith.constant 7 : i32
        %add3A_932 = arith.addi %mul3A_428, %add3A_931 : i32
        %get3A_933 = arith.constant 3 : i32
        %get3A_934 = arith.index_cast %get3A_933 : i32 to index
        %get3A_935 = arith.index_cast %add3A_932 : i32 to index
        %get3A_936 = arith.constant 0 : index
        %get3A_937 = tpu.vector_load %arg6[%get3A_934, %get3A_935, %get3A_936] {strides = array<i32>} : memref<4x200x64xf32, #tpu.memory_space<vmem>>, vector<1x1x16xf32>,
        %get3A_938 = vector.shape_cast %get3A_937 : vector<1x1x16xf32> to vector<16xf32>
        %mul3A_939 = arith.constant 8.000000e+00 : f32
        %mul3A_940 = vector.broadcast %mul3A_939 : f32 to vector<16xf32>
        %mul3A_941 = arith.mulf %get3A_938, %mul3A_940 : vector<16xf32>
        %swap3A_942 = arith.constant 3 : i32
        %swap3A_943 = arith.index_cast %swap3A_942 : i32 to index
        %swap3A_944 = arith.index_cast %add3A_932 : i32 to index
        %swap3A_945 = arith.constant 0 : index
        %swap3A_946 = tpu.vector_load %arg6[%swap3A_943, %swap3A_944, %swap3A_945] {strides = array<i32>} : memref<4x200x64xf32, #tpu.memory_space<vmem>>, vector<1x1x16xf32>,
        %swap3A_947 = vector.shape_cast %swap3A_946 : vector<1x1x16xf32> to vector<16xf32>
        %swap3A_948 = vector.shape_cast %mul3A_941 : vector<16xf32> to vector<1x1x16xf32>
        tpu.vector_store %arg6[%swap3A_943, %swap3A_944, %swap3A_945], %swap3A_948 {strides = array<i32>} : memref<4x200x64xf32, #tpu.memory_space<vmem>>, vector<1x1x16xf32>,
        %add3A_949 = arith.constant 7 : i32
        %add3A_950 = arith.addi %mul3A_428, %add3A_949 : i32
        %get3A_951 = arith.constant 3 : i32
        %get3A_952 = arith.index_cast %get3A_951 : i32 to index
        %get3A_953 = arith.index_cast %add3A_950 : i32 to index
        %get3A_954 = arith.constant 16 : index
        %get3A_955 = tpu.vector_load %arg6[%get3A_952, %get3A_953, %get3A_954] {strides = array<i32>} : memref<4x200x64xf32, #tpu.memory_space<vmem>>, vector<1x1x16xf32>,
        %get3A_956 = vector.shape_cast %get3A_955 : vector<1x1x16xf32> to vector<16xf32>
        %mul3A_957 = arith.constant 8.000000e+00 : f32
        %mul3A_958 = vector.broadcast %mul3A_957 : f32 to vector<16xf32>
        %mul3A_959 = arith.mulf %get3A_956, %mul3A_958 : vector<16xf32>
        %swap3A_960 = arith.constant 3 : i32
        %swap3A_961 = arith.index_cast %swap3A_960 : i32 to index
        %swap3A_962 = arith.index_cast %add3A_950 : i32 to index
        %swap3A_963 = arith.constant 16 : index
        %swap3A_964 = tpu.vector_load %arg6[%swap3A_961, %swap3A_962, %swap3A_963] {strides = array<i32>} : memref<4x200x64xf32, #tpu.memory_space<vmem>>, vector<1x1x16xf32>,
        %swap3A_965 = vector.shape_cast %swap3A_964 : vector<1x1x16xf32> to vector<16xf32>
        %swap3A_966 = vector.shape_cast %mul3A_959 : vector<16xf32> to vector<1x1x16xf32>
        tpu.vector_store %arg6[%swap3A_961, %swap3A_962, %swap3A_963], %swap3A_966 {strides = array<i32>} : memref<4x200x64xf32, #tpu.memory_space<vmem>>, vector<1x1x16xf32>,
        %add3A_967 = arith.constant 7 : i32
        %add3A_968 = arith.addi %mul3A_428, %add3A_967 : i32
        %get3A_969 = arith.constant 3 : i32
        %get3A_970 = arith.index_cast %get3A_969 : i32 to index
        %get3A_971 = arith.index_cast %add3A_968 : i32 to index
        %get3A_972 = arith.constant 32 : index
        %get3A_973 = tpu.vector_load %arg6[%get3A_970, %get3A_971, %get3A_972] {strides = array<i32>} : memref<4x200x64xf32, #tpu.memory_space<vmem>>, vector<1x1x16xf32>,
        %get3A_974 = vector.shape_cast %get3A_973 : vector<1x1x16xf32> to vector<16xf32>
        %mul3A_975 = arith.constant 8.000000e+00 : f32
        %mul3A_976 = vector.broadcast %mul3A_975 : f32 to vector<16xf32>
        %mul3A_977 = arith.mulf %get3A_974, %mul3A_976 : vector<16xf32>
        %swap3A_978 = arith.constant 3 : i32
        %swap3A_979 = arith.index_cast %swap3A_978 : i32 to index
        %swap3A_980 = arith.index_cast %add3A_968 : i32 to index
        %swap3A_981 = arith.constant 32 : index
        %swap3A_982 = tpu.vector_load %arg6[%swap3A_979, %swap3A_980, %swap3A_981] {strides = array<i32>} : memref<4x200x64xf32, #tpu.memory_space<vmem>>, vector<1x1x16xf32>,
        %swap3A_983 = vector.shape_cast %swap3A_982 : vector<1x1x16xf32> to vector<16xf32>
        %swap3A_984 = vector.shape_cast %mul3A_977 : vector<16xf32> to vector<1x1x16xf32>
        tpu.vector_store %arg6[%swap3A_979, %swap3A_980, %swap3A_981], %swap3A_984 {strides = array<i32>} : memref<4x200x64xf32, #tpu.memory_space<vmem>>, vector<1x1x16xf32>,
        %add3A_985 = arith.constant 7 : i32
        %add3A_986 = arith.addi %mul3A_428, %add3A_985 : i32
        %get3A_987 = arith.constant 3 : i32
        %get3A_988 = arith.index_cast %get3A_987 : i32 to index
        %get3A_989 = arith.index_cast %add3A_986 : i32 to index
        %get3A_990 = arith.constant 48 : index
        %get3A_991 = tpu.vector_load %arg6[%get3A_988, %get3A_989, %get3A_990] {strides = array<i32>} : memref<4x200x64xf32, #tpu.memory_space<vmem>>, vector<1x1x16xf32>,
        %get3A_992 = vector.shape_cast %get3A_991 : vector<1x1x16xf32> to vector<16xf32>
        %mul3A_993 = arith.constant 8.000000e+00 : f32
        %mul3A_994 = vector.broadcast %mul3A_993 : f32 to vector<16xf32>
        %mul3A_995 = arith.mulf %get3A_992, %mul3A_994 : vector<16xf32>
        %swap3A_996 = arith.constant 3 : i32
        %swap3A_997 = arith.index_cast %swap3A_996 : i32 to index
        %swap3A_998 = arith.index_cast %add3A_986 : i32 to index
        %swap3A_999 = arith.constant 48 : index
        %swap3A_1000 = tpu.vector_load %arg6[%swap3A_997, %swap3A_998, %swap3A_999] {strides = array<i32>} : memref<4x200x64xf32, #tpu.memory_space<vmem>>, vector<1x1x16xf32>,
        %swap3A_1001 = vector.shape_cast %swap3A_1000 : vector<1x1x16xf32> to vector<16xf32>
        %swap3A_1002 = vector.shape_cast %mul3A_995 : vector<16xf32> to vector<1x1x16xf32>
        tpu.vector_store %arg6[%swap3A_997, %swap3A_998, %swap3A_999], %swap3A_1002 {strides = array<i32>} : memref<4x200x64xf32, #tpu.memory_space<vmem>>, vector<1x1x16xf32>,
      }
      %scan3A_409 = arith.constant 25 : i32
      %add3A_410 = arith.addi %mul3A_2, %add3A_365 : i32
      %mul3A_411 = arith.constant 200 : i32
      %mul3A_412 = arith.muli %add3A_410, %mul3A_411 : i32
      %dma_start3A_413 = arith.constant 3 : i32
      %dma_start3A_414 = arith.constant 0 : i32
      %dma_start3A_415 = arith.constant 0 : i32
      %dma_start3A_416 = tpu.memref_slice %arg6[%dma_start3A_413, %dma_start3A_414, %dma_start3A_415] : memref<4x200x64xf32, #tpu.memory_space<vmem>> -> memref<1x200x64xf32, #tpu.memory_space<vmem>>
      %dma_start3A_417 = tpu.memref_squeeze %dma_start3A_416 : memref<1x200x64xf32, #tpu.memory_space<vmem>> -> memref<200x64xf32, #tpu.memory_space<vmem>>
      %dma_start3A_418 = arith.constant 0 : i32
      %dma_start3A_419 = tpu.memref_slice %arg4[%mul3A_412, %dma_start3A_418] : memref<3276800x128xf32, #tpu.memory_space<hbm>> -> memref<200x64xf32, #tpu.memory_space<hbm>>
      %dma_start3A_420 = arith.constant 0 : i32
      %dma_start3A_421 = tpu.memref_slice %arg4[%mul3A_412, %dma_start3A_420] : memref<3276800x128xf32, #tpu.memory_space<hbm>> -> memref<200x64xf32, #tpu.memory_space<hbm>>
      %dma_start3A_422 = arith.constant 0 : i32
      %dma_start3A_423 = arith.constant 0 : i32
      %dma_start3A_424 = tpu.memref_slice %arg6[%dma_start3A_413, %dma_start3A_422, %dma_start3A_423] : memref<4x200x64xf32, #tpu.memory_space<vmem>> -> memref<1x200x64xf32, #tpu.memory_space<vmem>>
      %dma_start3A_425 = tpu.memref_squeeze %dma_start3A_424 : memref<1x200x64xf32, #tpu.memory_space<vmem>> -> memref<200x64xf32, #tpu.memory_space<vmem>>
      tpu.enqueue_dma source(%dma_start3A_425 : memref<200x64xf32, #tpu.memory_space<vmem>>) target(%dma_start3A_421 : memref<200x64xf32, #tpu.memory_space<hbm>>) target_semaphore(%arg14 : memref<!tpu.dma_semaphore, #tpu.memory_space<semaphore_mem>>)
    }
    %scan3A_111 = arith.constant 128 : i32
    %mul3A_112 = arith.constant 200 : i32
    %mul3A_113 = arith.muli %mul3A_2, %mul3A_112 : i32
    %dma_wait3A_114 = arith.constant 0 : i32
    %dma_wait3A_115 = arith.constant 0 : i32
    %dma_wait3A_116 = arith.constant 0 : i32
    %dma_wait3A_117 = tpu.memref_slice %arg6[%dma_wait3A_114, %dma_wait3A_115, %dma_wait3A_116] : memref<4x200x64xf32, #tpu.memory_space<vmem>> -> memref<1x200x64xf32, #tpu.memory_space<vmem>>
    %dma_wait3A_118 = tpu.memref_squeeze %dma_wait3A_117 : memref<1x200x64xf32, #tpu.memory_space<vmem>> -> memref<200x64xf32, #tpu.memory_space<vmem>>
    %dma_wait3A_119 = arith.constant 0 : i32
    %dma_wait3A_120 = tpu.memref_slice %arg4[%mul3A_113, %dma_wait3A_119] : memref<3276800x128xf32, #tpu.memory_space<hbm>> -> memref<200x64xf32, #tpu.memory_space<hbm>>
    %dma_wait3A_121 = arith.constant 0 : i32
    %dma_wait3A_122 = tpu.memref_slice %arg4[%mul3A_113, %dma_wait3A_121] : memref<3276800x128xf32, #tpu.memory_space<hbm>> -> memref<200x64xf32, #tpu.memory_space<hbm>>
    %dma_wait3A_123 = arith.constant 0 : i32
    %dma_wait3A_124 = arith.constant 0 : i32
    %dma_wait3A_125 = tpu.memref_slice %arg6[%dma_wait3A_114, %dma_wait3A_123, %dma_wait3A_124] : memref<4x200x64xf32, #tpu.memory_space<vmem>> -> memref<1x200x64xf32, #tpu.memory_space<vmem>>
    %dma_wait3A_126 = tpu.memref_squeeze %dma_wait3A_125 : memref<1x200x64xf32, #tpu.memory_space<vmem>> -> memref<200x64xf32, #tpu.memory_space<vmem>>
    tpu.wait_dma2 semaphore(%arg11 : memref<!tpu.dma_semaphore, #tpu.memory_space<semaphore_mem>>) src(%dma_wait3A_126 : memref<200x64xf32, #tpu.memory_space<vmem>>) dst(%dma_wait3A_122 : memref<200x64xf32, #tpu.memory_space<hbm>>)
    %mul3A_127 = arith.constant 200 : i32
    %mul3A_128 = arith.muli %mul3A_2, %mul3A_127 : i32
    %dma_wait3A_129 = arith.constant 1 : i32
    %dma_wait3A_130 = arith.constant 0 : i32
    %dma_wait3A_131 = arith.constant 0 : i32
    %dma_wait3A_132 = tpu.memref_slice %arg6[%dma_wait3A_129, %dma_wait3A_130, %dma_wait3A_131] : memref<4x200x64xf32, #tpu.memory_space<vmem>> -> memref<1x200x64xf32, #tpu.memory_space<vmem>>
    %dma_wait3A_133 = tpu.memref_squeeze %dma_wait3A_132 : memref<1x200x64xf32, #tpu.memory_space<vmem>> -> memref<200x64xf32, #tpu.memory_space<vmem>>
    %dma_wait3A_134 = arith.constant 0 : i32
    %dma_wait3A_135 = tpu.memref_slice %arg4[%mul3A_128, %dma_wait3A_134] : memref<3276800x128xf32, #tpu.memory_space<hbm>> -> memref<200x64xf32, #tpu.memory_space<hbm>>
    %dma_wait3A_136 = arith.constant 0 : i32
    %dma_wait3A_137 = tpu.memref_slice %arg4[%mul3A_128, %dma_wait3A_136] : memref<3276800x128xf32, #tpu.memory_space<hbm>> -> memref<200x64xf32, #tpu.memory_space<hbm>>
    %dma_wait3A_138 = arith.constant 0 : i32
    %dma_wait3A_139 = arith.constant 0 : i32
    %dma_wait3A_140 = tpu.memref_slice %arg6[%dma_wait3A_129, %dma_wait3A_138, %dma_wait3A_139] : memref<4x200x64xf32, #tpu.memory_space<vmem>> -> memref<1x200x64xf32, #tpu.memory_space<vmem>>
    %dma_wait3A_141 = tpu.memref_squeeze %dma_wait3A_140 : memref<1x200x64xf32, #tpu.memory_space<vmem>> -> memref<200x64xf32, #tpu.memory_space<vmem>>
    tpu.wait_dma2 semaphore(%arg12 : memref<!tpu.dma_semaphore, #tpu.memory_space<semaphore_mem>>) src(%dma_wait3A_141 : memref<200x64xf32, #tpu.memory_space<vmem>>) dst(%dma_wait3A_137 : memref<200x64xf32, #tpu.memory_space<hbm>>)
    %mul3A_142 = arith.constant 200 : i32
    %mul3A_143 = arith.muli %mul3A_2, %mul3A_142 : i32
    %dma_wait3A_144 = arith.constant 2 : i32
    %dma_wait3A_145 = arith.constant 0 : i32
    %dma_wait3A_146 = arith.constant 0 : i32
    %dma_wait3A_147 = tpu.memref_slice %arg6[%dma_wait3A_144, %dma_wait3A_145, %dma_wait3A_146] : memref<4x200x64xf32, #tpu.memory_space<vmem>> -> memref<1x200x64xf32, #tpu.memory_space<vmem>>
    %dma_wait3A_148 = tpu.memref_squeeze %dma_wait3A_147 : memref<1x200x64xf32, #tpu.memory_space<vmem>> -> memref<200x64xf32, #tpu.memory_space<vmem>>
    %dma_wait3A_149 = arith.constant 0 : i32
    %dma_wait3A_150 = tpu.memref_slice %arg4[%mul3A_143, %dma_wait3A_149] : memref<3276800x128xf32, #tpu.memory_space<hbm>> -> memref<200x64xf32, #tpu.memory_space<hbm>>
    %dma_wait3A_151 = arith.constant 0 : i32
    %dma_wait3A_152 = tpu.memref_slice %arg4[%mul3A_143, %dma_wait3A_151] : memref<3276800x128xf32, #tpu.memory_space<hbm>> -> memref<200x64xf32, #tpu.memory_space<hbm>>
    %dma_wait3A_153 = arith.constant 0 : i32
    %dma_wait3A_154 = arith.constant 0 : i32
    %dma_wait3A_155 = tpu.memref_slice %arg6[%dma_wait3A_144, %dma_wait3A_153, %dma_wait3A_154] : memref<4x200x64xf32, #tpu.memory_space<vmem>> -> memref<1x200x64xf32, #tpu.memory_space<vmem>>
    %dma_wait3A_156 = tpu.memref_squeeze %dma_wait3A_155 : memref<1x200x64xf32, #tpu.memory_space<vmem>> -> memref<200x64xf32, #tpu.memory_space<vmem>>
    tpu.wait_dma2 semaphore(%arg13 : memref<!tpu.dma_semaphore, #tpu.memory_space<semaphore_mem>>) src(%dma_wait3A_156 : memref<200x64xf32, #tpu.memory_space<vmem>>) dst(%dma_wait3A_152 : memref<200x64xf32, #tpu.memory_space<hbm>>)
    %mul3A_157 = arith.constant 200 : i32
    %mul3A_158 = arith.muli %mul3A_2, %mul3A_157 : i32
    %dma_wait3A_159 = arith.constant 3 : i32
    %dma_wait3A_160 = arith.constant 0 : i32
    %dma_wait3A_161 = arith.constant 0 : i32
    %dma_wait3A_162 = tpu.memref_slice %arg6[%dma_wait3A_159, %dma_wait3A_160, %dma_wait3A_161] : memref<4x200x64xf32, #tpu.memory_space<vmem>> -> memref<1x200x64xf32, #tpu.memory_space<vmem>>
    %dma_wait3A_163 = tpu.memref_squeeze %dma_wait3A_162 : memref<1x200x64xf32, #tpu.memory_space<vmem>> -> memref<200x64xf32, #tpu.memory_space<vmem>>
    %dma_wait3A_164 = arith.constant 0 : i32
    %dma_wait3A_165 = tpu.memref_slice %arg4[%mul3A_158, %dma_wait3A_164] : memref<3276800x128xf32, #tpu.memory_space<hbm>> -> memref<200x64xf32, #tpu.memory_space<hbm>>
    %dma_wait3A_166 = arith.constant 0 : i32
    %dma_wait3A_167 = tpu.memref_slice %arg4[%mul3A_158, %dma_wait3A_166] : memref<3276800x128xf32, #tpu.memory_space<hbm>> -> memref<200x64xf32, #tpu.memory_space<hbm>>
    %dma_wait3A_168 = arith.constant 0 : i32
    %dma_wait3A_169 = arith.constant 0 : i32
    %dma_wait3A_170 = tpu.memref_slice %arg6[%dma_wait3A_159, %dma_wait3A_168, %dma_wait3A_169] : memref<4x200x64xf32, #tpu.memory_space<vmem>> -> memref<1x200x64xf32, #tpu.memory_space<vmem>>
    %dma_wait3A_171 = tpu.memref_squeeze %dma_wait3A_170 : memref<1x200x64xf32, #tpu.memory_space<vmem>> -> memref<200x64xf32, #tpu.memory_space<vmem>>
    tpu.wait_dma2 semaphore(%arg14 : memref<!tpu.dma_semaphore, #tpu.memory_space<semaphore_mem>>) src(%dma_wait3A_171 : memref<200x64xf32, #tpu.memory_space<vmem>>) dst(%dma_wait3A_167 : memref<200x64xf32, #tpu.memory_space<hbm>>)
    return
  }
}

</mosaic_0001>

<sc_bundles>
// kernel: kernel.3.cloned.1.call-start
scs
__scs_entry_jumppad:
0x0: {  	(pc) =	sbr.rel $0x88, $3  }
0x1: {  	(tag) =	ssettag $0x0;
	lr =	simm.s32 $0x1  }
0x2: {  	[smem:$0x3F9F] =	sst lr;
	_ =	strace $0xD0000000  }
0x3: {  	_ = 	snop  }
0x4: {  	_ = 	snop  }
0x5: {  	_ = 	snop  }
0x6: {  	_ = 	snop  }
0x7: {  	_ = 	snop  }
__scs_overlays_trampoline_lowered:
0x8: {  	[smem:$0x3FAE] =	sst s0  }
0x9: {  	[smem:$0x3FAF] =	sst s1  }
0xa: {  	[smem:$0x3FB0] =	sst s2  }
0xb: {  	[smem:$0x3FB1] =	sst s3  }
0xc: {  	[smem:$0x3FB2] =	sst s4  }
0xd: {  	[smem:$0x3FB3] =	sst s5  }
0xe: {  	[smem:$0x3FB4] =	sst s6  }
0xf: {  	[smem:$0x3FB5] =	sst s7  }
0x10: {  	[smem:$0x3FB6] =	sst s8  }
0x11: {  	[smem:$0x3FB7] =	sst s9;
	s0 =	simm.s32 @!p0 $0x0  }
0x12: {  	s1 =	sld [smem:$0x3F9D];
	s0 =	simm.s32 @p0 $0x1  }
0x13: {  	[smem:$0x3FB8] =	sst s0;
	s0 =	simm.s32 @!p1 $0x0  }
0x14: {  	s2 =	sld [smem:$0x3F9C];
	s0 =	simm.s32 @p1 $0x1  }
0x15: {  	[smem:$0x3FB9] =	sst s0;
	s0 =	simm.s32 @!p2 $0x0  }
0x16: {  	s3 =	sld [smem:$0x3FDB];
	s0 =	simm.s32 @p2 $0x1  }
0x17: {  	s4 =	simm.s32 $0x1BF5;
	[smem:$0x3FBB] =	sst s0  }
0x18: {  	s0 =	sld [smem:$0x3F9E];
	_ =	swait.ge [sflag:s4], $0x0  }
0x19: {  	s7 =	sld [smem:$0x3F9F]  }
0x1a: {  	s8 =	sadd.s32 $0xFFFFE003, lr  }
0x1b: {  	s9 =	sadd.s32 $0xFFFFFEF7, lr;
	s5 =	simm.s32 $0xFFFFFFFF;
	p2 =	slt.u32 s8, $0xFFFFF086  }
0x1c: {  	p1 =	slt.u32 s9, $0xF7A;
	s5 =	simm.s32 @!p2 $0x0  }
0x1d: {  	s5 =	simm.s32 @p1 $0x1;
	p0 =	seq.s32 s7, s2  }
0x1e: {  	s7 =	smul.u32 @!p0 $0xF7A, s2;
	p2 =	seq.s32 @!p0 s5, $0x0  }
0x1f: {  	s9 =	smul.u32 $0xF7A, s1;
	s8 =	simm.s32 @!p0 $0x1BF5;
	p2 =	por !p2, p0  }
0x20: {  	[sflag:s8] =	ssyncset.s32 @!p0 $0xFFFFF086;
	s6 =	sadd.s32 @!p0 s3, s7;
	s7 =	simm.s32 @!p0 $0x108  }
0x21: {  	s3 =	sadd.s32 s3, s9;
	s6 =	sadd.s32 @!p0 $0x88, s6;
	s7 =	simm.s32 @p2 $0x1082  }
0x22: {  	[simem:s7], [sflag:s8] =	dma.local @!p0 [hbm:s6], $0xF7A  }
0x23: {  	s9 =	sor.u32 $0xD0000000, s2;
	s6 =	simm.s32 $0x108;
	_ =	swait.ge @!p0 [sflag:s8], $0x0  }
0x24: {  	s3 =	sadd.s32 $0x88, s3;
	s6 =	simm.s32 @!p1 $0x1082;
	[sflag:s4] =	ssyncset.s32 $0xFFFFF086  }
0x25: {  	[simem:s6], [sflag:s4] =	dma.local [hbm:s3], $0xF7A  }
0x26: {  	[smem:$0x3F9F] =	sst s1;
	(tag) =	ssettag s2;
	_ =	strace s9  }
0x27: {  	s1 =	sld [smem:$0x3FAF]  }
0x28: {  	s2 =	sld [smem:$0x3FB0]  }
0x29: {  	s4 =	sld [smem:$0x3FB2]  }
0x2a: {  	p0 =	seq.s32 s5, $0x0;
	s5 =	sld [smem:$0x3FB3]  }
0x2b: {  	s6 =	sld [smem:$0x3FB4]  }
0x2c: {  	s7 =	sld [smem:$0x3FB5]  }
0x2d: {  	s3 =	simm.s32 $0x108;
	s8 =	sld [smem:$0x3FB6]  }
0x2e: {  	s3 =	simm.s32 @!p0 $0x1082;
	s9 =	sld [smem:$0x3FB7]  }
0x2f: {  	lr =	sadd.s32 s0, s3;
	s0 =	sld [smem:$0x3FAE]  }
0x30: {  	s3 =	sld [smem:$0x3FB1]  }
0x31: {  	[smem:$0x3FBA] =	sst s10  }
0x32: {  	s10 =	sld [smem:$0x3FB8];
	_ =	sdelay $0x3  }
0x33: {  	p0 =	seq.s32 s10, $0x1;
	s10 =	sld [smem:$0x3FBA];
	_ =	sdelay $0x3  }
0x34: {  	[smem:$0x3FBA] =	sst s10  }
0x35: {  	s10 =	sld [smem:$0x3FB9];
	_ =	sdelay $0x3  }
0x36: {  	p1 =	seq.s32 s10, $0x1;
	s10 =	sld [smem:$0x3FBA];
	_ =	sdelay $0x3  }
0x37: {  	[smem:$0x3FBA] =	sst s10  }
0x38: {  	s10 =	sld [smem:$0x3FBB]  }
0x39: {  	_ = 	snop;
	(pc) =	sbr.ind lr, $3  }
0x3a: {  	_ = 	snop  }
0x3b: {  	_ = 	snop  }
0x3c: {  	p2 =	seq.s32 s10, $0x1;
	s10 =	sld [smem:$0x3FBA]  }
0x3d: {  	_ =	shalt  }
0x3e: {  	_ =	shalt  }
0x3f: {  	_ =	shalt  }
0x40: {  	_ =	shalt  }
0x41: {  	_ =	shalt  }
0x42: {  	_ =	shalt  }
0x43: {  	_ =	shalt  }
0x44: {  	_ =	shalt  }
0x45: {  	_ =	shalt  }
0x46: {  	_ =	shalt  }
0x47: {  	_ =	shalt  }
0x48: {  	_ =	shalt  }
0x49: {  	_ =	shalt  }
0x4a: {  	_ =	shalt  }
0x4b: {  	_ =	shalt  }
0x4c: {  	_ =	shalt  }
0x4d: {  	_ =	shalt  }
0x4e: {  	_ =	shalt  }
0x4f: {  	_ =	shalt  }
0x50: {  	_ =	shalt  }
0x51: {  	_ =	shalt  }
0x52: {  	_ =	shalt  }
0x53: {  	_ =	shalt  }
0x54: {  	_ =	shalt  }
0x55: {  	_ =	shalt  }
0x56: {  	_ =	shalt  }
0x57: {  	_ =	shalt  }
0x58: {  	_ =	shalt  }
0x59: {  	_ =	shalt  }
0x5a: {  	_ =	shalt  }
0x5b: {  	_ =	shalt  }
0x5c: {  	_ =	shalt  }
0x5d: {  	_ =	shalt  }
0x5e: {  	_ =	shalt  }
0x5f: {  	_ =	shalt  }
0x60: {  	_ =	shalt  }
0x61: {  	_ =	shalt  }
0x62: {  	_ =	shalt  }
0x63: {  	_ =	shalt  }
0x64: {  	_ =	shalt  }
0x65: {  	_ =	shalt  }
0x66: {  	_ =	shalt  }
0x67: {  	_ =	shalt  }
0x68: {  	_ =	shalt  }
0x69: {  	_ =	shalt  }
0x6a: {  	_ =	shalt  }
0x6b: {  	_ =	shalt  }
0x6c: {  	_ =	shalt  }
0x6d: {  	_ =	shalt  }
0x6e: {  	_ =	shalt  }
0x6f: {  	_ =	shalt  }
0x70: {  	_ =	shalt  }
0x71: {  	_ =	shalt  }
0x72: {  	_ =	shalt  }
0x73: {  	_ =	shalt  }
0x74: {  	_ =	shalt  }
0x75: {  	_ =	shalt  }
0x76: {  	_ =	shalt  }
0x77: {  	_ =	shalt  }
0x78: {  	_ =	shalt  }
0x79: {  	_ =	shalt  }
0x7a: {  	_ =	shalt  }
0x7b: {  	_ =	shalt  }
0x7c: {  	_ =	shalt  }
0x7d: {  	_ =	shalt  }
0x7e: {  	_ =	shalt  }
0x7f: {  	_ =	shalt  }
0x80: {  	_ =	shalt  }
0x81: {  	_ =	shalt  }
0x82: {  	_ =	shalt  }
0x83: {  	_ =	shalt  }
0x84: {  	_ =	shalt  }
0x85: {  	_ =	shalt  }
0x86: {  	_ =	shalt  }
0x87: {  	_ =	shalt  }
.Lfunc_end0:
.L_simem_size_0:
called_computation.1_lowered:
.L_overlay_start_0:
0x88: {  	s2 =	sld [smem:$0x3FD9]  }
0x89: {  	s3 =	sld [smem:$0x3FFE];
	_ =	sdelay $0x1  }
0x8a: {  	s1 =	srdreg.scid  }
0x8b: {  	s0 =	sand.u32 $0x1, s1  }
0x8c: {  	s16 =	sshll.u32 s0, $0xA;
	s2 =	sadd.s32 s3, s2  }
0x8d: {  	s2 =	sadd.s32 s2, s16  }
0x8e: {  	[smem:$0x3FC6] =	sst s2  }
0x8f: {  	_ = 	snop  }
0x90: {  	(tm) =	ssettm $0x1  }
0x91: {  	s17 =	sld [smem:$0x3FFB];
	_ =	sdelay $0x3  }
0x92: {  	_ =	strace s17  }
0x93: {  	s2 =	sld [smem:$0x3FFC];
	_ =	sdelay $0x3  }
0x94: {  	_ =	strace s2  }
0x95: {  	s2 =	sld [smem:$0x3FFD];
	_ =	sdelay $0x3  }
0x96: {  	_ =	strace s2  }
0x97: {  	_ =	strace $0x8FFFFFFF  }
0x98: {  	s18 =	sld [smem:$0x3FDB];
	_ =	sdelay $0x1  }
0x99: {  	s19 =	simm.s32 $_scs_section_size  }
0x9a: {  	s4 =	simm.s32 $_size__tile_overlayer_lowered;
	s5 =	simm.s32 $_tile_overlayer_lowered  }
0x9b: {  	s22 =	simm.s32 $0x1BFF;
	s21 =	sshll.u32 s5, $0x1;
	s2 =	sadd.s32 s19, s18  }
0x9c: {  	s6 =	simm.s32 $0x0;
	s20 =	sshll.u32 s4, $0x1;
	s4 =	sadd.s32 s21, s2  }
0x9d: {  	[timem:s6], [sflag:s22] =	dma.local [hbm:s4], s20  }
0x9e: {  	_ =	swait.ge [sflag:s22], s20  }
0x9f: {  	s3 =	ssub.s32 $0x0, s20;
	[sflag:s22] =	ssyncset.done $0x0  }
0xa0: {  	[sflag:s22] =	ssyncadd.s32 s3;
	_ =	sdelay $0x1  }
0xa1: {  	s23 =	simm.s32 $0x1B8B  }
0xa2: {  	_ =	swait.ge [sflag:s23], $0x1  }
0xa3: {  	[sflag:s23] =	ssyncset.done $0x0  }
0xa4: {  	s25 =	simm.s32 $0x1B8E;
	s24 =	sld [smem:$0x3FFE];
	[sflag:s23] =	ssyncadd.s32 $0xFFFFFFFF  }
0xa5: {  	s26 =	simm.s32 $execute0_lowered;
	[smem:$0x3FD2] =	sst s25  }
0xa6: {  	s4 =	sshll.u32 s26, $0x1;
	_ =	strace $0x80000046;
	[dreg:$0x1] =	wrdreg $0xFFFFFFFF  }
0xa7: {  	s28 =	simm.s32 $_size_execute0_lowered;
	s2 =	sadd.s32 s2, s4;
	[dreg:$0x0] =	wrdreg $0x0  }
0xa8: {  	s4 =	sshll.u32 s28, $0x1;
	[dreg:$0x2] =	wrdreg s2  }
0xa9: {  	[dreg:$0x3] =	wrdreg s4  }
0xaa: {  	[dreg:$0x4] =	wrdreg $0xC0  }
0xab: {  	_ =	task [dreg:s6], $0x5FFFF  }
0xac: {  	[dreg:$0x1] =	wrdreg $0xFFFFFFFF  }
0xad: {  	[dreg:$0x0] =	wrdreg $0x60  }
0xae: {  	[dreg:$0x2] =	wrdreg s24  }
0xaf: {  	[dreg:$0x3] =	wrdreg $0x9  }
0xb0: {  	_ =	task.clear_ibuf [dreg:s6], $0x4FFFF;
	_ =	strace $0x90000046  }
0xb1: {  	s29 =	simm.s32 $0x9;
	_ =	strace $0x80000048  }
0xb2: {  	_ =	swait.ge [sflag:s29], $0x1  }
0xb3: {  	[sflag:s29] =	ssyncadd.s32 $0xFFFFFFFF  }
0xb4: {  	_ =	strace $0x90000048  }
0xb5: {  	_ =	sfence  }
0xb6: {  	s30 =	sld [smem:$0x0];
	_ =	sdelay $0x2  }
0xb7: {  	s31 =	sshll.u32 s1, $0xD;
	s1 =	sshrl.u32 s1, $0x2  }
0xb8: {  	s3 =	sand.u32 $0x4000, s31;
	s1 =	sadd.s32 s1, s30  }
0xb9: {  	s0 =	sor.u32 s3, s0;
	s1 =	sshll.u32 s1, $0x11  }
0xba: {  	s0 =	sor.u32 s1, s0  }
0xbb: {  	s0 =	sadd.s32 $0x8F2B, s0  }
0xbc: {  	[sflag:s0] =	ssyncadd.remote.s32 $0x1  }
0xbd: {  	_ =	sfence.sel $0xFFFF  }
0xbe: {  	[dreg:$0x0] =	wrdreg $0xFFFFFFFF;
	(pc) =	sbr.abs _section_cstart, $3  }
0xbf: {  	[dreg:$0x1] =	wrdreg $0xFFFFFFFF  }
0xc0: {  	_ =	task.clear_ibuf [dreg:s6], $0x2FFFF;
	_ =	strace $0x9FFFFFFF  }
0xc1: {  	(tm) =	ssettm $0x7FFFFFFF  }
tec
execute0_lowered:
.L_overlay_start_1:
0x0: {  	(tag) =	ssettag $0x1  }
0x1: {  	s0 =	rddreg [dreg:$0x0];
	s1 =	srdreg.scid  }
0x2: {  	s2 =	stileid.u32;
	s4 =	simm.s32 $0x0;
	s17 =	simm.s32 $0x80  }
0x3: {  	s18 =	simm.s32 $0x320;
	s19 =	simm.s32 $0x48;
	s22 =	simm.s32 $0x190  }
0x4: {  	s23 =	simm.s32 $0x258;
	s29 =	simm.s32 $0xB;
	s30 =	simm.s32 $0x6720  }
0x5: {  	s20 =	simm.s32 $0x40;
	s28 =	simm.s32 $0x9920;
	s21 =	simm.s32 $0x2D8  }
0x6: {  	s8 =	simm.s32 $0xB920;
	s9 =	simm.s32 $0x2;
	s1 =	sand.u32 $0x1, s1  }
0x7: {  	s2 =	sshll.u32 s2, $0xA;
	[smem:$0x7FF] =	sst s4;
	s4 =	sadd.s32 $0x800, s0  }
0x8: {  	s5 =	sadd.s32 $0x64800, s0;
	s3 =	sshll.u32 s1, $0x9;
	s1 =	ssub.s32 $0x2, s1  }
0x9: {  	s6 =	sadd.s32 $0x805A00, s0;
	s3 =	sor.u32 s3, s2;
	s7 =	sshrl.u32 s1, $0x1  }
0xa: {  	_ =	strace $0x80000047;
	s2 =	smul.u32 $0x19, s3;
	s25 =	ssub.s32 s1, s7  }
0xb: {  	s11 =	sor.u32 $0x4, s3;
	s12 =	sor.u32 $0x5, s3;
	s0 =	smax.u32 s25, $0x1  }
0xc: {  	s13 =	sor.u32 $0x6, s3;
	s26 =	sadd.s32 s4, s2;
	[dreg:$0x6] =	wrdreg s0  }
0xd: {  	s14 =	sor.u32 $0x7, s3;
	s2 =	sadd.s32 $0x19, s26;
	[dreg:$0x2] =	wrdreg s26  }
0xe: {  	s7 =	simm.s32 $0x0;
	s31 =	sadd.s32 $0x32, s26;
	[dreg:$0x3] =	wrdreg s2  }
0xf: {  	s25 =	simm.s32 $0x3520;
	s1 =	sadd.s32 $0x4B, s26;
	[dreg:$0x4] =	wrdreg s31  }
0x10: {  	s26 =	simm.s32 $0xC;
	[dreg:$0x5] =	wrdreg s1;
	s1 =	simm.s32 $0x1  }
.LBB2_1:
0x11: {  	[dreg:$0x7] =	wrdreg s7  }
0x12: {  	s0 =	simm.s32 $0x0;
	s2 =	rddreg [dreg:$0x2];
	s15 =	simm.s32 $0xD  }
0x13: {  	[tilespmem:s0], [sflag:$0xD] =	stream.linear.gather [hbm4b:s2+s0], $0xC8, $0x38;
	[tilespmem:$0xCB20] =	vst v63  }
0x14: {  	_ =	swait.ge [sflag:s15], $0xC8  }
0x15: {  	[sflag:s15] =	ssyncset.done $0x0  }
0x16: {  	[sflag:s15] =	ssyncadd.s32 $0xFFFFFF38  }
0x17: {  	[tilespmem:s18], [sflag:$0x1] =	stream.indirect.gather [hbm4b:s5+s17], $0x40, s0, s17, $0xb8;
	[tilespmem:$0xCB20] =	vst v63  }
0x18: {  	s16 =	simm.s32 $0x2320  }
0x19: {  	[tilespmem:s16], [sflag:$0x1] =	stream.indirect.gather [hbm4b:s5+s19], $0x40, s17, s19, $0xb8;
	[tilespmem:$0xCB20] =	vst v63  }
0x1a: {  	s31 =	simm.s32 $0xC8;
	s24 =	rddreg [dreg:$0x3]  }
0x1b: {  	[tilespmem:s31], [sflag:$0xA] =	stream.linear.gather [hbm4b:s24+s0], $0xC8, $0x38;
	[tilespmem:$0xCB20] =	vst v63  }
0x1c: {  	s10 =	rddreg [dreg:$0x4]  }
0x1d: {  	[tilespmem:s22], [sflag:$0xB] =	stream.linear.gather [hbm4b:s10+s0], $0xC8, $0x38;
	[tilespmem:$0xCB20] =	vst v63  }
0x1e: {  	s15 =	rddreg [dreg:$0x5];
	s16 =	simm.s32 $0xA  }
0x1f: {  	[tilespmem:s23], [sflag:$0xC] =	stream.linear.gather [hbm4b:s15+s0], $0xC8, $0x38;
	[tilespmem:$0xCB20] =	vst v63  }
0x20: {  	_ =	swait.ge [sflag:s16], $0xC8  }
0x21: {  	[sflag:s16] =	ssyncset.done $0x0  }
0x22: {  	[sflag:s16] =	ssyncadd.s32 $0xFFFFFF38  }
0x23: {  	[tilespmem:s25], [sflag:$0x2] =	stream.indirect.gather [hbm4b:s5+s17], $0x40, s31, s17, $0xb8;
	[tilespmem:$0xCB20] =	vst v63  }
0x24: {  	s24 =	simm.s32 $0x148;
	s10 =	simm.s32 $0x0;
	s31 =	simm.s32 $0x5520  }
0x25: {  	[tilespmem:s31], [sflag:$0x2] =	stream.indirect.gather [hbm4b:s5+s19], $0x40, s24, s19, $0xb8;
	[tilespmem:$0xCB20] =	vst v63  }
.LBB2_2:
0x26: {  	p1 =	seq.s32 s10, $0x0  }
0x27: {  	s2 =	simm.s32 @!p1 $0x7  }
0x28: {  	_ =	swait.ge @!p1 [sflag:s2], $0x3200  }
0x29: {  	[sflag:s2] =	ssyncset.done @!p1 $0x0  }
0x2a: {  	[sflag:s2] =	ssyncadd.s32 @!p1 $0xFFFFCE00  }
0x2b: {  	_ =	swait.ge [sflag:s29], $0xC8  }
0x2c: {  	[sflag:s29] =	ssyncset.done $0x0  }
0x2d: {  	[sflag:s29] =	ssyncadd.s32 $0xFFFFFF38  }
0x2e: {  	[tilespmem:s30], [sflag:$0x3] =	stream.indirect.gather [hbm4b:s5+s17], $0x40, s22, s17, $0xb8;
	[tilespmem:$0xCB20] =	vst v63  }
0x2f: {  	s0 =	simm.s32 $0x210;
	s31 =	simm.s32 $0x8720  }
0x30: {  	[tilespmem:s31], [sflag:$0x3] =	stream.indirect.gather [hbm4b:s5+s19], $0x40, s0, s19, $0xb8;
	[tilespmem:$0xCB20] =	vst v63  }
0x31: {  	_ =	swait.ge [sflag:s1], $0x2000  }
0x32: {  	s15 =	sshll.u32 s10, $0x2;
	p0 =	seq.s32 s10, $0x7F;
	[sflag:s1] =	ssyncset.done $0x0  }
0x33: {  	s2 =	sadd.s32 @!p0 s15, s11;
	[sflag:s1] =	ssyncadd.s32 $0xFFFFE000  }
0x34: {  	s2 =	smul.u32 @!p0 $0x19, s2;
	_ =	swait.ge [sflag:s1], $0x1200  }
0x35: {  	[sflag:s1] =	ssyncset.done $0x0  }
0x36: {  	s7 =	simm.s32 @!p0 $0x0;
	s2 =	sadd.s32 @!p0 s4, s2;
	[sflag:s1] =	ssyncadd.s32 $0xFFFFEE00  }
0x37: {  	[tilespmem:s7], [sflag:$0x9] =	stream.linear.gather @!p0 [hbm4b:s2+s7], $0xC8, $0x38;
	[tilespmem:$0xCB20] =	vst v63  }
0x38: {  	s2 =	simm.s32 $0x0  }
0x39: {  	v0 =	vld [tilespmem:s2+$0x320]  }
0x3a: {  	v1 =	vld [tilespmem:s2+$0x330]  }
0x3b: {  	v2 =	vld [tilespmem:s2+$0x340]  }
0x3c: {  	v3 =	vld [tilespmem:s2+$0x350]  }
0x3d: {  	v4 =	vld [tilespmem:s2+$0x360]  }
0x3e: {  	v5 =	vld [tilespmem:s2+$0x370];
	v0 =	vmul.f32 $8.000000000e+00, v0  }
0x3f: {  	v6 =	vld [tilespmem:s2+$0x380];
	v1 =	vmul.f32 $8.000000000e+00, v1  }
0x40: {  	v2 =	vmul.f32 $8.000000000e+00, v2;
	[tilespmem:s2+$0x320] =	vst v0;
	v0 =	vld [tilespmem:s2+$0x390]  }
0x41: {  	v3 =	vmul.f32 $8.000000000e+00, v3;
	[tilespmem:s2+$0x330] =	vst v1;
	v1 =	vld [tilespmem:s2+$0x3A0]  }
0x42: {  	v4 =	vmul.f32 $8.000000000e+00, v4;
	[tilespmem:s2+$0x340] =	vst v2;
	v2 =	vld [tilespmem:s2+$0x3B0]  }
0x43: {  	v5 =	vmul.f32 $8.000000000e+00, v5;
	[tilespmem:s2+$0x350] =	vst v3;
	v3 =	vld [tilespmem:s2+$0x3C0]  }
0x44: {  	v6 =	vmul.f32 $8.000000000e+00, v6;
	[tilespmem:s2+$0x360] =	vst v4;
	v4 =	vld [tilespmem:s2+$0x3D0]  }
0x45: {  	[tilespmem:s2+$0x370] =	vst v5;
	v5 =	vld [tilespmem:s2+$0x3E0];
	v0 =	vmul.f32 $8.000000000e+00, v0  }
0x46: {  	[tilespmem:s2+$0x380] =	vst v6;
	v6 =	vld [tilespmem:s2+$0x3F0];
	v1 =	vmul.f32 $8.000000000e+00, v1  }
0x47: {  	v2 =	vmul.f32 $8.000000000e+00, v2;
	[tilespmem:s2+$0x390] =	vst v0;
	v0 =	vld [tilespmem:s2+$0x400]  }
0x48: {  	v3 =	vmul.f32 $8.000000000e+00, v3;
	[tilespmem:s2+$0x3A0] =	vst v1;
	v1 =	vld [tilespmem:s2+$0x410]  }
0x49: {  	v4 =	vmul.f32 $8.000000000e+00, v4;
	[tilespmem:s2+$0x3B0] =	vst v2;
	v2 =	vld [tilespmem:s2+$0x420]  }
0x4a: {  	v5 =	vmul.f32 $8.000000000e+00, v5;
	[tilespmem:s2+$0x3C0] =	vst v3;
	v3 =	vld [tilespmem:s2+$0x430]  }
0x4b: {  	v6 =	vmul.f32 $8.000000000e+00, v6;
	[tilespmem:s2+$0x3D0] =	vst v4;
	v4 =	vld [tilespmem:s2+$0x440]  }
0x4c: {  	[tilespmem:s2+$0x3E0] =	vst v5;
	v5 =	vld [tilespmem:s2+$0x450];
	v0 =	vmul.f32 $8.000000000e+00, v0  }
0x4d: {  	[tilespmem:s2+$0x3F0] =	vst v6;
	v6 =	vld [tilespmem:s2+$0x460]  }
0x4e: {  	v1 =	vmul.f32 $8.000000000e+00, v1;
	[tilespmem:s2+$0x400] =	vst v0;
	v0 =	vld [tilespmem:s2+$0x470]  }
0x4f: {  	v2 =	vmul.f32 $8.000000000e+00, v2  }
0x50: {  	[tilespmem:s2+$0x410] =	vst v1;
	v1 =	vmul.f32 $8.000000000e+00, v3;
	v3 =	vld [tilespmem:s2+$0x490]  }
0x51: {  	v7 =	vld [tilespmem:s2+$0x480];
	[tilespmem:s2+$0x420] =	vst v2;
	v2 =	vmul.f32 $8.000000000e+00, v4  }
0x52: {  	v4 =	vld [tilespmem:s2+$0x4A0];
	[tilespmem:s2+$0x430] =	vst v1;
	v1 =	vmul.f32 $8.000000000e+00, v5  }
0x53: {  	[tilespmem:s2+$0x440] =	vst v2;
	v5 =	vld [tilespmem:s2+$0x4B0];
	v2 =	vmul.f32 $8.000000000e+00, v6;
	v6 =	vmul.f32 $8.000000000e+00, v0  }
0x54: {  	[tilespmem:s2+$0x450] =	vst v1;
	v1 =	vld [tilespmem:s2+$0x4C0]  }
0x55: {  	v0 =	vld [tilespmem:s2+$0x4D0];
	[tilespmem:s2+$0x470] =	vst v6;
	v6 =	vmul.f32 $8.000000000e+00, v3  }
0x56: {  	v7 =	vmul.f32 $8.000000000e+00, v7;
	[tilespmem:s2+$0x460] =	vst v2;
	v2 =	vld [tilespmem:s2+$0x4E0]  }
0x57: {  	v3 =	vld [tilespmem:s2+$0x4F0];
	[tilespmem:s2+$0x490] =	vst v6;
	v6 =	vmul.f32 $8.000000000e+00, v4  }
0x58: {  	s16 =	sor.u32 $0x2, s15;
	s7 =	simm.s32 $0x800;
	[tilespmem:s2+$0x480] =	vst v7;
	v5 =	vmul.f32 $8.000000000e+00, v5;
	v4 =	vld [tilespmem:s2+$0x500]  }
.LBB2_3:
0x59: {  	s24 =	sshra.s32 s7, $0x2;
	p2 =	sne.s32 s7, $0xC000;
	[tilespmem:s2+$0x4A0] =	vst v6;
	v1 =	vmul.f32 $8.000000000e+00, v1;
	v6 =	vld [tilespmem:s2+$0x510]  }
0x5a: {  	v7 =	vld [tilespmem:s24+$0x320];
	[tilespmem:s2+$0x4B0] =	vst v5;
	v0 =	vmul.f32 $8.000000000e+00, v0  }
0x5b: {  	v5 =	vld [tilespmem:s24+$0x330];
	[tilespmem:s2+$0x4C0] =	vst v1;
	v1 =	vmul.f32 $8.000000000e+00, v2  }
0x5c: {  	v2 =	vld [tilespmem:s24+$0x340];
	[tilespmem:s2+$0x4D0] =	vst v0;
	v0 =	vmul.f32 $8.000000000e+00, v3  }
0x5d: {  	v3 =	vld [tilespmem:s24+$0x350];
	[tilespmem:s2+$0x4E0] =	vst v1;
	v1 =	vmul.f32 $8.000000000e+00, v4  }
0x5e: {  	v4 =	vld [tilespmem:s24+$0x360];
	[tilespmem:s2+$0x4F0] =	vst v0;
	v0 =	vmul.f32 $8.000000000e+00, v6  }
0x5f: {  	v6 =	vmul.f32 $8.000000000e+00, v7;
	v7 =	vld [tilespmem:s24+$0x370];
	[tilespmem:s2+$0x500] =	vst v1  }
0x60: {  	v1 =	vmul.f32 $8.000000000e+00, v5;
	v5 =	vld [tilespmem:s24+$0x380];
	[tilespmem:s2+$0x510] =	vst v0;
	s2 =	smov.u32 s24  }
0x61: {  	[tilespmem:s2+$0x320] =	vst v6;
	v0 =	vmul.f32 $8.000000000e+00, v2;
	v2 =	vld [tilespmem:s2+$0x390]  }
0x62: {  	[tilespmem:s2+$0x330] =	vst v1;
	v1 =	vmul.f32 $8.000000000e+00, v3;
	v3 =	vld [tilespmem:s2+$0x3A0]  }
0x63: {  	[tilespmem:s2+$0x340] =	vst v0;
	v0 =	vmul.f32 $8.000000000e+00, v4;
	v4 =	vld [tilespmem:s2+$0x3B0]  }
0x64: {  	[tilespmem:s2+$0x350] =	vst v1;
	v1 =	vmul.f32 $8.000000000e+00, v7;
	v6 =	vld [tilespmem:s2+$0x3C0]  }
0x65: {  	[tilespmem:s2+$0x360] =	vst v0;
	v0 =	vmul.f32 $8.000000000e+00, v5;
	v5 =	vld [tilespmem:s2+$0x3D0]  }
0x66: {  	[tilespmem:s2+$0x370] =	vst v1;
	v1 =	vmul.f32 $8.000000000e+00, v2;
	v2 =	vld [tilespmem:s2+$0x3E0]  }
0x67: {  	[tilespmem:s2+$0x380] =	vst v0;
	v0 =	vmul.f32 $8.000000000e+00, v3;
	v3 =	vld [tilespmem:s2+$0x3F0]  }
0x68: {  	[tilespmem:s2+$0x390] =	vst v1;
	v1 =	vmul.f32 $8.000000000e+00, v4;
	v4 =	vld [tilespmem:s2+$0x400]  }
0x69: {  	[tilespmem:s2+$0x3A0] =	vst v0;
	v0 =	vmul.f32 $8.000000000e+00, v6;
	v6 =	vld [tilespmem:s2+$0x410]  }
0x6a: {  	[tilespmem:s2+$0x3B0] =	vst v1;
	v1 =	vmul.f32 $8.000000000e+00, v5;
	v5 =	vld [tilespmem:s2+$0x420]  }
0x6b: {  	[tilespmem:s2+$0x3C0] =	vst v0;
	v0 =	vmul.f32 $8.000000000e+00, v2;
	v2 =	vld [tilespmem:s2+$0x430]  }
0x6c: {  	[tilespmem:s2+$0x3D0] =	vst v1;
	v1 =	vmul.f32 $8.000000000e+00, v3;
	v3 =	vld [tilespmem:s2+$0x440]  }
0x6d: {  	[tilespmem:s2+$0x3E0] =	vst v0;
	v0 =	vmul.f32 $8.000000000e+00, v4;
	v4 =	vld [tilespmem:s2+$0x450]  }
0x6e: {  	[tilespmem:s2+$0x3F0] =	vst v1;
	v1 =	vmul.f32 $8.000000000e+00, v6;
	v6 =	vld [tilespmem:s2+$0x460]  }
0x6f: {  	[tilespmem:s2+$0x400] =	vst v0;
	v0 =	vmul.f32 $8.000000000e+00, v5;
	v5 =	vld [tilespmem:s2+$0x470]  }
0x70: {  	[tilespmem:s2+$0x410] =	vst v1;
	v1 =	vmul.f32 $8.000000000e+00, v2;
	v2 =	vld [tilespmem:s2+$0x480]  }
0x71: {  	[tilespmem:s2+$0x420] =	vst v0;
	v0 =	vmul.f32 $8.000000000e+00, v3;
	v3 =	vld [tilespmem:s2+$0x490]  }
0x72: {  	[tilespmem:s2+$0x430] =	vst v1;
	v1 =	vmul.f32 $8.000000000e+00, v4;
	v4 =	vld [tilespmem:s2+$0x4A0]  }
0x73: {  	[tilespmem:s2+$0x440] =	vst v0;
	v0 =	vmul.f32 $8.000000000e+00, v6;
	v7 =	vld [tilespmem:s2+$0x4B0]  }
.Ltmp0:
0x74: {  	[tilespmem:s2+$0x450] =	vst v1;
	v5 =	vmul.f32 $8.000000000e+00, v5;
	v1 =	vld [tilespmem:s2+$0x4C0];
	(pc) =	sbr.rel @p2 .LBB2_3-.Ltmp0, $4  }
0x75: {  	[tilespmem:s2+$0x460] =	vst v0;
	v6 =	vmul.f32 $8.000000000e+00, v2;
	v0 =	vld [tilespmem:s2+$0x4D0]  }
0x76: {  	[tilespmem:s2+$0x470] =	vst v5;
	v5 =	vmul.f32 $8.000000000e+00, v3;
	v2 =	vld [tilespmem:s2+$0x4E0]  }
0x77: {  	[tilespmem:s2+$0x480] =	vst v6;
	v6 =	vmul.f32 $8.000000000e+00, v4;
	v3 =	vld [tilespmem:s2+$0x4F0]  }
0x78: {  	s7 =	sadd.s32 $0x800, s7;
	[tilespmem:s2+$0x490] =	vst v5;
	v5 =	vmul.f32 $8.000000000e+00, v7;
	v4 =	vld [tilespmem:s2+$0x500]  }
0x79: {  	[tilespmem:s2+$0x4A0] =	vst v6;
	v1 =	vmul.f32 $8.000000000e+00, v1;
	v6 =	vld [tilespmem:s2+$0x510]  }
0x7a: {  	[tilespmem:s2+$0x4B0] =	vst v5;
	v0 =	vmul.f32 $8.000000000e+00, v0  }
0x7b: {  	[tilespmem:s2+$0x4C0] =	vst v1;
	v1 =	vmul.f32 $8.000000000e+00, v2  }
0x7c: {  	[tilespmem:s2+$0x4D0] =	vst v0;
	v0 =	vmul.f32 $8.000000000e+00, v3  }
0x7d: {  	s7 =	sadd.s32 s3, s15;
	[tilespmem:s2+$0x4E0] =	vst v1;
	v1 =	vmul.f32 $8.000000000e+00, v4  }
0x7e: {  	s7 =	smul.u32 $0xC80, s7;
	[tilespmem:s2+$0x4F0] =	vst v0;
	v0 =	vmul.f32 $8.000000000e+00, v6  }
0x7f: {  	[tilespmem:s2+$0x500] =	vst v1  }
0x80: {  	s24 =	sadd.s32 s6, s7;
	[tilespmem:s2+$0x510] =	vst v0;
	s2 =	simm.s32 @!p1 $0x8  }
0x81: {  	[hbm4b:s24+s20] =	stream.strided.scatter [tilespmem:s18], [sflag:$0x5], $0x3200, s17, s20, $0x38;
	[tilespmem:$0xCB20] =	vst v63  }
0x82: {  	_ =	swait.ge @!p1 [sflag:s2], $0x3200  }
0x83: {  	[sflag:s2] =	ssyncset.done @!p1 $0x0  }
0x84: {  	[sflag:s2] =	ssyncadd.s32 @!p1 $0xFFFFCE00  }
0x85: {  	_ =	swait.ge [sflag:s26], $0xC8  }
0x86: {  	[sflag:s26] =	ssyncset.done $0x0  }
0x87: {  	[sflag:s26] =	ssyncadd.s32 $0xFFFFFF38  }
0x88: {  	[tilespmem:s28], [sflag:$0x4] =	stream.indirect.gather [hbm4b:s5+s17], $0x40, s23, s17, $0xb8;
	[tilespmem:$0xCB20] =	vst v63  }
0x89: {  	_ = 	snop  }
0x8a: {  	[tilespmem:s8], [sflag:$0x4] =	stream.indirect.gather [hbm4b:s5+s19], $0x40, s21, s19, $0xb8;
	[tilespmem:$0xCB20] =	vst v63  }
0x8b: {  	_ =	swait.ge [sflag:s9], $0x2000  }
0x8c: {  	[sflag:s9] =	ssyncset.done $0x0  }
0x8d: {  	s2 =	sadd.s32 @!p0 s15, s12;
	[sflag:s9] =	ssyncadd.s32 $0xFFFFE000  }
0x8e: {  	s2 =	smul.u32 @!p0 $0x19, s2;
	_ =	swait.ge [sflag:s9], $0x1200  }
0x8f: {  	s7 =	simm.s32 @!p0 $0x0;
	[sflag:s9] =	ssyncset.done $0x0  }
0x90: {  	s24 =	simm.s32 @!p0 $0xC8;
	s2 =	sadd.s32 @!p0 s4, s2;
	[sflag:s9] =	ssyncadd.s32 $0xFFFFEE00  }
0x91: {  	[tilespmem:s24], [sflag:$0xA] =	stream.linear.gather @!p0 [hbm4b:s2+s7], $0xC8, $0x38;
	[tilespmem:$0xCB20] =	vst v63  }
0x92: {  	s2 =	simm.s32 $0x0  }
0x93: {  	v0 =	vld [tilespmem:s2+$0x3520]  }
0x94: {  	v1 =	vld [tilespmem:s2+$0x3530]  }
0x95: {  	v2 =	vld [tilespmem:s2+$0x3540]  }
0x96: {  	v3 =	vld [tilespmem:s2+$0x3550]  }
0x97: {  	v4 =	vld [tilespmem:s2+$0x3560]  }
0x98: {  	v5 =	vld [tilespmem:s2+$0x3570];
	v0 =	vmul.f32 $8.000000000e+00, v0  }
0x99: {  	v6 =	vld [tilespmem:s2+$0x3580];
	v1 =	vmul.f32 $8.000000000e+00, v1  }
0x9a: {  	v2 =	vmul.f32 $8.000000000e+00, v2;
	[tilespmem:s2+$0x3520] =	vst v0;
	v0 =	vld [tilespmem:s2+$0x3590]  }
0x9b: {  	v3 =	vmul.f32 $8.000000000e+00, v3;
	[tilespmem:s2+$0x3530] =	vst v1;
	v1 =	vld [tilespmem:s2+$0x35A0]  }
0x9c: {  	v4 =	vmul.f32 $8.000000000e+00, v4;
	[tilespmem:s2+$0x3540] =	vst v2;
	v2 =	vld [tilespmem:s2+$0x35B0]  }
0x9d: {  	v5 =	vmul.f32 $8.000000000e+00, v5;
	[tilespmem:s2+$0x3550] =	vst v3;
	v3 =	vld [tilespmem:s2+$0x35C0]  }
0x9e: {  	v6 =	vmul.f32 $8.000000000e+00, v6;
	[tilespmem:s2+$0x3560] =	vst v4;
	v4 =	vld [tilespmem:s2+$0x35D0]  }
0x9f: {  	[tilespmem:s2+$0x3570] =	vst v5;
	v5 =	vld [tilespmem:s2+$0x35E0];
	v0 =	vmul.f32 $8.000000000e+00, v0  }
0xa0: {  	[tilespmem:s2+$0x3580] =	vst v6;
	v6 =	vld [tilespmem:s2+$0x35F0];
	v1 =	vmul.f32 $8.000000000e+00, v1  }
0xa1: {  	v2 =	vmul.f32 $8.000000000e+00, v2;
	[tilespmem:s2+$0x3590] =	vst v0;
	v0 =	vld [tilespmem:s2+$0x3600]  }
0xa2: {  	v3 =	vmul.f32 $8.000000000e+00, v3;
	[tilespmem:s2+$0x35A0] =	vst v1;
	v1 =	vld [tilespmem:s2+$0x3610]  }
0xa3: {  	v4 =	vmul.f32 $8.000000000e+00, v4;
	[tilespmem:s2+$0x35B0] =	vst v2;
	v2 =	vld [tilespmem:s2+$0x3620]  }
0xa4: {  	v5 =	vmul.f32 $8.000000000e+00, v5;
	[tilespmem:s2+$0x35C0] =	vst v3;
	v3 =	vld [tilespmem:s2+$0x3630]  }
0xa5: {  	v6 =	vmul.f32 $8.000000000e+00, v6;
	[tilespmem:s2+$0x35D0] =	vst v4;
	v4 =	vld [tilespmem:s2+$0x3640]  }
0xa6: {  	[tilespmem:s2+$0x35E0] =	vst v5;
	v5 =	vld [tilespmem:s2+$0x3650];
	v0 =	vmul.f32 $8.000000000e+00, v0  }
0xa7: {  	[tilespmem:s2+$0x35F0] =	vst v6;
	v6 =	vld [tilespmem:s2+$0x3660]  }
0xa8: {  	v1 =	vmul.f32 $8.000000000e+00, v1;
	[tilespmem:s2+$0x3600] =	vst v0;
	v0 =	vld [tilespmem:s2+$0x3670]  }
0xa9: {  	v2 =	vmul.f32 $8.000000000e+00, v2  }
0xaa: {  	[tilespmem:s2+$0x3610] =	vst v1;
	v1 =	vmul.f32 $8.000000000e+00, v3;
	v3 =	vld [tilespmem:s2+$0x3690]  }
0xab: {  	v7 =	vld [tilespmem:s2+$0x3680];
	[tilespmem:s2+$0x3620] =	vst v2;
	v2 =	vmul.f32 $8.000000000e+00, v4  }
0xac: {  	v4 =	vld [tilespmem:s2+$0x36A0];
	[tilespmem:s2+$0x3630] =	vst v1;
	v1 =	vmul.f32 $8.000000000e+00, v5  }
0xad: {  	[tilespmem:s2+$0x3640] =	vst v2;
	v5 =	vld [tilespmem:s2+$0x36B0];
	v2 =	vmul.f32 $8.000000000e+00, v6;
	v6 =	vmul.f32 $8.000000000e+00, v0  }
0xae: {  	[tilespmem:s2+$0x3650] =	vst v1;
	v1 =	vld [tilespmem:s2+$0x36C0]  }
0xaf: {  	v0 =	vld [tilespmem:s2+$0x36D0];
	[tilespmem:s2+$0x3670] =	vst v6;
	v6 =	vmul.f32 $8.000000000e+00, v3  }
0xb0: {  	v7 =	vmul.f32 $8.000000000e+00, v7;
	[tilespmem:s2+$0x3660] =	vst v2;
	v2 =	vld [tilespmem:s2+$0x36E0]  }
0xb1: {  	v3 =	vld [tilespmem:s2+$0x36F0];
	[tilespmem:s2+$0x3690] =	vst v6;
	v6 =	vmul.f32 $8.000000000e+00, v4  }
0xb2: {  	s31 =	simm.s32 $0x800;
	s24 =	sor.u32 $0x1, s15;
	s7 =	sor.u32 $0x3, s15;
	[tilespmem:s2+$0x3680] =	vst v7;
	v5 =	vmul.f32 $8.000000000e+00, v5;
	v4 =	vld [tilespmem:s2+$0x3700]  }
.LBB2_5:
0xb3: {  	s0 =	sshra.s32 s31, $0x2;
	p1 =	sne.s32 s31, $0xC000;
	[tilespmem:s2+$0x36A0] =	vst v6;
	v1 =	vmul.f32 $8.000000000e+00, v1;
	v6 =	vld [tilespmem:s2+$0x3710]  }
0xb4: {  	v7 =	vld [tilespmem:s0+$0x3520];
	[tilespmem:s2+$0x36B0] =	vst v5;
	v0 =	vmul.f32 $8.000000000e+00, v0  }
0xb5: {  	v5 =	vld [tilespmem:s0+$0x3530];
	[tilespmem:s2+$0x36C0] =	vst v1;
	v1 =	vmul.f32 $8.000000000e+00, v2  }
0xb6: {  	v2 =	vld [tilespmem:s0+$0x3540];
	[tilespmem:s2+$0x36D0] =	vst v0;
	v0 =	vmul.f32 $8.000000000e+00, v3  }
0xb7: {  	v3 =	vld [tilespmem:s0+$0x3550];
	[tilespmem:s2+$0x36E0] =	vst v1;
	v1 =	vmul.f32 $8.000000000e+00, v4  }
0xb8: {  	v4 =	vld [tilespmem:s0+$0x3560];
	[tilespmem:s2+$0x36F0] =	vst v0;
	v0 =	vmul.f32 $8.000000000e+00, v6  }
0xb9: {  	v6 =	vmul.f32 $8.000000000e+00, v7;
	v7 =	vld [tilespmem:s0+$0x3570];
	[tilespmem:s2+$0x3700] =	vst v1  }
0xba: {  	v1 =	vmul.f32 $8.000000000e+00, v5;
	v5 =	vld [tilespmem:s0+$0x3580];
	[tilespmem:s2+$0x3710] =	vst v0;
	s2 =	smov.u32 s0  }
0xbb: {  	[tilespmem:s2+$0x3520] =	vst v6;
	v0 =	vmul.f32 $8.000000000e+00, v2;
	v2 =	vld [tilespmem:s2+$0x3590]  }
0xbc: {  	[tilespmem:s2+$0x3530] =	vst v1;
	v1 =	vmul.f32 $8.000000000e+00, v3;
	v3 =	vld [tilespmem:s2+$0x35A0]  }
0xbd: {  	[tilespmem:s2+$0x3540] =	vst v0;
	v0 =	vmul.f32 $8.000000000e+00, v4;
	v4 =	vld [tilespmem:s2+$0x35B0]  }
0xbe: {  	[tilespmem:s2+$0x3550] =	vst v1;
	v1 =	vmul.f32 $8.000000000e+00, v7;
	v6 =	vld [tilespmem:s2+$0x35C0]  }
0xbf: {  	[tilespmem:s2+$0x3560] =	vst v0;
	v0 =	vmul.f32 $8.000000000e+00, v5;
	v5 =	vld [tilespmem:s2+$0x35D0]  }
0xc0: {  	[tilespmem:s2+$0x3570] =	vst v1;
	v1 =	vmul.f32 $8.000000000e+00, v2;
	v2 =	vld [tilespmem:s2+$0x35E0]  }
0xc1: {  	[tilespmem:s2+$0x3580] =	vst v0;
	v0 =	vmul.f32 $8.000000000e+00, v3;
	v3 =	vld [tilespmem:s2+$0x35F0]  }
0xc2: {  	[tilespmem:s2+$0x3590] =	vst v1;
	v1 =	vmul.f32 $8.000000000e+00, v4;
	v4 =	vld [tilespmem:s2+$0x3600]  }
0xc3: {  	[tilespmem:s2+$0x35A0] =	vst v0;
	v0 =	vmul.f32 $8.000000000e+00, v6;
	v6 =	vld [tilespmem:s2+$0x3610]  }
0xc4: {  	[tilespmem:s2+$0x35B0] =	vst v1;
	v1 =	vmul.f32 $8.000000000e+00, v5;
	v5 =	vld [tilespmem:s2+$0x3620]  }
0xc5: {  	[tilespmem:s2+$0x35C0] =	vst v0;
	v0 =	vmul.f32 $8.000000000e+00, v2;
	v2 =	vld [tilespmem:s2+$0x3630]  }
0xc6: {  	[tilespmem:s2+$0x35D0] =	vst v1;
	v1 =	vmul.f32 $8.000000000e+00, v3;
	v3 =	vld [tilespmem:s2+$0x3640]  }
0xc7: {  	[tilespmem:s2+$0x35E0] =	vst v0;
	v0 =	vmul.f32 $8.000000000e+00, v4;
	v4 =	vld [tilespmem:s2+$0x3650]  }
0xc8: {  	[tilespmem:s2+$0x35F0] =	vst v1;
	v1 =	vmul.f32 $8.000000000e+00, v6;
	v6 =	vld [tilespmem:s2+$0x3660]  }
0xc9: {  	[tilespmem:s2+$0x3600] =	vst v0;
	v0 =	vmul.f32 $8.000000000e+00, v5;
	v5 =	vld [tilespmem:s2+$0x3670]  }
0xca: {  	[tilespmem:s2+$0x3610] =	vst v1;
	v1 =	vmul.f32 $8.000000000e+00, v2;
	v2 =	vld [tilespmem:s2+$0x3680]  }
0xcb: {  	[tilespmem:s2+$0x3620] =	vst v0;
	v0 =	vmul.f32 $8.000000000e+00, v3;
	v3 =	vld [tilespmem:s2+$0x3690]  }
0xcc: {  	[tilespmem:s2+$0x3630] =	vst v1;
	v1 =	vmul.f32 $8.000000000e+00, v4;
	v4 =	vld [tilespmem:s2+$0x36A0]  }
0xcd: {  	[tilespmem:s2+$0x3640] =	vst v0;
	v0 =	vmul.f32 $8.000000000e+00, v6;
	v7 =	vld [tilespmem:s2+$0x36B0]  }
.Ltmp1:
0xce: {  	[tilespmem:s2+$0x3650] =	vst v1;
	v5 =	vmul.f32 $8.000000000e+00, v5;
	v1 =	vld [tilespmem:s2+$0x36C0];
	(pc) =	sbr.rel @p1 .LBB2_5-.Ltmp1, $4  }
0xcf: {  	[tilespmem:s2+$0x3660] =	vst v0;
	v6 =	vmul.f32 $8.000000000e+00, v2;
	v0 =	vld [tilespmem:s2+$0x36D0]  }
0xd0: {  	[tilespmem:s2+$0x3670] =	vst v5;
	v5 =	vmul.f32 $8.000000000e+00, v3;
	v2 =	vld [tilespmem:s2+$0x36E0]  }
0xd1: {  	[tilespmem:s2+$0x3680] =	vst v6;
	v6 =	vmul.f32 $8.000000000e+00, v4;
	v3 =	vld [tilespmem:s2+$0x36F0]  }
0xd2: {  	s31 =	sadd.s32 $0x800, s31;
	[tilespmem:s2+$0x3690] =	vst v5;
	v5 =	vmul.f32 $8.000000000e+00, v7;
	v4 =	vld [tilespmem:s2+$0x3700]  }
0xd3: {  	[tilespmem:s2+$0x36A0] =	vst v6;
	v1 =	vmul.f32 $8.000000000e+00, v1;
	v6 =	vld [tilespmem:s2+$0x3710]  }
0xd4: {  	[tilespmem:s2+$0x36B0] =	vst v5;
	v0 =	vmul.f32 $8.000000000e+00, v0  }
0xd5: {  	[tilespmem:s2+$0x36C0] =	vst v1;
	v1 =	vmul.f32 $8.000000000e+00, v2  }
0xd6: {  	[tilespmem:s2+$0x36D0] =	vst v0;
	v0 =	vmul.f32 $8.000000000e+00, v3  }
0xd7: {  	s0 =	sadd.s32 s3, s24;
	[tilespmem:s2+$0x36E0] =	vst v1;
	v1 =	vmul.f32 $8.000000000e+00, v4  }
0xd8: {  	s0 =	smul.u32 $0xC80, s0;
	[tilespmem:s2+$0x36F0] =	vst v0;
	v0 =	vmul.f32 $8.000000000e+00, v6  }
0xd9: {  	[tilespmem:s2+$0x3700] =	vst v1  }
0xda: {  	s0 =	sadd.s32 s6, s0;
	[tilespmem:s2+$0x3710] =	vst v0  }
0xdb: {  	[hbm4b:s0+s20] =	stream.strided.scatter [tilespmem:s25], [sflag:$0x6], $0x3200, s17, s20, $0x38;
	[tilespmem:$0xCB20] =	vst v63  }
0xdc: {  	s0 =	simm.s32 @p0 $0x3  }
0xdd: {  	_ =	swait.ge @p0 [sflag:s0], $0x2000  }
0xde: {  	[sflag:s0] =	ssyncset.done @p0 $0x0  }
0xdf: {  	[sflag:s0] =	ssyncadd.s32 @p0 $0xFFFFE000  }
0xe0: {  	_ =	swait.ge @p0 [sflag:s0], $0x1200  }
0xe1: {  	[sflag:s0] =	ssyncset.done @p0 $0x0  }
0xe2: {  	[sflag:s0] =	ssyncadd.s32 @p0 $0xFFFFEE00;
	s0 =	simm.s32 @!p0 $0x5  }
0xe3: {  	_ =	swait.ge @!p0 [sflag:s0], $0x3200  }
0xe4: {  	[sflag:s0] =	ssyncset.done @!p0 $0x0  }
0xe5: {  	[sflag:s0] =	ssyncadd.s32 @!p0 $0xFFFFCE00;
	s0 =	simm.s32 @!p0 $0x9  }
0xe6: {  	_ =	swait.ge @!p0 [sflag:s0], $0xC8  }
0xe7: {  	s24 =	simm.s32 @!p0 $0x320;
	[sflag:s0] =	ssyncset.done @!p0 $0x0  }
0xe8: {  	s2 =	simm.s32 @!p0 $0x0;
	[sflag:s0] =	ssyncadd.s32 @!p0 $0xFFFFFF38;
	s0 =	simm.s32 @!p0 $0x80  }
0xe9: {  	[tilespmem:s24], [sflag:$0x1] =	stream.indirect.gather @!p0 [hbm4b:s5+s0], $0x40, s2, s0, $0xb8;
	[tilespmem:$0xCB20] =	vst v63  }
0xea: {  	s31 =	simm.s32 @!p0 $0x2320;
	s24 =	simm.s32 @!p0 $0x48  }
0xeb: {  	[tilespmem:s31], [sflag:$0x1] =	stream.indirect.gather @!p0 [hbm4b:s5+s24], $0x40, s0, s24, $0xb8;
	[tilespmem:$0xCB20] =	vst v63  }
0xec: {  	s0 =	simm.s32 @!p0 $0x3  }
0xed: {  	_ =	swait.ge @!p0 [sflag:s0], $0x2000  }
0xee: {  	[sflag:s0] =	ssyncset.done @!p0 $0x0  }
0xef: {  	s24 =	sadd.s32 @!p0 s15, s13;
	[sflag:s0] =	ssyncadd.s32 @!p0 $0xFFFFE000  }
0xf0: {  	s24 =	smul.u32 @!p0 $0x19, s24;
	_ =	swait.ge @!p0 [sflag:s0], $0x1200  }
0xf1: {  	[sflag:s0] =	ssyncset.done @!p0 $0x0  }
0xf2: {  	[sflag:s0] =	ssyncadd.s32 @!p0 $0xFFFFEE00;
	s0 =	sadd.s32 @!p0 s4, s24;
	s24 =	simm.s32 @!p0 $0x190  }
0xf3: {  	[tilespmem:s24], [sflag:$0xB] =	stream.linear.gather @!p0 [hbm4b:s0+s2], $0xC8, $0x38;
	[tilespmem:$0xCB20] =	vst v63  }
0xf4: {  	s2 =	simm.s32 $0x0  }
0xf5: {  	v0 =	vld [tilespmem:s2+$0x6720]  }
0xf6: {  	v1 =	vld [tilespmem:s2+$0x6730]  }
0xf7: {  	v2 =	vld [tilespmem:s2+$0x6740]  }
0xf8: {  	v3 =	vld [tilespmem:s2+$0x6750]  }
0xf9: {  	v4 =	vld [tilespmem:s2+$0x6760]  }
0xfa: {  	v5 =	vld [tilespmem:s2+$0x6770];
	v0 =	vmul.f32 $8.000000000e+00, v0  }
0xfb: {  	v6 =	vld [tilespmem:s2+$0x6780];
	v1 =	vmul.f32 $8.000000000e+00, v1  }
0xfc: {  	v2 =	vmul.f32 $8.000000000e+00, v2;
	[tilespmem:s2+$0x6720] =	vst v0;
	v0 =	vld [tilespmem:s2+$0x6790]  }
0xfd: {  	v3 =	vmul.f32 $8.000000000e+00, v3;
	[tilespmem:s2+$0x6730] =	vst v1;
	v1 =	vld [tilespmem:s2+$0x67A0]  }
0xfe: {  	v4 =	vmul.f32 $8.000000000e+00, v4;
	[tilespmem:s2+$0x6740] =	vst v2;
	v2 =	vld [tilespmem:s2+$0x67B0]  }
0xff: {  	v5 =	vmul.f32 $8.000000000e+00, v5;
	[tilespmem:s2+$0x6750] =	vst v3;
	v3 =	vld [tilespmem:s2+$0x67C0]  }
0x100: {  	v6 =	vmul.f32 $8.000000000e+00, v6;
	[tilespmem:s2+$0x6760] =	vst v4;
	v4 =	vld [tilespmem:s2+$0x67D0]  }
0x101: {  	[tilespmem:s2+$0x6770] =	vst v5;
	v5 =	vld [tilespmem:s2+$0x67E0];
	v0 =	vmul.f32 $8.000000000e+00, v0  }
0x102: {  	[tilespmem:s2+$0x6780] =	vst v6;
	v6 =	vld [tilespmem:s2+$0x67F0];
	v1 =	vmul.f32 $8.000000000e+00, v1  }
0x103: {  	v2 =	vmul.f32 $8.000000000e+00, v2;
	[tilespmem:s2+$0x6790] =	vst v0;
	v0 =	vld [tilespmem:s2+$0x6800]  }
0x104: {  	v3 =	vmul.f32 $8.000000000e+00, v3;
	[tilespmem:s2+$0x67A0] =	vst v1;
	v1 =	vld [tilespmem:s2+$0x6810]  }
0x105: {  	v4 =	vmul.f32 $8.000000000e+00, v4;
	[tilespmem:s2+$0x67B0] =	vst v2;
	v2 =	vld [tilespmem:s2+$0x6820]  }
0x106: {  	v5 =	vmul.f32 $8.000000000e+00, v5;
	[tilespmem:s2+$0x67C0] =	vst v3;
	v3 =	vld [tilespmem:s2+$0x6830]  }
0x107: {  	v6 =	vmul.f32 $8.000000000e+00, v6;
	[tilespmem:s2+$0x67D0] =	vst v4;
	v4 =	vld [tilespmem:s2+$0x6840]  }
0x108: {  	[tilespmem:s2+$0x67E0] =	vst v5;
	v5 =	vld [tilespmem:s2+$0x6850];
	v0 =	vmul.f32 $8.000000000e+00, v0  }
0x109: {  	[tilespmem:s2+$0x67F0] =	vst v6;
	v6 =	vld [tilespmem:s2+$0x6860]  }
0x10a: {  	v1 =	vmul.f32 $8.000000000e+00, v1;
	[tilespmem:s2+$0x6800] =	vst v0;
	v0 =	vld [tilespmem:s2+$0x6870]  }
0x10b: {  	v2 =	vmul.f32 $8.000000000e+00, v2  }
0x10c: {  	[tilespmem:s2+$0x6810] =	vst v1;
	v1 =	vmul.f32 $8.000000000e+00, v3;
	v3 =	vld [tilespmem:s2+$0x6890]  }
0x10d: {  	v7 =	vld [tilespmem:s2+$0x6880];
	[tilespmem:s2+$0x6820] =	vst v2;
	v2 =	vmul.f32 $8.000000000e+00, v4  }
0x10e: {  	v4 =	vld [tilespmem:s2+$0x68A0];
	[tilespmem:s2+$0x6830] =	vst v1;
	v1 =	vmul.f32 $8.000000000e+00, v5  }
0x10f: {  	[tilespmem:s2+$0x6840] =	vst v2;
	v5 =	vld [tilespmem:s2+$0x68B0];
	v2 =	vmul.f32 $8.000000000e+00, v6;
	v6 =	vmul.f32 $8.000000000e+00, v0  }
0x110: {  	[tilespmem:s2+$0x6850] =	vst v1;
	v1 =	vld [tilespmem:s2+$0x68C0]  }
0x111: {  	v0 =	vld [tilespmem:s2+$0x68D0];
	[tilespmem:s2+$0x6870] =	vst v6;
	v6 =	vmul.f32 $8.000000000e+00, v3  }
0x112: {  	v7 =	vmul.f32 $8.000000000e+00, v7;
	[tilespmem:s2+$0x6860] =	vst v2;
	v2 =	vld [tilespmem:s2+$0x68E0]  }
0x113: {  	v3 =	vld [tilespmem:s2+$0x68F0];
	[tilespmem:s2+$0x6890] =	vst v6;
	v6 =	vmul.f32 $8.000000000e+00, v4  }
0x114: {  	s24 =	simm.s32 $0x800;
	[tilespmem:s2+$0x6880] =	vst v7;
	v5 =	vmul.f32 $8.000000000e+00, v5;
	v4 =	vld [tilespmem:s2+$0x6900]  }
.LBB2_7:
0x115: {  	s0 =	sshra.s32 s24, $0x2;
	p1 =	sne.s32 s24, $0xC000;
	[tilespmem:s2+$0x68A0] =	vst v6;
	v1 =	vmul.f32 $8.000000000e+00, v1;
	v6 =	vld [tilespmem:s2+$0x6910]  }
0x116: {  	v7 =	vld [tilespmem:s0+$0x6720];
	[tilespmem:s2+$0x68B0] =	vst v5;
	v0 =	vmul.f32 $8.000000000e+00, v0  }
0x117: {  	v5 =	vld [tilespmem:s0+$0x6730];
	[tilespmem:s2+$0x68C0] =	vst v1;
	v1 =	vmul.f32 $8.000000000e+00, v2  }
0x118: {  	v2 =	vld [tilespmem:s0+$0x6740];
	[tilespmem:s2+$0x68D0] =	vst v0;
	v0 =	vmul.f32 $8.000000000e+00, v3  }
0x119: {  	v3 =	vld [tilespmem:s0+$0x6750];
	[tilespmem:s2+$0x68E0] =	vst v1;
	v1 =	vmul.f32 $8.000000000e+00, v4  }
0x11a: {  	v4 =	vld [tilespmem:s0+$0x6760];
	[tilespmem:s2+$0x68F0] =	vst v0;
	v0 =	vmul.f32 $8.000000000e+00, v6  }
0x11b: {  	v6 =	vmul.f32 $8.000000000e+00, v7;
	v7 =	vld [tilespmem:s0+$0x6770];
	[tilespmem:s2+$0x6900] =	vst v1  }
0x11c: {  	v1 =	vmul.f32 $8.000000000e+00, v5;
	v5 =	vld [tilespmem:s0+$0x6780];
	[tilespmem:s2+$0x6910] =	vst v0;
	s2 =	smov.u32 s0  }
0x11d: {  	[tilespmem:s2+$0x6720] =	vst v6;
	v0 =	vmul.f32 $8.000000000e+00, v2;
	v2 =	vld [tilespmem:s2+$0x6790]  }
0x11e: {  	[tilespmem:s2+$0x6730] =	vst v1;
	v1 =	vmul.f32 $8.000000000e+00, v3;
	v3 =	vld [tilespmem:s2+$0x67A0]  }
0x11f: {  	[tilespmem:s2+$0x6740] =	vst v0;
	v0 =	vmul.f32 $8.000000000e+00, v4;
	v4 =	vld [tilespmem:s2+$0x67B0]  }
0x120: {  	[tilespmem:s2+$0x6750] =	vst v1;
	v1 =	vmul.f32 $8.000000000e+00, v7;
	v6 =	vld [tilespmem:s2+$0x67C0]  }
0x121: {  	[tilespmem:s2+$0x6760] =	vst v0;
	v0 =	vmul.f32 $8.000000000e+00, v5;
	v5 =	vld [tilespmem:s2+$0x67D0]  }
0x122: {  	[tilespmem:s2+$0x6770] =	vst v1;
	v1 =	vmul.f32 $8.000000000e+00, v2;
	v2 =	vld [tilespmem:s2+$0x67E0]  }
0x123: {  	[tilespmem:s2+$0x6780] =	vst v0;
	v0 =	vmul.f32 $8.000000000e+00, v3;
	v3 =	vld [tilespmem:s2+$0x67F0]  }
0x124: {  	[tilespmem:s2+$0x6790] =	vst v1;
	v1 =	vmul.f32 $8.000000000e+00, v4;
	v4 =	vld [tilespmem:s2+$0x6800]  }
0x125: {  	[tilespmem:s2+$0x67A0] =	vst v0;
	v0 =	vmul.f32 $8.000000000e+00, v6;
	v6 =	vld [tilespmem:s2+$0x6810]  }
0x126: {  	[tilespmem:s2+$0x67B0] =	vst v1;
	v1 =	vmul.f32 $8.000000000e+00, v5;
	v5 =	vld [tilespmem:s2+$0x6820]  }
0x127: {  	[tilespmem:s2+$0x67C0] =	vst v0;
	v0 =	vmul.f32 $8.000000000e+00, v2;
	v2 =	vld [tilespmem:s2+$0x6830]  }
0x128: {  	[tilespmem:s2+$0x67D0] =	vst v1;
	v1 =	vmul.f32 $8.000000000e+00, v3;
	v3 =	vld [tilespmem:s2+$0x6840]  }
0x129: {  	[tilespmem:s2+$0x67E0] =	vst v0;
	v0 =	vmul.f32 $8.000000000e+00, v4;
	v4 =	vld [tilespmem:s2+$0x6850]  }
0x12a: {  	[tilespmem:s2+$0x67F0] =	vst v1;
	v1 =	vmul.f32 $8.000000000e+00, v6;
	v6 =	vld [tilespmem:s2+$0x6860]  }
0x12b: {  	[tilespmem:s2+$0x6800] =	vst v0;
	v0 =	vmul.f32 $8.000000000e+00, v5;
	v5 =	vld [tilespmem:s2+$0x6870]  }
0x12c: {  	[tilespmem:s2+$0x6810] =	vst v1;
	v1 =	vmul.f32 $8.000000000e+00, v2;
	v2 =	vld [tilespmem:s2+$0x6880]  }
0x12d: {  	[tilespmem:s2+$0x6820] =	vst v0;
	v0 =	vmul.f32 $8.000000000e+00, v3;
	v3 =	vld [tilespmem:s2+$0x6890]  }
0x12e: {  	[tilespmem:s2+$0x6830] =	vst v1;
	v1 =	vmul.f32 $8.000000000e+00, v4;
	v4 =	vld [tilespmem:s2+$0x68A0]  }
0x12f: {  	[tilespmem:s2+$0x6840] =	vst v0;
	v0 =	vmul.f32 $8.000000000e+00, v6;
	v7 =	vld [tilespmem:s2+$0x68B0]  }
.Ltmp2:
0x130: {  	[tilespmem:s2+$0x6850] =	vst v1;
	v5 =	vmul.f32 $8.000000000e+00, v5;
	v1 =	vld [tilespmem:s2+$0x68C0];
	(pc) =	sbr.rel @p1 .LBB2_7-.Ltmp2, $4  }
0x131: {  	[tilespmem:s2+$0x6860] =	vst v0;
	v6 =	vmul.f32 $8.000000000e+00, v2;
	v0 =	vld [tilespmem:s2+$0x68D0]  }
0x132: {  	[tilespmem:s2+$0x6870] =	vst v5;
	v5 =	vmul.f32 $8.000000000e+00, v3;
	v2 =	vld [tilespmem:s2+$0x68E0]  }
0x133: {  	[tilespmem:s2+$0x6880] =	vst v6;
	v6 =	vmul.f32 $8.000000000e+00, v4;
	v3 =	vld [tilespmem:s2+$0x68F0]  }
0x134: {  	s24 =	sadd.s32 $0x800, s24;
	[tilespmem:s2+$0x6890] =	vst v5;
	v5 =	vmul.f32 $8.000000000e+00, v7;
	v4 =	vld [tilespmem:s2+$0x6900]  }
0x135: {  	[tilespmem:s2+$0x68A0] =	vst v6;
	v1 =	vmul.f32 $8.000000000e+00, v1;
	v6 =	vld [tilespmem:s2+$0x6910]  }
0x136: {  	[tilespmem:s2+$0x68B0] =	vst v5;
	v0 =	vmul.f32 $8.000000000e+00, v0  }
0x137: {  	[tilespmem:s2+$0x68C0] =	vst v1;
	v1 =	vmul.f32 $8.000000000e+00, v2  }
0x138: {  	[tilespmem:s2+$0x68D0] =	vst v0;
	v0 =	vmul.f32 $8.000000000e+00, v3  }
0x139: {  	s0 =	sadd.s32 s3, s16;
	[tilespmem:s2+$0x68E0] =	vst v1;
	v1 =	vmul.f32 $8.000000000e+00, v4  }
0x13a: {  	s0 =	smul.u32 $0xC80, s0;
	[tilespmem:s2+$0x68F0] =	vst v0;
	v0 =	vmul.f32 $8.000000000e+00, v6  }
0x13b: {  	[tilespmem:s2+$0x6900] =	vst v1  }
0x13c: {  	s0 =	sadd.s32 s6, s0;
	[tilespmem:s2+$0x6910] =	vst v0  }
0x13d: {  	[hbm4b:s0+s20] =	stream.strided.scatter [tilespmem:s30], [sflag:$0x7], $0x3200, s17, s20, $0x38;
	[tilespmem:$0xCB20] =	vst v63  }
0x13e: {  	s0 =	simm.s32 @p0 $0x4  }
0x13f: {  	_ =	swait.ge @p0 [sflag:s0], $0x2000  }
0x140: {  	[sflag:s0] =	ssyncset.done @p0 $0x0  }
0x141: {  	[sflag:s0] =	ssyncadd.s32 @p0 $0xFFFFE000  }
0x142: {  	_ =	swait.ge @p0 [sflag:s0], $0x1200  }
0x143: {  	[sflag:s0] =	ssyncset.done @p0 $0x0  }
0x144: {  	[sflag:s0] =	ssyncadd.s32 @p0 $0xFFFFEE00;
	s0 =	simm.s32 @!p0 $0x6  }
0x145: {  	_ =	swait.ge @!p0 [sflag:s0], $0x3200  }
0x146: {  	[sflag:s0] =	ssyncset.done @!p0 $0x0  }
0x147: {  	[sflag:s0] =	ssyncadd.s32 @!p0 $0xFFFFCE00;
	s0 =	simm.s32 @!p0 $0xA  }
0x148: {  	_ =	swait.ge @!p0 [sflag:s0], $0xC8  }
0x149: {  	s16 =	simm.s32 @!p0 $0x3520;
	[sflag:s0] =	ssyncset.done @!p0 $0x0  }
0x14a: {  	s2 =	simm.s32 @!p0 $0xC8;
	[sflag:s0] =	ssyncadd.s32 @!p0 $0xFFFFFF38;
	s0 =	simm.s32 @!p0 $0x80  }
0x14b: {  	[tilespmem:s16], [sflag:$0x2] =	stream.indirect.gather @!p0 [hbm4b:s5+s0], $0x40, s2, s0, $0xb8;
	[tilespmem:$0xCB20] =	vst v63  }
0x14c: {  	s0 =	simm.s32 @!p0 $0x48;
	s2 =	simm.s32 @!p0 $0x148;
	s16 =	simm.s32 @!p0 $0x5520  }
0x14d: {  	[tilespmem:s16], [sflag:$0x2] =	stream.indirect.gather @!p0 [hbm4b:s5+s0], $0x40, s2, s0, $0xb8;
	[tilespmem:$0xCB20] =	vst v63  }
0x14e: {  	s0 =	simm.s32 @!p0 $0x4  }
0x14f: {  	_ =	swait.ge @!p0 [sflag:s0], $0x2000  }
0x150: {  	[sflag:s0] =	ssyncset.done @!p0 $0x0  }
0x151: {  	s2 =	sadd.s32 @!p0 s15, s14;
	[sflag:s0] =	ssyncadd.s32 @!p0 $0xFFFFE000  }
0x152: {  	s2 =	smul.u32 @!p0 $0x19, s2;
	_ =	swait.ge @!p0 [sflag:s0], $0x1200  }
0x153: {  	s15 =	simm.s32 @!p0 $0x258;
	[sflag:s0] =	ssyncset.done @!p0 $0x0  }
0x154: {  	[sflag:s0] =	ssyncadd.s32 @!p0 $0xFFFFEE00;
	s0 =	sadd.s32 @!p0 s4, s2;
	s2 =	simm.s32 @!p0 $0x0  }
0x155: {  	[tilespmem:s15], [sflag:$0xC] =	stream.linear.gather @!p0 [hbm4b:s0+s2], $0xC8, $0x38;
	[tilespmem:$0xCB20] =	vst v63  }
0x156: {  	s2 =	simm.s32 $0x0  }
0x157: {  	v0 =	vld [tilespmem:s2+$0x9920]  }
0x158: {  	v1 =	vld [tilespmem:s2+$0x9930]  }
0x159: {  	v2 =	vld [tilespmem:s2+$0x9940]  }
0x15a: {  	v3 =	vld [tilespmem:s2+$0x9950]  }
0x15b: {  	v4 =	vld [tilespmem:s2+$0x9960]  }
0x15c: {  	v5 =	vld [tilespmem:s2+$0x9970];
	v0 =	vmul.f32 $8.000000000e+00, v0  }
0x15d: {  	v6 =	vld [tilespmem:s2+$0x9980];
	v1 =	vmul.f32 $8.000000000e+00, v1  }
0x15e: {  	v2 =	vmul.f32 $8.000000000e+00, v2;
	[tilespmem:s2+$0x9920] =	vst v0;
	v0 =	vld [tilespmem:s2+$0x9990]  }
0x15f: {  	v3 =	vmul.f32 $8.000000000e+00, v3;
	[tilespmem:s2+$0x9930] =	vst v1;
	v1 =	vld [tilespmem:s2+$0x99A0]  }
0x160: {  	v4 =	vmul.f32 $8.000000000e+00, v4;
	[tilespmem:s2+$0x9940] =	vst v2;
	v2 =	vld [tilespmem:s2+$0x99B0]  }
0x161: {  	v5 =	vmul.f32 $8.000000000e+00, v5;
	[tilespmem:s2+$0x9950] =	vst v3;
	v3 =	vld [tilespmem:s2+$0x99C0]  }
0x162: {  	v6 =	vmul.f32 $8.000000000e+00, v6;
	[tilespmem:s2+$0x9960] =	vst v4;
	v4 =	vld [tilespmem:s2+$0x99D0]  }
0x163: {  	[tilespmem:s2+$0x9970] =	vst v5;
	v5 =	vld [tilespmem:s2+$0x99E0];
	v0 =	vmul.f32 $8.000000000e+00, v0  }
0x164: {  	[tilespmem:s2+$0x9980] =	vst v6;
	v6 =	vld [tilespmem:s2+$0x99F0];
	v1 =	vmul.f32 $8.000000000e+00, v1  }
0x165: {  	v2 =	vmul.f32 $8.000000000e+00, v2;
	[tilespmem:s2+$0x9990] =	vst v0;
	v0 =	vld [tilespmem:s2+$0x9A00]  }
0x166: {  	v3 =	vmul.f32 $8.000000000e+00, v3;
	[tilespmem:s2+$0x99A0] =	vst v1;
	v1 =	vld [tilespmem:s2+$0x9A10]  }
0x167: {  	v4 =	vmul.f32 $8.000000000e+00, v4;
	[tilespmem:s2+$0x99B0] =	vst v2;
	v2 =	vld [tilespmem:s2+$0x9A20]  }
0x168: {  	v5 =	vmul.f32 $8.000000000e+00, v5;
	[tilespmem:s2+$0x99C0] =	vst v3;
	v3 =	vld [tilespmem:s2+$0x9A30]  }
0x169: {  	v6 =	vmul.f32 $8.000000000e+00, v6;
	[tilespmem:s2+$0x99D0] =	vst v4;
	v4 =	vld [tilespmem:s2+$0x9A40]  }
0x16a: {  	[tilespmem:s2+$0x99E0] =	vst v5;
	v5 =	vld [tilespmem:s2+$0x9A50];
	v0 =	vmul.f32 $8.000000000e+00, v0  }
0x16b: {  	[tilespmem:s2+$0x99F0] =	vst v6;
	v6 =	vld [tilespmem:s2+$0x9A60]  }
0x16c: {  	v1 =	vmul.f32 $8.000000000e+00, v1;
	[tilespmem:s2+$0x9A00] =	vst v0;
	v0 =	vld [tilespmem:s2+$0x9A70]  }
0x16d: {  	v2 =	vmul.f32 $8.000000000e+00, v2  }
0x16e: {  	[tilespmem:s2+$0x9A10] =	vst v1;
	v1 =	vmul.f32 $8.000000000e+00, v3;
	v3 =	vld [tilespmem:s2+$0x9A90]  }
0x16f: {  	v7 =	vld [tilespmem:s2+$0x9A80];
	[tilespmem:s2+$0x9A20] =	vst v2;
	v2 =	vmul.f32 $8.000000000e+00, v4  }
0x170: {  	v4 =	vld [tilespmem:s2+$0x9AA0];
	[tilespmem:s2+$0x9A30] =	vst v1;
	v1 =	vmul.f32 $8.000000000e+00, v5  }
0x171: {  	[tilespmem:s2+$0x9A40] =	vst v2;
	v5 =	vld [tilespmem:s2+$0x9AB0];
	v2 =	vmul.f32 $8.000000000e+00, v6;
	v6 =	vmul.f32 $8.000000000e+00, v0  }
0x172: {  	[tilespmem:s2+$0x9A50] =	vst v1;
	v1 =	vld [tilespmem:s2+$0x9AC0]  }
0x173: {  	v0 =	vld [tilespmem:s2+$0x9AD0];
	[tilespmem:s2+$0x9A70] =	vst v6;
	v6 =	vmul.f32 $8.000000000e+00, v3  }
0x174: {  	v7 =	vmul.f32 $8.000000000e+00, v7;
	[tilespmem:s2+$0x9A60] =	vst v2;
	v2 =	vld [tilespmem:s2+$0x9AE0]  }
0x175: {  	v3 =	vld [tilespmem:s2+$0x9AF0];
	[tilespmem:s2+$0x9A90] =	vst v6;
	v6 =	vmul.f32 $8.000000000e+00, v4  }
0x176: {  	s15 =	simm.s32 $0x800;
	[tilespmem:s2+$0x9A80] =	vst v7;
	v5 =	vmul.f32 $8.000000000e+00, v5;
	v4 =	vld [tilespmem:s2+$0x9B00]  }
.LBB2_9:
0x177: {  	s0 =	sshra.s32 s15, $0x2;
	p0 =	sne.s32 s15, $0xC000;
	[tilespmem:s2+$0x9AA0] =	vst v6;
	v1 =	vmul.f32 $8.000000000e+00, v1;
	v6 =	vld [tilespmem:s2+$0x9B10]  }
0x178: {  	v7 =	vld [tilespmem:s0+$0x9920];
	[tilespmem:s2+$0x9AB0] =	vst v5;
	v0 =	vmul.f32 $8.000000000e+00, v0  }
0x179: {  	v5 =	vld [tilespmem:s0+$0x9930];
	[tilespmem:s2+$0x9AC0] =	vst v1;
	v1 =	vmul.f32 $8.000000000e+00, v2  }
0x17a: {  	v2 =	vld [tilespmem:s0+$0x9940];
	[tilespmem:s2+$0x9AD0] =	vst v0;
	v0 =	vmul.f32 $8.000000000e+00, v3  }
0x17b: {  	v3 =	vld [tilespmem:s0+$0x9950];
	[tilespmem:s2+$0x9AE0] =	vst v1;
	v1 =	vmul.f32 $8.000000000e+00, v4  }
0x17c: {  	v4 =	vld [tilespmem:s0+$0x9960];
	[tilespmem:s2+$0x9AF0] =	vst v0;
	v0 =	vmul.f32 $8.000000000e+00, v6  }
0x17d: {  	v6 =	vmul.f32 $8.000000000e+00, v7;
	v7 =	vld [tilespmem:s0+$0x9970];
	[tilespmem:s2+$0x9B00] =	vst v1  }
0x17e: {  	v1 =	vmul.f32 $8.000000000e+00, v5;
	v5 =	vld [tilespmem:s0+$0x9980];
	[tilespmem:s2+$0x9B10] =	vst v0;
	s2 =	smov.u32 s0  }
0x17f: {  	[tilespmem:s2+$0x9920] =	vst v6;
	v0 =	vmul.f32 $8.000000000e+00, v2;
	v2 =	vld [tilespmem:s2+$0x9990]  }
0x180: {  	[tilespmem:s2+$0x9930] =	vst v1;
	v1 =	vmul.f32 $8.000000000e+00, v3;
	v3 =	vld [tilespmem:s2+$0x99A0]  }
0x181: {  	[tilespmem:s2+$0x9940] =	vst v0;
	v0 =	vmul.f32 $8.000000000e+00, v4;
	v4 =	vld [tilespmem:s2+$0x99B0]  }
0x182: {  	[tilespmem:s2+$0x9950] =	vst v1;
	v1 =	vmul.f32 $8.000000000e+00, v7;
	v6 =	vld [tilespmem:s2+$0x99C0]  }
0x183: {  	[tilespmem:s2+$0x9960] =	vst v0;
	v0 =	vmul.f32 $8.000000000e+00, v5;
	v5 =	vld [tilespmem:s2+$0x99D0]  }
0x184: {  	[tilespmem:s2+$0x9970] =	vst v1;
	v1 =	vmul.f32 $8.000000000e+00, v2;
	v2 =	vld [tilespmem:s2+$0x99E0]  }
0x185: {  	[tilespmem:s2+$0x9980] =	vst v0;
	v0 =	vmul.f32 $8.000000000e+00, v3;
	v3 =	vld [tilespmem:s2+$0x99F0]  }
0x186: {  	[tilespmem:s2+$0x9990] =	vst v1;
	v1 =	vmul.f32 $8.000000000e+00, v4;
	v4 =	vld [tilespmem:s2+$0x9A00]  }
0x187: {  	[tilespmem:s2+$0x99A0] =	vst v0;
	v0 =	vmul.f32 $8.000000000e+00, v6;
	v6 =	vld [tilespmem:s2+$0x9A10]  }
0x188: {  	[tilespmem:s2+$0x99B0] =	vst v1;
	v1 =	vmul.f32 $8.000000000e+00, v5;
	v5 =	vld [tilespmem:s2+$0x9A20]  }
0x189: {  	[tilespmem:s2+$0x99C0] =	vst v0;
	v0 =	vmul.f32 $8.000000000e+00, v2;
	v2 =	vld [tilespmem:s2+$0x9A30]  }
0x18a: {  	[tilespmem:s2+$0x99D0] =	vst v1;
	v1 =	vmul.f32 $8.000000000e+00, v3;
	v3 =	vld [tilespmem:s2+$0x9A40]  }
0x18b: {  	[tilespmem:s2+$0x99E0] =	vst v0;
	v0 =	vmul.f32 $8.000000000e+00, v4;
	v4 =	vld [tilespmem:s2+$0x9A50]  }
0x18c: {  	[tilespmem:s2+$0x99F0] =	vst v1;
	v1 =	vmul.f32 $8.000000000e+00, v6;
	v6 =	vld [tilespmem:s2+$0x9A60]  }
0x18d: {  	[tilespmem:s2+$0x9A00] =	vst v0;
	v0 =	vmul.f32 $8.000000000e+00, v5;
	v5 =	vld [tilespmem:s2+$0x9A70]  }
0x18e: {  	[tilespmem:s2+$0x9A10] =	vst v1;
	v1 =	vmul.f32 $8.000000000e+00, v2;
	v2 =	vld [tilespmem:s2+$0x9A80]  }
0x18f: {  	[tilespmem:s2+$0x9A20] =	vst v0;
	v0 =	vmul.f32 $8.000000000e+00, v3;
	v3 =	vld [tilespmem:s2+$0x9A90]  }
0x190: {  	[tilespmem:s2+$0x9A30] =	vst v1;
	v1 =	vmul.f32 $8.000000000e+00, v4;
	v4 =	vld [tilespmem:s2+$0x9AA0]  }
0x191: {  	[tilespmem:s2+$0x9A40] =	vst v0;
	v0 =	vmul.f32 $8.000000000e+00, v6;
	v7 =	vld [tilespmem:s2+$0x9AB0]  }
.Ltmp3:
0x192: {  	[tilespmem:s2+$0x9A50] =	vst v1;
	v5 =	vmul.f32 $8.000000000e+00, v5;
	v1 =	vld [tilespmem:s2+$0x9AC0];
	(pc) =	sbr.rel @p0 .LBB2_9-.Ltmp3, $4  }
0x193: {  	[tilespmem:s2+$0x9A60] =	vst v0;
	v6 =	vmul.f32 $8.000000000e+00, v2;
	v0 =	vld [tilespmem:s2+$0x9AD0]  }
0x194: {  	[tilespmem:s2+$0x9A70] =	vst v5;
	v5 =	vmul.f32 $8.000000000e+00, v3;
	v2 =	vld [tilespmem:s2+$0x9AE0]  }
0x195: {  	[tilespmem:s2+$0x9A80] =	vst v6;
	v6 =	vmul.f32 $8.000000000e+00, v4;
	v3 =	vld [tilespmem:s2+$0x9AF0]  }
0x196: {  	s15 =	sadd.s32 $0x800, s15;
	[tilespmem:s2+$0x9A90] =	vst v5;
	v5 =	vmul.f32 $8.000000000e+00, v7;
	v4 =	vld [tilespmem:s2+$0x9B00]  }
0x197: {  	[tilespmem:s2+$0x9AA0] =	vst v6;
	v1 =	vmul.f32 $8.000000000e+00, v1;
	v59 =	vld [tilespmem:s2+$0x9B10]  }
0x198: {  	[tilespmem:s2+$0x9AB0] =	vst v5;
	v0 =	vmul.f32 $8.000000000e+00, v0  }
0x199: {  	s10 =	sadd.s32 $0x1, s10;
	[tilespmem:s2+$0x9AC0] =	vst v1;
	v60 =	vmul.f32 $8.000000000e+00, v2  }
0x19a: {  	p0 =	sne.s32 s10, $0x80;
	[tilespmem:s2+$0x9AD0] =	vst v0;
	v61 =	vmul.f32 $8.000000000e+00, v3  }
.Ltmp4:
0x19b: {  	s0 =	sadd.s32 s3, s7;
	[tilespmem:s2+$0x9AE0] =	vst v60;
	v62 =	vmul.f32 $8.000000000e+00, v4;
	(pc) =	sbr.rel @p0 .LBB2_2-.Ltmp4, $4  }
0x19c: {  	s0 =	smul.u32 $0xC80, s0;
	[tilespmem:s2+$0x9AF0] =	vst v61;
	v63 =	vmul.f32 $8.000000000e+00, v59  }
0x19d: {  	[tilespmem:s2+$0x9B00] =	vst v62  }
0x19e: {  	s0 =	sadd.s32 s6, s0;
	[tilespmem:s2+$0x9B10] =	vst v63  }
0x19f: {  	[hbm4b:s0+s20] =	stream.strided.scatter [tilespmem:s28], [sflag:$0x8], $0x3200, s17, s20, $0x38;
	[tilespmem:$0xCB20] =	vst v63  }
0x1a0: {  	s0 =	simm.s32 $0x5  }
0x1a1: {  	_ =	swait.ge [sflag:s0], $0x3200  }
0x1a2: {  	[sflag:s0] =	ssyncset.done $0x0  }
0x1a3: {  	s16 =	simm.s32 $0x6;
	[sflag:s0] =	ssyncadd.s32 $0xFFFFCE00  }
0x1a4: {  	_ =	swait.ge [sflag:s16], $0x3200  }
0x1a5: {  	[sflag:s16] =	ssyncset.done $0x0  }
0x1a6: {  	s24 =	simm.s32 $0x7;
	[sflag:s16] =	ssyncadd.s32 $0xFFFFCE00  }
0x1a7: {  	_ =	swait.ge [sflag:s24], $0x3200  }
0x1a8: {  	[sflag:s24] =	ssyncset.done $0x0  }
0x1a9: {  	s2 =	simm.s32 $0x8;
	[sflag:s24] =	ssyncadd.s32 $0xFFFFCE00  }
0x1aa: {  	_ =	swait.ge [sflag:s2], $0x3200  }
0x1ab: {  	s7 =	rddreg [dreg:$0x7]  }
0x1ac: {  	s31 =	rddreg [dreg:$0x6];
	s7 =	sadd.s32 $0x1, s7  }
0x1ad: {  	p0 =	sne.s32 s7, s31  }
.Ltmp5:
0x1ae: {  	_ = 	snop;
	(pc) =	sbr.rel @p0 .LBB2_1-.Ltmp5, $3  }
0x1af: {  	_ =	sdelay $0x1  }
0x1b0: {  	[sflag:s2] =	ssyncset.done $0x0  }
0x1b1: {  	[sflag:s2] =	ssyncadd.s32 $0xFFFFCE00  }
0x1b2: {  	_ =	sfence.sel $0x180000  }
0x1b3: {  	[bflag:$0x0] =	sbarrier.arrive $0xFFFF  }
0x1b4: {  	_ =	strace $0x90000047  }
0x1b5: {  	s0 =	stileid.u32;
	[bflag:$0x2] =	sbarrier.arrive $0xFFFF  }
0x1b6: {  	p0 =	sne.s32 s0, $0x0;
	s0 =	rddreg [dreg:$0x1]  }
0x1b7: {  	s0 =	sadd.s32 @!p0 $0x100000, s0  }
0x1b8: {  	[sflag:s0] =	ssyncadd.tile.s32 @!p0 $0x1;
	_ =	shalt  }
.Lfunc_end2:
_tile_overlayer_lowered:
.L_overlay_start_2:
0x1b9: {  	(tag) =	ssettag $0x2  }
0x1ba: {  	s0 =	rddreg [dreg:$0x0];
	s2 =	stileid.u32  }
0x1bb: {  	s1 =	rddreg [dreg:$0x1];
	p0 =	sne.s32 s2, $0x0  }
0x1bc: {  	s3 =	rddreg [dreg:$0x2];
	[bflag:$0x3] =	sbarrier.arrive $0xFFFF;
	s2 =	simm.s32 @!p0 $0x1C0D  }
0x1bd: {  	[timem:s3], [sflag:s2] =	dma.local @!p0 [hbm:s0], s1  }
0x1be: {  	s0 =	simm.s32 @!p0 $0xD  }
0x1bf: {  	_ =	swait.ge @!p0 [sflag:s0], s1  }
0x1c0: {  	s1 =	ssub.s32 @!p0 $0x0, s1;
	[sflag:s0] =	ssyncset.done @!p0 $0x0  }
0x1c1: {  	[sflag:s0] =	ssyncadd.s32 @!p0 s1  }
0x1c2: {  	[bflag:$0x3] =	sbarrier.arrive $0xFFFF  }
0x1c3: {  	_ =	shalt  }

// kernel: sparse-core-data-format-call.cloned.1.call-start
scs
called_computation_lowered:
.L_overlay_start_0:
0x0: {  	s2 =	sld [smem:$0x3FD9]  }
0x1: {  	s3 =	sld [smem:$0x3FFE];
	_ =	sdelay $0x1  }
0x2: {  	s1 =	srdreg.scid  }
0x3: {  	s0 =	sand.u32 $0x1, s1  }
0x4: {  	s18 =	sshll.u32 s0, $0xA;
	s2 =	sadd.s32 s3, s2  }
0x5: {  	s2 =	sadd.s32 s2, s18  }
0x6: {  	[smem:$0x3FC6] =	sst s2  }
0x7: {  	_ = 	snop  }
0x8: {  	s2 =	sld [smem:$0x3FD0];
	(tm) =	ssettm $0x1  }
0x9: {  	s19 =	sld [smem:$0x3FFB];
	_ =	sdelay $0x3  }
0xa: {  	_ =	strace s19  }
0xb: {  	s3 =	sld [smem:$0x3FFC];
	_ =	sdelay $0x3  }
0xc: {  	_ =	strace s3  }
0xd: {  	s3 =	sld [smem:$0x3FFD];
	_ =	sdelay $0x3  }
0xe: {  	_ =	strace s3  }
0xf: {  	_ =	strace $0x8FFFFFFF  }
0x10: {  	s20 =	sld [smem:$0x3FDB];
	_ =	sdelay $0x1  }
0x11: {  	s4 =	simm.s32 $_scs_section_size  }
0x12: {  	s5 =	simm.s32 $_size__tile_overlayer_lowered;
	s6 =	simm.s32 $_tile_overlayer_lowered  }
0x13: {  	s23 =	simm.s32 $0x1BFF;
	s22 =	sshll.u32 s6, $0x1;
	s3 =	sadd.s32 s4, s20  }
0x14: {  	s7 =	simm.s32 $0x0;
	s21 =	sshll.u32 s5, $0x1;
	s5 =	sadd.s32 s22, s3  }
0x15: {  	[timem:s7], [sflag:s23] =	dma.local [hbm:s5], s21  }
0x16: {  	_ =	swait.ge [sflag:s23], s21  }
0x17: {  	s4 =	ssub.s32 $0x0, s21;
	[sflag:s23] =	ssyncset.done $0x0  }
0x18: {  	[sflag:s23] =	ssyncadd.s32 s4;
	_ =	sdelay $0x1  }
0x19: {  	s24 =	simm.s32 $0x1B8B  }
0x1a: {  	_ =	swait.ge [sflag:s24], $0x1  }
0x1b: {  	[sflag:s24] =	ssyncset.done $0x0  }
0x1c: {  	s26 =	simm.s32 $0x1B8E;
	s25 =	sld [smem:$0x3FFE];
	[sflag:s24] =	ssyncadd.s32 $0xFFFFFFFF  }
0x1d: {  	s27 =	simm.s32 $execute0_lowered;
	[smem:$0x3FD2] =	sst s26  }
0x1e: {  	s5 =	sshll.u32 s27, $0x1;
	_ =	strace $0x80000049;
	[dreg:$0x1] =	wrdreg $0xFFFFFFFF  }
0x1f: {  	s28 =	simm.s32 $_size_execute0_lowered;
	s3 =	sadd.s32 s3, s5;
	[dreg:$0x0] =	wrdreg $0x0  }
0x20: {  	s5 =	sshll.u32 s28, $0x1;
	[dreg:$0x2] =	wrdreg s3  }
0x21: {  	[dreg:$0x3] =	wrdreg s5  }
0x22: {  	[dreg:$0x4] =	wrdreg $0xC0  }
0x23: {  	_ =	task [dreg:s7], $0x5FFFF  }
0x24: {  	[dreg:$0x1] =	wrdreg $0xFFFFFFFF  }
0x25: {  	[dreg:$0x0] =	wrdreg $0x60  }
0x26: {  	[dreg:$0x2] =	wrdreg s25  }
0x27: {  	[dreg:$0x3] =	wrdreg s2  }
0x28: {  	[dreg:$0x4] =	wrdreg $0x9  }
0x29: {  	_ =	task.clear_ibuf [dreg:s7], $0x5FFFF;
	_ =	strace $0x90000049  }
0x2a: {  	s29 =	simm.s32 $0x9;
	_ =	strace $0x8000004B  }
0x2b: {  	_ =	swait.ge [sflag:s29], $0x1  }
0x2c: {  	[sflag:s29] =	ssyncadd.s32 $0xFFFFFFFF  }
0x2d: {  	_ =	strace $0x9000004B  }
0x2e: {  	_ =	sfence  }
0x2f: {  	s30 =	sld [smem:$0x0];
	_ =	sdelay $0x2  }
0x30: {  	s31 =	sshll.u32 s1, $0xD;
	s1 =	sshrl.u32 s1, $0x2  }
0x31: {  	s3 =	sand.u32 $0x4000, s31;
	s1 =	sadd.s32 s1, s30  }
0x32: {  	s0 =	sor.u32 s3, s0;
	s1 =	sshll.u32 s1, $0x11  }
0x33: {  	s0 =	sor.u32 s1, s0  }
0x34: {  	s0 =	sadd.s32 $0x8F2B, s0  }
0x35: {  	[sflag:s0] =	ssyncadd.remote.s32 $0x1  }
0x36: {  	_ =	sfence.sel $0xFFFF  }
0x37: {  	[dreg:$0x0] =	wrdreg $0xFFFFFFFF;
	(pc) =	sbr.abs _section_cstart, $3  }
0x38: {  	[dreg:$0x1] =	wrdreg $0xFFFFFFFF  }
0x39: {  	_ =	task.clear_ibuf [dreg:s7], $0x2FFFF;
	_ =	strace $0x9FFFFFFF  }
0x3a: {  	(tm) =	ssettm $0x7FFFFFFF  }
0x3b: {  	_ =	shalt  }
tec
execute0_lowered:
.L_overlay_start_1:
0x0: {  	(tag) =	ssettag $0x1  }
0x1: {  	s0 =	srdreg.scid  }
0x2: {  	s1 =	sshll.u32 s0, $0x4  }
0x3: {  	s0 =	stileid.u32;
	s1 =	sand.u32 $0x10, s1  }
0x4: {  	s1 =	sor.u32 s0, s1  }
0x5: {  	s6 =	rddreg [dreg:$0x0];
	s4 =	simm.s32 $0x1;
	s2 =	sshll.u32 s1, $0x7  }
0x6: {  	s7 =	simm.s32 $0x2;
	s12 =	simm.s32 $0x0;
	s1 =	ssub.s32 $0x4000, s2  }
0x7: {  	s8 =	simm.s32 $0x20000;
	s13 =	simm.s32 $0x0;
	s3 =	sand.u32 $0xF80, s1  }
0x8: {  	s9 =	simm.s32 $0x0;
	s5 =	sshrl.u32 s1, $0xC;
	p0 =	sne.s32 s3, $0x0  }
.Ltmp0:
0x9: {  	s1 =	rddreg [dreg:$0x2];
	s4 =	simm.s32 @!p0 $0x0;
	(pc) =	sbr.rel .LBB1_1-.Ltmp0, $4  }
0xa: {  	s11 =	simm.s32 $0x0;
	s3 =	rddreg [dreg:$0x1];
	s5 =	sadd.s32 s4, s5  }
0xb: {  	_ =	strace $0x8000004A;
	s4 =	simm.s32 $0x1;
	s5 =	smul.u32 $0xC8, s5  }
0xc: {  	s6 =	sadd.s32 $0x805A00, s6;
	s10 =	smov.u32 s2;
	[sflag:s4] =	ssyncpa.u1 $0x0  }
0xd: {  	p0 =	por $0x0, $0x0;
	[sflag:s7] =	ssyncpa.u1 $0x0;
	s7 =	sor.u32 $0x1, s5  }
.LBB1_4:
0xe: {  	s16 =	sshll.u32 s13, $0x3;
	s17 =	sand.u32 $0x78, s13  }
0xf: {  	s30 =	sand.u32 $0x1F800, s13;
	s12 =	sshll.u32 s12, $0x11;
	s16 =	sand.u32 $0x3C00, s16  }
0x10: {  	[tilespmem:s15+$0x810 ss:$0x81] =	vst.msk $0xffff, v2;
	s31 =	sand.u32 $0x7, s13;
	s16 =	sor.u32 s17, s16;
	s17 =	sadd.s32 s3, s30  }
0x11: {  	[tilespmem:s15+$0x1020 ss:$0x81] =	vst.msk $0xffff, v0;
	s13 =	sshll.u32 s31, $0x12;
	s12 =	sadd.s32 s12, s17;
	s16 =	sshrl.u32 s16, $0x3  }
0x12: {  	[tilespmem:s15+$0x0 ss:$0x81] =	vst.msk $0xffff, v1;
	s13 =	sor.u32 $0x400, s13;
	s12 =	sadd.s32 s16, s12  }
0x13: {  	[hbm4b:s12+s13] =	stream.strided.scatter [tilespmem:s14], [sflag:$0x2], $0x2000, s8, s13, $0x20;
	[tilespmem:$0x8080] =	vst v63  }
.LBB1_5:
0x14: {  	s14 =	sadd.s32 $0x1, s9  }
0x15: {  	s12 =	sadd.s32 $0x1000, s10;
	s16 =	smov.u32 s10;
	p2 =	sgt.s32 s14, $0xC7  }
0x16: {  	s16 =	smov.u32 @p2 s12  }
0x17: {  	s14 =	simm.s32 @p2 $0x0;
	p2 =	sgt.s32 s16, $0x3FFF  }
0x18: {  	s16 =	smov.u32 @p2 s2;
	p2 =	sne.s32 s11, s7  }
.Ltmp1:
0x19: {  	p1 =	slt.u32 s11, $0x2;
	(pc) =	sbr.rel @!p2 .LBB1_6-.Ltmp1, $4  }
0x1a: {  	s15 =	simm.s32 @!p1 $0x2  }
0x1b: {  	s13 =	smov.u32 s10;
	p0 =	por !p0, !p0;
	_ =	swait.ge @!p1 [sflag:s15], $0x2000  }
0x1c: {  	s12 =	smov.u32 s9;
	[sflag:s15] =	ssyncset.done @!p1 $0x0;
	s9 =	smov.u32 s14  }
0x1d: {  	s11 =	sadd.s32 $0x1, s11;
	[sflag:s15] =	ssyncadd.s32 @!p1 $0xFFFFE000;
	s10 =	smov.u32 s16  }
.LBB1_1:
0x1e: {  	p1 =	sge.u32 s11, s5  }
0x1f: {  	s14 =	sand.u32 @!p1 $0x1FFFFFF, s9  }
0x20: {  	s15 =	smulhi.u32 @!p1 $0x147AE15, s14;
	_ =	sdelay $0x1  }
0x21: {  	s15 =	smul.u32 @!p1 $0xC8, s15  }
0x22: {  	s16 =	sxor.u32 @!p1 $0xFFFFFFFF, s11;
	s17 =	smul.u32 @!p1 $0xC80, s10  }
0x23: {  	s31 =	sadd.s32 $0xFFFFFFFF, s11;
	s16 =	sshll.u32 @!p1 s16, $0xD;
	s14 =	ssub.s32 @!p1 s14, s15  }
0x24: {  	s15 =	sand.u32 @!p1 $0x2000, s16;
	s16 =	sadd.s32 @!p1 s6, s17;
	s14 =	sshll.u32 @!p1 s14, $0x4  }
0x25: {  	s17 =	simm.s32 @!p1 $0x6400;
	s14 =	sadd.s32 @!p1 s14, s16;
	s16 =	simm.s32 @!p1 $0x40  }
0x26: {  	[tilespmem:s15], [sflag:$0x1] =	stream.strided.gather @!p1 [hbm4b:s14+s16], $0x2000, s17, s16, $0x38;
	[tilespmem:$0x8080] =	vst v63  }
0x27: {  	p1 =	sge.u32 s31, s5  }
.Ltmp2:
0x28: {  	_ = 	snop;
	(pc) =	sbr.rel @p1 .LBB1_5-.Ltmp2, $1  }
0x29: {  	_ =	sdelay $0x3  }
0x2a: {  	s14 =	simm.s32 $0x1  }
0x2b: {  	_ =	swait.ge [sflag:s4], $0x2000;
	s14 =	simm.s32 @!p0 $0x0  }
0x2c: {  	[sflag:s4] =	ssyncset.done $0x0;
	s15 =	sshll.u32 s14, $0xD  }
0x2d: {  	[sflag:s4] =	ssyncadd.s32 $0xFFFFE000;
	s18 =	sor.u32 $0x20, s15  }
0x2e: {  	s14 =	smul.u32 $0x8100, s14;
	v3 =	vld [tilespmem:s18+$0x10]  }
0x2f: {  	s30 =	sand.u32 $0x1, s11;
	v2 =	vld [tilespmem:s18+$0xFFFFFFF0]  }
0x30: {  	s15 =	smul.u32 $0x8100, s30;
	s14 =	sshrl.u32 s14, $0x2;
	v0 =	vld [tilespmem:s18+$0x0]  }
0x31: {  	v1 =	vld [tilespmem:s18+$0xFFFFFFE0];
	s16 =	sor.u32 $0x4000, s14  }
0x32: {  	s31 =	sshrl.u32 s15, $0x2;
	s15 =	sadd.s32 $0x0, s16  }
0x33: {  	s17 =	simm.s32 $0x4;
	s18 =	sadd.s32 $0x40, s18;
	s14 =	sor.u32 $0x4000, s31;
	[tilespmem:s15+$0x1830 ss:$0x81] =	vst.msk $0xffff, v3  }
.LBB1_3:
0x34: {  	v3 =	vld [tilespmem:s18+$0x10];
	p1 =	sne.s32 s17, $0x1FC;
	[tilespmem:s15+$0x810 ss:$0x81] =	vst.msk $0xffff, v2;
	s19 =	smov.u32 s17;
	s17 =	sadd.s32 $0x4, s17  }
.Ltmp3:
0x35: {  	v2 =	vld [tilespmem:s18+$0xFFFFFFF0];
	[tilespmem:s15+$0x1020 ss:$0x81] =	vst.msk $0xffff, v0;
	(pc) =	sbr.rel @p1 .LBB1_3-.Ltmp3, $4  }
0x36: {  	v0 =	vld [tilespmem:s18+$0x0];
	[tilespmem:s15+$0x0 ss:$0x81] =	vst.msk $0xffff, v1  }
0x37: {  	s15 =	sshra.s32 s19, $0x2;
	v1 =	vld [tilespmem:s18+$0xFFFFFFE0]  }
0x38: {  	s15 =	sadd.s32 s15, s16  }
0x39: {  	s18 =	sadd.s32 $0x40, s18;
	[tilespmem:s15+$0x1830 ss:$0x81] =	vst.msk $0xffff, v3  }
.Ltmp4:
0x3a: {  	_ = 	snop;
	(pc) =	sbr.rel .LBB1_4-.Ltmp4, $1  }
0x3b: {  	_ =	sdelay $0x3  }
.LBB1_6:
0x3c: {  	_ =	sfence.sel $0x180000  }
0x3d: {  	s2 =	simm.s32 $0x1;
	[bflag:$0x0] =	sbarrier.arrive $0xFFFF  }
0x3e: {  	s31 =	simm.s32 $0x2;
	[sflag:s2] =	ssyncpa.u1 $0x1  }
0x3f: {  	[sflag:s31] =	ssyncpa.u1 $0x1  }
0x40: {  	p0 =	sne.s32 s0, $0x0;
	_ =	strace $0x9000004A  }
0x41: {  	s0 =	sadd.s32 @!p0 $0x100000, s1;
	[bflag:$0x2] =	sbarrier.arrive $0xFFFF  }
0x42: {  	[sflag:s0] =	ssyncadd.tile.s32 @!p0 $0x1;
	_ =	shalt  }
.Lfunc_end1:
_tile_overlayer_lowered:
.L_overlay_start_2:
0x43: {  	(tag) =	ssettag $0x2  }
0x44: {  	s0 =	rddreg [dreg:$0x0];
	s2 =	stileid.u32  }
0x45: {  	s1 =	rddreg [dreg:$0x1];
	p0 =	sne.s32 s2, $0x0  }
0x46: {  	s3 =	rddreg [dreg:$0x2];
	[bflag:$0x3] =	sbarrier.arrive $0xFFFF;
	s2 =	simm.s32 @!p0 $0x1C01  }
0x47: {  	[timem:s3], [sflag:s2] =	dma.local @!p0 [hbm:s0], s1  }
0x48: {  	s0 =	simm.s32 @!p0 $0x1  }
0x49: {  	_ =	swait.ge @!p0 [sflag:s0], s1  }
0x4a: {  	s1 =	ssub.s32 @!p0 $0x0, s1;
	[sflag:s0] =	ssyncset.done @!p0 $0x0  }
0x4b: {  	[sflag:s0] =	ssyncadd.s32 @!p0 s1  }
0x4c: {  	[bflag:$0x3] =	sbarrier.arrive $0xFFFF  }
0x4d: {  	_ =	shalt  }

</sc_bundles>
